<compile_context>
chip_gen: v7x
topology: tpu7x:2x2x1
jax: 0.10.2.dev20260603
libtpu: 0.0.44.dev20260713+nightly
codegen_flags: <defaults>
</compile_context>

<pallas_src>
import functools

import jax
import jax.numpy as jnp
from jax import lax
from jax.experimental import pallas as pl
from jax.experimental.pallas import tpu as pltpu
from jax.experimental.pallas import tpu_sc as plsc

_NC = 4
_NN = 9
_NB = 15

_L = 16
_NWORK = 32
_TAB_PAD = 576
_HW = 512 * 512
_K = 8192


def _index_kernel(x_ref, o_ref, pad_ref):
    H = x_ref.shape[2]
    W = x_ref.shape[3]

    @pl.when(pl.program_id(0) == 0)
    def _init():
        pad_ref[...] = jnp.zeros_like(pad_ref)

    xs = [x_ref[0, c] for c in range(_NC)]
    m = xs[0]
    for c in range(1, _NC):
        m = jnp.maximum(m, xs[c])
    es = [jnp.exp(x - m) for x in xs]
    s = es[0]
    for c in range(1, _NC):
        s = s + es[c]
    inv_s = 1.0 / s
    ps = [e * inv_s for e in es]

    best = ps[0]
    hard = jnp.zeros((H, W), dtype=jnp.int32)
    for c in range(1, _NC):
        gt = ps[c] > best
        hard = jnp.where(gt, jnp.int32(c), hard)
        best = jnp.where(gt, ps[c], best)

    enc = jnp.where(hard == 0, jnp.int32(1),
                    jnp.where(hard == 1, jnp.int32(16),
                              jnp.where(hard == 2, jnp.int32(256),
                                        jnp.int32(4096))))
    pad_ref[8:8 + H, 128:128 + W] = enc
    rowsum = (pad_ref[8:8 + H, 127:127 + W] +
              pad_ref[8:8 + H, 128:128 + W] +
              pad_ref[8:8 + H, 129:129 + W])
    pad_ref[8:8 + H, 128:128 + W] = rowsum
    box = (pad_ref[7:7 + H, 128:128 + W] +
           pad_ref[8:8 + H, 128:128 + W] +
           pad_ref[9:9 + H, 128:128 + W])

    gs = []
    for c in range(_NC):
        cnt = jnp.bitwise_and(jnp.right_shift(box, 4 * c), jnp.int32(15))
        matching = jnp.where(hard == c, cnt - 1, 8 - cnt)
        bin_i = jnp.minimum((ps[c] * jnp.float32(_NB)).astype(jnp.int32),
                            jnp.int32(_NB - 1))
        gs.append(jnp.bitwise_or(jnp.left_shift(matching, 4), bin_i))
    packed = jnp.bitwise_or(
        jnp.bitwise_or(gs[0], jnp.left_shift(gs[1], 8)),
        jnp.bitwise_or(jnp.left_shift(gs[2], 16), jnp.left_shift(gs[3], 24)))
    o_ref[0] = packed.reshape(H * W // 128, 128)


def _sc_lookup_kernel(tab_hbm, idx_hbm, out_hbm, tab_v, ib0, ib1, vb0, vb1,
                      isem0, isem1, osem0, osem1):
    nb = idx_hbm.shape[0] // _HW
    wid = lax.axis_index("c") * 16 + lax.axis_index("s")
    col = wid * _K
    ibufs = (ib0, ib1)
    vbufs = (vb0, vb1)
    isems = (isem0, isem1)
    osems = (osem0, osem1)

    pltpu.sync_copy(tab_hbm, tab_v)

    def in_copy(t, pb):
        base = t * _HW + col
        return [
            pltpu.make_async_copy(idx_hbm.at[pl.ds(base, _K)],
                                  ibufs[pb], isems[pb])
        ]

    def out_copy(t, pb):
        base = t * (_NC * _HW) + col
        return [
            pltpu.make_async_copy(vbufs[pb].at[c],
                                  out_hbm.at[pl.ds(base + c * _HW, _K)],
                                  osems[pb])
            for c in range(_NC)
        ]

    for cp in in_copy(0, 0):
        cp.start()

    for t in range(nb):
        pb = t % 2
        if t + 1 < nb:
            for cp in in_copy(t + 1, 1 - pb):
                cp.start()
        for cp in in_copy(t, pb):
            cp.wait()
        if t >= 2:
            for cp in out_copy(t - 2, pb):
                cp.wait()
        ib = ibufs[pb]
        vb = vbufs[pb]

        @plsc.parallel_loop(0, _K, step=_L, unroll=4)
        def vec_body(off):
            w = ib[pl.ds(off, _L)]
            ff = jnp.int32(0xFF)
            i0 = jnp.bitwise_and(w, ff)
            i1 = jnp.bitwise_and(jnp.right_shift(w, 8), ff) + jnp.int32(144)
            i2 = jnp.bitwise_and(jnp.right_shift(w, 16), ff) + jnp.int32(288)
            i3 = lax.shift_right_logical(w, 24) + jnp.int32(432)
            vb[0, pl.ds(off, _L)] = plsc.load_gather(tab_v, [i0])
            vb[1, pl.ds(off, _L)] = plsc.load_gather(tab_v, [i1])
            vb[2, pl.ds(off, _L)] = plsc.load_gather(tab_v, [i2])
            vb[3, pl.ds(off, _L)] = plsc.load_gather(tab_v, [i3])
        for cp in out_copy(t, pb):
            cp.start()

    for cp in out_copy(nb - 2, nb % 2):
        cp.wait()
    for cp in out_copy(nb - 1, 1 - nb % 2):
        cp.wait()


def _norm_body(g_ref, o_ref):
    H = o_ref.shape[2]
    W = o_ref.shape[3]
    vs = [g_ref[0, c] for c in range(_NC)]
    inv = 1.0 / ((vs[0] + vs[1]) + (vs[2] + vs[3]))
    for c in range(_NC):
        o_ref[0, c] = (vs[c] * inv).reshape(H, W)


def _norm_kernel(g0_ref, g1_ref, o_ref):
    b = pl.program_id(0)
    qb = pl.num_programs(0) // _NSPLIT
    for k, g_ref in enumerate((g0_ref, g1_ref)):
        @pl.when(b // qb == k)
        def _sel(g_ref=g_ref):
            _norm_body(g_ref, o_ref)


_NSPLIT = 2


@jax.jit
def kernel(logits, val_freqs):
    B, C, H, W = logits.shape
    HB = B // _NSPLIT
    HW128 = H * W // 128

    tab = jnp.pad(val_freqs, ((0, 0), (0, 0), (0, 1))).reshape(-1)
    mesh = plsc.VectorSubcoreMesh(core_axis_name="c", subcore_axis_name="s")
    sc = pl.kernel(
        _sc_lookup_kernel,
        mesh=mesh,
        compiler_params=pltpu.CompilerParams(needs_layout_passes=False),
        out_type=jax.ShapeDtypeStruct((HB * C * H * W,), jnp.float32),
        scratch_types=[
            pltpu.VMEM((_TAB_PAD,), jnp.float32),
            pltpu.VMEM((_K,), jnp.int32),
            pltpu.VMEM((_K,), jnp.int32),
            pltpu.VMEM((_NC, _K), jnp.float32),
            pltpu.VMEM((_NC, _K), jnp.float32),
            pltpu.SemaphoreType.DMA,
            pltpu.SemaphoreType.DMA,
            pltpu.SemaphoreType.DMA,
            pltpu.SemaphoreType.DMA,
        ],
    )

    gs = []
    for h in range(_NSPLIT):
        idx_h = pl.pallas_call(
            _index_kernel,
            grid=(HB,),
            in_specs=[pl.BlockSpec(
                (1, C, H, W), lambda b, h=h: (b + h * HB, 0, 0, 0))],
            out_specs=pl.BlockSpec((1, HW128, 128), lambda b: (b, 0, 0)),
            out_shape=jax.ShapeDtypeStruct((HB, HW128, 128), jnp.int32),
            scratch_shapes=[pltpu.VMEM((528, 768), jnp.int32)],
        )(logits)
        gs.append(sc(tab, idx_h.reshape(-1)).reshape(HB, C, HW128, 128))

    out = pl.pallas_call(
        _norm_kernel,
        grid=(B,),
        in_specs=[
            pl.BlockSpec((1, C, HW128, 128),
                         lambda b, k=k: (jnp.clip(b - k * HB, 0, HB - 1),
                                         0, 0, 0))
            for k in range(_NSPLIT)
        ],
        out_specs=pl.BlockSpec((1, C, H, W), lambda b: (b, 0, 0, 0)),
        out_shape=jax.ShapeDtypeStruct((B, C, H, W), jnp.float32),
    )(*gs)
    return out

# --- scband reference (transcript-rebuilt; emitter-appended) ---
"""Pipeline reference for scband-nectar-binning-79070347919529 (READ-ONLY COPY).

The authoritative reference and input builder live on the scoring server;
editing this copy changes nothing except your own understanding.
"""

import jax, jax.numpy as jnp
import numpy as np
from jax import lax


def count_matching_neighbors(lab_map, nw):
    # lab_map: int {0,1} map [B, H, W]; returns per-pixel count of same-label
    # neighbors in an nw x nw window (excluding center), zero-padded borders.
    x = lab_map.astype(jnp.float32)[:, None, :, :]
    k = jnp.ones((1, 1, nw, nw), dtype=jnp.float32)
    ones_count = lax.conv_general_dilated(x, k, window_strides=(1, 1), padding='SAME')[:, 0]
    lm = lab_map.astype(jnp.float32)
    matching = jnp.where(lm == 1.0, ones_count - 1.0, float(nw * nw) - ones_count - 1.0)
    matching = jnp.clip(matching, 0.0, float(nw * nw - 1))
    return matching.astype(jnp.int32)


def setup_inputs(seed: int = 0) -> dict:
    key = jax.random.key(seed)
    k1, k2 = jax.random.split(key)
    logits = jax.random.normal(k1, (8, 4, 512, 512), dtype=jnp.float32)
    # learned/loaded calibration table: [num_classes, neighborhood_width**2, num_bins]
    val_freqs = jax.random.uniform(k2, (4, 9, 15), dtype=jnp.float32)
    return {"logits": logits, "val_freqs": val_freqs}


def reference(logits, val_freqs):
    num_classes = val_freqs.shape[0]
    nw2 = val_freqs.shape[1]
    num_bins = val_freqs.shape[2]
    nw = int(round(float(np.sqrt(nw2))))
    bin_width = 1.0 / num_bins
    probs = jax.nn.softmax(logits, axis=1)
    hard_pred = jnp.argmax(probs, axis=1)
    out_maps = []
    for lab_idx in range(num_classes):
        lab_prob_map = probs[:, lab_idx, :, :]
        lab_hard_pred = (hard_pred == lab_idx).astype(jnp.int32)
        # find_bins: ownership of confidence bins on [0,1]
        prob_bin_ownership_map = jnp.clip(
            jnp.floor(lab_prob_map / bin_width).astype(jnp.int32), 0, num_bins - 1)
        pred_num_neighb_map = count_matching_neighbors(lab_hard_pred, nw)
        calibrated_prob_map = jnp.zeros_like(lab_prob_map)
        for nn_idx in range(nw * nw):
            neighbor_mask = (pred_num_neighb_map == nn_idx)
            gathered = val_freqs[lab_idx, nn_idx][prob_bin_ownership_map]
            calibrated_prob_map = jnp.where(neighbor_mask, gathered, calibrated_prob_map)
        out_maps.append(calibrated_prob_map)
    probs_out = jnp.stack(out_maps, axis=1)
    # normalize=True
    probs_out = probs_out / jnp.sum(probs_out, axis=1, keepdims=True)
    return probs_out

if __name__ == "__main__":
    import jax
    _d = setup_inputs()
    print(jax.jit(kernel)(*tuple(_d.values())))

</pallas_src>

<mosaic_0001>
#map = affine_map<(d0, d1) -> (0)>
module attributes {stable_mosaic.version = 14 : i64} {
  func.func @_sc_lookup_kernel(%arg0: i32, %arg1: i32, %arg2: memref<576xf32, #tpu.memory_space<hbm>>, %arg3: memref<1048576xi32, #tpu.memory_space<hbm>>, %arg4: memref<4194304xf32, #tpu.memory_space<hbm>>, %arg5: memref<576xf32, #tpu.memory_space<vmem>>, %arg6: memref<8192xi32, #tpu.memory_space<vmem>>, %arg7: memref<8192xi32, #tpu.memory_space<vmem>>, %arg8: memref<4x8192xf32, #tpu.memory_space<vmem>>, %arg9: memref<4x8192xf32, #tpu.memory_space<vmem>>, %arg10: memref<!tpu.dma_semaphore, #tpu.memory_space<semaphore_mem>>, %arg11: memref<!tpu.dma_semaphore, #tpu.memory_space<semaphore_mem>>, %arg12: memref<!tpu.dma_semaphore, #tpu.memory_space<semaphore_mem>>, %arg13: memref<!tpu.dma_semaphore, #tpu.memory_space<semaphore_mem>>) attributes {dimension_semantics = [#tpu.dimension_semantics<core_parallel>, #tpu.dimension_semantics<subcore_parallel>], iteration_bounds = array<i64: 2, 16>, scalar_prefetch = 0 : i64, scratch_operands = 9 : i64, tpu.core_type = #tpu.core_type<sc_vector_subcore>, window_params = [{transform_indices = #map}, {transform_indices = #map}, {transform_indices = #map}]} {
    %mul3A = arith.constant 16 : i32
    %mul3A_0 = arith.muli %arg0, %mul3A : i32
    %add3A = arith.addi %mul3A_0, %arg1 : i32
    %mul3A_1 = arith.constant 8192 : i32
    %mul3A_2 = arith.muli %add3A, %mul3A_1 : i32
    "tpu.region"() ({
      %run_scoped3A = tpu.sem_alloc : memref<!tpu.dma_semaphore, #tpu.memory_space<semaphore_mem>>
      tpu.enqueue_dma source(%arg2 : memref<576xf32, #tpu.memory_space<hbm>>) target(%arg5 : memref<576xf32, #tpu.memory_space<vmem>>) target_semaphore(%run_scoped3A : memref<!tpu.dma_semaphore, #tpu.memory_space<semaphore_mem>>)
      tpu.wait_dma2 semaphore(%run_scoped3A : memref<!tpu.dma_semaphore, #tpu.memory_space<semaphore_mem>>) src(%arg2 : memref<576xf32, #tpu.memory_space<hbm>>) dst(%arg5 : memref<576xf32, #tpu.memory_space<vmem>>)
      tpu.yield
    }) : () -> ()
    %add3A_3 = arith.constant 0 : i32
    %add3A_4 = arith.addi %add3A_3, %mul3A_2 : i32
    %dma_start3A = tpu.memref_slice %arg3[%add3A_4] : memref<1048576xi32, #tpu.memory_space<hbm>> -> memref<8192xi32, #tpu.memory_space<hbm>>
    %dma_start3A_5 = tpu.memref_slice %arg3[%add3A_4] : memref<1048576xi32, #tpu.memory_space<hbm>> -> memref<8192xi32, #tpu.memory_space<hbm>>
    tpu.enqueue_dma source(%dma_start3A_5 : memref<8192xi32, #tpu.memory_space<hbm>>) target(%arg6 : memref<8192xi32, #tpu.memory_space<vmem>>) target_semaphore(%arg10 : memref<!tpu.dma_semaphore, #tpu.memory_space<semaphore_mem>>)
    %add3A_6 = arith.constant 262144 : i32
    %add3A_7 = arith.addi %add3A_6, %mul3A_2 : i32
    %dma_start3A_8 = tpu.memref_slice %arg3[%add3A_7] : memref<1048576xi32, #tpu.memory_space<hbm>> -> memref<8192xi32, #tpu.memory_space<hbm>>
    %dma_start3A_9 = tpu.memref_slice %arg3[%add3A_7] : memref<1048576xi32, #tpu.memory_space<hbm>> -> memref<8192xi32, #tpu.memory_space<hbm>>
    tpu.enqueue_dma source(%dma_start3A_9 : memref<8192xi32, #tpu.memory_space<hbm>>) target(%arg7 : memref<8192xi32, #tpu.memory_space<vmem>>) target_semaphore(%arg11 : memref<!tpu.dma_semaphore, #tpu.memory_space<semaphore_mem>>)
    %add3A_10 = arith.constant 0 : i32
    %add3A_11 = arith.addi %add3A_10, %mul3A_2 : i32
    %dma_wait3A = tpu.memref_slice %arg3[%add3A_11] : memref<1048576xi32, #tpu.memory_space<hbm>> -> memref<8192xi32, #tpu.memory_space<hbm>>
    %dma_wait3A_12 = tpu.memref_slice %arg3[%add3A_11] : memref<1048576xi32, #tpu.memory_space<hbm>> -> memref<8192xi32, #tpu.memory_space<hbm>>
    tpu.wait_dma2 semaphore(%arg10 : memref<!tpu.dma_semaphore, #tpu.memory_space<semaphore_mem>>) src(%dma_wait3A_12 : memref<8192xi32, #tpu.memory_space<hbm>>) dst(%arg6 : memref<8192xi32, #tpu.memory_space<vmem>>)
    %parallel_loop3A = arith.constant 0 : i32
    %parallel_loop3A_13 = arith.constant 8192 : i32
    %parallel_loop3A_14 = arith.constant 16 : i32
    scf.for %parallel_loop3A_412 = %parallel_loop3A to %parallel_loop3A_13 step %parallel_loop3A_14  : i32 {
      %parallel_loop3A_413 = arith.index_cast %parallel_loop3A_412 : i32 to index
      %parallel_loop3A_414 = tpu.vector_load %arg6[%parallel_loop3A_413] {strides = array<i32>} : memref<8192xi32, #tpu.memory_space<vmem>>, vector<16xi32>,
      %parallel_loop3A_415 = arith.constant 255 : i32
      %parallel_loop3A_416 = vector.broadcast %parallel_loop3A_415 : i32 to vector<16xi32>
      %parallel_loop3A_417 = arith.andi %parallel_loop3A_414, %parallel_loop3A_416 : vector<16xi32>
      %parallel_loop3A_418 = arith.constant 8 : i32
      %parallel_loop3A_419 = vector.broadcast %parallel_loop3A_418 : i32 to vector<16xi32>
      %parallel_loop3A_420 = arith.shrsi %parallel_loop3A_414, %parallel_loop3A_419 : vector<16xi32>
      %parallel_loop3A_421 = arith.constant 255 : i32
      %parallel_loop3A_422 = vector.broadcast %parallel_loop3A_421 : i32 to vector<16xi32>
      %parallel_loop3A_423 = arith.andi %parallel_loop3A_420, %parallel_loop3A_422 : vector<16xi32>
      %parallel_loop3A_424 = arith.constant 144 : i32
      %parallel_loop3A_425 = vector.broadcast %parallel_loop3A_424 : i32 to vector<16xi32>
      %parallel_loop3A_426 = arith.addi %parallel_loop3A_423, %parallel_loop3A_425 : vector<16xi32>
      %parallel_loop3A_427 = arith.constant 16 : i32
      %parallel_loop3A_428 = vector.broadcast %parallel_loop3A_427 : i32 to vector<16xi32>
      %parallel_loop3A_429 = arith.shrsi %parallel_loop3A_414, %parallel_loop3A_428 : vector<16xi32>
      %parallel_loop3A_430 = arith.constant 255 : i32
      %parallel_loop3A_431 = vector.broadcast %parallel_loop3A_430 : i32 to vector<16xi32>
      %parallel_loop3A_432 = arith.andi %parallel_loop3A_429, %parallel_loop3A_431 : vector<16xi32>
      %parallel_loop3A_433 = arith.constant 288 : i32
      %parallel_loop3A_434 = vector.broadcast %parallel_loop3A_433 : i32 to vector<16xi32>
      %parallel_loop3A_435 = arith.addi %parallel_loop3A_432, %parallel_loop3A_434 : vector<16xi32>
      %parallel_loop3A_436 = arith.constant 24 : i32
      %parallel_loop3A_437 = vector.broadcast %parallel_loop3A_436 : i32 to vector<16xi32>
      %parallel_loop3A_438 = arith.shrui %parallel_loop3A_414, %parallel_loop3A_437 : vector<16xi32>
      %parallel_loop3A_439 = arith.constant 432 : i32
      %parallel_loop3A_440 = vector.broadcast %parallel_loop3A_439 : i32 to vector<16xi32>
      %parallel_loop3A_441 = arith.addi %parallel_loop3A_438, %parallel_loop3A_440 : vector<16xi32>
      %parallel_loop3A_442 = tpu.vector_load_idx %arg5[%parallel_loop3A_417] : memref<576xf32, #tpu.memory_space<vmem>>[vector<16xi32>], vector<16xf32>,
      %parallel_loop3A_443 = arith.constant 0 : i32
      %parallel_loop3A_444 = arith.index_cast %parallel_loop3A_443 : i32 to index
      %parallel_loop3A_445 = arith.index_cast %parallel_loop3A_412 : i32 to index
      %parallel_loop3A_446 = tpu.vector_load %arg8[%parallel_loop3A_444, %parallel_loop3A_445] {strides = array<i32>} : memref<4x8192xf32, #tpu.memory_space<vmem>>, vector<16xf32>,
      tpu.vector_store %arg8[%parallel_loop3A_444, %parallel_loop3A_445], %parallel_loop3A_442 {strides = array<i32>} : memref<4x8192xf32, #tpu.memory_space<vmem>>, vector<16xf32>,
      %parallel_loop3A_447 = tpu.vector_load_idx %arg5[%parallel_loop3A_426] : memref<576xf32, #tpu.memory_space<vmem>>[vector<16xi32>], vector<16xf32>,
      %parallel_loop3A_448 = arith.constant 1 : i32
      %parallel_loop3A_449 = arith.index_cast %parallel_loop3A_448 : i32 to index
      %parallel_loop3A_450 = arith.index_cast %parallel_loop3A_412 : i32 to index
      %parallel_loop3A_451 = tpu.vector_load %arg8[%parallel_loop3A_449, %parallel_loop3A_450] {strides = array<i32>} : memref<4x8192xf32, #tpu.memory_space<vmem>>, vector<16xf32>,
      tpu.vector_store %arg8[%parallel_loop3A_449, %parallel_loop3A_450], %parallel_loop3A_447 {strides = array<i32>} : memref<4x8192xf32, #tpu.memory_space<vmem>>, vector<16xf32>,
      %parallel_loop3A_452 = tpu.vector_load_idx %arg5[%parallel_loop3A_435] : memref<576xf32, #tpu.memory_space<vmem>>[vector<16xi32>], vector<16xf32>,
      %parallel_loop3A_453 = arith.constant 2 : i32
      %parallel_loop3A_454 = arith.index_cast %parallel_loop3A_453 : i32 to index
      %parallel_loop3A_455 = arith.index_cast %parallel_loop3A_412 : i32 to index
      %parallel_loop3A_456 = tpu.vector_load %arg8[%parallel_loop3A_454, %parallel_loop3A_455] {strides = array<i32>} : memref<4x8192xf32, #tpu.memory_space<vmem>>, vector<16xf32>,
      tpu.vector_store %arg8[%parallel_loop3A_454, %parallel_loop3A_455], %parallel_loop3A_452 {strides = array<i32>} : memref<4x8192xf32, #tpu.memory_space<vmem>>, vector<16xf32>,
      %parallel_loop3A_457 = tpu.vector_load_idx %arg5[%parallel_loop3A_441] : memref<576xf32, #tpu.memory_space<vmem>>[vector<16xi32>], vector<16xf32>,
      %parallel_loop3A_458 = arith.constant 3 : i32
      %parallel_loop3A_459 = arith.index_cast %parallel_loop3A_458 : i32 to index
      %parallel_loop3A_460 = arith.index_cast %parallel_loop3A_412 : i32 to index
      %parallel_loop3A_461 = tpu.vector_load %arg8[%parallel_loop3A_459, %parallel_loop3A_460] {strides = array<i32>} : memref<4x8192xf32, #tpu.memory_space<vmem>>, vector<16xf32>,
      tpu.vector_store %arg8[%parallel_loop3A_459, %parallel_loop3A_460], %parallel_loop3A_457 {strides = array<i32>} : memref<4x8192xf32, #tpu.memory_space<vmem>>, vector<16xf32>,
    } {sc.loop_unroll_factor = 4 : i64, sc.parallel_access}
    %add3A_15 = arith.constant 0 : i32
    %add3A_16 = arith.addi %add3A_15, %mul3A_2 : i32
    %add3A_17 = arith.constant 0 : i32
    %add3A_18 = arith.addi %add3A_16, %add3A_17 : i32
    %add3A_19 = arith.constant 262144 : i32
    %add3A_20 = arith.addi %add3A_16, %add3A_19 : i32
    %add3A_21 = arith.constant 524288 : i32
    %add3A_22 = arith.addi %add3A_16, %add3A_21 : i32
    %add3A_23 = arith.constant 786432 : i32
    %add3A_24 = arith.addi %add3A_16, %add3A_23 : i32
    %dma_start3A_25 = arith.constant 0 : i32
    %dma_start3A_26 = arith.constant 0 : i32
    %dma_start3A_27 = tpu.memref_slice %arg8[%dma_start3A_25, %dma_start3A_26] : memref<4x8192xf32, #tpu.memory_space<vmem>> -> memref<1x8192xf32, #tpu.memory_space<vmem>>
    %dma_start3A_28 = tpu.memref_squeeze %dma_start3A_27 : memref<1x8192xf32, #tpu.memory_space<vmem>> -> memref<8192xf32, #tpu.memory_space<vmem>>
    %dma_start3A_29 = tpu.memref_slice %arg4[%add3A_18] : memref<4194304xf32, #tpu.memory_space<hbm>> -> memref<8192xf32, #tpu.memory_space<hbm>>
    %dma_start3A_30 = tpu.memref_slice %arg4[%add3A_18] : memref<4194304xf32, #tpu.memory_space<hbm>> -> memref<8192xf32, #tpu.memory_space<hbm>>
    %dma_start3A_31 = arith.constant 0 : i32
    %dma_start3A_32 = tpu.memref_slice %arg8[%dma_start3A_25, %dma_start3A_31] : memref<4x8192xf32, #tpu.memory_space<vmem>> -> memref<1x8192xf32, #tpu.memory_space<vmem>>
    %dma_start3A_33 = tpu.memref_squeeze %dma_start3A_32 : memref<1x8192xf32, #tpu.memory_space<vmem>> -> memref<8192xf32, #tpu.memory_space<vmem>>
    tpu.enqueue_dma source(%dma_start3A_33 : memref<8192xf32, #tpu.memory_space<vmem>>) target(%dma_start3A_30 : memref<8192xf32, #tpu.memory_space<hbm>>) target_semaphore(%arg12 : memref<!tpu.dma_semaphore, #tpu.memory_space<semaphore_mem>>)
    %dma_start3A_34 = arith.constant 1 : i32
    %dma_start3A_35 = arith.constant 0 : i32
    %dma_start3A_36 = tpu.memref_slice %arg8[%dma_start3A_34, %dma_start3A_35] : memref<4x8192xf32, #tpu.memory_space<vmem>> -> memref<1x8192xf32, #tpu.memory_space<vmem>>
    %dma_start3A_37 = tpu.memref_squeeze %dma_start3A_36 : memref<1x8192xf32, #tpu.memory_space<vmem>> -> memref<8192xf32, #tpu.memory_space<vmem>>
    %dma_start3A_38 = tpu.memref_slice %arg4[%add3A_20] : memref<4194304xf32, #tpu.memory_space<hbm>> -> memref<8192xf32, #tpu.memory_space<hbm>>
    %dma_start3A_39 = tpu.memref_slice %arg4[%add3A_20] : memref<4194304xf32, #tpu.memory_space<hbm>> -> memref<8192xf32, #tpu.memory_space<hbm>>
    %dma_start3A_40 = arith.constant 0 : i32
    %dma_start3A_41 = tpu.memref_slice %arg8[%dma_start3A_34, %dma_start3A_40] : memref<4x8192xf32, #tpu.memory_space<vmem>> -> memref<1x8192xf32, #tpu.memory_space<vmem>>
    %dma_start3A_42 = tpu.memref_squeeze %dma_start3A_41 : memref<1x8192xf32, #tpu.memory_space<vmem>> -> memref<8192xf32, #tpu.memory_space<vmem>>
    tpu.enqueue_dma source(%dma_start3A_42 : memref<8192xf32, #tpu.memory_space<vmem>>) target(%dma_start3A_39 : memref<8192xf32, #tpu.memory_space<hbm>>) target_semaphore(%arg12 : memref<!tpu.dma_semaphore, #tpu.memory_space<semaphore_mem>>)
    %dma_start3A_43 = arith.constant 2 : i32
    %dma_start3A_44 = arith.constant 0 : i32
    %dma_start3A_45 = tpu.memref_slice %arg8[%dma_start3A_43, %dma_start3A_44] : memref<4x8192xf32, #tpu.memory_space<vmem>> -> memref<1x8192xf32, #tpu.memory_space<vmem>>
    %dma_start3A_46 = tpu.memref_squeeze %dma_start3A_45 : memref<1x8192xf32, #tpu.memory_space<vmem>> -> memref<8192xf32, #tpu.memory_space<vmem>>
    %dma_start3A_47 = tpu.memref_slice %arg4[%add3A_22] : memref<4194304xf32, #tpu.memory_space<hbm>> -> memref<8192xf32, #tpu.memory_space<hbm>>
    %dma_start3A_48 = tpu.memref_slice %arg4[%add3A_22] : memref<4194304xf32, #tpu.memory_space<hbm>> -> memref<8192xf32, #tpu.memory_space<hbm>>
    %dma_start3A_49 = arith.constant 0 : i32
    %dma_start3A_50 = tpu.memref_slice %arg8[%dma_start3A_43, %dma_start3A_49] : memref<4x8192xf32, #tpu.memory_space<vmem>> -> memref<1x8192xf32, #tpu.memory_space<vmem>>
    %dma_start3A_51 = tpu.memref_squeeze %dma_start3A_50 : memref<1x8192xf32, #tpu.memory_space<vmem>> -> memref<8192xf32, #tpu.memory_space<vmem>>
    tpu.enqueue_dma source(%dma_start3A_51 : memref<8192xf32, #tpu.memory_space<vmem>>) target(%dma_start3A_48 : memref<8192xf32, #tpu.memory_space<hbm>>) target_semaphore(%arg12 : memref<!tpu.dma_semaphore, #tpu.memory_space<semaphore_mem>>)
    %dma_start3A_52 = arith.constant 3 : i32
    %dma_start3A_53 = arith.constant 0 : i32
    %dma_start3A_54 = tpu.memref_slice %arg8[%dma_start3A_52, %dma_start3A_53] : memref<4x8192xf32, #tpu.memory_space<vmem>> -> memref<1x8192xf32, #tpu.memory_space<vmem>>
    %dma_start3A_55 = tpu.memref_squeeze %dma_start3A_54 : memref<1x8192xf32, #tpu.memory_space<vmem>> -> memref<8192xf32, #tpu.memory_space<vmem>>
    %dma_start3A_56 = tpu.memref_slice %arg4[%add3A_24] : memref<4194304xf32, #tpu.memory_space<hbm>> -> memref<8192xf32, #tpu.memory_space<hbm>>
    %dma_start3A_57 = tpu.memref_slice %arg4[%add3A_24] : memref<4194304xf32, #tpu.memory_space<hbm>> -> memref<8192xf32, #tpu.memory_space<hbm>>
    %dma_start3A_58 = arith.constant 0 : i32
    %dma_start3A_59 = tpu.memref_slice %arg8[%dma_start3A_52, %dma_start3A_58] : memref<4x8192xf32, #tpu.memory_space<vmem>> -> memref<1x8192xf32, #tpu.memory_space<vmem>>
    %dma_start3A_60 = tpu.memref_squeeze %dma_start3A_59 : memref<1x8192xf32, #tpu.memory_space<vmem>> -> memref<8192xf32, #tpu.memory_space<vmem>>
    tpu.enqueue_dma source(%dma_start3A_60 : memref<8192xf32, #tpu.memory_space<vmem>>) target(%dma_start3A_57 : memref<8192xf32, #tpu.memory_space<hbm>>) target_semaphore(%arg12 : memref<!tpu.dma_semaphore, #tpu.memory_space<semaphore_mem>>)
    %add3A_61 = arith.constant 524288 : i32
    %add3A_62 = arith.addi %add3A_61, %mul3A_2 : i32
    %dma_start3A_63 = tpu.memref_slice %arg3[%add3A_62] : memref<1048576xi32, #tpu.memory_space<hbm>> -> memref<8192xi32, #tpu.memory_space<hbm>>
    %dma_start3A_64 = tpu.memref_slice %arg3[%add3A_62] : memref<1048576xi32, #tpu.memory_space<hbm>> -> memref<8192xi32, #tpu.memory_space<hbm>>
    tpu.enqueue_dma source(%dma_start3A_64 : memref<8192xi32, #tpu.memory_space<hbm>>) target(%arg6 : memref<8192xi32, #tpu.memory_space<vmem>>) target_semaphore(%arg10 : memref<!tpu.dma_semaphore, #tpu.memory_space<semaphore_mem>>)
    %add3A_65 = arith.constant 262144 : i32
    %add3A_66 = arith.addi %add3A_65, %mul3A_2 : i32
    %dma_wait3A_67 = tpu.memref_slice %arg3[%add3A_66] : memref<1048576xi32, #tpu.memory_space<hbm>> -> memref<8192xi32, #tpu.memory_space<hbm>>
    %dma_wait3A_68 = tpu.memref_slice %arg3[%add3A_66] : memref<1048576xi32, #tpu.memory_space<hbm>> -> memref<8192xi32, #tpu.memory_space<hbm>>
    tpu.wait_dma2 semaphore(%arg11 : memref<!tpu.dma_semaphore, #tpu.memory_space<semaphore_mem>>) src(%dma_wait3A_68 : memref<8192xi32, #tpu.memory_space<hbm>>) dst(%arg7 : memref<8192xi32, #tpu.memory_space<vmem>>)
    %parallel_loop3A_69 = arith.constant 0 : i32
    %parallel_loop3A_70 = arith.constant 8192 : i32
    %parallel_loop3A_71 = arith.constant 16 : i32
    scf.for %parallel_loop3A_412 = %parallel_loop3A_69 to %parallel_loop3A_70 step %parallel_loop3A_71  : i32 {
      %parallel_loop3A_413 = arith.index_cast %parallel_loop3A_412 : i32 to index
      %parallel_loop3A_414 = tpu.vector_load %arg7[%parallel_loop3A_413] {strides = array<i32>} : memref<8192xi32, #tpu.memory_space<vmem>>, vector<16xi32>,
      %parallel_loop3A_415 = arith.constant 255 : i32
      %parallel_loop3A_416 = vector.broadcast %parallel_loop3A_415 : i32 to vector<16xi32>
      %parallel_loop3A_417 = arith.andi %parallel_loop3A_414, %parallel_loop3A_416 : vector<16xi32>
      %parallel_loop3A_418 = arith.constant 8 : i32
      %parallel_loop3A_419 = vector.broadcast %parallel_loop3A_418 : i32 to vector<16xi32>
      %parallel_loop3A_420 = arith.shrsi %parallel_loop3A_414, %parallel_loop3A_419 : vector<16xi32>
      %parallel_loop3A_421 = arith.constant 255 : i32
      %parallel_loop3A_422 = vector.broadcast %parallel_loop3A_421 : i32 to vector<16xi32>
      %parallel_loop3A_423 = arith.andi %parallel_loop3A_420, %parallel_loop3A_422 : vector<16xi32>
      %parallel_loop3A_424 = arith.constant 144 : i32
      %parallel_loop3A_425 = vector.broadcast %parallel_loop3A_424 : i32 to vector<16xi32>
      %parallel_loop3A_426 = arith.addi %parallel_loop3A_423, %parallel_loop3A_425 : vector<16xi32>
      %parallel_loop3A_427 = arith.constant 16 : i32
      %parallel_loop3A_428 = vector.broadcast %parallel_loop3A_427 : i32 to vector<16xi32>
      %parallel_loop3A_429 = arith.shrsi %parallel_loop3A_414, %parallel_loop3A_428 : vector<16xi32>
      %parallel_loop3A_430 = arith.constant 255 : i32
      %parallel_loop3A_431 = vector.broadcast %parallel_loop3A_430 : i32 to vector<16xi32>
      %parallel_loop3A_432 = arith.andi %parallel_loop3A_429, %parallel_loop3A_431 : vector<16xi32>
      %parallel_loop3A_433 = arith.constant 288 : i32
      %parallel_loop3A_434 = vector.broadcast %parallel_loop3A_433 : i32 to vector<16xi32>
      %parallel_loop3A_435 = arith.addi %parallel_loop3A_432, %parallel_loop3A_434 : vector<16xi32>
      %parallel_loop3A_436 = arith.constant 24 : i32
      %parallel_loop3A_437 = vector.broadcast %parallel_loop3A_436 : i32 to vector<16xi32>
      %parallel_loop3A_438 = arith.shrui %parallel_loop3A_414, %parallel_loop3A_437 : vector<16xi32>
      %parallel_loop3A_439 = arith.constant 432 : i32
      %parallel_loop3A_440 = vector.broadcast %parallel_loop3A_439 : i32 to vector<16xi32>
      %parallel_loop3A_441 = arith.addi %parallel_loop3A_438, %parallel_loop3A_440 : vector<16xi32>
      %parallel_loop3A_442 = tpu.vector_load_idx %arg5[%parallel_loop3A_417] : memref<576xf32, #tpu.memory_space<vmem>>[vector<16xi32>], vector<16xf32>,
      %parallel_loop3A_443 = arith.constant 0 : i32
      %parallel_loop3A_444 = arith.index_cast %parallel_loop3A_443 : i32 to index
      %parallel_loop3A_445 = arith.index_cast %parallel_loop3A_412 : i32 to index
      %parallel_loop3A_446 = tpu.vector_load %arg9[%parallel_loop3A_444, %parallel_loop3A_445] {strides = array<i32>} : memref<4x8192xf32, #tpu.memory_space<vmem>>, vector<16xf32>,
      tpu.vector_store %arg9[%parallel_loop3A_444, %parallel_loop3A_445], %parallel_loop3A_442 {strides = array<i32>} : memref<4x8192xf32, #tpu.memory_space<vmem>>, vector<16xf32>,
      %parallel_loop3A_447 = tpu.vector_load_idx %arg5[%parallel_loop3A_426] : memref<576xf32, #tpu.memory_space<vmem>>[vector<16xi32>], vector<16xf32>,
      %parallel_loop3A_448 = arith.constant 1 : i32
      %parallel_loop3A_449 = arith.index_cast %parallel_loop3A_448 : i32 to index
      %parallel_loop3A_450 = arith.index_cast %parallel_loop3A_412 : i32 to index
      %parallel_loop3A_451 = tpu.vector_load %arg9[%parallel_loop3A_449, %parallel_loop3A_450] {strides = array<i32>} : memref<4x8192xf32, #tpu.memory_space<vmem>>, vector<16xf32>,
      tpu.vector_store %arg9[%parallel_loop3A_449, %parallel_loop3A_450], %parallel_loop3A_447 {strides = array<i32>} : memref<4x8192xf32, #tpu.memory_space<vmem>>, vector<16xf32>,
      %parallel_loop3A_452 = tpu.vector_load_idx %arg5[%parallel_loop3A_435] : memref<576xf32, #tpu.memory_space<vmem>>[vector<16xi32>], vector<16xf32>,
      %parallel_loop3A_453 = arith.constant 2 : i32
      %parallel_loop3A_454 = arith.index_cast %parallel_loop3A_453 : i32 to index
      %parallel_loop3A_455 = arith.index_cast %parallel_loop3A_412 : i32 to index
      %parallel_loop3A_456 = tpu.vector_load %arg9[%parallel_loop3A_454, %parallel_loop3A_455] {strides = array<i32>} : memref<4x8192xf32, #tpu.memory_space<vmem>>, vector<16xf32>,
      tpu.vector_store %arg9[%parallel_loop3A_454, %parallel_loop3A_455], %parallel_loop3A_452 {strides = array<i32>} : memref<4x8192xf32, #tpu.memory_space<vmem>>, vector<16xf32>,
      %parallel_loop3A_457 = tpu.vector_load_idx %arg5[%parallel_loop3A_441] : memref<576xf32, #tpu.memory_space<vmem>>[vector<16xi32>], vector<16xf32>,
      %parallel_loop3A_458 = arith.constant 3 : i32
      %parallel_loop3A_459 = arith.index_cast %parallel_loop3A_458 : i32 to index
      %parallel_loop3A_460 = arith.index_cast %parallel_loop3A_412 : i32 to index
      %parallel_loop3A_461 = tpu.vector_load %arg9[%parallel_loop3A_459, %parallel_loop3A_460] {strides = array<i32>} : memref<4x8192xf32, #tpu.memory_space<vmem>>, vector<16xf32>,
      tpu.vector_store %arg9[%parallel_loop3A_459, %parallel_loop3A_460], %parallel_loop3A_457 {strides = array<i32>} : memref<4x8192xf32, #tpu.memory_space<vmem>>, vector<16xf32>,
    } {sc.loop_unroll_factor = 4 : i64, sc.parallel_access}
    %add3A_72 = arith.constant 1048576 : i32
    %add3A_73 = arith.addi %add3A_72, %mul3A_2 : i32
    %add3A_74 = arith.constant 0 : i32
    %add3A_75 = arith.addi %add3A_73, %add3A_74 : i32
    %add3A_76 = arith.constant 262144 : i32
    %add3A_77 = arith.addi %add3A_73, %add3A_76 : i32
    %add3A_78 = arith.constant 524288 : i32
    %add3A_79 = arith.addi %add3A_73, %add3A_78 : i32
    %add3A_80 = arith.constant 786432 : i32
    %add3A_81 = arith.addi %add3A_73, %add3A_80 : i32
    %dma_start3A_82 = arith.constant 0 : i32
    %dma_start3A_83 = arith.constant 0 : i32
    %dma_start3A_84 = tpu.memref_slice %arg9[%dma_start3A_82, %dma_start3A_83] : memref<4x8192xf32, #tpu.memory_space<vmem>> -> memref<1x8192xf32, #tpu.memory_space<vmem>>
    %dma_start3A_85 = tpu.memref_squeeze %dma_start3A_84 : memref<1x8192xf32, #tpu.memory_space<vmem>> -> memref<8192xf32, #tpu.memory_space<vmem>>
    %dma_start3A_86 = tpu.memref_slice %arg4[%add3A_75] : memref<4194304xf32, #tpu.memory_space<hbm>> -> memref<8192xf32, #tpu.memory_space<hbm>>
    %dma_start3A_87 = tpu.memref_slice %arg4[%add3A_75] : memref<4194304xf32, #tpu.memory_space<hbm>> -> memref<8192xf32, #tpu.memory_space<hbm>>
    %dma_start3A_88 = arith.constant 0 : i32
    %dma_start3A_89 = tpu.memref_slice %arg9[%dma_start3A_82, %dma_start3A_88] : memref<4x8192xf32, #tpu.memory_space<vmem>> -> memref<1x8192xf32, #tpu.memory_space<vmem>>
    %dma_start3A_90 = tpu.memref_squeeze %dma_start3A_89 : memref<1x8192xf32, #tpu.memory_space<vmem>> -> memref<8192xf32, #tpu.memory_space<vmem>>
    tpu.enqueue_dma source(%dma_start3A_90 : memref<8192xf32, #tpu.memory_space<vmem>>) target(%dma_start3A_87 : memref<8192xf32, #tpu.memory_space<hbm>>) target_semaphore(%arg13 : memref<!tpu.dma_semaphore, #tpu.memory_space<semaphore_mem>>)
    %dma_start3A_91 = arith.constant 1 : i32
    %dma_start3A_92 = arith.constant 0 : i32
    %dma_start3A_93 = tpu.memref_slice %arg9[%dma_start3A_91, %dma_start3A_92] : memref<4x8192xf32, #tpu.memory_space<vmem>> -> memref<1x8192xf32, #tpu.memory_space<vmem>>
    %dma_start3A_94 = tpu.memref_squeeze %dma_start3A_93 : memref<1x8192xf32, #tpu.memory_space<vmem>> -> memref<8192xf32, #tpu.memory_space<vmem>>
    %dma_start3A_95 = tpu.memref_slice %arg4[%add3A_77] : memref<4194304xf32, #tpu.memory_space<hbm>> -> memref<8192xf32, #tpu.memory_space<hbm>>
    %dma_start3A_96 = tpu.memref_slice %arg4[%add3A_77] : memref<4194304xf32, #tpu.memory_space<hbm>> -> memref<8192xf32, #tpu.memory_space<hbm>>
    %dma_start3A_97 = arith.constant 0 : i32
    %dma_start3A_98 = tpu.memref_slice %arg9[%dma_start3A_91, %dma_start3A_97] : memref<4x8192xf32, #tpu.memory_space<vmem>> -> memref<1x8192xf32, #tpu.memory_space<vmem>>
    %dma_start3A_99 = tpu.memref_squeeze %dma_start3A_98 : memref<1x8192xf32, #tpu.memory_space<vmem>> -> memref<8192xf32, #tpu.memory_space<vmem>>
    tpu.enqueue_dma source(%dma_start3A_99 : memref<8192xf32, #tpu.memory_space<vmem>>) target(%dma_start3A_96 : memref<8192xf32, #tpu.memory_space<hbm>>) target_semaphore(%arg13 : memref<!tpu.dma_semaphore, #tpu.memory_space<semaphore_mem>>)
    %dma_start3A_100 = arith.constant 2 : i32
    %dma_start3A_101 = arith.constant 0 : i32
    %dma_start3A_102 = tpu.memref_slice %arg9[%dma_start3A_100, %dma_start3A_101] : memref<4x8192xf32, #tpu.memory_space<vmem>> -> memref<1x8192xf32, #tpu.memory_space<vmem>>
    %dma_start3A_103 = tpu.memref_squeeze %dma_start3A_102 : memref<1x8192xf32, #tpu.memory_space<vmem>> -> memref<8192xf32, #tpu.memory_space<vmem>>
    %dma_start3A_104 = tpu.memref_slice %arg4[%add3A_79] : memref<4194304xf32, #tpu.memory_space<hbm>> -> memref<8192xf32, #tpu.memory_space<hbm>>
    %dma_start3A_105 = tpu.memref_slice %arg4[%add3A_79] : memref<4194304xf32, #tpu.memory_space<hbm>> -> memref<8192xf32, #tpu.memory_space<hbm>>
    %dma_start3A_106 = arith.constant 0 : i32
    %dma_start3A_107 = tpu.memref_slice %arg9[%dma_start3A_100, %dma_start3A_106] : memref<4x8192xf32, #tpu.memory_space<vmem>> -> memref<1x8192xf32, #tpu.memory_space<vmem>>
    %dma_start3A_108 = tpu.memref_squeeze %dma_start3A_107 : memref<1x8192xf32, #tpu.memory_space<vmem>> -> memref<8192xf32, #tpu.memory_space<vmem>>
    tpu.enqueue_dma source(%dma_start3A_108 : memref<8192xf32, #tpu.memory_space<vmem>>) target(%dma_start3A_105 : memref<8192xf32, #tpu.memory_space<hbm>>) target_semaphore(%arg13 : memref<!tpu.dma_semaphore, #tpu.memory_space<semaphore_mem>>)
    %dma_start3A_109 = arith.constant 3 : i32
    %dma_start3A_110 = arith.constant 0 : i32
    %dma_start3A_111 = tpu.memref_slice %arg9[%dma_start3A_109, %dma_start3A_110] : memref<4x8192xf32, #tpu.memory_space<vmem>> -> memref<1x8192xf32, #tpu.memory_space<vmem>>
    %dma_start3A_112 = tpu.memref_squeeze %dma_start3A_111 : memref<1x8192xf32, #tpu.memory_space<vmem>> -> memref<8192xf32, #tpu.memory_space<vmem>>
    %dma_start3A_113 = tpu.memref_slice %arg4[%add3A_81] : memref<4194304xf32, #tpu.memory_space<hbm>> -> memref<8192xf32, #tpu.memory_space<hbm>>
    %dma_start3A_114 = tpu.memref_slice %arg4[%add3A_81] : memref<4194304xf32, #tpu.memory_space<hbm>> -> memref<8192xf32, #tpu.memory_space<hbm>>
    %dma_start3A_115 = arith.constant 0 : i32
    %dma_start3A_116 = tpu.memref_slice %arg9[%dma_start3A_109, %dma_start3A_115] : memref<4x8192xf32, #tpu.memory_space<vmem>> -> memref<1x8192xf32, #tpu.memory_space<vmem>>
    %dma_start3A_117 = tpu.memref_squeeze %dma_start3A_116 : memref<1x8192xf32, #tpu.memory_space<vmem>> -> memref<8192xf32, #tpu.memory_space<vmem>>
    tpu.enqueue_dma source(%dma_start3A_117 : memref<8192xf32, #tpu.memory_space<vmem>>) target(%dma_start3A_114 : memref<8192xf32, #tpu.memory_space<hbm>>) target_semaphore(%arg13 : memref<!tpu.dma_semaphore, #tpu.memory_space<semaphore_mem>>)
    %add3A_118 = arith.constant 786432 : i32
    %add3A_119 = arith.addi %add3A_118, %mul3A_2 : i32
    %dma_start3A_120 = tpu.memref_slice %arg3[%add3A_119] : memref<1048576xi32, #tpu.memory_space<hbm>> -> memref<8192xi32, #tpu.memory_space<hbm>>
    %dma_start3A_121 = tpu.memref_slice %arg3[%add3A_119] : memref<1048576xi32, #tpu.memory_space<hbm>> -> memref<8192xi32, #tpu.memory_space<hbm>>
    tpu.enqueue_dma source(%dma_start3A_121 : memref<8192xi32, #tpu.memory_space<hbm>>) target(%arg7 : memref<8192xi32, #tpu.memory_space<vmem>>) target_semaphore(%arg11 : memref<!tpu.dma_semaphore, #tpu.memory_space<semaphore_mem>>)
    %add3A_122 = arith.constant 524288 : i32
    %add3A_123 = arith.addi %add3A_122, %mul3A_2 : i32
    %dma_wait3A_124 = tpu.memref_slice %arg3[%add3A_123] : memref<1048576xi32, #tpu.memory_space<hbm>> -> memref<8192xi32, #tpu.memory_space<hbm>>
    %dma_wait3A_125 = tpu.memref_slice %arg3[%add3A_123] : memref<1048576xi32, #tpu.memory_space<hbm>> -> memref<8192xi32, #tpu.memory_space<hbm>>
    tpu.wait_dma2 semaphore(%arg10 : memref<!tpu.dma_semaphore, #tpu.memory_space<semaphore_mem>>) src(%dma_wait3A_125 : memref<8192xi32, #tpu.memory_space<hbm>>) dst(%arg6 : memref<8192xi32, #tpu.memory_space<vmem>>)
    %add3A_126 = arith.constant 0 : i32
    %add3A_127 = arith.addi %add3A_126, %mul3A_2 : i32
    %add3A_128 = arith.constant 0 : i32
    %add3A_129 = arith.addi %add3A_127, %add3A_128 : i32
    %add3A_130 = arith.constant 262144 : i32
    %add3A_131 = arith.addi %add3A_127, %add3A_130 : i32
    %add3A_132 = arith.constant 524288 : i32
    %add3A_133 = arith.addi %add3A_127, %add3A_132 : i32
    %add3A_134 = arith.constant 786432 : i32
    %add3A_135 = arith.addi %add3A_127, %add3A_134 : i32
    %dma_wait3A_136 = arith.constant 0 : i32
    %dma_wait3A_137 = arith.constant 0 : i32
    %dma_wait3A_138 = tpu.memref_slice %arg8[%dma_wait3A_136, %dma_wait3A_137] : memref<4x8192xf32, #tpu.memory_space<vmem>> -> memref<1x8192xf32, #tpu.memory_space<vmem>>
    %dma_wait3A_139 = tpu.memref_squeeze %dma_wait3A_138 : memref<1x8192xf32, #tpu.memory_space<vmem>> -> memref<8192xf32, #tpu.memory_space<vmem>>
    %dma_wait3A_140 = tpu.memref_slice %arg4[%add3A_129] : memref<4194304xf32, #tpu.memory_space<hbm>> -> memref<8192xf32, #tpu.memory_space<hbm>>
    %dma_wait3A_141 = tpu.memref_slice %arg4[%add3A_129] : memref<4194304xf32, #tpu.memory_space<hbm>> -> memref<8192xf32, #tpu.memory_space<hbm>>
    %dma_wait3A_142 = arith.constant 0 : i32
    %dma_wait3A_143 = tpu.memref_slice %arg8[%dma_wait3A_136, %dma_wait3A_142] : memref<4x8192xf32, #tpu.memory_space<vmem>> -> memref<1x8192xf32, #tpu.memory_space<vmem>>
    %dma_wait3A_144 = tpu.memref_squeeze %dma_wait3A_143 : memref<1x8192xf32, #tpu.memory_space<vmem>> -> memref<8192xf32, #tpu.memory_space<vmem>>
    tpu.wait_dma2 semaphore(%arg12 : memref<!tpu.dma_semaphore, #tpu.memory_space<semaphore_mem>>) src(%dma_wait3A_144 : memref<8192xf32, #tpu.memory_space<vmem>>) dst(%dma_wait3A_141 : memref<8192xf32, #tpu.memory_space<hbm>>)
    %dma_wait3A_145 = arith.constant 1 : i32
    %dma_wait3A_146 = arith.constant 0 : i32
    %dma_wait3A_147 = tpu.memref_slice %arg8[%dma_wait3A_145, %dma_wait3A_146] : memref<4x8192xf32, #tpu.memory_space<vmem>> -> memref<1x8192xf32, #tpu.memory_space<vmem>>
    %dma_wait3A_148 = tpu.memref_squeeze %dma_wait3A_147 : memref<1x8192xf32, #tpu.memory_space<vmem>> -> memref<8192xf32, #tpu.memory_space<vmem>>
    %dma_wait3A_149 = tpu.memref_slice %arg4[%add3A_131] : memref<4194304xf32, #tpu.memory_space<hbm>> -> memref<8192xf32, #tpu.memory_space<hbm>>
    %dma_wait3A_150 = tpu.memref_slice %arg4[%add3A_131] : memref<4194304xf32, #tpu.memory_space<hbm>> -> memref<8192xf32, #tpu.memory_space<hbm>>
    %dma_wait3A_151 = arith.constant 0 : i32
    %dma_wait3A_152 = tpu.memref_slice %arg8[%dma_wait3A_145, %dma_wait3A_151] : memref<4x8192xf32, #tpu.memory_space<vmem>> -> memref<1x8192xf32, #tpu.memory_space<vmem>>
    %dma_wait3A_153 = tpu.memref_squeeze %dma_wait3A_152 : memref<1x8192xf32, #tpu.memory_space<vmem>> -> memref<8192xf32, #tpu.memory_space<vmem>>
    tpu.wait_dma2 semaphore(%arg12 : memref<!tpu.dma_semaphore, #tpu.memory_space<semaphore_mem>>) src(%dma_wait3A_153 : memref<8192xf32, #tpu.memory_space<vmem>>) dst(%dma_wait3A_150 : memref<8192xf32, #tpu.memory_space<hbm>>)
    %dma_wait3A_154 = arith.constant 2 : i32
    %dma_wait3A_155 = arith.constant 0 : i32
    %dma_wait3A_156 = tpu.memref_slice %arg8[%dma_wait3A_154, %dma_wait3A_155] : memref<4x8192xf32, #tpu.memory_space<vmem>> -> memref<1x8192xf32, #tpu.memory_space<vmem>>
    %dma_wait3A_157 = tpu.memref_squeeze %dma_wait3A_156 : memref<1x8192xf32, #tpu.memory_space<vmem>> -> memref<8192xf32, #tpu.memory_space<vmem>>
    %dma_wait3A_158 = tpu.memref_slice %arg4[%add3A_133] : memref<4194304xf32, #tpu.memory_space<hbm>> -> memref<8192xf32, #tpu.memory_space<hbm>>
    %dma_wait3A_159 = tpu.memref_slice %arg4[%add3A_133] : memref<4194304xf32, #tpu.memory_space<hbm>> -> memref<8192xf32, #tpu.memory_space<hbm>>
    %dma_wait3A_160 = arith.constant 0 : i32
    %dma_wait3A_161 = tpu.memref_slice %arg8[%dma_wait3A_154, %dma_wait3A_160] : memref<4x8192xf32, #tpu.memory_space<vmem>> -> memref<1x8192xf32, #tpu.memory_space<vmem>>
    %dma_wait3A_162 = tpu.memref_squeeze %dma_wait3A_161 : memref<1x8192xf32, #tpu.memory_space<vmem>> -> memref<8192xf32, #tpu.memory_space<vmem>>
    tpu.wait_dma2 semaphore(%arg12 : memref<!tpu.dma_semaphore, #tpu.memory_space<semaphore_mem>>) src(%dma_wait3A_162 : memref<8192xf32, #tpu.memory_space<vmem>>) dst(%dma_wait3A_159 : memref<8192xf32, #tpu.memory_space<hbm>>)
    %dma_wait3A_163 = arith.constant 3 : i32
    %dma_wait3A_164 = arith.constant 0 : i32
    %dma_wait3A_165 = tpu.memref_slice %arg8[%dma_wait3A_163, %dma_wait3A_164] : memref<4x8192xf32, #tpu.memory_space<vmem>> -> memref<1x8192xf32, #tpu.memory_space<vmem>>
    %dma_wait3A_166 = tpu.memref_squeeze %dma_wait3A_165 : memref<1x8192xf32, #tpu.memory_space<vmem>> -> memref<8192xf32, #tpu.memory_space<vmem>>
    %dma_wait3A_167 = tpu.memref_slice %arg4[%add3A_135] : memref<4194304xf32, #tpu.memory_space<hbm>> -> memref<8192xf32, #tpu.memory_space<hbm>>
    %dma_wait3A_168 = tpu.memref_slice %arg4[%add3A_135] : memref<4194304xf32, #tpu.memory_space<hbm>> -> memref<8192xf32, #tpu.memory_space<hbm>>
    %dma_wait3A_169 = arith.constant 0 : i32
    %dma_wait3A_170 = tpu.memref_slice %arg8[%dma_wait3A_163, %dma_wait3A_169] : memref<4x8192xf32, #tpu.memory_space<vmem>> -> memref<1x8192xf32, #tpu.memory_space<vmem>>
    %dma_wait3A_171 = tpu.memref_squeeze %dma_wait3A_170 : memref<1x8192xf32, #tpu.memory_space<vmem>> -> memref<8192xf32, #tpu.memory_space<vmem>>
    tpu.wait_dma2 semaphore(%arg12 : memref<!tpu.dma_semaphore, #tpu.memory_space<semaphore_mem>>) src(%dma_wait3A_171 : memref<8192xf32, #tpu.memory_space<vmem>>) dst(%dma_wait3A_168 : memref<8192xf32, #tpu.memory_space<hbm>>)
    %parallel_loop3A_172 = arith.constant 0 : i32
    %parallel_loop3A_173 = arith.constant 8192 : i32
    %parallel_loop3A_174 = arith.constant 16 : i32
    scf.for %parallel_loop3A_412 = %parallel_loop3A_172 to %parallel_loop3A_173 step %parallel_loop3A_174  : i32 {
      %parallel_loop3A_413 = arith.index_cast %parallel_loop3A_412 : i32 to index
      %parallel_loop3A_414 = tpu.vector_load %arg6[%parallel_loop3A_413] {strides = array<i32>} : memref<8192xi32, #tpu.memory_space<vmem>>, vector<16xi32>,
      %parallel_loop3A_415 = arith.constant 255 : i32
      %parallel_loop3A_416 = vector.broadcast %parallel_loop3A_415 : i32 to vector<16xi32>
      %parallel_loop3A_417 = arith.andi %parallel_loop3A_414, %parallel_loop3A_416 : vector<16xi32>
      %parallel_loop3A_418 = arith.constant 8 : i32
      %parallel_loop3A_419 = vector.broadcast %parallel_loop3A_418 : i32 to vector<16xi32>
      %parallel_loop3A_420 = arith.shrsi %parallel_loop3A_414, %parallel_loop3A_419 : vector<16xi32>
      %parallel_loop3A_421 = arith.constant 255 : i32
      %parallel_loop3A_422 = vector.broadcast %parallel_loop3A_421 : i32 to vector<16xi32>
      %parallel_loop3A_423 = arith.andi %parallel_loop3A_420, %parallel_loop3A_422 : vector<16xi32>
      %parallel_loop3A_424 = arith.constant 144 : i32
      %parallel_loop3A_425 = vector.broadcast %parallel_loop3A_424 : i32 to vector<16xi32>
      %parallel_loop3A_426 = arith.addi %parallel_loop3A_423, %parallel_loop3A_425 : vector<16xi32>
      %parallel_loop3A_427 = arith.constant 16 : i32
      %parallel_loop3A_428 = vector.broadcast %parallel_loop3A_427 : i32 to vector<16xi32>
      %parallel_loop3A_429 = arith.shrsi %parallel_loop3A_414, %parallel_loop3A_428 : vector<16xi32>
      %parallel_loop3A_430 = arith.constant 255 : i32
      %parallel_loop3A_431 = vector.broadcast %parallel_loop3A_430 : i32 to vector<16xi32>
      %parallel_loop3A_432 = arith.andi %parallel_loop3A_429, %parallel_loop3A_431 : vector<16xi32>
      %parallel_loop3A_433 = arith.constant 288 : i32
      %parallel_loop3A_434 = vector.broadcast %parallel_loop3A_433 : i32 to vector<16xi32>
      %parallel_loop3A_435 = arith.addi %parallel_loop3A_432, %parallel_loop3A_434 : vector<16xi32>
      %parallel_loop3A_436 = arith.constant 24 : i32
      %parallel_loop3A_437 = vector.broadcast %parallel_loop3A_436 : i32 to vector<16xi32>
      %parallel_loop3A_438 = arith.shrui %parallel_loop3A_414, %parallel_loop3A_437 : vector<16xi32>
      %parallel_loop3A_439 = arith.constant 432 : i32
      %parallel_loop3A_440 = vector.broadcast %parallel_loop3A_439 : i32 to vector<16xi32>
      %parallel_loop3A_441 = arith.addi %parallel_loop3A_438, %parallel_loop3A_440 : vector<16xi32>
      %parallel_loop3A_442 = tpu.vector_load_idx %arg5[%parallel_loop3A_417] : memref<576xf32, #tpu.memory_space<vmem>>[vector<16xi32>], vector<16xf32>,
      %parallel_loop3A_443 = arith.constant 0 : i32
      %parallel_loop3A_444 = arith.index_cast %parallel_loop3A_443 : i32 to index
      %parallel_loop3A_445 = arith.index_cast %parallel_loop3A_412 : i32 to index
      %parallel_loop3A_446 = tpu.vector_load %arg8[%parallel_loop3A_444, %parallel_loop3A_445] {strides = array<i32>} : memref<4x8192xf32, #tpu.memory_space<vmem>>, vector<16xf32>,
      tpu.vector_store %arg8[%parallel_loop3A_444, %parallel_loop3A_445], %parallel_loop3A_442 {strides = array<i32>} : memref<4x8192xf32, #tpu.memory_space<vmem>>, vector<16xf32>,
      %parallel_loop3A_447 = tpu.vector_load_idx %arg5[%parallel_loop3A_426] : memref<576xf32, #tpu.memory_space<vmem>>[vector<16xi32>], vector<16xf32>,
      %parallel_loop3A_448 = arith.constant 1 : i32
      %parallel_loop3A_449 = arith.index_cast %parallel_loop3A_448 : i32 to index
      %parallel_loop3A_450 = arith.index_cast %parallel_loop3A_412 : i32 to index
      %parallel_loop3A_451 = tpu.vector_load %arg8[%parallel_loop3A_449, %parallel_loop3A_450] {strides = array<i32>} : memref<4x8192xf32, #tpu.memory_space<vmem>>, vector<16xf32>,
      tpu.vector_store %arg8[%parallel_loop3A_449, %parallel_loop3A_450], %parallel_loop3A_447 {strides = array<i32>} : memref<4x8192xf32, #tpu.memory_space<vmem>>, vector<16xf32>,
      %parallel_loop3A_452 = tpu.vector_load_idx %arg5[%parallel_loop3A_435] : memref<576xf32, #tpu.memory_space<vmem>>[vector<16xi32>], vector<16xf32>,
      %parallel_loop3A_453 = arith.constant 2 : i32
      %parallel_loop3A_454 = arith.index_cast %parallel_loop3A_453 : i32 to index
      %parallel_loop3A_455 = arith.index_cast %parallel_loop3A_412 : i32 to index
      %parallel_loop3A_456 = tpu.vector_load %arg8[%parallel_loop3A_454, %parallel_loop3A_455] {strides = array<i32>} : memref<4x8192xf32, #tpu.memory_space<vmem>>, vector<16xf32>,
      tpu.vector_store %arg8[%parallel_loop3A_454, %parallel_loop3A_455], %parallel_loop3A_452 {strides = array<i32>} : memref<4x8192xf32, #tpu.memory_space<vmem>>, vector<16xf32>,
      %parallel_loop3A_457 = tpu.vector_load_idx %arg5[%parallel_loop3A_441] : memref<576xf32, #tpu.memory_space<vmem>>[vector<16xi32>], vector<16xf32>,
      %parallel_loop3A_458 = arith.constant 3 : i32
      %parallel_loop3A_459 = arith.index_cast %parallel_loop3A_458 : i32 to index
      %parallel_loop3A_460 = arith.index_cast %parallel_loop3A_412 : i32 to index
      %parallel_loop3A_461 = tpu.vector_load %arg8[%parallel_loop3A_459, %parallel_loop3A_460] {strides = array<i32>} : memref<4x8192xf32, #tpu.memory_space<vmem>>, vector<16xf32>,
      tpu.vector_store %arg8[%parallel_loop3A_459, %parallel_loop3A_460], %parallel_loop3A_457 {strides = array<i32>} : memref<4x8192xf32, #tpu.memory_space<vmem>>, vector<16xf32>,
    } {sc.loop_unroll_factor = 4 : i64, sc.parallel_access}
    %add3A_175 = arith.constant 2097152 : i32
    %add3A_176 = arith.addi %add3A_175, %mul3A_2 : i32
    %add3A_177 = arith.constant 0 : i32
    %add3A_178 = arith.addi %add3A_176, %add3A_177 : i32
    %add3A_179 = arith.constant 262144 : i32
    %add3A_180 = arith.addi %add3A_176, %add3A_179 : i32
    %add3A_181 = arith.constant 524288 : i32
    %add3A_182 = arith.addi %add3A_176, %add3A_181 : i32
    %add3A_183 = arith.constant 786432 : i32
    %add3A_184 = arith.addi %add3A_176, %add3A_183 : i32
    %dma_start3A_185 = arith.constant 0 : i32
    %dma_start3A_186 = arith.constant 0 : i32
    %dma_start3A_187 = tpu.memref_slice %arg8[%dma_start3A_185, %dma_start3A_186] : memref<4x8192xf32, #tpu.memory_space<vmem>> -> memref<1x8192xf32, #tpu.memory_space<vmem>>
    %dma_start3A_188 = tpu.memref_squeeze %dma_start3A_187 : memref<1x8192xf32, #tpu.memory_space<vmem>> -> memref<8192xf32, #tpu.memory_space<vmem>>
    %dma_start3A_189 = tpu.memref_slice %arg4[%add3A_178] : memref<4194304xf32, #tpu.memory_space<hbm>> -> memref<8192xf32, #tpu.memory_space<hbm>>
    %dma_start3A_190 = tpu.memref_slice %arg4[%add3A_178] : memref<4194304xf32, #tpu.memory_space<hbm>> -> memref<8192xf32, #tpu.memory_space<hbm>>
    %dma_start3A_191 = arith.constant 0 : i32
    %dma_start3A_192 = tpu.memref_slice %arg8[%dma_start3A_185, %dma_start3A_191] : memref<4x8192xf32, #tpu.memory_space<vmem>> -> memref<1x8192xf32, #tpu.memory_space<vmem>>
    %dma_start3A_193 = tpu.memref_squeeze %dma_start3A_192 : memref<1x8192xf32, #tpu.memory_space<vmem>> -> memref<8192xf32, #tpu.memory_space<vmem>>
    tpu.enqueue_dma source(%dma_start3A_193 : memref<8192xf32, #tpu.memory_space<vmem>>) target(%dma_start3A_190 : memref<8192xf32, #tpu.memory_space<hbm>>) target_semaphore(%arg12 : memref<!tpu.dma_semaphore, #tpu.memory_space<semaphore_mem>>)
    %dma_start3A_194 = arith.constant 1 : i32
    %dma_start3A_195 = arith.constant 0 : i32
    %dma_start3A_196 = tpu.memref_slice %arg8[%dma_start3A_194, %dma_start3A_195] : memref<4x8192xf32, #tpu.memory_space<vmem>> -> memref<1x8192xf32, #tpu.memory_space<vmem>>
    %dma_start3A_197 = tpu.memref_squeeze %dma_start3A_196 : memref<1x8192xf32, #tpu.memory_space<vmem>> -> memref<8192xf32, #tpu.memory_space<vmem>>
    %dma_start3A_198 = tpu.memref_slice %arg4[%add3A_180] : memref<4194304xf32, #tpu.memory_space<hbm>> -> memref<8192xf32, #tpu.memory_space<hbm>>
    %dma_start3A_199 = tpu.memref_slice %arg4[%add3A_180] : memref<4194304xf32, #tpu.memory_space<hbm>> -> memref<8192xf32, #tpu.memory_space<hbm>>
    %dma_start3A_200 = arith.constant 0 : i32
    %dma_start3A_201 = tpu.memref_slice %arg8[%dma_start3A_194, %dma_start3A_200] : memref<4x8192xf32, #tpu.memory_space<vmem>> -> memref<1x8192xf32, #tpu.memory_space<vmem>>
    %dma_start3A_202 = tpu.memref_squeeze %dma_start3A_201 : memref<1x8192xf32, #tpu.memory_space<vmem>> -> memref<8192xf32, #tpu.memory_space<vmem>>
    tpu.enqueue_dma source(%dma_start3A_202 : memref<8192xf32, #tpu.memory_space<vmem>>) target(%dma_start3A_199 : memref<8192xf32, #tpu.memory_space<hbm>>) target_semaphore(%arg12 : memref<!tpu.dma_semaphore, #tpu.memory_space<semaphore_mem>>)
    %dma_start3A_203 = arith.constant 2 : i32
    %dma_start3A_204 = arith.constant 0 : i32
    %dma_start3A_205 = tpu.memref_slice %arg8[%dma_start3A_203, %dma_start3A_204] : memref<4x8192xf32, #tpu.memory_space<vmem>> -> memref<1x8192xf32, #tpu.memory_space<vmem>>
    %dma_start3A_206 = tpu.memref_squeeze %dma_start3A_205 : memref<1x8192xf32, #tpu.memory_space<vmem>> -> memref<8192xf32, #tpu.memory_space<vmem>>
    %dma_start3A_207 = tpu.memref_slice %arg4[%add3A_182] : memref<4194304xf32, #tpu.memory_space<hbm>> -> memref<8192xf32, #tpu.memory_space<hbm>>
    %dma_start3A_208 = tpu.memref_slice %arg4[%add3A_182] : memref<4194304xf32, #tpu.memory_space<hbm>> -> memref<8192xf32, #tpu.memory_space<hbm>>
    %dma_start3A_209 = arith.constant 0 : i32
    %dma_start3A_210 = tpu.memref_slice %arg8[%dma_start3A_203, %dma_start3A_209] : memref<4x8192xf32, #tpu.memory_space<vmem>> -> memref<1x8192xf32, #tpu.memory_space<vmem>>
    %dma_start3A_211 = tpu.memref_squeeze %dma_start3A_210 : memref<1x8192xf32, #tpu.memory_space<vmem>> -> memref<8192xf32, #tpu.memory_space<vmem>>
    tpu.enqueue_dma source(%dma_start3A_211 : memref<8192xf32, #tpu.memory_space<vmem>>) target(%dma_start3A_208 : memref<8192xf32, #tpu.memory_space<hbm>>) target_semaphore(%arg12 : memref<!tpu.dma_semaphore, #tpu.memory_space<semaphore_mem>>)
    %dma_start3A_212 = arith.constant 3 : i32
    %dma_start3A_213 = arith.constant 0 : i32
    %dma_start3A_214 = tpu.memref_slice %arg8[%dma_start3A_212, %dma_start3A_213] : memref<4x8192xf32, #tpu.memory_space<vmem>> -> memref<1x8192xf32, #tpu.memory_space<vmem>>
    %dma_start3A_215 = tpu.memref_squeeze %dma_start3A_214 : memref<1x8192xf32, #tpu.memory_space<vmem>> -> memref<8192xf32, #tpu.memory_space<vmem>>
    %dma_start3A_216 = tpu.memref_slice %arg4[%add3A_184] : memref<4194304xf32, #tpu.memory_space<hbm>> -> memref<8192xf32, #tpu.memory_space<hbm>>
    %dma_start3A_217 = tpu.memref_slice %arg4[%add3A_184] : memref<4194304xf32, #tpu.memory_space<hbm>> -> memref<8192xf32, #tpu.memory_space<hbm>>
    %dma_start3A_218 = arith.constant 0 : i32
    %dma_start3A_219 = tpu.memref_slice %arg8[%dma_start3A_212, %dma_start3A_218] : memref<4x8192xf32, #tpu.memory_space<vmem>> -> memref<1x8192xf32, #tpu.memory_space<vmem>>
    %dma_start3A_220 = tpu.memref_squeeze %dma_start3A_219 : memref<1x8192xf32, #tpu.memory_space<vmem>> -> memref<8192xf32, #tpu.memory_space<vmem>>
    tpu.enqueue_dma source(%dma_start3A_220 : memref<8192xf32, #tpu.memory_space<vmem>>) target(%dma_start3A_217 : memref<8192xf32, #tpu.memory_space<hbm>>) target_semaphore(%arg12 : memref<!tpu.dma_semaphore, #tpu.memory_space<semaphore_mem>>)
    %add3A_221 = arith.constant 786432 : i32
    %add3A_222 = arith.addi %add3A_221, %mul3A_2 : i32
    %dma_wait3A_223 = tpu.memref_slice %arg3[%add3A_222] : memref<1048576xi32, #tpu.memory_space<hbm>> -> memref<8192xi32, #tpu.memory_space<hbm>>
    %dma_wait3A_224 = tpu.memref_slice %arg3[%add3A_222] : memref<1048576xi32, #tpu.memory_space<hbm>> -> memref<8192xi32, #tpu.memory_space<hbm>>
    tpu.wait_dma2 semaphore(%arg11 : memref<!tpu.dma_semaphore, #tpu.memory_space<semaphore_mem>>) src(%dma_wait3A_224 : memref<8192xi32, #tpu.memory_space<hbm>>) dst(%arg7 : memref<8192xi32, #tpu.memory_space<vmem>>)
    %add3A_225 = arith.constant 1048576 : i32
    %add3A_226 = arith.addi %add3A_225, %mul3A_2 : i32
    %add3A_227 = arith.constant 0 : i32
    %add3A_228 = arith.addi %add3A_226, %add3A_227 : i32
    %add3A_229 = arith.constant 262144 : i32
    %add3A_230 = arith.addi %add3A_226, %add3A_229 : i32
    %add3A_231 = arith.constant 524288 : i32
    %add3A_232 = arith.addi %add3A_226, %add3A_231 : i32
    %add3A_233 = arith.constant 786432 : i32
    %add3A_234 = arith.addi %add3A_226, %add3A_233 : i32
    %dma_wait3A_235 = arith.constant 0 : i32
    %dma_wait3A_236 = arith.constant 0 : i32
    %dma_wait3A_237 = tpu.memref_slice %arg9[%dma_wait3A_235, %dma_wait3A_236] : memref<4x8192xf32, #tpu.memory_space<vmem>> -> memref<1x8192xf32, #tpu.memory_space<vmem>>
    %dma_wait3A_238 = tpu.memref_squeeze %dma_wait3A_237 : memref<1x8192xf32, #tpu.memory_space<vmem>> -> memref<8192xf32, #tpu.memory_space<vmem>>
    %dma_wait3A_239 = tpu.memref_slice %arg4[%add3A_228] : memref<4194304xf32, #tpu.memory_space<hbm>> -> memref<8192xf32, #tpu.memory_space<hbm>>
    %dma_wait3A_240 = tpu.memref_slice %arg4[%add3A_228] : memref<4194304xf32, #tpu.memory_space<hbm>> -> memref<8192xf32, #tpu.memory_space<hbm>>
    %dma_wait3A_241 = arith.constant 0 : i32
    %dma_wait3A_242 = tpu.memref_slice %arg9[%dma_wait3A_235, %dma_wait3A_241] : memref<4x8192xf32, #tpu.memory_space<vmem>> -> memref<1x8192xf32, #tpu.memory_space<vmem>>
    %dma_wait3A_243 = tpu.memref_squeeze %dma_wait3A_242 : memref<1x8192xf32, #tpu.memory_space<vmem>> -> memref<8192xf32, #tpu.memory_space<vmem>>
    tpu.wait_dma2 semaphore(%arg13 : memref<!tpu.dma_semaphore, #tpu.memory_space<semaphore_mem>>) src(%dma_wait3A_243 : memref<8192xf32, #tpu.memory_space<vmem>>) dst(%dma_wait3A_240 : memref<8192xf32, #tpu.memory_space<hbm>>)
    %dma_wait3A_244 = arith.constant 1 : i32
    %dma_wait3A_245 = arith.constant 0 : i32
    %dma_wait3A_246 = tpu.memref_slice %arg9[%dma_wait3A_244, %dma_wait3A_245] : memref<4x8192xf32, #tpu.memory_space<vmem>> -> memref<1x8192xf32, #tpu.memory_space<vmem>>
    %dma_wait3A_247 = tpu.memref_squeeze %dma_wait3A_246 : memref<1x8192xf32, #tpu.memory_space<vmem>> -> memref<8192xf32, #tpu.memory_space<vmem>>
    %dma_wait3A_248 = tpu.memref_slice %arg4[%add3A_230] : memref<4194304xf32, #tpu.memory_space<hbm>> -> memref<8192xf32, #tpu.memory_space<hbm>>
    %dma_wait3A_249 = tpu.memref_slice %arg4[%add3A_230] : memref<4194304xf32, #tpu.memory_space<hbm>> -> memref<8192xf32, #tpu.memory_space<hbm>>
    %dma_wait3A_250 = arith.constant 0 : i32
    %dma_wait3A_251 = tpu.memref_slice %arg9[%dma_wait3A_244, %dma_wait3A_250] : memref<4x8192xf32, #tpu.memory_space<vmem>> -> memref<1x8192xf32, #tpu.memory_space<vmem>>
    %dma_wait3A_252 = tpu.memref_squeeze %dma_wait3A_251 : memref<1x8192xf32, #tpu.memory_space<vmem>> -> memref<8192xf32, #tpu.memory_space<vmem>>
    tpu.wait_dma2 semaphore(%arg13 : memref<!tpu.dma_semaphore, #tpu.memory_space<semaphore_mem>>) src(%dma_wait3A_252 : memref<8192xf32, #tpu.memory_space<vmem>>) dst(%dma_wait3A_249 : memref<8192xf32, #tpu.memory_space<hbm>>)
    %dma_wait3A_253 = arith.constant 2 : i32
    %dma_wait3A_254 = arith.constant 0 : i32
    %dma_wait3A_255 = tpu.memref_slice %arg9[%dma_wait3A_253, %dma_wait3A_254] : memref<4x8192xf32, #tpu.memory_space<vmem>> -> memref<1x8192xf32, #tpu.memory_space<vmem>>
    %dma_wait3A_256 = tpu.memref_squeeze %dma_wait3A_255 : memref<1x8192xf32, #tpu.memory_space<vmem>> -> memref<8192xf32, #tpu.memory_space<vmem>>
    %dma_wait3A_257 = tpu.memref_slice %arg4[%add3A_232] : memref<4194304xf32, #tpu.memory_space<hbm>> -> memref<8192xf32, #tpu.memory_space<hbm>>
    %dma_wait3A_258 = tpu.memref_slice %arg4[%add3A_232] : memref<4194304xf32, #tpu.memory_space<hbm>> -> memref<8192xf32, #tpu.memory_space<hbm>>
    %dma_wait3A_259 = arith.constant 0 : i32
    %dma_wait3A_260 = tpu.memref_slice %arg9[%dma_wait3A_253, %dma_wait3A_259] : memref<4x8192xf32, #tpu.memory_space<vmem>> -> memref<1x8192xf32, #tpu.memory_space<vmem>>
    %dma_wait3A_261 = tpu.memref_squeeze %dma_wait3A_260 : memref<1x8192xf32, #tpu.memory_space<vmem>> -> memref<8192xf32, #tpu.memory_space<vmem>>
    tpu.wait_dma2 semaphore(%arg13 : memref<!tpu.dma_semaphore, #tpu.memory_space<semaphore_mem>>) src(%dma_wait3A_261 : memref<8192xf32, #tpu.memory_space<vmem>>) dst(%dma_wait3A_258 : memref<8192xf32, #tpu.memory_space<hbm>>)
    %dma_wait3A_262 = arith.constant 3 : i32
    %dma_wait3A_263 = arith.constant 0 : i32
    %dma_wait3A_264 = tpu.memref_slice %arg9[%dma_wait3A_262, %dma_wait3A_263] : memref<4x8192xf32, #tpu.memory_space<vmem>> -> memref<1x8192xf32, #tpu.memory_space<vmem>>
    %dma_wait3A_265 = tpu.memref_squeeze %dma_wait3A_264 : memref<1x8192xf32, #tpu.memory_space<vmem>> -> memref<8192xf32, #tpu.memory_space<vmem>>
    %dma_wait3A_266 = tpu.memref_slice %arg4[%add3A_234] : memref<4194304xf32, #tpu.memory_space<hbm>> -> memref<8192xf32, #tpu.memory_space<hbm>>
    %dma_wait3A_267 = tpu.memref_slice %arg4[%add3A_234] : memref<4194304xf32, #tpu.memory_space<hbm>> -> memref<8192xf32, #tpu.memory_space<hbm>>
    %dma_wait3A_268 = arith.constant 0 : i32
    %dma_wait3A_269 = tpu.memref_slice %arg9[%dma_wait3A_262, %dma_wait3A_268] : memref<4x8192xf32, #tpu.memory_space<vmem>> -> memref<1x8192xf32, #tpu.memory_space<vmem>>
    %dma_wait3A_270 = tpu.memref_squeeze %dma_wait3A_269 : memref<1x8192xf32, #tpu.memory_space<vmem>> -> memref<8192xf32, #tpu.memory_space<vmem>>
    tpu.wait_dma2 semaphore(%arg13 : memref<!tpu.dma_semaphore, #tpu.memory_space<semaphore_mem>>) src(%dma_wait3A_270 : memref<8192xf32, #tpu.memory_space<vmem>>) dst(%dma_wait3A_267 : memref<8192xf32, #tpu.memory_space<hbm>>)
    %parallel_loop3A_271 = arith.constant 0 : i32
    %parallel_loop3A_272 = arith.constant 8192 : i32
    %parallel_loop3A_273 = arith.constant 16 : i32
    scf.for %parallel_loop3A_412 = %parallel_loop3A_271 to %parallel_loop3A_272 step %parallel_loop3A_273  : i32 {
      %parallel_loop3A_413 = arith.index_cast %parallel_loop3A_412 : i32 to index
      %parallel_loop3A_414 = tpu.vector_load %arg7[%parallel_loop3A_413] {strides = array<i32>} : memref<8192xi32, #tpu.memory_space<vmem>>, vector<16xi32>,
      %parallel_loop3A_415 = arith.constant 255 : i32
      %parallel_loop3A_416 = vector.broadcast %parallel_loop3A_415 : i32 to vector<16xi32>
      %parallel_loop3A_417 = arith.andi %parallel_loop3A_414, %parallel_loop3A_416 : vector<16xi32>
      %parallel_loop3A_418 = arith.constant 8 : i32
      %parallel_loop3A_419 = vector.broadcast %parallel_loop3A_418 : i32 to vector<16xi32>
      %parallel_loop3A_420 = arith.shrsi %parallel_loop3A_414, %parallel_loop3A_419 : vector<16xi32>
      %parallel_loop3A_421 = arith.constant 255 : i32
      %parallel_loop3A_422 = vector.broadcast %parallel_loop3A_421 : i32 to vector<16xi32>
      %parallel_loop3A_423 = arith.andi %parallel_loop3A_420, %parallel_loop3A_422 : vector<16xi32>
      %parallel_loop3A_424 = arith.constant 144 : i32
      %parallel_loop3A_425 = vector.broadcast %parallel_loop3A_424 : i32 to vector<16xi32>
      %parallel_loop3A_426 = arith.addi %parallel_loop3A_423, %parallel_loop3A_425 : vector<16xi32>
      %parallel_loop3A_427 = arith.constant 16 : i32
      %parallel_loop3A_428 = vector.broadcast %parallel_loop3A_427 : i32 to vector<16xi32>
      %parallel_loop3A_429 = arith.shrsi %parallel_loop3A_414, %parallel_loop3A_428 : vector<16xi32>
      %parallel_loop3A_430 = arith.constant 255 : i32
      %parallel_loop3A_431 = vector.broadcast %parallel_loop3A_430 : i32 to vector<16xi32>
      %parallel_loop3A_432 = arith.andi %parallel_loop3A_429, %parallel_loop3A_431 : vector<16xi32>
      %parallel_loop3A_433 = arith.constant 288 : i32
      %parallel_loop3A_434 = vector.broadcast %parallel_loop3A_433 : i32 to vector<16xi32>
      %parallel_loop3A_435 = arith.addi %parallel_loop3A_432, %parallel_loop3A_434 : vector<16xi32>
      %parallel_loop3A_436 = arith.constant 24 : i32
      %parallel_loop3A_437 = vector.broadcast %parallel_loop3A_436 : i32 to vector<16xi32>
      %parallel_loop3A_438 = arith.shrui %parallel_loop3A_414, %parallel_loop3A_437 : vector<16xi32>
      %parallel_loop3A_439 = arith.constant 432 : i32
      %parallel_loop3A_440 = vector.broadcast %parallel_loop3A_439 : i32 to vector<16xi32>
      %parallel_loop3A_441 = arith.addi %parallel_loop3A_438, %parallel_loop3A_440 : vector<16xi32>
      %parallel_loop3A_442 = tpu.vector_load_idx %arg5[%parallel_loop3A_417] : memref<576xf32, #tpu.memory_space<vmem>>[vector<16xi32>], vector<16xf32>,
      %parallel_loop3A_443 = arith.constant 0 : i32
      %parallel_loop3A_444 = arith.index_cast %parallel_loop3A_443 : i32 to index
      %parallel_loop3A_445 = arith.index_cast %parallel_loop3A_412 : i32 to index
      %parallel_loop3A_446 = tpu.vector_load %arg9[%parallel_loop3A_444, %parallel_loop3A_445] {strides = array<i32>} : memref<4x8192xf32, #tpu.memory_space<vmem>>, vector<16xf32>,
      tpu.vector_store %arg9[%parallel_loop3A_444, %parallel_loop3A_445], %parallel_loop3A_442 {strides = array<i32>} : memref<4x8192xf32, #tpu.memory_space<vmem>>, vector<16xf32>,
      %parallel_loop3A_447 = tpu.vector_load_idx %arg5[%parallel_loop3A_426] : memref<576xf32, #tpu.memory_space<vmem>>[vector<16xi32>], vector<16xf32>,
      %parallel_loop3A_448 = arith.constant 1 : i32
      %parallel_loop3A_449 = arith.index_cast %parallel_loop3A_448 : i32 to index
      %parallel_loop3A_450 = arith.index_cast %parallel_loop3A_412 : i32 to index
      %parallel_loop3A_451 = tpu.vector_load %arg9[%parallel_loop3A_449, %parallel_loop3A_450] {strides = array<i32>} : memref<4x8192xf32, #tpu.memory_space<vmem>>, vector<16xf32>,
      tpu.vector_store %arg9[%parallel_loop3A_449, %parallel_loop3A_450], %parallel_loop3A_447 {strides = array<i32>} : memref<4x8192xf32, #tpu.memory_space<vmem>>, vector<16xf32>,
      %parallel_loop3A_452 = tpu.vector_load_idx %arg5[%parallel_loop3A_435] : memref<576xf32, #tpu.memory_space<vmem>>[vector<16xi32>], vector<16xf32>,
      %parallel_loop3A_453 = arith.constant 2 : i32
      %parallel_loop3A_454 = arith.index_cast %parallel_loop3A_453 : i32 to index
      %parallel_loop3A_455 = arith.index_cast %parallel_loop3A_412 : i32 to index
      %parallel_loop3A_456 = tpu.vector_load %arg9[%parallel_loop3A_454, %parallel_loop3A_455] {strides = array<i32>} : memref<4x8192xf32, #tpu.memory_space<vmem>>, vector<16xf32>,
      tpu.vector_store %arg9[%parallel_loop3A_454, %parallel_loop3A_455], %parallel_loop3A_452 {strides = array<i32>} : memref<4x8192xf32, #tpu.memory_space<vmem>>, vector<16xf32>,
      %parallel_loop3A_457 = tpu.vector_load_idx %arg5[%parallel_loop3A_441] : memref<576xf32, #tpu.memory_space<vmem>>[vector<16xi32>], vector<16xf32>,
      %parallel_loop3A_458 = arith.constant 3 : i32
      %parallel_loop3A_459 = arith.index_cast %parallel_loop3A_458 : i32 to index
      %parallel_loop3A_460 = arith.index_cast %parallel_loop3A_412 : i32 to index
      %parallel_loop3A_461 = tpu.vector_load %arg9[%parallel_loop3A_459, %parallel_loop3A_460] {strides = array<i32>} : memref<4x8192xf32, #tpu.memory_space<vmem>>, vector<16xf32>,
      tpu.vector_store %arg9[%parallel_loop3A_459, %parallel_loop3A_460], %parallel_loop3A_457 {strides = array<i32>} : memref<4x8192xf32, #tpu.memory_space<vmem>>, vector<16xf32>,
    } {sc.loop_unroll_factor = 4 : i64, sc.parallel_access}
    %add3A_274 = arith.constant 3145728 : i32
    %add3A_275 = arith.addi %add3A_274, %mul3A_2 : i32
    %add3A_276 = arith.constant 0 : i32
    %add3A_277 = arith.addi %add3A_275, %add3A_276 : i32
    %add3A_278 = arith.constant 262144 : i32
    %add3A_279 = arith.addi %add3A_275, %add3A_278 : i32
    %add3A_280 = arith.constant 524288 : i32
    %add3A_281 = arith.addi %add3A_275, %add3A_280 : i32
    %add3A_282 = arith.constant 786432 : i32
    %add3A_283 = arith.addi %add3A_275, %add3A_282 : i32
    %dma_start3A_284 = arith.constant 0 : i32
    %dma_start3A_285 = arith.constant 0 : i32
    %dma_start3A_286 = tpu.memref_slice %arg9[%dma_start3A_284, %dma_start3A_285] : memref<4x8192xf32, #tpu.memory_space<vmem>> -> memref<1x8192xf32, #tpu.memory_space<vmem>>
    %dma_start3A_287 = tpu.memref_squeeze %dma_start3A_286 : memref<1x8192xf32, #tpu.memory_space<vmem>> -> memref<8192xf32, #tpu.memory_space<vmem>>
    %dma_start3A_288 = tpu.memref_slice %arg4[%add3A_277] : memref<4194304xf32, #tpu.memory_space<hbm>> -> memref<8192xf32, #tpu.memory_space<hbm>>
    %dma_start3A_289 = tpu.memref_slice %arg4[%add3A_277] : memref<4194304xf32, #tpu.memory_space<hbm>> -> memref<8192xf32, #tpu.memory_space<hbm>>
    %dma_start3A_290 = arith.constant 0 : i32
    %dma_start3A_291 = tpu.memref_slice %arg9[%dma_start3A_284, %dma_start3A_290] : memref<4x8192xf32, #tpu.memory_space<vmem>> -> memref<1x8192xf32, #tpu.memory_space<vmem>>
    %dma_start3A_292 = tpu.memref_squeeze %dma_start3A_291 : memref<1x8192xf32, #tpu.memory_space<vmem>> -> memref<8192xf32, #tpu.memory_space<vmem>>
    tpu.enqueue_dma source(%dma_start3A_292 : memref<8192xf32, #tpu.memory_space<vmem>>) target(%dma_start3A_289 : memref<8192xf32, #tpu.memory_space<hbm>>) target_semaphore(%arg13 : memref<!tpu.dma_semaphore, #tpu.memory_space<semaphore_mem>>)
    %dma_start3A_293 = arith.constant 1 : i32
    %dma_start3A_294 = arith.constant 0 : i32
    %dma_start3A_295 = tpu.memref_slice %arg9[%dma_start3A_293, %dma_start3A_294] : memref<4x8192xf32, #tpu.memory_space<vmem>> -> memref<1x8192xf32, #tpu.memory_space<vmem>>
    %dma_start3A_296 = tpu.memref_squeeze %dma_start3A_295 : memref<1x8192xf32, #tpu.memory_space<vmem>> -> memref<8192xf32, #tpu.memory_space<vmem>>
    %dma_start3A_297 = tpu.memref_slice %arg4[%add3A_279] : memref<4194304xf32, #tpu.memory_space<hbm>> -> memref<8192xf32, #tpu.memory_space<hbm>>
    %dma_start3A_298 = tpu.memref_slice %arg4[%add3A_279] : memref<4194304xf32, #tpu.memory_space<hbm>> -> memref<8192xf32, #tpu.memory_space<hbm>>
    %dma_start3A_299 = arith.constant 0 : i32
    %dma_start3A_300 = tpu.memref_slice %arg9[%dma_start3A_293, %dma_start3A_299] : memref<4x8192xf32, #tpu.memory_space<vmem>> -> memref<1x8192xf32, #tpu.memory_space<vmem>>
    %dma_start3A_301 = tpu.memref_squeeze %dma_start3A_300 : memref<1x8192xf32, #tpu.memory_space<vmem>> -> memref<8192xf32, #tpu.memory_space<vmem>>
    tpu.enqueue_dma source(%dma_start3A_301 : memref<8192xf32, #tpu.memory_space<vmem>>) target(%dma_start3A_298 : memref<8192xf32, #tpu.memory_space<hbm>>) target_semaphore(%arg13 : memref<!tpu.dma_semaphore, #tpu.memory_space<semaphore_mem>>)
    %dma_start3A_302 = arith.constant 2 : i32
    %dma_start3A_303 = arith.constant 0 : i32
    %dma_start3A_304 = tpu.memref_slice %arg9[%dma_start3A_302, %dma_start3A_303] : memref<4x8192xf32, #tpu.memory_space<vmem>> -> memref<1x8192xf32, #tpu.memory_space<vmem>>
    %dma_start3A_305 = tpu.memref_squeeze %dma_start3A_304 : memref<1x8192xf32, #tpu.memory_space<vmem>> -> memref<8192xf32, #tpu.memory_space<vmem>>
    %dma_start3A_306 = tpu.memref_slice %arg4[%add3A_281] : memref<4194304xf32, #tpu.memory_space<hbm>> -> memref<8192xf32, #tpu.memory_space<hbm>>
    %dma_start3A_307 = tpu.memref_slice %arg4[%add3A_281] : memref<4194304xf32, #tpu.memory_space<hbm>> -> memref<8192xf32, #tpu.memory_space<hbm>>
    %dma_start3A_308 = arith.constant 0 : i32
    %dma_start3A_309 = tpu.memref_slice %arg9[%dma_start3A_302, %dma_start3A_308] : memref<4x8192xf32, #tpu.memory_space<vmem>> -> memref<1x8192xf32, #tpu.memory_space<vmem>>
    %dma_start3A_310 = tpu.memref_squeeze %dma_start3A_309 : memref<1x8192xf32, #tpu.memory_space<vmem>> -> memref<8192xf32, #tpu.memory_space<vmem>>
    tpu.enqueue_dma source(%dma_start3A_310 : memref<8192xf32, #tpu.memory_space<vmem>>) target(%dma_start3A_307 : memref<8192xf32, #tpu.memory_space<hbm>>) target_semaphore(%arg13 : memref<!tpu.dma_semaphore, #tpu.memory_space<semaphore_mem>>)
    %dma_start3A_311 = arith.constant 3 : i32
    %dma_start3A_312 = arith.constant 0 : i32
    %dma_start3A_313 = tpu.memref_slice %arg9[%dma_start3A_311, %dma_start3A_312] : memref<4x8192xf32, #tpu.memory_space<vmem>> -> memref<1x8192xf32, #tpu.memory_space<vmem>>
    %dma_start3A_314 = tpu.memref_squeeze %dma_start3A_313 : memref<1x8192xf32, #tpu.memory_space<vmem>> -> memref<8192xf32, #tpu.memory_space<vmem>>
    %dma_start3A_315 = tpu.memref_slice %arg4[%add3A_283] : memref<4194304xf32, #tpu.memory_space<hbm>> -> memref<8192xf32, #tpu.memory_space<hbm>>
    %dma_start3A_316 = tpu.memref_slice %arg4[%add3A_283] : memref<4194304xf32, #tpu.memory_space<hbm>> -> memref<8192xf32, #tpu.memory_space<hbm>>
    %dma_start3A_317 = arith.constant 0 : i32
    %dma_start3A_318 = tpu.memref_slice %arg9[%dma_start3A_311, %dma_start3A_317] : memref<4x8192xf32, #tpu.memory_space<vmem>> -> memref<1x8192xf32, #tpu.memory_space<vmem>>
    %dma_start3A_319 = tpu.memref_squeeze %dma_start3A_318 : memref<1x8192xf32, #tpu.memory_space<vmem>> -> memref<8192xf32, #tpu.memory_space<vmem>>
    tpu.enqueue_dma source(%dma_start3A_319 : memref<8192xf32, #tpu.memory_space<vmem>>) target(%dma_start3A_316 : memref<8192xf32, #tpu.memory_space<hbm>>) target_semaphore(%arg13 : memref<!tpu.dma_semaphore, #tpu.memory_space<semaphore_mem>>)
    %add3A_320 = arith.constant 2097152 : i32
    %add3A_321 = arith.addi %add3A_320, %mul3A_2 : i32
    %add3A_322 = arith.constant 0 : i32
    %add3A_323 = arith.addi %add3A_321, %add3A_322 : i32
    %add3A_324 = arith.constant 262144 : i32
    %add3A_325 = arith.addi %add3A_321, %add3A_324 : i32
    %add3A_326 = arith.constant 524288 : i32
    %add3A_327 = arith.addi %add3A_321, %add3A_326 : i32
    %add3A_328 = arith.constant 786432 : i32
    %add3A_329 = arith.addi %add3A_321, %add3A_328 : i32
    %dma_wait3A_330 = arith.constant 0 : i32
    %dma_wait3A_331 = arith.constant 0 : i32
    %dma_wait3A_332 = tpu.memref_slice %arg8[%dma_wait3A_330, %dma_wait3A_331] : memref<4x8192xf32, #tpu.memory_space<vmem>> -> memref<1x8192xf32, #tpu.memory_space<vmem>>
    %dma_wait3A_333 = tpu.memref_squeeze %dma_wait3A_332 : memref<1x8192xf32, #tpu.memory_space<vmem>> -> memref<8192xf32, #tpu.memory_space<vmem>>
    %dma_wait3A_334 = tpu.memref_slice %arg4[%add3A_323] : memref<4194304xf32, #tpu.memory_space<hbm>> -> memref<8192xf32, #tpu.memory_space<hbm>>
    %dma_wait3A_335 = tpu.memref_slice %arg4[%add3A_323] : memref<4194304xf32, #tpu.memory_space<hbm>> -> memref<8192xf32, #tpu.memory_space<hbm>>
    %dma_wait3A_336 = arith.constant 0 : i32
    %dma_wait3A_337 = tpu.memref_slice %arg8[%dma_wait3A_330, %dma_wait3A_336] : memref<4x8192xf32, #tpu.memory_space<vmem>> -> memref<1x8192xf32, #tpu.memory_space<vmem>>
    %dma_wait3A_338 = tpu.memref_squeeze %dma_wait3A_337 : memref<1x8192xf32, #tpu.memory_space<vmem>> -> memref<8192xf32, #tpu.memory_space<vmem>>
    tpu.wait_dma2 semaphore(%arg12 : memref<!tpu.dma_semaphore, #tpu.memory_space<semaphore_mem>>) src(%dma_wait3A_338 : memref<8192xf32, #tpu.memory_space<vmem>>) dst(%dma_wait3A_335 : memref<8192xf32, #tpu.memory_space<hbm>>)
    %dma_wait3A_339 = arith.constant 1 : i32
    %dma_wait3A_340 = arith.constant 0 : i32
    %dma_wait3A_341 = tpu.memref_slice %arg8[%dma_wait3A_339, %dma_wait3A_340] : memref<4x8192xf32, #tpu.memory_space<vmem>> -> memref<1x8192xf32, #tpu.memory_space<vmem>>
    %dma_wait3A_342 = tpu.memref_squeeze %dma_wait3A_341 : memref<1x8192xf32, #tpu.memory_space<vmem>> -> memref<8192xf32, #tpu.memory_space<vmem>>
    %dma_wait3A_343 = tpu.memref_slice %arg4[%add3A_325] : memref<4194304xf32, #tpu.memory_space<hbm>> -> memref<8192xf32, #tpu.memory_space<hbm>>
    %dma_wait3A_344 = tpu.memref_slice %arg4[%add3A_325] : memref<4194304xf32, #tpu.memory_space<hbm>> -> memref<8192xf32, #tpu.memory_space<hbm>>
    %dma_wait3A_345 = arith.constant 0 : i32
    %dma_wait3A_346 = tpu.memref_slice %arg8[%dma_wait3A_339, %dma_wait3A_345] : memref<4x8192xf32, #tpu.memory_space<vmem>> -> memref<1x8192xf32, #tpu.memory_space<vmem>>
    %dma_wait3A_347 = tpu.memref_squeeze %dma_wait3A_346 : memref<1x8192xf32, #tpu.memory_space<vmem>> -> memref<8192xf32, #tpu.memory_space<vmem>>
    tpu.wait_dma2 semaphore(%arg12 : memref<!tpu.dma_semaphore, #tpu.memory_space<semaphore_mem>>) src(%dma_wait3A_347 : memref<8192xf32, #tpu.memory_space<vmem>>) dst(%dma_wait3A_344 : memref<8192xf32, #tpu.memory_space<hbm>>)
    %dma_wait3A_348 = arith.constant 2 : i32
    %dma_wait3A_349 = arith.constant 0 : i32
    %dma_wait3A_350 = tpu.memref_slice %arg8[%dma_wait3A_348, %dma_wait3A_349] : memref<4x8192xf32, #tpu.memory_space<vmem>> -> memref<1x8192xf32, #tpu.memory_space<vmem>>
    %dma_wait3A_351 = tpu.memref_squeeze %dma_wait3A_350 : memref<1x8192xf32, #tpu.memory_space<vmem>> -> memref<8192xf32, #tpu.memory_space<vmem>>
    %dma_wait3A_352 = tpu.memref_slice %arg4[%add3A_327] : memref<4194304xf32, #tpu.memory_space<hbm>> -> memref<8192xf32, #tpu.memory_space<hbm>>
    %dma_wait3A_353 = tpu.memref_slice %arg4[%add3A_327] : memref<4194304xf32, #tpu.memory_space<hbm>> -> memref<8192xf32, #tpu.memory_space<hbm>>
    %dma_wait3A_354 = arith.constant 0 : i32
    %dma_wait3A_355 = tpu.memref_slice %arg8[%dma_wait3A_348, %dma_wait3A_354] : memref<4x8192xf32, #tpu.memory_space<vmem>> -> memref<1x8192xf32, #tpu.memory_space<vmem>>
    %dma_wait3A_356 = tpu.memref_squeeze %dma_wait3A_355 : memref<1x8192xf32, #tpu.memory_space<vmem>> -> memref<8192xf32, #tpu.memory_space<vmem>>
    tpu.wait_dma2 semaphore(%arg12 : memref<!tpu.dma_semaphore, #tpu.memory_space<semaphore_mem>>) src(%dma_wait3A_356 : memref<8192xf32, #tpu.memory_space<vmem>>) dst(%dma_wait3A_353 : memref<8192xf32, #tpu.memory_space<hbm>>)
    %dma_wait3A_357 = arith.constant 3 : i32
    %dma_wait3A_358 = arith.constant 0 : i32
    %dma_wait3A_359 = tpu.memref_slice %arg8[%dma_wait3A_357, %dma_wait3A_358] : memref<4x8192xf32, #tpu.memory_space<vmem>> -> memref<1x8192xf32, #tpu.memory_space<vmem>>
    %dma_wait3A_360 = tpu.memref_squeeze %dma_wait3A_359 : memref<1x8192xf32, #tpu.memory_space<vmem>> -> memref<8192xf32, #tpu.memory_space<vmem>>
    %dma_wait3A_361 = tpu.memref_slice %arg4[%add3A_329] : memref<4194304xf32, #tpu.memory_space<hbm>> -> memref<8192xf32, #tpu.memory_space<hbm>>
    %dma_wait3A_362 = tpu.memref_slice %arg4[%add3A_329] : memref<4194304xf32, #tpu.memory_space<hbm>> -> memref<8192xf32, #tpu.memory_space<hbm>>
    %dma_wait3A_363 = arith.constant 0 : i32
    %dma_wait3A_364 = tpu.memref_slice %arg8[%dma_wait3A_357, %dma_wait3A_363] : memref<4x8192xf32, #tpu.memory_space<vmem>> -> memref<1x8192xf32, #tpu.memory_space<vmem>>
    %dma_wait3A_365 = tpu.memref_squeeze %dma_wait3A_364 : memref<1x8192xf32, #tpu.memory_space<vmem>> -> memref<8192xf32, #tpu.memory_space<vmem>>
    tpu.wait_dma2 semaphore(%arg12 : memref<!tpu.dma_semaphore, #tpu.memory_space<semaphore_mem>>) src(%dma_wait3A_365 : memref<8192xf32, #tpu.memory_space<vmem>>) dst(%dma_wait3A_362 : memref<8192xf32, #tpu.memory_space<hbm>>)
    %add3A_366 = arith.constant 3145728 : i32
    %add3A_367 = arith.addi %add3A_366, %mul3A_2 : i32
    %add3A_368 = arith.constant 0 : i32
    %add3A_369 = arith.addi %add3A_367, %add3A_368 : i32
    %add3A_370 = arith.constant 262144 : i32
    %add3A_371 = arith.addi %add3A_367, %add3A_370 : i32
    %add3A_372 = arith.constant 524288 : i32
    %add3A_373 = arith.addi %add3A_367, %add3A_372 : i32
    %add3A_374 = arith.constant 786432 : i32
    %add3A_375 = arith.addi %add3A_367, %add3A_374 : i32
    %dma_wait3A_376 = arith.constant 0 : i32
    %dma_wait3A_377 = arith.constant 0 : i32
    %dma_wait3A_378 = tpu.memref_slice %arg9[%dma_wait3A_376, %dma_wait3A_377] : memref<4x8192xf32, #tpu.memory_space<vmem>> -> memref<1x8192xf32, #tpu.memory_space<vmem>>
    %dma_wait3A_379 = tpu.memref_squeeze %dma_wait3A_378 : memref<1x8192xf32, #tpu.memory_space<vmem>> -> memref<8192xf32, #tpu.memory_space<vmem>>
    %dma_wait3A_380 = tpu.memref_slice %arg4[%add3A_369] : memref<4194304xf32, #tpu.memory_space<hbm>> -> memref<8192xf32, #tpu.memory_space<hbm>>
    %dma_wait3A_381 = tpu.memref_slice %arg4[%add3A_369] : memref<4194304xf32, #tpu.memory_space<hbm>> -> memref<8192xf32, #tpu.memory_space<hbm>>
    %dma_wait3A_382 = arith.constant 0 : i32
    %dma_wait3A_383 = tpu.memref_slice %arg9[%dma_wait3A_376, %dma_wait3A_382] : memref<4x8192xf32, #tpu.memory_space<vmem>> -> memref<1x8192xf32, #tpu.memory_space<vmem>>
    %dma_wait3A_384 = tpu.memref_squeeze %dma_wait3A_383 : memref<1x8192xf32, #tpu.memory_space<vmem>> -> memref<8192xf32, #tpu.memory_space<vmem>>
    tpu.wait_dma2 semaphore(%arg13 : memref<!tpu.dma_semaphore, #tpu.memory_space<semaphore_mem>>) src(%dma_wait3A_384 : memref<8192xf32, #tpu.memory_space<vmem>>) dst(%dma_wait3A_381 : memref<8192xf32, #tpu.memory_space<hbm>>)
    %dma_wait3A_385 = arith.constant 1 : i32
    %dma_wait3A_386 = arith.constant 0 : i32
    %dma_wait3A_387 = tpu.memref_slice %arg9[%dma_wait3A_385, %dma_wait3A_386] : memref<4x8192xf32, #tpu.memory_space<vmem>> -> memref<1x8192xf32, #tpu.memory_space<vmem>>
    %dma_wait3A_388 = tpu.memref_squeeze %dma_wait3A_387 : memref<1x8192xf32, #tpu.memory_space<vmem>> -> memref<8192xf32, #tpu.memory_space<vmem>>
    %dma_wait3A_389 = tpu.memref_slice %arg4[%add3A_371] : memref<4194304xf32, #tpu.memory_space<hbm>> -> memref<8192xf32, #tpu.memory_space<hbm>>
    %dma_wait3A_390 = tpu.memref_slice %arg4[%add3A_371] : memref<4194304xf32, #tpu.memory_space<hbm>> -> memref<8192xf32, #tpu.memory_space<hbm>>
    %dma_wait3A_391 = arith.constant 0 : i32
    %dma_wait3A_392 = tpu.memref_slice %arg9[%dma_wait3A_385, %dma_wait3A_391] : memref<4x8192xf32, #tpu.memory_space<vmem>> -> memref<1x8192xf32, #tpu.memory_space<vmem>>
    %dma_wait3A_393 = tpu.memref_squeeze %dma_wait3A_392 : memref<1x8192xf32, #tpu.memory_space<vmem>> -> memref<8192xf32, #tpu.memory_space<vmem>>
    tpu.wait_dma2 semaphore(%arg13 : memref<!tpu.dma_semaphore, #tpu.memory_space<semaphore_mem>>) src(%dma_wait3A_393 : memref<8192xf32, #tpu.memory_space<vmem>>) dst(%dma_wait3A_390 : memref<8192xf32, #tpu.memory_space<hbm>>)
    %dma_wait3A_394 = arith.constant 2 : i32
    %dma_wait3A_395 = arith.constant 0 : i32
    %dma_wait3A_396 = tpu.memref_slice %arg9[%dma_wait3A_394, %dma_wait3A_395] : memref<4x8192xf32, #tpu.memory_space<vmem>> -> memref<1x8192xf32, #tpu.memory_space<vmem>>
    %dma_wait3A_397 = tpu.memref_squeeze %dma_wait3A_396 : memref<1x8192xf32, #tpu.memory_space<vmem>> -> memref<8192xf32, #tpu.memory_space<vmem>>
    %dma_wait3A_398 = tpu.memref_slice %arg4[%add3A_373] : memref<4194304xf32, #tpu.memory_space<hbm>> -> memref<8192xf32, #tpu.memory_space<hbm>>
    %dma_wait3A_399 = tpu.memref_slice %arg4[%add3A_373] : memref<4194304xf32, #tpu.memory_space<hbm>> -> memref<8192xf32, #tpu.memory_space<hbm>>
    %dma_wait3A_400 = arith.constant 0 : i32
    %dma_wait3A_401 = tpu.memref_slice %arg9[%dma_wait3A_394, %dma_wait3A_400] : memref<4x8192xf32, #tpu.memory_space<vmem>> -> memref<1x8192xf32, #tpu.memory_space<vmem>>
    %dma_wait3A_402 = tpu.memref_squeeze %dma_wait3A_401 : memref<1x8192xf32, #tpu.memory_space<vmem>> -> memref<8192xf32, #tpu.memory_space<vmem>>
    tpu.wait_dma2 semaphore(%arg13 : memref<!tpu.dma_semaphore, #tpu.memory_space<semaphore_mem>>) src(%dma_wait3A_402 : memref<8192xf32, #tpu.memory_space<vmem>>) dst(%dma_wait3A_399 : memref<8192xf32, #tpu.memory_space<hbm>>)
    %dma_wait3A_403 = arith.constant 3 : i32
    %dma_wait3A_404 = arith.constant 0 : i32
    %dma_wait3A_405 = tpu.memref_slice %arg9[%dma_wait3A_403, %dma_wait3A_404] : memref<4x8192xf32, #tpu.memory_space<vmem>> -> memref<1x8192xf32, #tpu.memory_space<vmem>>
    %dma_wait3A_406 = tpu.memref_squeeze %dma_wait3A_405 : memref<1x8192xf32, #tpu.memory_space<vmem>> -> memref<8192xf32, #tpu.memory_space<vmem>>
    %dma_wait3A_407 = tpu.memref_slice %arg4[%add3A_375] : memref<4194304xf32, #tpu.memory_space<hbm>> -> memref<8192xf32, #tpu.memory_space<hbm>>
    %dma_wait3A_408 = tpu.memref_slice %arg4[%add3A_375] : memref<4194304xf32, #tpu.memory_space<hbm>> -> memref<8192xf32, #tpu.memory_space<hbm>>
    %dma_wait3A_409 = arith.constant 0 : i32
    %dma_wait3A_410 = tpu.memref_slice %arg9[%dma_wait3A_403, %dma_wait3A_409] : memref<4x8192xf32, #tpu.memory_space<vmem>> -> memref<1x8192xf32, #tpu.memory_space<vmem>>
    %dma_wait3A_411 = tpu.memref_squeeze %dma_wait3A_410 : memref<1x8192xf32, #tpu.memory_space<vmem>> -> memref<8192xf32, #tpu.memory_space<vmem>>
    tpu.wait_dma2 semaphore(%arg13 : memref<!tpu.dma_semaphore, #tpu.memory_space<semaphore_mem>>) src(%dma_wait3A_411 : memref<8192xf32, #tpu.memory_space<vmem>>) dst(%dma_wait3A_408 : memref<8192xf32, #tpu.memory_space<hbm>>)
    return
  }
}

#map = affine_map<(d0, d1) -> (0)>
module attributes {stable_mosaic.version = 14 : i64} {
  func.func @_sc_lookup_kernel(%arg0: i32, %arg1: i32, %arg2: memref<576xf32, #tpu.memory_space<hbm>>, %arg3: memref<1048576xi32, #tpu.memory_space<hbm>>, %arg4: memref<4194304xf32, #tpu.memory_space<hbm>>, %arg5: memref<576xf32, #tpu.memory_space<vmem>>, %arg6: memref<8192xi32, #tpu.memory_space<vmem>>, %arg7: memref<8192xi32, #tpu.memory_space<vmem>>, %arg8: memref<4x8192xf32, #tpu.memory_space<vmem>>, %arg9: memref<4x8192xf32, #tpu.memory_space<vmem>>, %arg10: memref<!tpu.dma_semaphore, #tpu.memory_space<semaphore_mem>>, %arg11: memref<!tpu.dma_semaphore, #tpu.memory_space<semaphore_mem>>, %arg12: memref<!tpu.dma_semaphore, #tpu.memory_space<semaphore_mem>>, %arg13: memref<!tpu.dma_semaphore, #tpu.memory_space<semaphore_mem>>) attributes {dimension_semantics = [#tpu.dimension_semantics<core_parallel>, #tpu.dimension_semantics<subcore_parallel>], iteration_bounds = array<i64: 2, 16>, scalar_prefetch = 0 : i64, scratch_operands = 9 : i64, tpu.core_type = #tpu.core_type<sc_vector_subcore>, window_params = [{transform_indices = #map}, {transform_indices = #map}, {transform_indices = #map}]} {
    %mul3A = arith.constant 16 : i32
    %mul3A_0 = arith.muli %arg0, %mul3A : i32
    %add3A = arith.addi %mul3A_0, %arg1 : i32
    %mul3A_1 = arith.constant 8192 : i32
    %mul3A_2 = arith.muli %add3A, %mul3A_1 : i32
    "tpu.region"() ({
      %run_scoped3A = tpu.sem_alloc : memref<!tpu.dma_semaphore, #tpu.memory_space<semaphore_mem>>
      tpu.enqueue_dma source(%arg2 : memref<576xf32, #tpu.memory_space<hbm>>) target(%arg5 : memref<576xf32, #tpu.memory_space<vmem>>) target_semaphore(%run_scoped3A : memref<!tpu.dma_semaphore, #tpu.memory_space<semaphore_mem>>)
      tpu.wait_dma2 semaphore(%run_scoped3A : memref<!tpu.dma_semaphore, #tpu.memory_space<semaphore_mem>>) src(%arg2 : memref<576xf32, #tpu.memory_space<hbm>>) dst(%arg5 : memref<576xf32, #tpu.memory_space<vmem>>)
      tpu.yield
    }) : () -> ()
    %add3A_3 = arith.constant 0 : i32
    %add3A_4 = arith.addi %add3A_3, %mul3A_2 : i32
    %dma_start3A = tpu.memref_slice %arg3[%add3A_4] : memref<1048576xi32, #tpu.memory_space<hbm>> -> memref<8192xi32, #tpu.memory_space<hbm>>
    %dma_start3A_5 = tpu.memref_slice %arg3[%add3A_4] : memref<1048576xi32, #tpu.memory_space<hbm>> -> memref<8192xi32, #tpu.memory_space<hbm>>
    tpu.enqueue_dma source(%dma_start3A_5 : memref<8192xi32, #tpu.memory_space<hbm>>) target(%arg6 : memref<8192xi32, #tpu.memory_space<vmem>>) target_semaphore(%arg10 : memref<!tpu.dma_semaphore, #tpu.memory_space<semaphore_mem>>)
    %add3A_6 = arith.constant 262144 : i32
    %add3A_7 = arith.addi %add3A_6, %mul3A_2 : i32
    %dma_start3A_8 = tpu.memref_slice %arg3[%add3A_7] : memref<1048576xi32, #tpu.memory_space<hbm>> -> memref<8192xi32, #tpu.memory_space<hbm>>
    %dma_start3A_9 = tpu.memref_slice %arg3[%add3A_7] : memref<1048576xi32, #tpu.memory_space<hbm>> -> memref<8192xi32, #tpu.memory_space<hbm>>
    tpu.enqueue_dma source(%dma_start3A_9 : memref<8192xi32, #tpu.memory_space<hbm>>) target(%arg7 : memref<8192xi32, #tpu.memory_space<vmem>>) target_semaphore(%arg11 : memref<!tpu.dma_semaphore, #tpu.memory_space<semaphore_mem>>)
    %add3A_10 = arith.constant 0 : i32
    %add3A_11 = arith.addi %add3A_10, %mul3A_2 : i32
    %dma_wait3A = tpu.memref_slice %arg3[%add3A_11] : memref<1048576xi32, #tpu.memory_space<hbm>> -> memref<8192xi32, #tpu.memory_space<hbm>>
    %dma_wait3A_12 = tpu.memref_slice %arg3[%add3A_11] : memref<1048576xi32, #tpu.memory_space<hbm>> -> memref<8192xi32, #tpu.memory_space<hbm>>
    tpu.wait_dma2 semaphore(%arg10 : memref<!tpu.dma_semaphore, #tpu.memory_space<semaphore_mem>>) src(%dma_wait3A_12 : memref<8192xi32, #tpu.memory_space<hbm>>) dst(%arg6 : memref<8192xi32, #tpu.memory_space<vmem>>)
    %parallel_loop3A = arith.constant 0 : i32
    %parallel_loop3A_13 = arith.constant 8192 : i32
    %parallel_loop3A_14 = arith.constant 16 : i32
    scf.for %parallel_loop3A_412 = %parallel_loop3A to %parallel_loop3A_13 step %parallel_loop3A_14  : i32 {
      %parallel_loop3A_413 = arith.index_cast %parallel_loop3A_412 : i32 to index
      %parallel_loop3A_414 = tpu.vector_load %arg6[%parallel_loop3A_413] {strides = array<i32>} : memref<8192xi32, #tpu.memory_space<vmem>>, vector<16xi32>,
      %parallel_loop3A_415 = arith.constant 255 : i32
      %parallel_loop3A_416 = vector.broadcast %parallel_loop3A_415 : i32 to vector<16xi32>
      %parallel_loop3A_417 = arith.andi %parallel_loop3A_414, %parallel_loop3A_416 : vector<16xi32>
      %parallel_loop3A_418 = arith.constant 8 : i32
      %parallel_loop3A_419 = vector.broadcast %parallel_loop3A_418 : i32 to vector<16xi32>
      %parallel_loop3A_420 = arith.shrsi %parallel_loop3A_414, %parallel_loop3A_419 : vector<16xi32>
      %parallel_loop3A_421 = arith.constant 255 : i32
      %parallel_loop3A_422 = vector.broadcast %parallel_loop3A_421 : i32 to vector<16xi32>
      %parallel_loop3A_423 = arith.andi %parallel_loop3A_420, %parallel_loop3A_422 : vector<16xi32>
      %parallel_loop3A_424 = arith.constant 144 : i32
      %parallel_loop3A_425 = vector.broadcast %parallel_loop3A_424 : i32 to vector<16xi32>
      %parallel_loop3A_426 = arith.addi %parallel_loop3A_423, %parallel_loop3A_425 : vector<16xi32>
      %parallel_loop3A_427 = arith.constant 16 : i32
      %parallel_loop3A_428 = vector.broadcast %parallel_loop3A_427 : i32 to vector<16xi32>
      %parallel_loop3A_429 = arith.shrsi %parallel_loop3A_414, %parallel_loop3A_428 : vector<16xi32>
      %parallel_loop3A_430 = arith.constant 255 : i32
      %parallel_loop3A_431 = vector.broadcast %parallel_loop3A_430 : i32 to vector<16xi32>
      %parallel_loop3A_432 = arith.andi %parallel_loop3A_429, %parallel_loop3A_431 : vector<16xi32>
      %parallel_loop3A_433 = arith.constant 288 : i32
      %parallel_loop3A_434 = vector.broadcast %parallel_loop3A_433 : i32 to vector<16xi32>
      %parallel_loop3A_435 = arith.addi %parallel_loop3A_432, %parallel_loop3A_434 : vector<16xi32>
      %parallel_loop3A_436 = arith.constant 24 : i32
      %parallel_loop3A_437 = vector.broadcast %parallel_loop3A_436 : i32 to vector<16xi32>
      %parallel_loop3A_438 = arith.shrui %parallel_loop3A_414, %parallel_loop3A_437 : vector<16xi32>
      %parallel_loop3A_439 = arith.constant 432 : i32
      %parallel_loop3A_440 = vector.broadcast %parallel_loop3A_439 : i32 to vector<16xi32>
      %parallel_loop3A_441 = arith.addi %parallel_loop3A_438, %parallel_loop3A_440 : vector<16xi32>
      %parallel_loop3A_442 = tpu.vector_load_idx %arg5[%parallel_loop3A_417] : memref<576xf32, #tpu.memory_space<vmem>>[vector<16xi32>], vector<16xf32>,
      %parallel_loop3A_443 = arith.constant 0 : i32
      %parallel_loop3A_444 = arith.index_cast %parallel_loop3A_443 : i32 to index
      %parallel_loop3A_445 = arith.index_cast %parallel_loop3A_412 : i32 to index
      %parallel_loop3A_446 = tpu.vector_load %arg8[%parallel_loop3A_444, %parallel_loop3A_445] {strides = array<i32>} : memref<4x8192xf32, #tpu.memory_space<vmem>>, vector<16xf32>,
      tpu.vector_store %arg8[%parallel_loop3A_444, %parallel_loop3A_445], %parallel_loop3A_442 {strides = array<i32>} : memref<4x8192xf32, #tpu.memory_space<vmem>>, vector<16xf32>,
      %parallel_loop3A_447 = tpu.vector_load_idx %arg5[%parallel_loop3A_426] : memref<576xf32, #tpu.memory_space<vmem>>[vector<16xi32>], vector<16xf32>,
      %parallel_loop3A_448 = arith.constant 1 : i32
      %parallel_loop3A_449 = arith.index_cast %parallel_loop3A_448 : i32 to index
      %parallel_loop3A_450 = arith.index_cast %parallel_loop3A_412 : i32 to index
      %parallel_loop3A_451 = tpu.vector_load %arg8[%parallel_loop3A_449, %parallel_loop3A_450] {strides = array<i32>} : memref<4x8192xf32, #tpu.memory_space<vmem>>, vector<16xf32>,
      tpu.vector_store %arg8[%parallel_loop3A_449, %parallel_loop3A_450], %parallel_loop3A_447 {strides = array<i32>} : memref<4x8192xf32, #tpu.memory_space<vmem>>, vector<16xf32>,
      %parallel_loop3A_452 = tpu.vector_load_idx %arg5[%parallel_loop3A_435] : memref<576xf32, #tpu.memory_space<vmem>>[vector<16xi32>], vector<16xf32>,
      %parallel_loop3A_453 = arith.constant 2 : i32
      %parallel_loop3A_454 = arith.index_cast %parallel_loop3A_453 : i32 to index
      %parallel_loop3A_455 = arith.index_cast %parallel_loop3A_412 : i32 to index
      %parallel_loop3A_456 = tpu.vector_load %arg8[%parallel_loop3A_454, %parallel_loop3A_455] {strides = array<i32>} : memref<4x8192xf32, #tpu.memory_space<vmem>>, vector<16xf32>,
      tpu.vector_store %arg8[%parallel_loop3A_454, %parallel_loop3A_455], %parallel_loop3A_452 {strides = array<i32>} : memref<4x8192xf32, #tpu.memory_space<vmem>>, vector<16xf32>,
      %parallel_loop3A_457 = tpu.vector_load_idx %arg5[%parallel_loop3A_441] : memref<576xf32, #tpu.memory_space<vmem>>[vector<16xi32>], vector<16xf32>,
      %parallel_loop3A_458 = arith.constant 3 : i32
      %parallel_loop3A_459 = arith.index_cast %parallel_loop3A_458 : i32 to index
      %parallel_loop3A_460 = arith.index_cast %parallel_loop3A_412 : i32 to index
      %parallel_loop3A_461 = tpu.vector_load %arg8[%parallel_loop3A_459, %parallel_loop3A_460] {strides = array<i32>} : memref<4x8192xf32, #tpu.memory_space<vmem>>, vector<16xf32>,
      tpu.vector_store %arg8[%parallel_loop3A_459, %parallel_loop3A_460], %parallel_loop3A_457 {strides = array<i32>} : memref<4x8192xf32, #tpu.memory_space<vmem>>, vector<16xf32>,
    } {sc.loop_unroll_factor = 4 : i64, sc.parallel_access}
    %add3A_15 = arith.constant 0 : i32
    %add3A_16 = arith.addi %add3A_15, %mul3A_2 : i32
    %add3A_17 = arith.constant 0 : i32
    %add3A_18 = arith.addi %add3A_16, %add3A_17 : i32
    %add3A_19 = arith.constant 262144 : i32
    %add3A_20 = arith.addi %add3A_16, %add3A_19 : i32
    %add3A_21 = arith.constant 524288 : i32
    %add3A_22 = arith.addi %add3A_16, %add3A_21 : i32
    %add3A_23 = arith.constant 786432 : i32
    %add3A_24 = arith.addi %add3A_16, %add3A_23 : i32
    %dma_start3A_25 = arith.constant 0 : i32
    %dma_start3A_26 = arith.constant 0 : i32
    %dma_start3A_27 = tpu.memref_slice %arg8[%dma_start3A_25, %dma_start3A_26] : memref<4x8192xf32, #tpu.memory_space<vmem>> -> memref<1x8192xf32, #tpu.memory_space<vmem>>
    %dma_start3A_28 = tpu.memref_squeeze %dma_start3A_27 : memref<1x8192xf32, #tpu.memory_space<vmem>> -> memref<8192xf32, #tpu.memory_space<vmem>>
    %dma_start3A_29 = tpu.memref_slice %arg4[%add3A_18] : memref<4194304xf32, #tpu.memory_space<hbm>> -> memref<8192xf32, #tpu.memory_space<hbm>>
    %dma_start3A_30 = tpu.memref_slice %arg4[%add3A_18] : memref<4194304xf32, #tpu.memory_space<hbm>> -> memref<8192xf32, #tpu.memory_space<hbm>>
    %dma_start3A_31 = arith.constant 0 : i32
    %dma_start3A_32 = tpu.memref_slice %arg8[%dma_start3A_25, %dma_start3A_31] : memref<4x8192xf32, #tpu.memory_space<vmem>> -> memref<1x8192xf32, #tpu.memory_space<vmem>>
    %dma_start3A_33 = tpu.memref_squeeze %dma_start3A_32 : memref<1x8192xf32, #tpu.memory_space<vmem>> -> memref<8192xf32, #tpu.memory_space<vmem>>
    tpu.enqueue_dma source(%dma_start3A_33 : memref<8192xf32, #tpu.memory_space<vmem>>) target(%dma_start3A_30 : memref<8192xf32, #tpu.memory_space<hbm>>) target_semaphore(%arg12 : memref<!tpu.dma_semaphore, #tpu.memory_space<semaphore_mem>>)
    %dma_start3A_34 = arith.constant 1 : i32
    %dma_start3A_35 = arith.constant 0 : i32
    %dma_start3A_36 = tpu.memref_slice %arg8[%dma_start3A_34, %dma_start3A_35] : memref<4x8192xf32, #tpu.memory_space<vmem>> -> memref<1x8192xf32, #tpu.memory_space<vmem>>
    %dma_start3A_37 = tpu.memref_squeeze %dma_start3A_36 : memref<1x8192xf32, #tpu.memory_space<vmem>> -> memref<8192xf32, #tpu.memory_space<vmem>>
    %dma_start3A_38 = tpu.memref_slice %arg4[%add3A_20] : memref<4194304xf32, #tpu.memory_space<hbm>> -> memref<8192xf32, #tpu.memory_space<hbm>>
    %dma_start3A_39 = tpu.memref_slice %arg4[%add3A_20] : memref<4194304xf32, #tpu.memory_space<hbm>> -> memref<8192xf32, #tpu.memory_space<hbm>>
    %dma_start3A_40 = arith.constant 0 : i32
    %dma_start3A_41 = tpu.memref_slice %arg8[%dma_start3A_34, %dma_start3A_40] : memref<4x8192xf32, #tpu.memory_space<vmem>> -> memref<1x8192xf32, #tpu.memory_space<vmem>>
    %dma_start3A_42 = tpu.memref_squeeze %dma_start3A_41 : memref<1x8192xf32, #tpu.memory_space<vmem>> -> memref<8192xf32, #tpu.memory_space<vmem>>
    tpu.enqueue_dma source(%dma_start3A_42 : memref<8192xf32, #tpu.memory_space<vmem>>) target(%dma_start3A_39 : memref<8192xf32, #tpu.memory_space<hbm>>) target_semaphore(%arg12 : memref<!tpu.dma_semaphore, #tpu.memory_space<semaphore_mem>>)
    %dma_start3A_43 = arith.constant 2 : i32
    %dma_start3A_44 = arith.constant 0 : i32
    %dma_start3A_45 = tpu.memref_slice %arg8[%dma_start3A_43, %dma_start3A_44] : memref<4x8192xf32, #tpu.memory_space<vmem>> -> memref<1x8192xf32, #tpu.memory_space<vmem>>
    %dma_start3A_46 = tpu.memref_squeeze %dma_start3A_45 : memref<1x8192xf32, #tpu.memory_space<vmem>> -> memref<8192xf32, #tpu.memory_space<vmem>>
    %dma_start3A_47 = tpu.memref_slice %arg4[%add3A_22] : memref<4194304xf32, #tpu.memory_space<hbm>> -> memref<8192xf32, #tpu.memory_space<hbm>>
    %dma_start3A_48 = tpu.memref_slice %arg4[%add3A_22] : memref<4194304xf32, #tpu.memory_space<hbm>> -> memref<8192xf32, #tpu.memory_space<hbm>>
    %dma_start3A_49 = arith.constant 0 : i32
    %dma_start3A_50 = tpu.memref_slice %arg8[%dma_start3A_43, %dma_start3A_49] : memref<4x8192xf32, #tpu.memory_space<vmem>> -> memref<1x8192xf32, #tpu.memory_space<vmem>>
    %dma_start3A_51 = tpu.memref_squeeze %dma_start3A_50 : memref<1x8192xf32, #tpu.memory_space<vmem>> -> memref<8192xf32, #tpu.memory_space<vmem>>
    tpu.enqueue_dma source(%dma_start3A_51 : memref<8192xf32, #tpu.memory_space<vmem>>) target(%dma_start3A_48 : memref<8192xf32, #tpu.memory_space<hbm>>) target_semaphore(%arg12 : memref<!tpu.dma_semaphore, #tpu.memory_space<semaphore_mem>>)
    %dma_start3A_52 = arith.constant 3 : i32
    %dma_start3A_53 = arith.constant 0 : i32
    %dma_start3A_54 = tpu.memref_slice %arg8[%dma_start3A_52, %dma_start3A_53] : memref<4x8192xf32, #tpu.memory_space<vmem>> -> memref<1x8192xf32, #tpu.memory_space<vmem>>
    %dma_start3A_55 = tpu.memref_squeeze %dma_start3A_54 : memref<1x8192xf32, #tpu.memory_space<vmem>> -> memref<8192xf32, #tpu.memory_space<vmem>>
    %dma_start3A_56 = tpu.memref_slice %arg4[%add3A_24] : memref<4194304xf32, #tpu.memory_space<hbm>> -> memref<8192xf32, #tpu.memory_space<hbm>>
    %dma_start3A_57 = tpu.memref_slice %arg4[%add3A_24] : memref<4194304xf32, #tpu.memory_space<hbm>> -> memref<8192xf32, #tpu.memory_space<hbm>>
    %dma_start3A_58 = arith.constant 0 : i32
    %dma_start3A_59 = tpu.memref_slice %arg8[%dma_start3A_52, %dma_start3A_58] : memref<4x8192xf32, #tpu.memory_space<vmem>> -> memref<1x8192xf32, #tpu.memory_space<vmem>>
    %dma_start3A_60 = tpu.memref_squeeze %dma_start3A_59 : memref<1x8192xf32, #tpu.memory_space<vmem>> -> memref<8192xf32, #tpu.memory_space<vmem>>
    tpu.enqueue_dma source(%dma_start3A_60 : memref<8192xf32, #tpu.memory_space<vmem>>) target(%dma_start3A_57 : memref<8192xf32, #tpu.memory_space<hbm>>) target_semaphore(%arg12 : memref<!tpu.dma_semaphore, #tpu.memory_space<semaphore_mem>>)
    %add3A_61 = arith.constant 524288 : i32
    %add3A_62 = arith.addi %add3A_61, %mul3A_2 : i32
    %dma_start3A_63 = tpu.memref_slice %arg3[%add3A_62] : memref<1048576xi32, #tpu.memory_space<hbm>> -> memref<8192xi32, #tpu.memory_space<hbm>>
    %dma_start3A_64 = tpu.memref_slice %arg3[%add3A_62] : memref<1048576xi32, #tpu.memory_space<hbm>> -> memref<8192xi32, #tpu.memory_space<hbm>>
    tpu.enqueue_dma source(%dma_start3A_64 : memref<8192xi32, #tpu.memory_space<hbm>>) target(%arg6 : memref<8192xi32, #tpu.memory_space<vmem>>) target_semaphore(%arg10 : memref<!tpu.dma_semaphore, #tpu.memory_space<semaphore_mem>>)
    %add3A_65 = arith.constant 262144 : i32
    %add3A_66 = arith.addi %add3A_65, %mul3A_2 : i32
    %dma_wait3A_67 = tpu.memref_slice %arg3[%add3A_66] : memref<1048576xi32, #tpu.memory_space<hbm>> -> memref<8192xi32, #tpu.memory_space<hbm>>
    %dma_wait3A_68 = tpu.memref_slice %arg3[%add3A_66] : memref<1048576xi32, #tpu.memory_space<hbm>> -> memref<8192xi32, #tpu.memory_space<hbm>>
    tpu.wait_dma2 semaphore(%arg11 : memref<!tpu.dma_semaphore, #tpu.memory_space<semaphore_mem>>) src(%dma_wait3A_68 : memref<8192xi32, #tpu.memory_space<hbm>>) dst(%arg7 : memref<8192xi32, #tpu.memory_space<vmem>>)
    %parallel_loop3A_69 = arith.constant 0 : i32
    %parallel_loop3A_70 = arith.constant 8192 : i32
    %parallel_loop3A_71 = arith.constant 16 : i32
    scf.for %parallel_loop3A_412 = %parallel_loop3A_69 to %parallel_loop3A_70 step %parallel_loop3A_71  : i32 {
      %parallel_loop3A_413 = arith.index_cast %parallel_loop3A_412 : i32 to index
      %parallel_loop3A_414 = tpu.vector_load %arg7[%parallel_loop3A_413] {strides = array<i32>} : memref<8192xi32, #tpu.memory_space<vmem>>, vector<16xi32>,
      %parallel_loop3A_415 = arith.constant 255 : i32
      %parallel_loop3A_416 = vector.broadcast %parallel_loop3A_415 : i32 to vector<16xi32>
      %parallel_loop3A_417 = arith.andi %parallel_loop3A_414, %parallel_loop3A_416 : vector<16xi32>
      %parallel_loop3A_418 = arith.constant 8 : i32
      %parallel_loop3A_419 = vector.broadcast %parallel_loop3A_418 : i32 to vector<16xi32>
      %parallel_loop3A_420 = arith.shrsi %parallel_loop3A_414, %parallel_loop3A_419 : vector<16xi32>
      %parallel_loop3A_421 = arith.constant 255 : i32
      %parallel_loop3A_422 = vector.broadcast %parallel_loop3A_421 : i32 to vector<16xi32>
      %parallel_loop3A_423 = arith.andi %parallel_loop3A_420, %parallel_loop3A_422 : vector<16xi32>
      %parallel_loop3A_424 = arith.constant 144 : i32
      %parallel_loop3A_425 = vector.broadcast %parallel_loop3A_424 : i32 to vector<16xi32>
      %parallel_loop3A_426 = arith.addi %parallel_loop3A_423, %parallel_loop3A_425 : vector<16xi32>
      %parallel_loop3A_427 = arith.constant 16 : i32
      %parallel_loop3A_428 = vector.broadcast %parallel_loop3A_427 : i32 to vector<16xi32>
      %parallel_loop3A_429 = arith.shrsi %parallel_loop3A_414, %parallel_loop3A_428 : vector<16xi32>
      %parallel_loop3A_430 = arith.constant 255 : i32
      %parallel_loop3A_431 = vector.broadcast %parallel_loop3A_430 : i32 to vector<16xi32>
      %parallel_loop3A_432 = arith.andi %parallel_loop3A_429, %parallel_loop3A_431 : vector<16xi32>
      %parallel_loop3A_433 = arith.constant 288 : i32
      %parallel_loop3A_434 = vector.broadcast %parallel_loop3A_433 : i32 to vector<16xi32>
      %parallel_loop3A_435 = arith.addi %parallel_loop3A_432, %parallel_loop3A_434 : vector<16xi32>
      %parallel_loop3A_436 = arith.constant 24 : i32
      %parallel_loop3A_437 = vector.broadcast %parallel_loop3A_436 : i32 to vector<16xi32>
      %parallel_loop3A_438 = arith.shrui %parallel_loop3A_414, %parallel_loop3A_437 : vector<16xi32>
      %parallel_loop3A_439 = arith.constant 432 : i32
      %parallel_loop3A_440 = vector.broadcast %parallel_loop3A_439 : i32 to vector<16xi32>
      %parallel_loop3A_441 = arith.addi %parallel_loop3A_438, %parallel_loop3A_440 : vector<16xi32>
      %parallel_loop3A_442 = tpu.vector_load_idx %arg5[%parallel_loop3A_417] : memref<576xf32, #tpu.memory_space<vmem>>[vector<16xi32>], vector<16xf32>,
      %parallel_loop3A_443 = arith.constant 0 : i32
      %parallel_loop3A_444 = arith.index_cast %parallel_loop3A_443 : i32 to index
      %parallel_loop3A_445 = arith.index_cast %parallel_loop3A_412 : i32 to index
      %parallel_loop3A_446 = tpu.vector_load %arg9[%parallel_loop3A_444, %parallel_loop3A_445] {strides = array<i32>} : memref<4x8192xf32, #tpu.memory_space<vmem>>, vector<16xf32>,
      tpu.vector_store %arg9[%parallel_loop3A_444, %parallel_loop3A_445], %parallel_loop3A_442 {strides = array<i32>} : memref<4x8192xf32, #tpu.memory_space<vmem>>, vector<16xf32>,
      %parallel_loop3A_447 = tpu.vector_load_idx %arg5[%parallel_loop3A_426] : memref<576xf32, #tpu.memory_space<vmem>>[vector<16xi32>], vector<16xf32>,
      %parallel_loop3A_448 = arith.constant 1 : i32
      %parallel_loop3A_449 = arith.index_cast %parallel_loop3A_448 : i32 to index
      %parallel_loop3A_450 = arith.index_cast %parallel_loop3A_412 : i32 to index
      %parallel_loop3A_451 = tpu.vector_load %arg9[%parallel_loop3A_449, %parallel_loop3A_450] {strides = array<i32>} : memref<4x8192xf32, #tpu.memory_space<vmem>>, vector<16xf32>,
      tpu.vector_store %arg9[%parallel_loop3A_449, %parallel_loop3A_450], %parallel_loop3A_447 {strides = array<i32>} : memref<4x8192xf32, #tpu.memory_space<vmem>>, vector<16xf32>,
      %parallel_loop3A_452 = tpu.vector_load_idx %arg5[%parallel_loop3A_435] : memref<576xf32, #tpu.memory_space<vmem>>[vector<16xi32>], vector<16xf32>,
      %parallel_loop3A_453 = arith.constant 2 : i32
      %parallel_loop3A_454 = arith.index_cast %parallel_loop3A_453 : i32 to index
      %parallel_loop3A_455 = arith.index_cast %parallel_loop3A_412 : i32 to index
      %parallel_loop3A_456 = tpu.vector_load %arg9[%parallel_loop3A_454, %parallel_loop3A_455] {strides = array<i32>} : memref<4x8192xf32, #tpu.memory_space<vmem>>, vector<16xf32>,
      tpu.vector_store %arg9[%parallel_loop3A_454, %parallel_loop3A_455], %parallel_loop3A_452 {strides = array<i32>} : memref<4x8192xf32, #tpu.memory_space<vmem>>, vector<16xf32>,
      %parallel_loop3A_457 = tpu.vector_load_idx %arg5[%parallel_loop3A_441] : memref<576xf32, #tpu.memory_space<vmem>>[vector<16xi32>], vector<16xf32>,
      %parallel_loop3A_458 = arith.constant 3 : i32
      %parallel_loop3A_459 = arith.index_cast %parallel_loop3A_458 : i32 to index
      %parallel_loop3A_460 = arith.index_cast %parallel_loop3A_412 : i32 to index
      %parallel_loop3A_461 = tpu.vector_load %arg9[%parallel_loop3A_459, %parallel_loop3A_460] {strides = array<i32>} : memref<4x8192xf32, #tpu.memory_space<vmem>>, vector<16xf32>,
      tpu.vector_store %arg9[%parallel_loop3A_459, %parallel_loop3A_460], %parallel_loop3A_457 {strides = array<i32>} : memref<4x8192xf32, #tpu.memory_space<vmem>>, vector<16xf32>,
    } {sc.loop_unroll_factor = 4 : i64, sc.parallel_access}
    %add3A_72 = arith.constant 1048576 : i32
    %add3A_73 = arith.addi %add3A_72, %mul3A_2 : i32
    %add3A_74 = arith.constant 0 : i32
    %add3A_75 = arith.addi %add3A_73, %add3A_74 : i32
    %add3A_76 = arith.constant 262144 : i32
    %add3A_77 = arith.addi %add3A_73, %add3A_76 : i32
    %add3A_78 = arith.constant 524288 : i32
    %add3A_79 = arith.addi %add3A_73, %add3A_78 : i32
    %add3A_80 = arith.constant 786432 : i32
    %add3A_81 = arith.addi %add3A_73, %add3A_80 : i32
    %dma_start3A_82 = arith.constant 0 : i32
    %dma_start3A_83 = arith.constant 0 : i32
    %dma_start3A_84 = tpu.memref_slice %arg9[%dma_start3A_82, %dma_start3A_83] : memref<4x8192xf32, #tpu.memory_space<vmem>> -> memref<1x8192xf32, #tpu.memory_space<vmem>>
    %dma_start3A_85 = tpu.memref_squeeze %dma_start3A_84 : memref<1x8192xf32, #tpu.memory_space<vmem>> -> memref<8192xf32, #tpu.memory_space<vmem>>
    %dma_start3A_86 = tpu.memref_slice %arg4[%add3A_75] : memref<4194304xf32, #tpu.memory_space<hbm>> -> memref<8192xf32, #tpu.memory_space<hbm>>
    %dma_start3A_87 = tpu.memref_slice %arg4[%add3A_75] : memref<4194304xf32, #tpu.memory_space<hbm>> -> memref<8192xf32, #tpu.memory_space<hbm>>
    %dma_start3A_88 = arith.constant 0 : i32
    %dma_start3A_89 = tpu.memref_slice %arg9[%dma_start3A_82, %dma_start3A_88] : memref<4x8192xf32, #tpu.memory_space<vmem>> -> memref<1x8192xf32, #tpu.memory_space<vmem>>
    %dma_start3A_90 = tpu.memref_squeeze %dma_start3A_89 : memref<1x8192xf32, #tpu.memory_space<vmem>> -> memref<8192xf32, #tpu.memory_space<vmem>>
    tpu.enqueue_dma source(%dma_start3A_90 : memref<8192xf32, #tpu.memory_space<vmem>>) target(%dma_start3A_87 : memref<8192xf32, #tpu.memory_space<hbm>>) target_semaphore(%arg13 : memref<!tpu.dma_semaphore, #tpu.memory_space<semaphore_mem>>)
    %dma_start3A_91 = arith.constant 1 : i32
    %dma_start3A_92 = arith.constant 0 : i32
    %dma_start3A_93 = tpu.memref_slice %arg9[%dma_start3A_91, %dma_start3A_92] : memref<4x8192xf32, #tpu.memory_space<vmem>> -> memref<1x8192xf32, #tpu.memory_space<vmem>>
    %dma_start3A_94 = tpu.memref_squeeze %dma_start3A_93 : memref<1x8192xf32, #tpu.memory_space<vmem>> -> memref<8192xf32, #tpu.memory_space<vmem>>
    %dma_start3A_95 = tpu.memref_slice %arg4[%add3A_77] : memref<4194304xf32, #tpu.memory_space<hbm>> -> memref<8192xf32, #tpu.memory_space<hbm>>
    %dma_start3A_96 = tpu.memref_slice %arg4[%add3A_77] : memref<4194304xf32, #tpu.memory_space<hbm>> -> memref<8192xf32, #tpu.memory_space<hbm>>
    %dma_start3A_97 = arith.constant 0 : i32
    %dma_start3A_98 = tpu.memref_slice %arg9[%dma_start3A_91, %dma_start3A_97] : memref<4x8192xf32, #tpu.memory_space<vmem>> -> memref<1x8192xf32, #tpu.memory_space<vmem>>
    %dma_start3A_99 = tpu.memref_squeeze %dma_start3A_98 : memref<1x8192xf32, #tpu.memory_space<vmem>> -> memref<8192xf32, #tpu.memory_space<vmem>>
    tpu.enqueue_dma source(%dma_start3A_99 : memref<8192xf32, #tpu.memory_space<vmem>>) target(%dma_start3A_96 : memref<8192xf32, #tpu.memory_space<hbm>>) target_semaphore(%arg13 : memref<!tpu.dma_semaphore, #tpu.memory_space<semaphore_mem>>)
    %dma_start3A_100 = arith.constant 2 : i32
    %dma_start3A_101 = arith.constant 0 : i32
    %dma_start3A_102 = tpu.memref_slice %arg9[%dma_start3A_100, %dma_start3A_101] : memref<4x8192xf32, #tpu.memory_space<vmem>> -> memref<1x8192xf32, #tpu.memory_space<vmem>>
    %dma_start3A_103 = tpu.memref_squeeze %dma_start3A_102 : memref<1x8192xf32, #tpu.memory_space<vmem>> -> memref<8192xf32, #tpu.memory_space<vmem>>
    %dma_start3A_104 = tpu.memref_slice %arg4[%add3A_79] : memref<4194304xf32, #tpu.memory_space<hbm>> -> memref<8192xf32, #tpu.memory_space<hbm>>
    %dma_start3A_105 = tpu.memref_slice %arg4[%add3A_79] : memref<4194304xf32, #tpu.memory_space<hbm>> -> memref<8192xf32, #tpu.memory_space<hbm>>
    %dma_start3A_106 = arith.constant 0 : i32
    %dma_start3A_107 = tpu.memref_slice %arg9[%dma_start3A_100, %dma_start3A_106] : memref<4x8192xf32, #tpu.memory_space<vmem>> -> memref<1x8192xf32, #tpu.memory_space<vmem>>
    %dma_start3A_108 = tpu.memref_squeeze %dma_start3A_107 : memref<1x8192xf32, #tpu.memory_space<vmem>> -> memref<8192xf32, #tpu.memory_space<vmem>>
    tpu.enqueue_dma source(%dma_start3A_108 : memref<8192xf32, #tpu.memory_space<vmem>>) target(%dma_start3A_105 : memref<8192xf32, #tpu.memory_space<hbm>>) target_semaphore(%arg13 : memref<!tpu.dma_semaphore, #tpu.memory_space<semaphore_mem>>)
    %dma_start3A_109 = arith.constant 3 : i32
    %dma_start3A_110 = arith.constant 0 : i32
    %dma_start3A_111 = tpu.memref_slice %arg9[%dma_start3A_109, %dma_start3A_110] : memref<4x8192xf32, #tpu.memory_space<vmem>> -> memref<1x8192xf32, #tpu.memory_space<vmem>>
    %dma_start3A_112 = tpu.memref_squeeze %dma_start3A_111 : memref<1x8192xf32, #tpu.memory_space<vmem>> -> memref<8192xf32, #tpu.memory_space<vmem>>
    %dma_start3A_113 = tpu.memref_slice %arg4[%add3A_81] : memref<4194304xf32, #tpu.memory_space<hbm>> -> memref<8192xf32, #tpu.memory_space<hbm>>
    %dma_start3A_114 = tpu.memref_slice %arg4[%add3A_81] : memref<4194304xf32, #tpu.memory_space<hbm>> -> memref<8192xf32, #tpu.memory_space<hbm>>
    %dma_start3A_115 = arith.constant 0 : i32
    %dma_start3A_116 = tpu.memref_slice %arg9[%dma_start3A_109, %dma_start3A_115] : memref<4x8192xf32, #tpu.memory_space<vmem>> -> memref<1x8192xf32, #tpu.memory_space<vmem>>
    %dma_start3A_117 = tpu.memref_squeeze %dma_start3A_116 : memref<1x8192xf32, #tpu.memory_space<vmem>> -> memref<8192xf32, #tpu.memory_space<vmem>>
    tpu.enqueue_dma source(%dma_start3A_117 : memref<8192xf32, #tpu.memory_space<vmem>>) target(%dma_start3A_114 : memref<8192xf32, #tpu.memory_space<hbm>>) target_semaphore(%arg13 : memref<!tpu.dma_semaphore, #tpu.memory_space<semaphore_mem>>)
    %add3A_118 = arith.constant 786432 : i32
    %add3A_119 = arith.addi %add3A_118, %mul3A_2 : i32
    %dma_start3A_120 = tpu.memref_slice %arg3[%add3A_119] : memref<1048576xi32, #tpu.memory_space<hbm>> -> memref<8192xi32, #tpu.memory_space<hbm>>
    %dma_start3A_121 = tpu.memref_slice %arg3[%add3A_119] : memref<1048576xi32, #tpu.memory_space<hbm>> -> memref<8192xi32, #tpu.memory_space<hbm>>
    tpu.enqueue_dma source(%dma_start3A_121 : memref<8192xi32, #tpu.memory_space<hbm>>) target(%arg7 : memref<8192xi32, #tpu.memory_space<vmem>>) target_semaphore(%arg11 : memref<!tpu.dma_semaphore, #tpu.memory_space<semaphore_mem>>)
    %add3A_122 = arith.constant 524288 : i32
    %add3A_123 = arith.addi %add3A_122, %mul3A_2 : i32
    %dma_wait3A_124 = tpu.memref_slice %arg3[%add3A_123] : memref<1048576xi32, #tpu.memory_space<hbm>> -> memref<8192xi32, #tpu.memory_space<hbm>>
    %dma_wait3A_125 = tpu.memref_slice %arg3[%add3A_123] : memref<1048576xi32, #tpu.memory_space<hbm>> -> memref<8192xi32, #tpu.memory_space<hbm>>
    tpu.wait_dma2 semaphore(%arg10 : memref<!tpu.dma_semaphore, #tpu.memory_space<semaphore_mem>>) src(%dma_wait3A_125 : memref<8192xi32, #tpu.memory_space<hbm>>) dst(%arg6 : memref<8192xi32, #tpu.memory_space<vmem>>)
    %add3A_126 = arith.constant 0 : i32
    %add3A_127 = arith.addi %add3A_126, %mul3A_2 : i32
    %add3A_128 = arith.constant 0 : i32
    %add3A_129 = arith.addi %add3A_127, %add3A_128 : i32
    %add3A_130 = arith.constant 262144 : i32
    %add3A_131 = arith.addi %add3A_127, %add3A_130 : i32
    %add3A_132 = arith.constant 524288 : i32
    %add3A_133 = arith.addi %add3A_127, %add3A_132 : i32
    %add3A_134 = arith.constant 786432 : i32
    %add3A_135 = arith.addi %add3A_127, %add3A_134 : i32
    %dma_wait3A_136 = arith.constant 0 : i32
    %dma_wait3A_137 = arith.constant 0 : i32
    %dma_wait3A_138 = tpu.memref_slice %arg8[%dma_wait3A_136, %dma_wait3A_137] : memref<4x8192xf32, #tpu.memory_space<vmem>> -> memref<1x8192xf32, #tpu.memory_space<vmem>>
    %dma_wait3A_139 = tpu.memref_squeeze %dma_wait3A_138 : memref<1x8192xf32, #tpu.memory_space<vmem>> -> memref<8192xf32, #tpu.memory_space<vmem>>
    %dma_wait3A_140 = tpu.memref_slice %arg4[%add3A_129] : memref<4194304xf32, #tpu.memory_space<hbm>> -> memref<8192xf32, #tpu.memory_space<hbm>>
    %dma_wait3A_141 = tpu.memref_slice %arg4[%add3A_129] : memref<4194304xf32, #tpu.memory_space<hbm>> -> memref<8192xf32, #tpu.memory_space<hbm>>
    %dma_wait3A_142 = arith.constant 0 : i32
    %dma_wait3A_143 = tpu.memref_slice %arg8[%dma_wait3A_136, %dma_wait3A_142] : memref<4x8192xf32, #tpu.memory_space<vmem>> -> memref<1x8192xf32, #tpu.memory_space<vmem>>
    %dma_wait3A_144 = tpu.memref_squeeze %dma_wait3A_143 : memref<1x8192xf32, #tpu.memory_space<vmem>> -> memref<8192xf32, #tpu.memory_space<vmem>>
    tpu.wait_dma2 semaphore(%arg12 : memref<!tpu.dma_semaphore, #tpu.memory_space<semaphore_mem>>) src(%dma_wait3A_144 : memref<8192xf32, #tpu.memory_space<vmem>>) dst(%dma_wait3A_141 : memref<8192xf32, #tpu.memory_space<hbm>>)
    %dma_wait3A_145 = arith.constant 1 : i32
    %dma_wait3A_146 = arith.constant 0 : i32
    %dma_wait3A_147 = tpu.memref_slice %arg8[%dma_wait3A_145, %dma_wait3A_146] : memref<4x8192xf32, #tpu.memory_space<vmem>> -> memref<1x8192xf32, #tpu.memory_space<vmem>>
    %dma_wait3A_148 = tpu.memref_squeeze %dma_wait3A_147 : memref<1x8192xf32, #tpu.memory_space<vmem>> -> memref<8192xf32, #tpu.memory_space<vmem>>
    %dma_wait3A_149 = tpu.memref_slice %arg4[%add3A_131] : memref<4194304xf32, #tpu.memory_space<hbm>> -> memref<8192xf32, #tpu.memory_space<hbm>>
    %dma_wait3A_150 = tpu.memref_slice %arg4[%add3A_131] : memref<4194304xf32, #tpu.memory_space<hbm>> -> memref<8192xf32, #tpu.memory_space<hbm>>
    %dma_wait3A_151 = arith.constant 0 : i32
    %dma_wait3A_152 = tpu.memref_slice %arg8[%dma_wait3A_145, %dma_wait3A_151] : memref<4x8192xf32, #tpu.memory_space<vmem>> -> memref<1x8192xf32, #tpu.memory_space<vmem>>
    %dma_wait3A_153 = tpu.memref_squeeze %dma_wait3A_152 : memref<1x8192xf32, #tpu.memory_space<vmem>> -> memref<8192xf32, #tpu.memory_space<vmem>>
    tpu.wait_dma2 semaphore(%arg12 : memref<!tpu.dma_semaphore, #tpu.memory_space<semaphore_mem>>) src(%dma_wait3A_153 : memref<8192xf32, #tpu.memory_space<vmem>>) dst(%dma_wait3A_150 : memref<8192xf32, #tpu.memory_space<hbm>>)
    %dma_wait3A_154 = arith.constant 2 : i32
    %dma_wait3A_155 = arith.constant 0 : i32
    %dma_wait3A_156 = tpu.memref_slice %arg8[%dma_wait3A_154, %dma_wait3A_155] : memref<4x8192xf32, #tpu.memory_space<vmem>> -> memref<1x8192xf32, #tpu.memory_space<vmem>>
    %dma_wait3A_157 = tpu.memref_squeeze %dma_wait3A_156 : memref<1x8192xf32, #tpu.memory_space<vmem>> -> memref<8192xf32, #tpu.memory_space<vmem>>
    %dma_wait3A_158 = tpu.memref_slice %arg4[%add3A_133] : memref<4194304xf32, #tpu.memory_space<hbm>> -> memref<8192xf32, #tpu.memory_space<hbm>>
    %dma_wait3A_159 = tpu.memref_slice %arg4[%add3A_133] : memref<4194304xf32, #tpu.memory_space<hbm>> -> memref<8192xf32, #tpu.memory_space<hbm>>
    %dma_wait3A_160 = arith.constant 0 : i32
    %dma_wait3A_161 = tpu.memref_slice %arg8[%dma_wait3A_154, %dma_wait3A_160] : memref<4x8192xf32, #tpu.memory_space<vmem>> -> memref<1x8192xf32, #tpu.memory_space<vmem>>
    %dma_wait3A_162 = tpu.memref_squeeze %dma_wait3A_161 : memref<1x8192xf32, #tpu.memory_space<vmem>> -> memref<8192xf32, #tpu.memory_space<vmem>>
    tpu.wait_dma2 semaphore(%arg12 : memref<!tpu.dma_semaphore, #tpu.memory_space<semaphore_mem>>) src(%dma_wait3A_162 : memref<8192xf32, #tpu.memory_space<vmem>>) dst(%dma_wait3A_159 : memref<8192xf32, #tpu.memory_space<hbm>>)
    %dma_wait3A_163 = arith.constant 3 : i32
    %dma_wait3A_164 = arith.constant 0 : i32
    %dma_wait3A_165 = tpu.memref_slice %arg8[%dma_wait3A_163, %dma_wait3A_164] : memref<4x8192xf32, #tpu.memory_space<vmem>> -> memref<1x8192xf32, #tpu.memory_space<vmem>>
    %dma_wait3A_166 = tpu.memref_squeeze %dma_wait3A_165 : memref<1x8192xf32, #tpu.memory_space<vmem>> -> memref<8192xf32, #tpu.memory_space<vmem>>
    %dma_wait3A_167 = tpu.memref_slice %arg4[%add3A_135] : memref<4194304xf32, #tpu.memory_space<hbm>> -> memref<8192xf32, #tpu.memory_space<hbm>>
    %dma_wait3A_168 = tpu.memref_slice %arg4[%add3A_135] : memref<4194304xf32, #tpu.memory_space<hbm>> -> memref<8192xf32, #tpu.memory_space<hbm>>
    %dma_wait3A_169 = arith.constant 0 : i32
    %dma_wait3A_170 = tpu.memref_slice %arg8[%dma_wait3A_163, %dma_wait3A_169] : memref<4x8192xf32, #tpu.memory_space<vmem>> -> memref<1x8192xf32, #tpu.memory_space<vmem>>
    %dma_wait3A_171 = tpu.memref_squeeze %dma_wait3A_170 : memref<1x8192xf32, #tpu.memory_space<vmem>> -> memref<8192xf32, #tpu.memory_space<vmem>>
    tpu.wait_dma2 semaphore(%arg12 : memref<!tpu.dma_semaphore, #tpu.memory_space<semaphore_mem>>) src(%dma_wait3A_171 : memref<8192xf32, #tpu.memory_space<vmem>>) dst(%dma_wait3A_168 : memref<8192xf32, #tpu.memory_space<hbm>>)
    %parallel_loop3A_172 = arith.constant 0 : i32
    %parallel_loop3A_173 = arith.constant 8192 : i32
    %parallel_loop3A_174 = arith.constant 16 : i32
    scf.for %parallel_loop3A_412 = %parallel_loop3A_172 to %parallel_loop3A_173 step %parallel_loop3A_174  : i32 {
      %parallel_loop3A_413 = arith.index_cast %parallel_loop3A_412 : i32 to index
      %parallel_loop3A_414 = tpu.vector_load %arg6[%parallel_loop3A_413] {strides = array<i32>} : memref<8192xi32, #tpu.memory_space<vmem>>, vector<16xi32>,
      %parallel_loop3A_415 = arith.constant 255 : i32
      %parallel_loop3A_416 = vector.broadcast %parallel_loop3A_415 : i32 to vector<16xi32>
      %parallel_loop3A_417 = arith.andi %parallel_loop3A_414, %parallel_loop3A_416 : vector<16xi32>
      %parallel_loop3A_418 = arith.constant 8 : i32
      %parallel_loop3A_419 = vector.broadcast %parallel_loop3A_418 : i32 to vector<16xi32>
      %parallel_loop3A_420 = arith.shrsi %parallel_loop3A_414, %parallel_loop3A_419 : vector<16xi32>
      %parallel_loop3A_421 = arith.constant 255 : i32
      %parallel_loop3A_422 = vector.broadcast %parallel_loop3A_421 : i32 to vector<16xi32>
      %parallel_loop3A_423 = arith.andi %parallel_loop3A_420, %parallel_loop3A_422 : vector<16xi32>
      %parallel_loop3A_424 = arith.constant 144 : i32
      %parallel_loop3A_425 = vector.broadcast %parallel_loop3A_424 : i32 to vector<16xi32>
      %parallel_loop3A_426 = arith.addi %parallel_loop3A_423, %parallel_loop3A_425 : vector<16xi32>
      %parallel_loop3A_427 = arith.constant 16 : i32
      %parallel_loop3A_428 = vector.broadcast %parallel_loop3A_427 : i32 to vector<16xi32>
      %parallel_loop3A_429 = arith.shrsi %parallel_loop3A_414, %parallel_loop3A_428 : vector<16xi32>
      %parallel_loop3A_430 = arith.constant 255 : i32
      %parallel_loop3A_431 = vector.broadcast %parallel_loop3A_430 : i32 to vector<16xi32>
      %parallel_loop3A_432 = arith.andi %parallel_loop3A_429, %parallel_loop3A_431 : vector<16xi32>
      %parallel_loop3A_433 = arith.constant 288 : i32
      %parallel_loop3A_434 = vector.broadcast %parallel_loop3A_433 : i32 to vector<16xi32>
      %parallel_loop3A_435 = arith.addi %parallel_loop3A_432, %parallel_loop3A_434 : vector<16xi32>
      %parallel_loop3A_436 = arith.constant 24 : i32
      %parallel_loop3A_437 = vector.broadcast %parallel_loop3A_436 : i32 to vector<16xi32>
      %parallel_loop3A_438 = arith.shrui %parallel_loop3A_414, %parallel_loop3A_437 : vector<16xi32>
      %parallel_loop3A_439 = arith.constant 432 : i32
      %parallel_loop3A_440 = vector.broadcast %parallel_loop3A_439 : i32 to vector<16xi32>
      %parallel_loop3A_441 = arith.addi %parallel_loop3A_438, %parallel_loop3A_440 : vector<16xi32>
      %parallel_loop3A_442 = tpu.vector_load_idx %arg5[%parallel_loop3A_417] : memref<576xf32, #tpu.memory_space<vmem>>[vector<16xi32>], vector<16xf32>,
      %parallel_loop3A_443 = arith.constant 0 : i32
      %parallel_loop3A_444 = arith.index_cast %parallel_loop3A_443 : i32 to index
      %parallel_loop3A_445 = arith.index_cast %parallel_loop3A_412 : i32 to index
      %parallel_loop3A_446 = tpu.vector_load %arg8[%parallel_loop3A_444, %parallel_loop3A_445] {strides = array<i32>} : memref<4x8192xf32, #tpu.memory_space<vmem>>, vector<16xf32>,
      tpu.vector_store %arg8[%parallel_loop3A_444, %parallel_loop3A_445], %parallel_loop3A_442 {strides = array<i32>} : memref<4x8192xf32, #tpu.memory_space<vmem>>, vector<16xf32>,
      %parallel_loop3A_447 = tpu.vector_load_idx %arg5[%parallel_loop3A_426] : memref<576xf32, #tpu.memory_space<vmem>>[vector<16xi32>], vector<16xf32>,
      %parallel_loop3A_448 = arith.constant 1 : i32
      %parallel_loop3A_449 = arith.index_cast %parallel_loop3A_448 : i32 to index
      %parallel_loop3A_450 = arith.index_cast %parallel_loop3A_412 : i32 to index
      %parallel_loop3A_451 = tpu.vector_load %arg8[%parallel_loop3A_449, %parallel_loop3A_450] {strides = array<i32>} : memref<4x8192xf32, #tpu.memory_space<vmem>>, vector<16xf32>,
      tpu.vector_store %arg8[%parallel_loop3A_449, %parallel_loop3A_450], %parallel_loop3A_447 {strides = array<i32>} : memref<4x8192xf32, #tpu.memory_space<vmem>>, vector<16xf32>,
      %parallel_loop3A_452 = tpu.vector_load_idx %arg5[%parallel_loop3A_435] : memref<576xf32, #tpu.memory_space<vmem>>[vector<16xi32>], vector<16xf32>,
      %parallel_loop3A_453 = arith.constant 2 : i32
      %parallel_loop3A_454 = arith.index_cast %parallel_loop3A_453 : i32 to index
      %parallel_loop3A_455 = arith.index_cast %parallel_loop3A_412 : i32 to index
      %parallel_loop3A_456 = tpu.vector_load %arg8[%parallel_loop3A_454, %parallel_loop3A_455] {strides = array<i32>} : memref<4x8192xf32, #tpu.memory_space<vmem>>, vector<16xf32>,
      tpu.vector_store %arg8[%parallel_loop3A_454, %parallel_loop3A_455], %parallel_loop3A_452 {strides = array<i32>} : memref<4x8192xf32, #tpu.memory_space<vmem>>, vector<16xf32>,
      %parallel_loop3A_457 = tpu.vector_load_idx %arg5[%parallel_loop3A_441] : memref<576xf32, #tpu.memory_space<vmem>>[vector<16xi32>], vector<16xf32>,
      %parallel_loop3A_458 = arith.constant 3 : i32
      %parallel_loop3A_459 = arith.index_cast %parallel_loop3A_458 : i32 to index
      %parallel_loop3A_460 = arith.index_cast %parallel_loop3A_412 : i32 to index
      %parallel_loop3A_461 = tpu.vector_load %arg8[%parallel_loop3A_459, %parallel_loop3A_460] {strides = array<i32>} : memref<4x8192xf32, #tpu.memory_space<vmem>>, vector<16xf32>,
      tpu.vector_store %arg8[%parallel_loop3A_459, %parallel_loop3A_460], %parallel_loop3A_457 {strides = array<i32>} : memref<4x8192xf32, #tpu.memory_space<vmem>>, vector<16xf32>,
    } {sc.loop_unroll_factor = 4 : i64, sc.parallel_access}
    %add3A_175 = arith.constant 2097152 : i32
    %add3A_176 = arith.addi %add3A_175, %mul3A_2 : i32
    %add3A_177 = arith.constant 0 : i32
    %add3A_178 = arith.addi %add3A_176, %add3A_177 : i32
    %add3A_179 = arith.constant 262144 : i32
    %add3A_180 = arith.addi %add3A_176, %add3A_179 : i32
    %add3A_181 = arith.constant 524288 : i32
    %add3A_182 = arith.addi %add3A_176, %add3A_181 : i32
    %add3A_183 = arith.constant 786432 : i32
    %add3A_184 = arith.addi %add3A_176, %add3A_183 : i32
    %dma_start3A_185 = arith.constant 0 : i32
    %dma_start3A_186 = arith.constant 0 : i32
    %dma_start3A_187 = tpu.memref_slice %arg8[%dma_start3A_185, %dma_start3A_186] : memref<4x8192xf32, #tpu.memory_space<vmem>> -> memref<1x8192xf32, #tpu.memory_space<vmem>>
    %dma_start3A_188 = tpu.memref_squeeze %dma_start3A_187 : memref<1x8192xf32, #tpu.memory_space<vmem>> -> memref<8192xf32, #tpu.memory_space<vmem>>
    %dma_start3A_189 = tpu.memref_slice %arg4[%add3A_178] : memref<4194304xf32, #tpu.memory_space<hbm>> -> memref<8192xf32, #tpu.memory_space<hbm>>
    %dma_start3A_190 = tpu.memref_slice %arg4[%add3A_178] : memref<4194304xf32, #tpu.memory_space<hbm>> -> memref<8192xf32, #tpu.memory_space<hbm>>
    %dma_start3A_191 = arith.constant 0 : i32
    %dma_start3A_192 = tpu.memref_slice %arg8[%dma_start3A_185, %dma_start3A_191] : memref<4x8192xf32, #tpu.memory_space<vmem>> -> memref<1x8192xf32, #tpu.memory_space<vmem>>
    %dma_start3A_193 = tpu.memref_squeeze %dma_start3A_192 : memref<1x8192xf32, #tpu.memory_space<vmem>> -> memref<8192xf32, #tpu.memory_space<vmem>>
    tpu.enqueue_dma source(%dma_start3A_193 : memref<8192xf32, #tpu.memory_space<vmem>>) target(%dma_start3A_190 : memref<8192xf32, #tpu.memory_space<hbm>>) target_semaphore(%arg12 : memref<!tpu.dma_semaphore, #tpu.memory_space<semaphore_mem>>)
    %dma_start3A_194 = arith.constant 1 : i32
    %dma_start3A_195 = arith.constant 0 : i32
    %dma_start3A_196 = tpu.memref_slice %arg8[%dma_start3A_194, %dma_start3A_195] : memref<4x8192xf32, #tpu.memory_space<vmem>> -> memref<1x8192xf32, #tpu.memory_space<vmem>>
    %dma_start3A_197 = tpu.memref_squeeze %dma_start3A_196 : memref<1x8192xf32, #tpu.memory_space<vmem>> -> memref<8192xf32, #tpu.memory_space<vmem>>
    %dma_start3A_198 = tpu.memref_slice %arg4[%add3A_180] : memref<4194304xf32, #tpu.memory_space<hbm>> -> memref<8192xf32, #tpu.memory_space<hbm>>
    %dma_start3A_199 = tpu.memref_slice %arg4[%add3A_180] : memref<4194304xf32, #tpu.memory_space<hbm>> -> memref<8192xf32, #tpu.memory_space<hbm>>
    %dma_start3A_200 = arith.constant 0 : i32
    %dma_start3A_201 = tpu.memref_slice %arg8[%dma_start3A_194, %dma_start3A_200] : memref<4x8192xf32, #tpu.memory_space<vmem>> -> memref<1x8192xf32, #tpu.memory_space<vmem>>
    %dma_start3A_202 = tpu.memref_squeeze %dma_start3A_201 : memref<1x8192xf32, #tpu.memory_space<vmem>> -> memref<8192xf32, #tpu.memory_space<vmem>>
    tpu.enqueue_dma source(%dma_start3A_202 : memref<8192xf32, #tpu.memory_space<vmem>>) target(%dma_start3A_199 : memref<8192xf32, #tpu.memory_space<hbm>>) target_semaphore(%arg12 : memref<!tpu.dma_semaphore, #tpu.memory_space<semaphore_mem>>)
    %dma_start3A_203 = arith.constant 2 : i32
    %dma_start3A_204 = arith.constant 0 : i32
    %dma_start3A_205 = tpu.memref_slice %arg8[%dma_start3A_203, %dma_start3A_204] : memref<4x8192xf32, #tpu.memory_space<vmem>> -> memref<1x8192xf32, #tpu.memory_space<vmem>>
    %dma_start3A_206 = tpu.memref_squeeze %dma_start3A_205 : memref<1x8192xf32, #tpu.memory_space<vmem>> -> memref<8192xf32, #tpu.memory_space<vmem>>
    %dma_start3A_207 = tpu.memref_slice %arg4[%add3A_182] : memref<4194304xf32, #tpu.memory_space<hbm>> -> memref<8192xf32, #tpu.memory_space<hbm>>
    %dma_start3A_208 = tpu.memref_slice %arg4[%add3A_182] : memref<4194304xf32, #tpu.memory_space<hbm>> -> memref<8192xf32, #tpu.memory_space<hbm>>
    %dma_start3A_209 = arith.constant 0 : i32
    %dma_start3A_210 = tpu.memref_slice %arg8[%dma_start3A_203, %dma_start3A_209] : memref<4x8192xf32, #tpu.memory_space<vmem>> -> memref<1x8192xf32, #tpu.memory_space<vmem>>
    %dma_start3A_211 = tpu.memref_squeeze %dma_start3A_210 : memref<1x8192xf32, #tpu.memory_space<vmem>> -> memref<8192xf32, #tpu.memory_space<vmem>>
    tpu.enqueue_dma source(%dma_start3A_211 : memref<8192xf32, #tpu.memory_space<vmem>>) target(%dma_start3A_208 : memref<8192xf32, #tpu.memory_space<hbm>>) target_semaphore(%arg12 : memref<!tpu.dma_semaphore, #tpu.memory_space<semaphore_mem>>)
    %dma_start3A_212 = arith.constant 3 : i32
    %dma_start3A_213 = arith.constant 0 : i32
    %dma_start3A_214 = tpu.memref_slice %arg8[%dma_start3A_212, %dma_start3A_213] : memref<4x8192xf32, #tpu.memory_space<vmem>> -> memref<1x8192xf32, #tpu.memory_space<vmem>>
    %dma_start3A_215 = tpu.memref_squeeze %dma_start3A_214 : memref<1x8192xf32, #tpu.memory_space<vmem>> -> memref<8192xf32, #tpu.memory_space<vmem>>
    %dma_start3A_216 = tpu.memref_slice %arg4[%add3A_184] : memref<4194304xf32, #tpu.memory_space<hbm>> -> memref<8192xf32, #tpu.memory_space<hbm>>
    %dma_start3A_217 = tpu.memref_slice %arg4[%add3A_184] : memref<4194304xf32, #tpu.memory_space<hbm>> -> memref<8192xf32, #tpu.memory_space<hbm>>
    %dma_start3A_218 = arith.constant 0 : i32
    %dma_start3A_219 = tpu.memref_slice %arg8[%dma_start3A_212, %dma_start3A_218] : memref<4x8192xf32, #tpu.memory_space<vmem>> -> memref<1x8192xf32, #tpu.memory_space<vmem>>
    %dma_start3A_220 = tpu.memref_squeeze %dma_start3A_219 : memref<1x8192xf32, #tpu.memory_space<vmem>> -> memref<8192xf32, #tpu.memory_space<vmem>>
    tpu.enqueue_dma source(%dma_start3A_220 : memref<8192xf32, #tpu.memory_space<vmem>>) target(%dma_start3A_217 : memref<8192xf32, #tpu.memory_space<hbm>>) target_semaphore(%arg12 : memref<!tpu.dma_semaphore, #tpu.memory_space<semaphore_mem>>)
    %add3A_221 = arith.constant 786432 : i32
    %add3A_222 = arith.addi %add3A_221, %mul3A_2 : i32
    %dma_wait3A_223 = tpu.memref_slice %arg3[%add3A_222] : memref<1048576xi32, #tpu.memory_space<hbm>> -> memref<8192xi32, #tpu.memory_space<hbm>>
    %dma_wait3A_224 = tpu.memref_slice %arg3[%add3A_222] : memref<1048576xi32, #tpu.memory_space<hbm>> -> memref<8192xi32, #tpu.memory_space<hbm>>
    tpu.wait_dma2 semaphore(%arg11 : memref<!tpu.dma_semaphore, #tpu.memory_space<semaphore_mem>>) src(%dma_wait3A_224 : memref<8192xi32, #tpu.memory_space<hbm>>) dst(%arg7 : memref<8192xi32, #tpu.memory_space<vmem>>)
    %add3A_225 = arith.constant 1048576 : i32
    %add3A_226 = arith.addi %add3A_225, %mul3A_2 : i32
    %add3A_227 = arith.constant 0 : i32
    %add3A_228 = arith.addi %add3A_226, %add3A_227 : i32
    %add3A_229 = arith.constant 262144 : i32
    %add3A_230 = arith.addi %add3A_226, %add3A_229 : i32
    %add3A_231 = arith.constant 524288 : i32
    %add3A_232 = arith.addi %add3A_226, %add3A_231 : i32
    %add3A_233 = arith.constant 786432 : i32
    %add3A_234 = arith.addi %add3A_226, %add3A_233 : i32
    %dma_wait3A_235 = arith.constant 0 : i32
    %dma_wait3A_236 = arith.constant 0 : i32
    %dma_wait3A_237 = tpu.memref_slice %arg9[%dma_wait3A_235, %dma_wait3A_236] : memref<4x8192xf32, #tpu.memory_space<vmem>> -> memref<1x8192xf32, #tpu.memory_space<vmem>>
    %dma_wait3A_238 = tpu.memref_squeeze %dma_wait3A_237 : memref<1x8192xf32, #tpu.memory_space<vmem>> -> memref<8192xf32, #tpu.memory_space<vmem>>
    %dma_wait3A_239 = tpu.memref_slice %arg4[%add3A_228] : memref<4194304xf32, #tpu.memory_space<hbm>> -> memref<8192xf32, #tpu.memory_space<hbm>>
    %dma_wait3A_240 = tpu.memref_slice %arg4[%add3A_228] : memref<4194304xf32, #tpu.memory_space<hbm>> -> memref<8192xf32, #tpu.memory_space<hbm>>
    %dma_wait3A_241 = arith.constant 0 : i32
    %dma_wait3A_242 = tpu.memref_slice %arg9[%dma_wait3A_235, %dma_wait3A_241] : memref<4x8192xf32, #tpu.memory_space<vmem>> -> memref<1x8192xf32, #tpu.memory_space<vmem>>
    %dma_wait3A_243 = tpu.memref_squeeze %dma_wait3A_242 : memref<1x8192xf32, #tpu.memory_space<vmem>> -> memref<8192xf32, #tpu.memory_space<vmem>>
    tpu.wait_dma2 semaphore(%arg13 : memref<!tpu.dma_semaphore, #tpu.memory_space<semaphore_mem>>) src(%dma_wait3A_243 : memref<8192xf32, #tpu.memory_space<vmem>>) dst(%dma_wait3A_240 : memref<8192xf32, #tpu.memory_space<hbm>>)
    %dma_wait3A_244 = arith.constant 1 : i32
    %dma_wait3A_245 = arith.constant 0 : i32
    %dma_wait3A_246 = tpu.memref_slice %arg9[%dma_wait3A_244, %dma_wait3A_245] : memref<4x8192xf32, #tpu.memory_space<vmem>> -> memref<1x8192xf32, #tpu.memory_space<vmem>>
    %dma_wait3A_247 = tpu.memref_squeeze %dma_wait3A_246 : memref<1x8192xf32, #tpu.memory_space<vmem>> -> memref<8192xf32, #tpu.memory_space<vmem>>
    %dma_wait3A_248 = tpu.memref_slice %arg4[%add3A_230] : memref<4194304xf32, #tpu.memory_space<hbm>> -> memref<8192xf32, #tpu.memory_space<hbm>>
    %dma_wait3A_249 = tpu.memref_slice %arg4[%add3A_230] : memref<4194304xf32, #tpu.memory_space<hbm>> -> memref<8192xf32, #tpu.memory_space<hbm>>
    %dma_wait3A_250 = arith.constant 0 : i32
    %dma_wait3A_251 = tpu.memref_slice %arg9[%dma_wait3A_244, %dma_wait3A_250] : memref<4x8192xf32, #tpu.memory_space<vmem>> -> memref<1x8192xf32, #tpu.memory_space<vmem>>
    %dma_wait3A_252 = tpu.memref_squeeze %dma_wait3A_251 : memref<1x8192xf32, #tpu.memory_space<vmem>> -> memref<8192xf32, #tpu.memory_space<vmem>>
    tpu.wait_dma2 semaphore(%arg13 : memref<!tpu.dma_semaphore, #tpu.memory_space<semaphore_mem>>) src(%dma_wait3A_252 : memref<8192xf32, #tpu.memory_space<vmem>>) dst(%dma_wait3A_249 : memref<8192xf32, #tpu.memory_space<hbm>>)
    %dma_wait3A_253 = arith.constant 2 : i32
    %dma_wait3A_254 = arith.constant 0 : i32
    %dma_wait3A_255 = tpu.memref_slice %arg9[%dma_wait3A_253, %dma_wait3A_254] : memref<4x8192xf32, #tpu.memory_space<vmem>> -> memref<1x8192xf32, #tpu.memory_space<vmem>>
    %dma_wait3A_256 = tpu.memref_squeeze %dma_wait3A_255 : memref<1x8192xf32, #tpu.memory_space<vmem>> -> memref<8192xf32, #tpu.memory_space<vmem>>
    %dma_wait3A_257 = tpu.memref_slice %arg4[%add3A_232] : memref<4194304xf32, #tpu.memory_space<hbm>> -> memref<8192xf32, #tpu.memory_space<hbm>>
    %dma_wait3A_258 = tpu.memref_slice %arg4[%add3A_232] : memref<4194304xf32, #tpu.memory_space<hbm>> -> memref<8192xf32, #tpu.memory_space<hbm>>
    %dma_wait3A_259 = arith.constant 0 : i32
    %dma_wait3A_260 = tpu.memref_slice %arg9[%dma_wait3A_253, %dma_wait3A_259] : memref<4x8192xf32, #tpu.memory_space<vmem>> -> memref<1x8192xf32, #tpu.memory_space<vmem>>
    %dma_wait3A_261 = tpu.memref_squeeze %dma_wait3A_260 : memref<1x8192xf32, #tpu.memory_space<vmem>> -> memref<8192xf32, #tpu.memory_space<vmem>>
    tpu.wait_dma2 semaphore(%arg13 : memref<!tpu.dma_semaphore, #tpu.memory_space<semaphore_mem>>) src(%dma_wait3A_261 : memref<8192xf32, #tpu.memory_space<vmem>>) dst(%dma_wait3A_258 : memref<8192xf32, #tpu.memory_space<hbm>>)
    %dma_wait3A_262 = arith.constant 3 : i32
    %dma_wait3A_263 = arith.constant 0 : i32
    %dma_wait3A_264 = tpu.memref_slice %arg9[%dma_wait3A_262, %dma_wait3A_263] : memref<4x8192xf32, #tpu.memory_space<vmem>> -> memref<1x8192xf32, #tpu.memory_space<vmem>>
    %dma_wait3A_265 = tpu.memref_squeeze %dma_wait3A_264 : memref<1x8192xf32, #tpu.memory_space<vmem>> -> memref<8192xf32, #tpu.memory_space<vmem>>
    %dma_wait3A_266 = tpu.memref_slice %arg4[%add3A_234] : memref<4194304xf32, #tpu.memory_space<hbm>> -> memref<8192xf32, #tpu.memory_space<hbm>>
    %dma_wait3A_267 = tpu.memref_slice %arg4[%add3A_234] : memref<4194304xf32, #tpu.memory_space<hbm>> -> memref<8192xf32, #tpu.memory_space<hbm>>
    %dma_wait3A_268 = arith.constant 0 : i32
    %dma_wait3A_269 = tpu.memref_slice %arg9[%dma_wait3A_262, %dma_wait3A_268] : memref<4x8192xf32, #tpu.memory_space<vmem>> -> memref<1x8192xf32, #tpu.memory_space<vmem>>
    %dma_wait3A_270 = tpu.memref_squeeze %dma_wait3A_269 : memref<1x8192xf32, #tpu.memory_space<vmem>> -> memref<8192xf32, #tpu.memory_space<vmem>>
    tpu.wait_dma2 semaphore(%arg13 : memref<!tpu.dma_semaphore, #tpu.memory_space<semaphore_mem>>) src(%dma_wait3A_270 : memref<8192xf32, #tpu.memory_space<vmem>>) dst(%dma_wait3A_267 : memref<8192xf32, #tpu.memory_space<hbm>>)
    %parallel_loop3A_271 = arith.constant 0 : i32
    %parallel_loop3A_272 = arith.constant 8192 : i32
    %parallel_loop3A_273 = arith.constant 16 : i32
    scf.for %parallel_loop3A_412 = %parallel_loop3A_271 to %parallel_loop3A_272 step %parallel_loop3A_273  : i32 {
      %parallel_loop3A_413 = arith.index_cast %parallel_loop3A_412 : i32 to index
      %parallel_loop3A_414 = tpu.vector_load %arg7[%parallel_loop3A_413] {strides = array<i32>} : memref<8192xi32, #tpu.memory_space<vmem>>, vector<16xi32>,
      %parallel_loop3A_415 = arith.constant 255 : i32
      %parallel_loop3A_416 = vector.broadcast %parallel_loop3A_415 : i32 to vector<16xi32>
      %parallel_loop3A_417 = arith.andi %parallel_loop3A_414, %parallel_loop3A_416 : vector<16xi32>
      %parallel_loop3A_418 = arith.constant 8 : i32
      %parallel_loop3A_419 = vector.broadcast %parallel_loop3A_418 : i32 to vector<16xi32>
      %parallel_loop3A_420 = arith.shrsi %parallel_loop3A_414, %parallel_loop3A_419 : vector<16xi32>
      %parallel_loop3A_421 = arith.constant 255 : i32
      %parallel_loop3A_422 = vector.broadcast %parallel_loop3A_421 : i32 to vector<16xi32>
      %parallel_loop3A_423 = arith.andi %parallel_loop3A_420, %parallel_loop3A_422 : vector<16xi32>
      %parallel_loop3A_424 = arith.constant 144 : i32
      %parallel_loop3A_425 = vector.broadcast %parallel_loop3A_424 : i32 to vector<16xi32>
      %parallel_loop3A_426 = arith.addi %parallel_loop3A_423, %parallel_loop3A_425 : vector<16xi32>
      %parallel_loop3A_427 = arith.constant 16 : i32
      %parallel_loop3A_428 = vector.broadcast %parallel_loop3A_427 : i32 to vector<16xi32>
      %parallel_loop3A_429 = arith.shrsi %parallel_loop3A_414, %parallel_loop3A_428 : vector<16xi32>
      %parallel_loop3A_430 = arith.constant 255 : i32
      %parallel_loop3A_431 = vector.broadcast %parallel_loop3A_430 : i32 to vector<16xi32>
      %parallel_loop3A_432 = arith.andi %parallel_loop3A_429, %parallel_loop3A_431 : vector<16xi32>
      %parallel_loop3A_433 = arith.constant 288 : i32
      %parallel_loop3A_434 = vector.broadcast %parallel_loop3A_433 : i32 to vector<16xi32>
      %parallel_loop3A_435 = arith.addi %parallel_loop3A_432, %parallel_loop3A_434 : vector<16xi32>
      %parallel_loop3A_436 = arith.constant 24 : i32
      %parallel_loop3A_437 = vector.broadcast %parallel_loop3A_436 : i32 to vector<16xi32>
      %parallel_loop3A_438 = arith.shrui %parallel_loop3A_414, %parallel_loop3A_437 : vector<16xi32>
      %parallel_loop3A_439 = arith.constant 432 : i32
      %parallel_loop3A_440 = vector.broadcast %parallel_loop3A_439 : i32 to vector<16xi32>
      %parallel_loop3A_441 = arith.addi %parallel_loop3A_438, %parallel_loop3A_440 : vector<16xi32>
      %parallel_loop3A_442 = tpu.vector_load_idx %arg5[%parallel_loop3A_417] : memref<576xf32, #tpu.memory_space<vmem>>[vector<16xi32>], vector<16xf32>,
      %parallel_loop3A_443 = arith.constant 0 : i32
      %parallel_loop3A_444 = arith.index_cast %parallel_loop3A_443 : i32 to index
      %parallel_loop3A_445 = arith.index_cast %parallel_loop3A_412 : i32 to index
      %parallel_loop3A_446 = tpu.vector_load %arg9[%parallel_loop3A_444, %parallel_loop3A_445] {strides = array<i32>} : memref<4x8192xf32, #tpu.memory_space<vmem>>, vector<16xf32>,
      tpu.vector_store %arg9[%parallel_loop3A_444, %parallel_loop3A_445], %parallel_loop3A_442 {strides = array<i32>} : memref<4x8192xf32, #tpu.memory_space<vmem>>, vector<16xf32>,
      %parallel_loop3A_447 = tpu.vector_load_idx %arg5[%parallel_loop3A_426] : memref<576xf32, #tpu.memory_space<vmem>>[vector<16xi32>], vector<16xf32>,
      %parallel_loop3A_448 = arith.constant 1 : i32
      %parallel_loop3A_449 = arith.index_cast %parallel_loop3A_448 : i32 to index
      %parallel_loop3A_450 = arith.index_cast %parallel_loop3A_412 : i32 to index
      %parallel_loop3A_451 = tpu.vector_load %arg9[%parallel_loop3A_449, %parallel_loop3A_450] {strides = array<i32>} : memref<4x8192xf32, #tpu.memory_space<vmem>>, vector<16xf32>,
      tpu.vector_store %arg9[%parallel_loop3A_449, %parallel_loop3A_450], %parallel_loop3A_447 {strides = array<i32>} : memref<4x8192xf32, #tpu.memory_space<vmem>>, vector<16xf32>,
      %parallel_loop3A_452 = tpu.vector_load_idx %arg5[%parallel_loop3A_435] : memref<576xf32, #tpu.memory_space<vmem>>[vector<16xi32>], vector<16xf32>,
      %parallel_loop3A_453 = arith.constant 2 : i32
      %parallel_loop3A_454 = arith.index_cast %parallel_loop3A_453 : i32 to index
      %parallel_loop3A_455 = arith.index_cast %parallel_loop3A_412 : i32 to index
      %parallel_loop3A_456 = tpu.vector_load %arg9[%parallel_loop3A_454, %parallel_loop3A_455] {strides = array<i32>} : memref<4x8192xf32, #tpu.memory_space<vmem>>, vector<16xf32>,
      tpu.vector_store %arg9[%parallel_loop3A_454, %parallel_loop3A_455], %parallel_loop3A_452 {strides = array<i32>} : memref<4x8192xf32, #tpu.memory_space<vmem>>, vector<16xf32>,
      %parallel_loop3A_457 = tpu.vector_load_idx %arg5[%parallel_loop3A_441] : memref<576xf32, #tpu.memory_space<vmem>>[vector<16xi32>], vector<16xf32>,
      %parallel_loop3A_458 = arith.constant 3 : i32
      %parallel_loop3A_459 = arith.index_cast %parallel_loop3A_458 : i32 to index
      %parallel_loop3A_460 = arith.index_cast %parallel_loop3A_412 : i32 to index
      %parallel_loop3A_461 = tpu.vector_load %arg9[%parallel_loop3A_459, %parallel_loop3A_460] {strides = array<i32>} : memref<4x8192xf32, #tpu.memory_space<vmem>>, vector<16xf32>,
      tpu.vector_store %arg9[%parallel_loop3A_459, %parallel_loop3A_460], %parallel_loop3A_457 {strides = array<i32>} : memref<4x8192xf32, #tpu.memory_space<vmem>>, vector<16xf32>,
    } {sc.loop_unroll_factor = 4 : i64, sc.parallel_access}
    %add3A_274 = arith.constant 3145728 : i32
    %add3A_275 = arith.addi %add3A_274, %mul3A_2 : i32
    %add3A_276 = arith.constant 0 : i32
    %add3A_277 = arith.addi %add3A_275, %add3A_276 : i32
    %add3A_278 = arith.constant 262144 : i32
    %add3A_279 = arith.addi %add3A_275, %add3A_278 : i32
    %add3A_280 = arith.constant 524288 : i32
    %add3A_281 = arith.addi %add3A_275, %add3A_280 : i32
    %add3A_282 = arith.constant 786432 : i32
    %add3A_283 = arith.addi %add3A_275, %add3A_282 : i32
    %dma_start3A_284 = arith.constant 0 : i32
    %dma_start3A_285 = arith.constant 0 : i32
    %dma_start3A_286 = tpu.memref_slice %arg9[%dma_start3A_284, %dma_start3A_285] : memref<4x8192xf32, #tpu.memory_space<vmem>> -> memref<1x8192xf32, #tpu.memory_space<vmem>>
    %dma_start3A_287 = tpu.memref_squeeze %dma_start3A_286 : memref<1x8192xf32, #tpu.memory_space<vmem>> -> memref<8192xf32, #tpu.memory_space<vmem>>
    %dma_start3A_288 = tpu.memref_slice %arg4[%add3A_277] : memref<4194304xf32, #tpu.memory_space<hbm>> -> memref<8192xf32, #tpu.memory_space<hbm>>
    %dma_start3A_289 = tpu.memref_slice %arg4[%add3A_277] : memref<4194304xf32, #tpu.memory_space<hbm>> -> memref<8192xf32, #tpu.memory_space<hbm>>
    %dma_start3A_290 = arith.constant 0 : i32
    %dma_start3A_291 = tpu.memref_slice %arg9[%dma_start3A_284, %dma_start3A_290] : memref<4x8192xf32, #tpu.memory_space<vmem>> -> memref<1x8192xf32, #tpu.memory_space<vmem>>
    %dma_start3A_292 = tpu.memref_squeeze %dma_start3A_291 : memref<1x8192xf32, #tpu.memory_space<vmem>> -> memref<8192xf32, #tpu.memory_space<vmem>>
    tpu.enqueue_dma source(%dma_start3A_292 : memref<8192xf32, #tpu.memory_space<vmem>>) target(%dma_start3A_289 : memref<8192xf32, #tpu.memory_space<hbm>>) target_semaphore(%arg13 : memref<!tpu.dma_semaphore, #tpu.memory_space<semaphore_mem>>)
    %dma_start3A_293 = arith.constant 1 : i32
    %dma_start3A_294 = arith.constant 0 : i32
    %dma_start3A_295 = tpu.memref_slice %arg9[%dma_start3A_293, %dma_start3A_294] : memref<4x8192xf32, #tpu.memory_space<vmem>> -> memref<1x8192xf32, #tpu.memory_space<vmem>>
    %dma_start3A_296 = tpu.memref_squeeze %dma_start3A_295 : memref<1x8192xf32, #tpu.memory_space<vmem>> -> memref<8192xf32, #tpu.memory_space<vmem>>
    %dma_start3A_297 = tpu.memref_slice %arg4[%add3A_279] : memref<4194304xf32, #tpu.memory_space<hbm>> -> memref<8192xf32, #tpu.memory_space<hbm>>
    %dma_start3A_298 = tpu.memref_slice %arg4[%add3A_279] : memref<4194304xf32, #tpu.memory_space<hbm>> -> memref<8192xf32, #tpu.memory_space<hbm>>
    %dma_start3A_299 = arith.constant 0 : i32
    %dma_start3A_300 = tpu.memref_slice %arg9[%dma_start3A_293, %dma_start3A_299] : memref<4x8192xf32, #tpu.memory_space<vmem>> -> memref<1x8192xf32, #tpu.memory_space<vmem>>
    %dma_start3A_301 = tpu.memref_squeeze %dma_start3A_300 : memref<1x8192xf32, #tpu.memory_space<vmem>> -> memref<8192xf32, #tpu.memory_space<vmem>>
    tpu.enqueue_dma source(%dma_start3A_301 : memref<8192xf32, #tpu.memory_space<vmem>>) target(%dma_start3A_298 : memref<8192xf32, #tpu.memory_space<hbm>>) target_semaphore(%arg13 : memref<!tpu.dma_semaphore, #tpu.memory_space<semaphore_mem>>)
    %dma_start3A_302 = arith.constant 2 : i32
    %dma_start3A_303 = arith.constant 0 : i32
    %dma_start3A_304 = tpu.memref_slice %arg9[%dma_start3A_302, %dma_start3A_303] : memref<4x8192xf32, #tpu.memory_space<vmem>> -> memref<1x8192xf32, #tpu.memory_space<vmem>>
    %dma_start3A_305 = tpu.memref_squeeze %dma_start3A_304 : memref<1x8192xf32, #tpu.memory_space<vmem>> -> memref<8192xf32, #tpu.memory_space<vmem>>
    %dma_start3A_306 = tpu.memref_slice %arg4[%add3A_281] : memref<4194304xf32, #tpu.memory_space<hbm>> -> memref<8192xf32, #tpu.memory_space<hbm>>
    %dma_start3A_307 = tpu.memref_slice %arg4[%add3A_281] : memref<4194304xf32, #tpu.memory_space<hbm>> -> memref<8192xf32, #tpu.memory_space<hbm>>
    %dma_start3A_308 = arith.constant 0 : i32
    %dma_start3A_309 = tpu.memref_slice %arg9[%dma_start3A_302, %dma_start3A_308] : memref<4x8192xf32, #tpu.memory_space<vmem>> -> memref<1x8192xf32, #tpu.memory_space<vmem>>
    %dma_start3A_310 = tpu.memref_squeeze %dma_start3A_309 : memref<1x8192xf32, #tpu.memory_space<vmem>> -> memref<8192xf32, #tpu.memory_space<vmem>>
    tpu.enqueue_dma source(%dma_start3A_310 : memref<8192xf32, #tpu.memory_space<vmem>>) target(%dma_start3A_307 : memref<8192xf32, #tpu.memory_space<hbm>>) target_semaphore(%arg13 : memref<!tpu.dma_semaphore, #tpu.memory_space<semaphore_mem>>)
    %dma_start3A_311 = arith.constant 3 : i32
    %dma_start3A_312 = arith.constant 0 : i32
    %dma_start3A_313 = tpu.memref_slice %arg9[%dma_start3A_311, %dma_start3A_312] : memref<4x8192xf32, #tpu.memory_space<vmem>> -> memref<1x8192xf32, #tpu.memory_space<vmem>>
    %dma_start3A_314 = tpu.memref_squeeze %dma_start3A_313 : memref<1x8192xf32, #tpu.memory_space<vmem>> -> memref<8192xf32, #tpu.memory_space<vmem>>
    %dma_start3A_315 = tpu.memref_slice %arg4[%add3A_283] : memref<4194304xf32, #tpu.memory_space<hbm>> -> memref<8192xf32, #tpu.memory_space<hbm>>
    %dma_start3A_316 = tpu.memref_slice %arg4[%add3A_283] : memref<4194304xf32, #tpu.memory_space<hbm>> -> memref<8192xf32, #tpu.memory_space<hbm>>
    %dma_start3A_317 = arith.constant 0 : i32
    %dma_start3A_318 = tpu.memref_slice %arg9[%dma_start3A_311, %dma_start3A_317] : memref<4x8192xf32, #tpu.memory_space<vmem>> -> memref<1x8192xf32, #tpu.memory_space<vmem>>
    %dma_start3A_319 = tpu.memref_squeeze %dma_start3A_318 : memref<1x8192xf32, #tpu.memory_space<vmem>> -> memref<8192xf32, #tpu.memory_space<vmem>>
    tpu.enqueue_dma source(%dma_start3A_319 : memref<8192xf32, #tpu.memory_space<vmem>>) target(%dma_start3A_316 : memref<8192xf32, #tpu.memory_space<hbm>>) target_semaphore(%arg13 : memref<!tpu.dma_semaphore, #tpu.memory_space<semaphore_mem>>)
    %add3A_320 = arith.constant 2097152 : i32
    %add3A_321 = arith.addi %add3A_320, %mul3A_2 : i32
    %add3A_322 = arith.constant 0 : i32
    %add3A_323 = arith.addi %add3A_321, %add3A_322 : i32
    %add3A_324 = arith.constant 262144 : i32
    %add3A_325 = arith.addi %add3A_321, %add3A_324 : i32
    %add3A_326 = arith.constant 524288 : i32
    %add3A_327 = arith.addi %add3A_321, %add3A_326 : i32
    %add3A_328 = arith.constant 786432 : i32
    %add3A_329 = arith.addi %add3A_321, %add3A_328 : i32
    %dma_wait3A_330 = arith.constant 0 : i32
    %dma_wait3A_331 = arith.constant 0 : i32
    %dma_wait3A_332 = tpu.memref_slice %arg8[%dma_wait3A_330, %dma_wait3A_331] : memref<4x8192xf32, #tpu.memory_space<vmem>> -> memref<1x8192xf32, #tpu.memory_space<vmem>>
    %dma_wait3A_333 = tpu.memref_squeeze %dma_wait3A_332 : memref<1x8192xf32, #tpu.memory_space<vmem>> -> memref<8192xf32, #tpu.memory_space<vmem>>
    %dma_wait3A_334 = tpu.memref_slice %arg4[%add3A_323] : memref<4194304xf32, #tpu.memory_space<hbm>> -> memref<8192xf32, #tpu.memory_space<hbm>>
    %dma_wait3A_335 = tpu.memref_slice %arg4[%add3A_323] : memref<4194304xf32, #tpu.memory_space<hbm>> -> memref<8192xf32, #tpu.memory_space<hbm>>
    %dma_wait3A_336 = arith.constant 0 : i32
    %dma_wait3A_337 = tpu.memref_slice %arg8[%dma_wait3A_330, %dma_wait3A_336] : memref<4x8192xf32, #tpu.memory_space<vmem>> -> memref<1x8192xf32, #tpu.memory_space<vmem>>
    %dma_wait3A_338 = tpu.memref_squeeze %dma_wait3A_337 : memref<1x8192xf32, #tpu.memory_space<vmem>> -> memref<8192xf32, #tpu.memory_space<vmem>>
    tpu.wait_dma2 semaphore(%arg12 : memref<!tpu.dma_semaphore, #tpu.memory_space<semaphore_mem>>) src(%dma_wait3A_338 : memref<8192xf32, #tpu.memory_space<vmem>>) dst(%dma_wait3A_335 : memref<8192xf32, #tpu.memory_space<hbm>>)
    %dma_wait3A_339 = arith.constant 1 : i32
    %dma_wait3A_340 = arith.constant 0 : i32
    %dma_wait3A_341 = tpu.memref_slice %arg8[%dma_wait3A_339, %dma_wait3A_340] : memref<4x8192xf32, #tpu.memory_space<vmem>> -> memref<1x8192xf32, #tpu.memory_space<vmem>>
    %dma_wait3A_342 = tpu.memref_squeeze %dma_wait3A_341 : memref<1x8192xf32, #tpu.memory_space<vmem>> -> memref<8192xf32, #tpu.memory_space<vmem>>
    %dma_wait3A_343 = tpu.memref_slice %arg4[%add3A_325] : memref<4194304xf32, #tpu.memory_space<hbm>> -> memref<8192xf32, #tpu.memory_space<hbm>>
    %dma_wait3A_344 = tpu.memref_slice %arg4[%add3A_325] : memref<4194304xf32, #tpu.memory_space<hbm>> -> memref<8192xf32, #tpu.memory_space<hbm>>
    %dma_wait3A_345 = arith.constant 0 : i32
    %dma_wait3A_346 = tpu.memref_slice %arg8[%dma_wait3A_339, %dma_wait3A_345] : memref<4x8192xf32, #tpu.memory_space<vmem>> -> memref<1x8192xf32, #tpu.memory_space<vmem>>
    %dma_wait3A_347 = tpu.memref_squeeze %dma_wait3A_346 : memref<1x8192xf32, #tpu.memory_space<vmem>> -> memref<8192xf32, #tpu.memory_space<vmem>>
    tpu.wait_dma2 semaphore(%arg12 : memref<!tpu.dma_semaphore, #tpu.memory_space<semaphore_mem>>) src(%dma_wait3A_347 : memref<8192xf32, #tpu.memory_space<vmem>>) dst(%dma_wait3A_344 : memref<8192xf32, #tpu.memory_space<hbm>>)
    %dma_wait3A_348 = arith.constant 2 : i32
    %dma_wait3A_349 = arith.constant 0 : i32
    %dma_wait3A_350 = tpu.memref_slice %arg8[%dma_wait3A_348, %dma_wait3A_349] : memref<4x8192xf32, #tpu.memory_space<vmem>> -> memref<1x8192xf32, #tpu.memory_space<vmem>>
    %dma_wait3A_351 = tpu.memref_squeeze %dma_wait3A_350 : memref<1x8192xf32, #tpu.memory_space<vmem>> -> memref<8192xf32, #tpu.memory_space<vmem>>
    %dma_wait3A_352 = tpu.memref_slice %arg4[%add3A_327] : memref<4194304xf32, #tpu.memory_space<hbm>> -> memref<8192xf32, #tpu.memory_space<hbm>>
    %dma_wait3A_353 = tpu.memref_slice %arg4[%add3A_327] : memref<4194304xf32, #tpu.memory_space<hbm>> -> memref<8192xf32, #tpu.memory_space<hbm>>
    %dma_wait3A_354 = arith.constant 0 : i32
    %dma_wait3A_355 = tpu.memref_slice %arg8[%dma_wait3A_348, %dma_wait3A_354] : memref<4x8192xf32, #tpu.memory_space<vmem>> -> memref<1x8192xf32, #tpu.memory_space<vmem>>
    %dma_wait3A_356 = tpu.memref_squeeze %dma_wait3A_355 : memref<1x8192xf32, #tpu.memory_space<vmem>> -> memref<8192xf32, #tpu.memory_space<vmem>>
    tpu.wait_dma2 semaphore(%arg12 : memref<!tpu.dma_semaphore, #tpu.memory_space<semaphore_mem>>) src(%dma_wait3A_356 : memref<8192xf32, #tpu.memory_space<vmem>>) dst(%dma_wait3A_353 : memref<8192xf32, #tpu.memory_space<hbm>>)
    %dma_wait3A_357 = arith.constant 3 : i32
    %dma_wait3A_358 = arith.constant 0 : i32
    %dma_wait3A_359 = tpu.memref_slice %arg8[%dma_wait3A_357, %dma_wait3A_358] : memref<4x8192xf32, #tpu.memory_space<vmem>> -> memref<1x8192xf32, #tpu.memory_space<vmem>>
    %dma_wait3A_360 = tpu.memref_squeeze %dma_wait3A_359 : memref<1x8192xf32, #tpu.memory_space<vmem>> -> memref<8192xf32, #tpu.memory_space<vmem>>
    %dma_wait3A_361 = tpu.memref_slice %arg4[%add3A_329] : memref<4194304xf32, #tpu.memory_space<hbm>> -> memref<8192xf32, #tpu.memory_space<hbm>>
    %dma_wait3A_362 = tpu.memref_slice %arg4[%add3A_329] : memref<4194304xf32, #tpu.memory_space<hbm>> -> memref<8192xf32, #tpu.memory_space<hbm>>
    %dma_wait3A_363 = arith.constant 0 : i32
    %dma_wait3A_364 = tpu.memref_slice %arg8[%dma_wait3A_357, %dma_wait3A_363] : memref<4x8192xf32, #tpu.memory_space<vmem>> -> memref<1x8192xf32, #tpu.memory_space<vmem>>
    %dma_wait3A_365 = tpu.memref_squeeze %dma_wait3A_364 : memref<1x8192xf32, #tpu.memory_space<vmem>> -> memref<8192xf32, #tpu.memory_space<vmem>>
    tpu.wait_dma2 semaphore(%arg12 : memref<!tpu.dma_semaphore, #tpu.memory_space<semaphore_mem>>) src(%dma_wait3A_365 : memref<8192xf32, #tpu.memory_space<vmem>>) dst(%dma_wait3A_362 : memref<8192xf32, #tpu.memory_space<hbm>>)
    %add3A_366 = arith.constant 3145728 : i32
    %add3A_367 = arith.addi %add3A_366, %mul3A_2 : i32
    %add3A_368 = arith.constant 0 : i32
    %add3A_369 = arith.addi %add3A_367, %add3A_368 : i32
    %add3A_370 = arith.constant 262144 : i32
    %add3A_371 = arith.addi %add3A_367, %add3A_370 : i32
    %add3A_372 = arith.constant 524288 : i32
    %add3A_373 = arith.addi %add3A_367, %add3A_372 : i32
    %add3A_374 = arith.constant 786432 : i32
    %add3A_375 = arith.addi %add3A_367, %add3A_374 : i32
    %dma_wait3A_376 = arith.constant 0 : i32
    %dma_wait3A_377 = arith.constant 0 : i32
    %dma_wait3A_378 = tpu.memref_slice %arg9[%dma_wait3A_376, %dma_wait3A_377] : memref<4x8192xf32, #tpu.memory_space<vmem>> -> memref<1x8192xf32, #tpu.memory_space<vmem>>
    %dma_wait3A_379 = tpu.memref_squeeze %dma_wait3A_378 : memref<1x8192xf32, #tpu.memory_space<vmem>> -> memref<8192xf32, #tpu.memory_space<vmem>>
    %dma_wait3A_380 = tpu.memref_slice %arg4[%add3A_369] : memref<4194304xf32, #tpu.memory_space<hbm>> -> memref<8192xf32, #tpu.memory_space<hbm>>
    %dma_wait3A_381 = tpu.memref_slice %arg4[%add3A_369] : memref<4194304xf32, #tpu.memory_space<hbm>> -> memref<8192xf32, #tpu.memory_space<hbm>>
    %dma_wait3A_382 = arith.constant 0 : i32
    %dma_wait3A_383 = tpu.memref_slice %arg9[%dma_wait3A_376, %dma_wait3A_382] : memref<4x8192xf32, #tpu.memory_space<vmem>> -> memref<1x8192xf32, #tpu.memory_space<vmem>>
    %dma_wait3A_384 = tpu.memref_squeeze %dma_wait3A_383 : memref<1x8192xf32, #tpu.memory_space<vmem>> -> memref<8192xf32, #tpu.memory_space<vmem>>
    tpu.wait_dma2 semaphore(%arg13 : memref<!tpu.dma_semaphore, #tpu.memory_space<semaphore_mem>>) src(%dma_wait3A_384 : memref<8192xf32, #tpu.memory_space<vmem>>) dst(%dma_wait3A_381 : memref<8192xf32, #tpu.memory_space<hbm>>)
    %dma_wait3A_385 = arith.constant 1 : i32
    %dma_wait3A_386 = arith.constant 0 : i32
    %dma_wait3A_387 = tpu.memref_slice %arg9[%dma_wait3A_385, %dma_wait3A_386] : memref<4x8192xf32, #tpu.memory_space<vmem>> -> memref<1x8192xf32, #tpu.memory_space<vmem>>
    %dma_wait3A_388 = tpu.memref_squeeze %dma_wait3A_387 : memref<1x8192xf32, #tpu.memory_space<vmem>> -> memref<8192xf32, #tpu.memory_space<vmem>>
    %dma_wait3A_389 = tpu.memref_slice %arg4[%add3A_371] : memref<4194304xf32, #tpu.memory_space<hbm>> -> memref<8192xf32, #tpu.memory_space<hbm>>
    %dma_wait3A_390 = tpu.memref_slice %arg4[%add3A_371] : memref<4194304xf32, #tpu.memory_space<hbm>> -> memref<8192xf32, #tpu.memory_space<hbm>>
    %dma_wait3A_391 = arith.constant 0 : i32
    %dma_wait3A_392 = tpu.memref_slice %arg9[%dma_wait3A_385, %dma_wait3A_391] : memref<4x8192xf32, #tpu.memory_space<vmem>> -> memref<1x8192xf32, #tpu.memory_space<vmem>>
    %dma_wait3A_393 = tpu.memref_squeeze %dma_wait3A_392 : memref<1x8192xf32, #tpu.memory_space<vmem>> -> memref<8192xf32, #tpu.memory_space<vmem>>
    tpu.wait_dma2 semaphore(%arg13 : memref<!tpu.dma_semaphore, #tpu.memory_space<semaphore_mem>>) src(%dma_wait3A_393 : memref<8192xf32, #tpu.memory_space<vmem>>) dst(%dma_wait3A_390 : memref<8192xf32, #tpu.memory_space<hbm>>)
    %dma_wait3A_394 = arith.constant 2 : i32
    %dma_wait3A_395 = arith.constant 0 : i32
    %dma_wait3A_396 = tpu.memref_slice %arg9[%dma_wait3A_394, %dma_wait3A_395] : memref<4x8192xf32, #tpu.memory_space<vmem>> -> memref<1x8192xf32, #tpu.memory_space<vmem>>
    %dma_wait3A_397 = tpu.memref_squeeze %dma_wait3A_396 : memref<1x8192xf32, #tpu.memory_space<vmem>> -> memref<8192xf32, #tpu.memory_space<vmem>>
    %dma_wait3A_398 = tpu.memref_slice %arg4[%add3A_373] : memref<4194304xf32, #tpu.memory_space<hbm>> -> memref<8192xf32, #tpu.memory_space<hbm>>
    %dma_wait3A_399 = tpu.memref_slice %arg4[%add3A_373] : memref<4194304xf32, #tpu.memory_space<hbm>> -> memref<8192xf32, #tpu.memory_space<hbm>>
    %dma_wait3A_400 = arith.constant 0 : i32
    %dma_wait3A_401 = tpu.memref_slice %arg9[%dma_wait3A_394, %dma_wait3A_400] : memref<4x8192xf32, #tpu.memory_space<vmem>> -> memref<1x8192xf32, #tpu.memory_space<vmem>>
    %dma_wait3A_402 = tpu.memref_squeeze %dma_wait3A_401 : memref<1x8192xf32, #tpu.memory_space<vmem>> -> memref<8192xf32, #tpu.memory_space<vmem>>
    tpu.wait_dma2 semaphore(%arg13 : memref<!tpu.dma_semaphore, #tpu.memory_space<semaphore_mem>>) src(%dma_wait3A_402 : memref<8192xf32, #tpu.memory_space<vmem>>) dst(%dma_wait3A_399 : memref<8192xf32, #tpu.memory_space<hbm>>)
    %dma_wait3A_403 = arith.constant 3 : i32
    %dma_wait3A_404 = arith.constant 0 : i32
    %dma_wait3A_405 = tpu.memref_slice %arg9[%dma_wait3A_403, %dma_wait3A_404] : memref<4x8192xf32, #tpu.memory_space<vmem>> -> memref<1x8192xf32, #tpu.memory_space<vmem>>
    %dma_wait3A_406 = tpu.memref_squeeze %dma_wait3A_405 : memref<1x8192xf32, #tpu.memory_space<vmem>> -> memref<8192xf32, #tpu.memory_space<vmem>>
    %dma_wait3A_407 = tpu.memref_slice %arg4[%add3A_375] : memref<4194304xf32, #tpu.memory_space<hbm>> -> memref<8192xf32, #tpu.memory_space<hbm>>
    %dma_wait3A_408 = tpu.memref_slice %arg4[%add3A_375] : memref<4194304xf32, #tpu.memory_space<hbm>> -> memref<8192xf32, #tpu.memory_space<hbm>>
    %dma_wait3A_409 = arith.constant 0 : i32
    %dma_wait3A_410 = tpu.memref_slice %arg9[%dma_wait3A_403, %dma_wait3A_409] : memref<4x8192xf32, #tpu.memory_space<vmem>> -> memref<1x8192xf32, #tpu.memory_space<vmem>>
    %dma_wait3A_411 = tpu.memref_squeeze %dma_wait3A_410 : memref<1x8192xf32, #tpu.memory_space<vmem>> -> memref<8192xf32, #tpu.memory_space<vmem>>
    tpu.wait_dma2 semaphore(%arg13 : memref<!tpu.dma_semaphore, #tpu.memory_space<semaphore_mem>>) src(%dma_wait3A_411 : memref<8192xf32, #tpu.memory_space<vmem>>) dst(%dma_wait3A_408 : memref<8192xf32, #tpu.memory_space<hbm>>)
    return
  }
}

module attributes {stable_mosaic.version = 14 : i64} {
  func.func @_index_kernel(%arg0: i32, %arg1: memref<1x4x512x512xf32, #tpu.memory_space<vmem>>, %arg2: memref<1x2048x128xi32, #tpu.memory_space<vmem>>, %arg3: memref<528x768xi32, #tpu.memory_space<vmem>>) attributes {dimension_semantics = [#tpu.dimension_semantics<arbitrary>], iteration_bounds = array<i64: 4>, scalar_prefetch = 0 : i64, scratch_operands = 1 : i64, tpu.core_type = #tpu.core_type<tc>, window_params = [{transform_indices = @transform_0, window_bounds = array<i64: 1, 4, 512, 512>}, {transform_indices = @transform_1, window_bounds = array<i64: 1, 2048, 128>}]} {
    %eq3A = arith.constant 0 : i32
    %eq3A_0 = arith.cmpi eq, %arg0, %eq3A : i32
    %convert_element_type3A = arith.extui %eq3A_0 : i1 to i32
    %cond3A = arith.constant 0 : i32
    %cond3A_1 = arith.cmpi ne, %convert_element_type3A, %cond3A : i32
    scf.if %cond3A_1 {
      %broadcast_in_dim3A_220 = arith.constant 0 : i32
      %broadcast_in_dim3A_221 = vector.broadcast %broadcast_in_dim3A_220 : i32 to vector<528x768xi32>
      %swap3A_222 = arith.constant 0 : index
      %swap3A_223 = arith.constant 0 : index
      %swap3A_224 = vector.load %arg3[%swap3A_222, %swap3A_223] : memref<528x768xi32, #tpu.memory_space<vmem>>, vector<528x768xi32>
      tpu.vector_store %arg3[%swap3A_222, %swap3A_223], %broadcast_in_dim3A_221 {strides = array<i32>} : memref<528x768xi32, #tpu.memory_space<vmem>>, vector<528x768xi32>,
    } else {
    }
    %get3A = arith.constant 0 : index
    %get3A_2 = arith.constant 0 : index
    %get3A_3 = arith.constant 0 : index
    %get3A_4 = arith.constant 0 : index
    %get3A_5 = vector.load %arg1[%get3A, %get3A_2, %get3A_3, %get3A_4] : memref<1x4x512x512xf32, #tpu.memory_space<vmem>>, vector<1x1x512x512xf32>
    %get3A_6 = vector.shape_cast %get3A_5 : vector<1x1x512x512xf32> to vector<512x512xf32>
    %get3A_7 = arith.constant 0 : index
    %get3A_8 = arith.constant 1 : index
    %get3A_9 = arith.constant 0 : index
    %get3A_10 = arith.constant 0 : index
    %get3A_11 = vector.load %arg1[%get3A_7, %get3A_8, %get3A_9, %get3A_10] : memref<1x4x512x512xf32, #tpu.memory_space<vmem>>, vector<1x1x512x512xf32>
    %get3A_12 = vector.shape_cast %get3A_11 : vector<1x1x512x512xf32> to vector<512x512xf32>
    %get3A_13 = arith.constant 0 : index
    %get3A_14 = arith.constant 2 : index
    %get3A_15 = arith.constant 0 : index
    %get3A_16 = arith.constant 0 : index
    %get3A_17 = vector.load %arg1[%get3A_13, %get3A_14, %get3A_15, %get3A_16] : memref<1x4x512x512xf32, #tpu.memory_space<vmem>>, vector<1x1x512x512xf32>
    %get3A_18 = vector.shape_cast %get3A_17 : vector<1x1x512x512xf32> to vector<512x512xf32>
    %get3A_19 = arith.constant 0 : index
    %get3A_20 = arith.constant 3 : index
    %get3A_21 = arith.constant 0 : index
    %get3A_22 = arith.constant 0 : index
    %get3A_23 = vector.load %arg1[%get3A_19, %get3A_20, %get3A_21, %get3A_22] : memref<1x4x512x512xf32, #tpu.memory_space<vmem>>, vector<1x1x512x512xf32>
    %get3A_24 = vector.shape_cast %get3A_23 : vector<1x1x512x512xf32> to vector<512x512xf32>
    %max3A = arith.maximumf %get3A_6, %get3A_12 : vector<512x512xf32>
    %max3A_25 = arith.maximumf %max3A, %get3A_18 : vector<512x512xf32>
    %max3A_26 = arith.maximumf %max3A_25, %get3A_24 : vector<512x512xf32>
    %sub3A = arith.subf %get3A_6, %max3A_26 : vector<512x512xf32>
    %exp3A = math.exp %sub3A : vector<512x512xf32>
    %sub3A_27 = arith.subf %get3A_12, %max3A_26 : vector<512x512xf32>
    %exp3A_28 = math.exp %sub3A_27 : vector<512x512xf32>
    %sub3A_29 = arith.subf %get3A_18, %max3A_26 : vector<512x512xf32>
    %exp3A_30 = math.exp %sub3A_29 : vector<512x512xf32>
    %sub3A_31 = arith.subf %get3A_24, %max3A_26 : vector<512x512xf32>
    %exp3A_32 = math.exp %sub3A_31 : vector<512x512xf32>
    %add3A = arith.addf %exp3A, %exp3A_28 : vector<512x512xf32>
    %add3A_33 = arith.addf %add3A, %exp3A_30 : vector<512x512xf32>
    %add3A_34 = arith.addf %add3A_33, %exp3A_32 : vector<512x512xf32>
    %div3A = arith.constant 1.000000e+00 : f32
    %div3A_35 = vector.broadcast %div3A : f32 to vector<512x512xf32>
    %div3A_36 = arith.divf %div3A_35, %add3A_34 : vector<512x512xf32>
    %mul3A = arith.mulf %exp3A, %div3A_36 : vector<512x512xf32>
    %mul3A_37 = arith.mulf %exp3A_28, %div3A_36 : vector<512x512xf32>
    %mul3A_38 = arith.mulf %exp3A_30, %div3A_36 : vector<512x512xf32>
    %mul3A_39 = arith.mulf %exp3A_32, %div3A_36 : vector<512x512xf32>
    %broadcast_in_dim3A = arith.constant 0 : i32
    %broadcast_in_dim3A_40 = vector.broadcast %broadcast_in_dim3A : i32 to vector<512x512xi32>
    %gt3A = arith.cmpf ogt, %mul3A_37, %mul3A : vector<512x512xf32>
    %jit3A = arith.constant 1 : i32
    %broadcast_in_dim3A_41 = vector.broadcast %jit3A : i32 to vector<512x512xi32>
    %select_n3A = arith.select %gt3A, %broadcast_in_dim3A_41, %broadcast_in_dim3A_40 : vector<512x512xi1>, vector<512x512xi32>
    %select_n3A_42 = arith.select %gt3A, %mul3A_37, %mul3A : vector<512x512xi1>, vector<512x512xf32>
    %gt3A_43 = arith.cmpf ogt, %mul3A_38, %select_n3A_42 : vector<512x512xf32>
    %jit3A_44 = arith.constant 2 : i32
    %broadcast_in_dim3A_45 = vector.broadcast %jit3A_44 : i32 to vector<512x512xi32>
    %select_n3A_46 = arith.select %gt3A_43, %broadcast_in_dim3A_45, %select_n3A : vector<512x512xi1>, vector<512x512xi32>
    %select_n3A_47 = arith.select %gt3A_43, %mul3A_38, %select_n3A_42 : vector<512x512xi1>, vector<512x512xf32>
    %gt3A_48 = arith.cmpf ogt, %mul3A_39, %select_n3A_47 : vector<512x512xf32>
    %jit3A_49 = arith.constant 3 : i32
    %broadcast_in_dim3A_50 = vector.broadcast %jit3A_49 : i32 to vector<512x512xi32>
    %select_n3A_51 = arith.select %gt3A_48, %broadcast_in_dim3A_50, %select_n3A_46 : vector<512x512xi1>, vector<512x512xi32>
    %eq3A_52 = arith.constant 0 : i32
    %eq3A_53 = vector.broadcast %eq3A_52 : i32 to vector<512x512xi32>
    %eq3A_54 = arith.cmpi eq, %select_n3A_51, %eq3A_53 : vector<512x512xi32>
    %eq3A_55 = arith.constant 1 : i32
    %eq3A_56 = vector.broadcast %eq3A_55 : i32 to vector<512x512xi32>
    %eq3A_57 = arith.cmpi eq, %select_n3A_51, %eq3A_56 : vector<512x512xi32>
    %eq3A_58 = arith.constant 2 : i32
    %eq3A_59 = vector.broadcast %eq3A_58 : i32 to vector<512x512xi32>
    %eq3A_60 = arith.cmpi eq, %select_n3A_51, %eq3A_59 : vector<512x512xi32>
    %jit3A_61 = arith.constant 256 : i32
    %jit3A_62 = arith.constant 4096 : i32
    %broadcast_in_dim3A_63 = vector.broadcast %jit3A_61 : i32 to vector<512x512xi32>
    %broadcast_in_dim3A_64 = vector.broadcast %jit3A_62 : i32 to vector<512x512xi32>
    %select_n3A_65 = arith.select %eq3A_60, %broadcast_in_dim3A_63, %broadcast_in_dim3A_64 : vector<512x512xi1>, vector<512x512xi32>
    %jit3A_66 = arith.constant 16 : i32
    %broadcast_in_dim3A_67 = vector.broadcast %jit3A_66 : i32 to vector<512x512xi32>
    %select_n3A_68 = arith.select %eq3A_57, %broadcast_in_dim3A_67, %select_n3A_65 : vector<512x512xi1>, vector<512x512xi32>
    %jit3A_69 = arith.constant 1 : i32
    %broadcast_in_dim3A_70 = vector.broadcast %jit3A_69 : i32 to vector<512x512xi32>
    %select_n3A_71 = arith.select %eq3A_54, %broadcast_in_dim3A_70, %select_n3A_68 : vector<512x512xi1>, vector<512x512xi32>
    %swap3A = arith.constant 8 : index
    %swap3A_72 = arith.constant 128 : index
    %swap3A_73 = vector.load %arg3[%swap3A, %swap3A_72] : memref<528x768xi32, #tpu.memory_space<vmem>>, vector<512x512xi32>
    tpu.vector_store %arg3[%swap3A, %swap3A_72], %select_n3A_71 {strides = array<i32>} : memref<528x768xi32, #tpu.memory_space<vmem>>, vector<512x512xi32>,
    %get3A_74 = arith.constant 8 : index
    %get3A_75 = arith.constant 127 : index
    %get3A_76 = vector.load %arg3[%get3A_74, %get3A_75] : memref<528x768xi32, #tpu.memory_space<vmem>>, vector<512x512xi32>
    %get3A_77 = arith.constant 8 : index
    %get3A_78 = arith.constant 128 : index
    %get3A_79 = vector.load %arg3[%get3A_77, %get3A_78] : memref<528x768xi32, #tpu.memory_space<vmem>>, vector<512x512xi32>
    %add3A_80 = arith.addi %get3A_76, %get3A_79 : vector<512x512xi32>
    %get3A_81 = arith.constant 8 : index
    %get3A_82 = arith.constant 129 : index
    %get3A_83 = vector.load %arg3[%get3A_81, %get3A_82] : memref<528x768xi32, #tpu.memory_space<vmem>>, vector<512x512xi32>
    %add3A_84 = arith.addi %add3A_80, %get3A_83 : vector<512x512xi32>
    %swap3A_85 = arith.constant 8 : index
    %swap3A_86 = arith.constant 128 : index
    %swap3A_87 = vector.load %arg3[%swap3A_85, %swap3A_86] : memref<528x768xi32, #tpu.memory_space<vmem>>, vector<512x512xi32>
    tpu.vector_store %arg3[%swap3A_85, %swap3A_86], %add3A_84 {strides = array<i32>} : memref<528x768xi32, #tpu.memory_space<vmem>>, vector<512x512xi32>,
    %get3A_88 = arith.constant 7 : index
    %get3A_89 = arith.constant 128 : index
    %get3A_90 = vector.load %arg3[%get3A_88, %get3A_89] : memref<528x768xi32, #tpu.memory_space<vmem>>, vector<512x512xi32>
    %get3A_91 = arith.constant 8 : index
    %get3A_92 = arith.constant 128 : index
    %get3A_93 = vector.load %arg3[%get3A_91, %get3A_92] : memref<528x768xi32, #tpu.memory_space<vmem>>, vector<512x512xi32>
    %add3A_94 = arith.addi %get3A_90, %get3A_93 : vector<512x512xi32>
    %get3A_95 = arith.constant 9 : index
    %get3A_96 = arith.constant 128 : index
    %get3A_97 = vector.load %arg3[%get3A_95, %get3A_96] : memref<528x768xi32, #tpu.memory_space<vmem>>, vector<512x512xi32>
    %add3A_98 = arith.addi %add3A_94, %get3A_97 : vector<512x512xi32>
    %shift_right_arithmetic3A = arith.constant 0 : i32
    %shift_right_arithmetic3A_99 = vector.broadcast %shift_right_arithmetic3A : i32 to vector<512x512xi32>
    %shift_right_arithmetic3A_100 = arith.shrsi %add3A_98, %shift_right_arithmetic3A_99 : vector<512x512xi32>
    %and3A = arith.constant 15 : i32
    %and3A_101 = vector.broadcast %and3A : i32 to vector<512x512xi32>
    %and3A_102 = arith.andi %shift_right_arithmetic3A_100, %and3A_101 : vector<512x512xi32>
    %eq3A_103 = arith.constant 0 : i32
    %eq3A_104 = vector.broadcast %eq3A_103 : i32 to vector<512x512xi32>
    %eq3A_105 = arith.cmpi eq, %select_n3A_51, %eq3A_104 : vector<512x512xi32>
    %sub3A_106 = arith.constant 1 : i32
    %sub3A_107 = vector.broadcast %sub3A_106 : i32 to vector<512x512xi32>
    %sub3A_108 = arith.subi %and3A_102, %sub3A_107 : vector<512x512xi32>
    %sub3A_109 = arith.constant 8 : i32
    %sub3A_110 = vector.broadcast %sub3A_109 : i32 to vector<512x512xi32>
    %sub3A_111 = arith.subi %sub3A_110, %and3A_102 : vector<512x512xi32>
    %select_n3A_112 = arith.select %eq3A_105, %sub3A_108, %sub3A_111 : vector<512x512xi1>, vector<512x512xi32>
    %mul3A_113 = arith.constant 1.500000e+01 : f32
    %mul3A_114 = vector.broadcast %mul3A_113 : f32 to vector<512x512xf32>
    %mul3A_115 = arith.mulf %mul3A, %mul3A_114 : vector<512x512xf32>
    %convert_element_type3A_116 = arith.fptosi %mul3A_115 : vector<512x512xf32> to vector<512x512xi32>
    %min3A = arith.constant 14 : i32
    %min3A_117 = vector.broadcast %min3A : i32 to vector<512x512xi32>
    %min3A_118 = arith.minsi %convert_element_type3A_116, %min3A_117 : vector<512x512xi32>
    %shift_left3A = arith.constant 4 : i32
    %shift_left3A_119 = vector.broadcast %shift_left3A : i32 to vector<512x512xi32>
    %shift_left3A_120 = arith.shli %select_n3A_112, %shift_left3A_119 : vector<512x512xi32>
    %or3A = arith.ori %shift_left3A_120, %min3A_118 : vector<512x512xi32>
    %shift_right_arithmetic3A_121 = arith.constant 4 : i32
    %shift_right_arithmetic3A_122 = vector.broadcast %shift_right_arithmetic3A_121 : i32 to vector<512x512xi32>
    %shift_right_arithmetic3A_123 = arith.shrsi %add3A_98, %shift_right_arithmetic3A_122 : vector<512x512xi32>
    %and3A_124 = arith.constant 15 : i32
    %and3A_125 = vector.broadcast %and3A_124 : i32 to vector<512x512xi32>
    %and3A_126 = arith.andi %shift_right_arithmetic3A_123, %and3A_125 : vector<512x512xi32>
    %eq3A_127 = arith.constant 1 : i32
    %eq3A_128 = vector.broadcast %eq3A_127 : i32 to vector<512x512xi32>
    %eq3A_129 = arith.cmpi eq, %select_n3A_51, %eq3A_128 : vector<512x512xi32>
    %sub3A_130 = arith.constant 1 : i32
    %sub3A_131 = vector.broadcast %sub3A_130 : i32 to vector<512x512xi32>
    %sub3A_132 = arith.subi %and3A_126, %sub3A_131 : vector<512x512xi32>
    %sub3A_133 = arith.constant 8 : i32
    %sub3A_134 = vector.broadcast %sub3A_133 : i32 to vector<512x512xi32>
    %sub3A_135 = arith.subi %sub3A_134, %and3A_126 : vector<512x512xi32>
    %select_n3A_136 = arith.select %eq3A_129, %sub3A_132, %sub3A_135 : vector<512x512xi1>, vector<512x512xi32>
    %mul3A_137 = arith.constant 1.500000e+01 : f32
    %mul3A_138 = vector.broadcast %mul3A_137 : f32 to vector<512x512xf32>
    %mul3A_139 = arith.mulf %mul3A_37, %mul3A_138 : vector<512x512xf32>
    %convert_element_type3A_140 = arith.fptosi %mul3A_139 : vector<512x512xf32> to vector<512x512xi32>
    %min3A_141 = arith.constant 14 : i32
    %min3A_142 = vector.broadcast %min3A_141 : i32 to vector<512x512xi32>
    %min3A_143 = arith.minsi %convert_element_type3A_140, %min3A_142 : vector<512x512xi32>
    %shift_left3A_144 = arith.constant 4 : i32
    %shift_left3A_145 = vector.broadcast %shift_left3A_144 : i32 to vector<512x512xi32>
    %shift_left3A_146 = arith.shli %select_n3A_136, %shift_left3A_145 : vector<512x512xi32>
    %or3A_147 = arith.ori %shift_left3A_146, %min3A_143 : vector<512x512xi32>
    %shift_right_arithmetic3A_148 = arith.constant 8 : i32
    %shift_right_arithmetic3A_149 = vector.broadcast %shift_right_arithmetic3A_148 : i32 to vector<512x512xi32>
    %shift_right_arithmetic3A_150 = arith.shrsi %add3A_98, %shift_right_arithmetic3A_149 : vector<512x512xi32>
    %and3A_151 = arith.constant 15 : i32
    %and3A_152 = vector.broadcast %and3A_151 : i32 to vector<512x512xi32>
    %and3A_153 = arith.andi %shift_right_arithmetic3A_150, %and3A_152 : vector<512x512xi32>
    %eq3A_154 = arith.constant 2 : i32
    %eq3A_155 = vector.broadcast %eq3A_154 : i32 to vector<512x512xi32>
    %eq3A_156 = arith.cmpi eq, %select_n3A_51, %eq3A_155 : vector<512x512xi32>
    %sub3A_157 = arith.constant 1 : i32
    %sub3A_158 = vector.broadcast %sub3A_157 : i32 to vector<512x512xi32>
    %sub3A_159 = arith.subi %and3A_153, %sub3A_158 : vector<512x512xi32>
    %sub3A_160 = arith.constant 8 : i32
    %sub3A_161 = vector.broadcast %sub3A_160 : i32 to vector<512x512xi32>
    %sub3A_162 = arith.subi %sub3A_161, %and3A_153 : vector<512x512xi32>
    %select_n3A_163 = arith.select %eq3A_156, %sub3A_159, %sub3A_162 : vector<512x512xi1>, vector<512x512xi32>
    %mul3A_164 = arith.constant 1.500000e+01 : f32
    %mul3A_165 = vector.broadcast %mul3A_164 : f32 to vector<512x512xf32>
    %mul3A_166 = arith.mulf %mul3A_38, %mul3A_165 : vector<512x512xf32>
    %convert_element_type3A_167 = arith.fptosi %mul3A_166 : vector<512x512xf32> to vector<512x512xi32>
    %min3A_168 = arith.constant 14 : i32
    %min3A_169 = vector.broadcast %min3A_168 : i32 to vector<512x512xi32>
    %min3A_170 = arith.minsi %convert_element_type3A_167, %min3A_169 : vector<512x512xi32>
    %shift_left3A_171 = arith.constant 4 : i32
    %shift_left3A_172 = vector.broadcast %shift_left3A_171 : i32 to vector<512x512xi32>
    %shift_left3A_173 = arith.shli %select_n3A_163, %shift_left3A_172 : vector<512x512xi32>
    %or3A_174 = arith.ori %shift_left3A_173, %min3A_170 : vector<512x512xi32>
    %shift_right_arithmetic3A_175 = arith.constant 12 : i32
    %shift_right_arithmetic3A_176 = vector.broadcast %shift_right_arithmetic3A_175 : i32 to vector<512x512xi32>
    %shift_right_arithmetic3A_177 = arith.shrsi %add3A_98, %shift_right_arithmetic3A_176 : vector<512x512xi32>
    %and3A_178 = arith.constant 15 : i32
    %and3A_179 = vector.broadcast %and3A_178 : i32 to vector<512x512xi32>
    %and3A_180 = arith.andi %shift_right_arithmetic3A_177, %and3A_179 : vector<512x512xi32>
    %eq3A_181 = arith.constant 3 : i32
    %eq3A_182 = vector.broadcast %eq3A_181 : i32 to vector<512x512xi32>
    %eq3A_183 = arith.cmpi eq, %select_n3A_51, %eq3A_182 : vector<512x512xi32>
    %sub3A_184 = arith.constant 1 : i32
    %sub3A_185 = vector.broadcast %sub3A_184 : i32 to vector<512x512xi32>
    %sub3A_186 = arith.subi %and3A_180, %sub3A_185 : vector<512x512xi32>
    %sub3A_187 = arith.constant 8 : i32
    %sub3A_188 = vector.broadcast %sub3A_187 : i32 to vector<512x512xi32>
    %sub3A_189 = arith.subi %sub3A_188, %and3A_180 : vector<512x512xi32>
    %select_n3A_190 = arith.select %eq3A_183, %sub3A_186, %sub3A_189 : vector<512x512xi1>, vector<512x512xi32>
    %mul3A_191 = arith.constant 1.500000e+01 : f32
    %mul3A_192 = vector.broadcast %mul3A_191 : f32 to vector<512x512xf32>
    %mul3A_193 = arith.mulf %mul3A_39, %mul3A_192 : vector<512x512xf32>
    %convert_element_type3A_194 = arith.fptosi %mul3A_193 : vector<512x512xf32> to vector<512x512xi32>
    %min3A_195 = arith.constant 14 : i32
    %min3A_196 = vector.broadcast %min3A_195 : i32 to vector<512x512xi32>
    %min3A_197 = arith.minsi %convert_element_type3A_194, %min3A_196 : vector<512x512xi32>
    %shift_left3A_198 = arith.constant 4 : i32
    %shift_left3A_199 = vector.broadcast %shift_left3A_198 : i32 to vector<512x512xi32>
    %shift_left3A_200 = arith.shli %select_n3A_190, %shift_left3A_199 : vector<512x512xi32>
    %or3A_201 = arith.ori %shift_left3A_200, %min3A_197 : vector<512x512xi32>
    %shift_left3A_202 = arith.constant 8 : i32
    %shift_left3A_203 = vector.broadcast %shift_left3A_202 : i32 to vector<512x512xi32>
    %shift_left3A_204 = arith.shli %or3A_147, %shift_left3A_203 : vector<512x512xi32>
    %or3A_205 = arith.ori %or3A, %shift_left3A_204 : vector<512x512xi32>
    %shift_left3A_206 = arith.constant 16 : i32
    %shift_left3A_207 = vector.broadcast %shift_left3A_206 : i32 to vector<512x512xi32>
    %shift_left3A_208 = arith.shli %or3A_174, %shift_left3A_207 : vector<512x512xi32>
    %shift_left3A_209 = arith.constant 24 : i32
    %shift_left3A_210 = vector.broadcast %shift_left3A_209 : i32 to vector<512x512xi32>
    %shift_left3A_211 = arith.shli %or3A_201, %shift_left3A_210 : vector<512x512xi32>
    %or3A_212 = arith.ori %shift_left3A_208, %shift_left3A_211 : vector<512x512xi32>
    %or3A_213 = arith.ori %or3A_205, %or3A_212 : vector<512x512xi32>
    %reshape3A = vector.shape_cast %or3A_213 : vector<512x512xi32> to vector<2048x128xi32>
    %swap3A_214 = arith.constant 0 : index
    %swap3A_215 = arith.constant 0 : index
    %swap3A_216 = arith.constant 0 : index
    %swap3A_217 = vector.load %arg2[%swap3A_214, %swap3A_215, %swap3A_216] : memref<1x2048x128xi32, #tpu.memory_space<vmem>>, vector<1x2048x128xi32>
    %swap3A_218 = vector.shape_cast %swap3A_217 : vector<1x2048x128xi32> to vector<2048x128xi32>
    %swap3A_219 = vector.shape_cast %reshape3A : vector<2048x128xi32> to vector<1x2048x128xi32>
    tpu.vector_store %arg2[%swap3A_214, %swap3A_215, %swap3A_216], %swap3A_219 {strides = array<i32>} : memref<1x2048x128xi32, #tpu.memory_space<vmem>>, vector<1x2048x128xi32>,
    return
  }
  func.func @transform_0(%arg0: i32) -> (i32, i32, i32, i32) {
    %add3A = arith.constant 0 : i32
    %add3A_0 = arith.addi %arg0, %add3A : i32
    %c0_i32 = arith.constant 0 : i32
    %c0_i32_1 = arith.constant 0 : i32
    %c0_i32_2 = arith.constant 0 : i32
    %c0_i32_3 = arith.constant 0 : i32
    return %add3A_0, %c0_i32, %c0_i32_1, %c0_i32_2 : i32, i32, i32, i32
  }
  func.func @transform_1(%arg0: i32) -> (i32, i32, i32) {
    %c0_i32 = arith.constant 0 : i32
    %c0_i32_0 = arith.constant 0 : i32
    %c0_i32_1 = arith.constant 0 : i32
    return %arg0, %c0_i32, %c0_i32_0 : i32, i32, i32
  }
}

module attributes {stable_mosaic.version = 14 : i64} {
  func.func @_index_kernel(%arg0: i32, %arg1: memref<1x4x512x512xf32, #tpu.memory_space<vmem>>, %arg2: memref<1x2048x128xi32, #tpu.memory_space<vmem>>, %arg3: memref<528x768xi32, #tpu.memory_space<vmem>>) attributes {dimension_semantics = [#tpu.dimension_semantics<arbitrary>], iteration_bounds = array<i64: 4>, scalar_prefetch = 0 : i64, scratch_operands = 1 : i64, tpu.core_type = #tpu.core_type<tc>, window_params = [{transform_indices = @transform_0, window_bounds = array<i64: 1, 4, 512, 512>}, {transform_indices = @transform_1, window_bounds = array<i64: 1, 2048, 128>}]} {
    %eq3A = arith.constant 0 : i32
    %eq3A_0 = arith.cmpi eq, %arg0, %eq3A : i32
    %convert_element_type3A = arith.extui %eq3A_0 : i1 to i32
    %cond3A = arith.constant 0 : i32
    %cond3A_1 = arith.cmpi ne, %convert_element_type3A, %cond3A : i32
    scf.if %cond3A_1 {
      %broadcast_in_dim3A_220 = arith.constant 0 : i32
      %broadcast_in_dim3A_221 = vector.broadcast %broadcast_in_dim3A_220 : i32 to vector<528x768xi32>
      %swap3A_222 = arith.constant 0 : index
      %swap3A_223 = arith.constant 0 : index
      %swap3A_224 = vector.load %arg3[%swap3A_222, %swap3A_223] : memref<528x768xi32, #tpu.memory_space<vmem>>, vector<528x768xi32>
      tpu.vector_store %arg3[%swap3A_222, %swap3A_223], %broadcast_in_dim3A_221 {strides = array<i32>} : memref<528x768xi32, #tpu.memory_space<vmem>>, vector<528x768xi32>,
    } else {
    }
    %get3A = arith.constant 0 : index
    %get3A_2 = arith.constant 0 : index
    %get3A_3 = arith.constant 0 : index
    %get3A_4 = arith.constant 0 : index
    %get3A_5 = vector.load %arg1[%get3A, %get3A_2, %get3A_3, %get3A_4] : memref<1x4x512x512xf32, #tpu.memory_space<vmem>>, vector<1x1x512x512xf32>
    %get3A_6 = vector.shape_cast %get3A_5 : vector<1x1x512x512xf32> to vector<512x512xf32>
    %get3A_7 = arith.constant 0 : index
    %get3A_8 = arith.constant 1 : index
    %get3A_9 = arith.constant 0 : index
    %get3A_10 = arith.constant 0 : index
    %get3A_11 = vector.load %arg1[%get3A_7, %get3A_8, %get3A_9, %get3A_10] : memref<1x4x512x512xf32, #tpu.memory_space<vmem>>, vector<1x1x512x512xf32>
    %get3A_12 = vector.shape_cast %get3A_11 : vector<1x1x512x512xf32> to vector<512x512xf32>
    %get3A_13 = arith.constant 0 : index
    %get3A_14 = arith.constant 2 : index
    %get3A_15 = arith.constant 0 : index
    %get3A_16 = arith.constant 0 : index
    %get3A_17 = vector.load %arg1[%get3A_13, %get3A_14, %get3A_15, %get3A_16] : memref<1x4x512x512xf32, #tpu.memory_space<vmem>>, vector<1x1x512x512xf32>
    %get3A_18 = vector.shape_cast %get3A_17 : vector<1x1x512x512xf32> to vector<512x512xf32>
    %get3A_19 = arith.constant 0 : index
    %get3A_20 = arith.constant 3 : index
    %get3A_21 = arith.constant 0 : index
    %get3A_22 = arith.constant 0 : index
    %get3A_23 = vector.load %arg1[%get3A_19, %get3A_20, %get3A_21, %get3A_22] : memref<1x4x512x512xf32, #tpu.memory_space<vmem>>, vector<1x1x512x512xf32>
    %get3A_24 = vector.shape_cast %get3A_23 : vector<1x1x512x512xf32> to vector<512x512xf32>
    %max3A = arith.maximumf %get3A_6, %get3A_12 : vector<512x512xf32>
    %max3A_25 = arith.maximumf %max3A, %get3A_18 : vector<512x512xf32>
    %max3A_26 = arith.maximumf %max3A_25, %get3A_24 : vector<512x512xf32>
    %sub3A = arith.subf %get3A_6, %max3A_26 : vector<512x512xf32>
    %exp3A = math.exp %sub3A : vector<512x512xf32>
    %sub3A_27 = arith.subf %get3A_12, %max3A_26 : vector<512x512xf32>
    %exp3A_28 = math.exp %sub3A_27 : vector<512x512xf32>
    %sub3A_29 = arith.subf %get3A_18, %max3A_26 : vector<512x512xf32>
    %exp3A_30 = math.exp %sub3A_29 : vector<512x512xf32>
    %sub3A_31 = arith.subf %get3A_24, %max3A_26 : vector<512x512xf32>
    %exp3A_32 = math.exp %sub3A_31 : vector<512x512xf32>
    %add3A = arith.addf %exp3A, %exp3A_28 : vector<512x512xf32>
    %add3A_33 = arith.addf %add3A, %exp3A_30 : vector<512x512xf32>
    %add3A_34 = arith.addf %add3A_33, %exp3A_32 : vector<512x512xf32>
    %div3A = arith.constant 1.000000e+00 : f32
    %div3A_35 = vector.broadcast %div3A : f32 to vector<512x512xf32>
    %div3A_36 = arith.divf %div3A_35, %add3A_34 : vector<512x512xf32>
    %mul3A = arith.mulf %exp3A, %div3A_36 : vector<512x512xf32>
    %mul3A_37 = arith.mulf %exp3A_28, %div3A_36 : vector<512x512xf32>
    %mul3A_38 = arith.mulf %exp3A_30, %div3A_36 : vector<512x512xf32>
    %mul3A_39 = arith.mulf %exp3A_32, %div3A_36 : vector<512x512xf32>
    %broadcast_in_dim3A = arith.constant 0 : i32
    %broadcast_in_dim3A_40 = vector.broadcast %broadcast_in_dim3A : i32 to vector<512x512xi32>
    %gt3A = arith.cmpf ogt, %mul3A_37, %mul3A : vector<512x512xf32>
    %jit3A = arith.constant 1 : i32
    %broadcast_in_dim3A_41 = vector.broadcast %jit3A : i32 to vector<512x512xi32>
    %select_n3A = arith.select %gt3A, %broadcast_in_dim3A_41, %broadcast_in_dim3A_40 : vector<512x512xi1>, vector<512x512xi32>
    %select_n3A_42 = arith.select %gt3A, %mul3A_37, %mul3A : vector<512x512xi1>, vector<512x512xf32>
    %gt3A_43 = arith.cmpf ogt, %mul3A_38, %select_n3A_42 : vector<512x512xf32>
    %jit3A_44 = arith.constant 2 : i32
    %broadcast_in_dim3A_45 = vector.broadcast %jit3A_44 : i32 to vector<512x512xi32>
    %select_n3A_46 = arith.select %gt3A_43, %broadcast_in_dim3A_45, %select_n3A : vector<512x512xi1>, vector<512x512xi32>
    %select_n3A_47 = arith.select %gt3A_43, %mul3A_38, %select_n3A_42 : vector<512x512xi1>, vector<512x512xf32>
    %gt3A_48 = arith.cmpf ogt, %mul3A_39, %select_n3A_47 : vector<512x512xf32>
    %jit3A_49 = arith.constant 3 : i32
    %broadcast_in_dim3A_50 = vector.broadcast %jit3A_49 : i32 to vector<512x512xi32>
    %select_n3A_51 = arith.select %gt3A_48, %broadcast_in_dim3A_50, %select_n3A_46 : vector<512x512xi1>, vector<512x512xi32>
    %eq3A_52 = arith.constant 0 : i32
    %eq3A_53 = vector.broadcast %eq3A_52 : i32 to vector<512x512xi32>
    %eq3A_54 = arith.cmpi eq, %select_n3A_51, %eq3A_53 : vector<512x512xi32>
    %eq3A_55 = arith.constant 1 : i32
    %eq3A_56 = vector.broadcast %eq3A_55 : i32 to vector<512x512xi32>
    %eq3A_57 = arith.cmpi eq, %select_n3A_51, %eq3A_56 : vector<512x512xi32>
    %eq3A_58 = arith.constant 2 : i32
    %eq3A_59 = vector.broadcast %eq3A_58 : i32 to vector<512x512xi32>
    %eq3A_60 = arith.cmpi eq, %select_n3A_51, %eq3A_59 : vector<512x512xi32>
    %jit3A_61 = arith.constant 256 : i32
    %jit3A_62 = arith.constant 4096 : i32
    %broadcast_in_dim3A_63 = vector.broadcast %jit3A_61 : i32 to vector<512x512xi32>
    %broadcast_in_dim3A_64 = vector.broadcast %jit3A_62 : i32 to vector<512x512xi32>
    %select_n3A_65 = arith.select %eq3A_60, %broadcast_in_dim3A_63, %broadcast_in_dim3A_64 : vector<512x512xi1>, vector<512x512xi32>
    %jit3A_66 = arith.constant 16 : i32
    %broadcast_in_dim3A_67 = vector.broadcast %jit3A_66 : i32 to vector<512x512xi32>
    %select_n3A_68 = arith.select %eq3A_57, %broadcast_in_dim3A_67, %select_n3A_65 : vector<512x512xi1>, vector<512x512xi32>
    %jit3A_69 = arith.constant 1 : i32
    %broadcast_in_dim3A_70 = vector.broadcast %jit3A_69 : i32 to vector<512x512xi32>
    %select_n3A_71 = arith.select %eq3A_54, %broadcast_in_dim3A_70, %select_n3A_68 : vector<512x512xi1>, vector<512x512xi32>
    %swap3A = arith.constant 8 : index
    %swap3A_72 = arith.constant 128 : index
    %swap3A_73 = vector.load %arg3[%swap3A, %swap3A_72] : memref<528x768xi32, #tpu.memory_space<vmem>>, vector<512x512xi32>
    tpu.vector_store %arg3[%swap3A, %swap3A_72], %select_n3A_71 {strides = array<i32>} : memref<528x768xi32, #tpu.memory_space<vmem>>, vector<512x512xi32>,
    %get3A_74 = arith.constant 8 : index
    %get3A_75 = arith.constant 127 : index
    %get3A_76 = vector.load %arg3[%get3A_74, %get3A_75] : memref<528x768xi32, #tpu.memory_space<vmem>>, vector<512x512xi32>
    %get3A_77 = arith.constant 8 : index
    %get3A_78 = arith.constant 128 : index
    %get3A_79 = vector.load %arg3[%get3A_77, %get3A_78] : memref<528x768xi32, #tpu.memory_space<vmem>>, vector<512x512xi32>
    %add3A_80 = arith.addi %get3A_76, %get3A_79 : vector<512x512xi32>
    %get3A_81 = arith.constant 8 : index
    %get3A_82 = arith.constant 129 : index
    %get3A_83 = vector.load %arg3[%get3A_81, %get3A_82] : memref<528x768xi32, #tpu.memory_space<vmem>>, vector<512x512xi32>
    %add3A_84 = arith.addi %add3A_80, %get3A_83 : vector<512x512xi32>
    %swap3A_85 = arith.constant 8 : index
    %swap3A_86 = arith.constant 128 : index
    %swap3A_87 = vector.load %arg3[%swap3A_85, %swap3A_86] : memref<528x768xi32, #tpu.memory_space<vmem>>, vector<512x512xi32>
    tpu.vector_store %arg3[%swap3A_85, %swap3A_86], %add3A_84 {strides = array<i32>} : memref<528x768xi32, #tpu.memory_space<vmem>>, vector<512x512xi32>,
    %get3A_88 = arith.constant 7 : index
    %get3A_89 = arith.constant 128 : index
    %get3A_90 = vector.load %arg3[%get3A_88, %get3A_89] : memref<528x768xi32, #tpu.memory_space<vmem>>, vector<512x512xi32>
    %get3A_91 = arith.constant 8 : index
    %get3A_92 = arith.constant 128 : index
    %get3A_93 = vector.load %arg3[%get3A_91, %get3A_92] : memref<528x768xi32, #tpu.memory_space<vmem>>, vector<512x512xi32>
    %add3A_94 = arith.addi %get3A_90, %get3A_93 : vector<512x512xi32>
    %get3A_95 = arith.constant 9 : index
    %get3A_96 = arith.constant 128 : index
    %get3A_97 = vector.load %arg3[%get3A_95, %get3A_96] : memref<528x768xi32, #tpu.memory_space<vmem>>, vector<512x512xi32>
    %add3A_98 = arith.addi %add3A_94, %get3A_97 : vector<512x512xi32>
    %shift_right_arithmetic3A = arith.constant 0 : i32
    %shift_right_arithmetic3A_99 = vector.broadcast %shift_right_arithmetic3A : i32 to vector<512x512xi32>
    %shift_right_arithmetic3A_100 = arith.shrsi %add3A_98, %shift_right_arithmetic3A_99 : vector<512x512xi32>
    %and3A = arith.constant 15 : i32
    %and3A_101 = vector.broadcast %and3A : i32 to vector<512x512xi32>
    %and3A_102 = arith.andi %shift_right_arithmetic3A_100, %and3A_101 : vector<512x512xi32>
    %eq3A_103 = arith.constant 0 : i32
    %eq3A_104 = vector.broadcast %eq3A_103 : i32 to vector<512x512xi32>
    %eq3A_105 = arith.cmpi eq, %select_n3A_51, %eq3A_104 : vector<512x512xi32>
    %sub3A_106 = arith.constant 1 : i32
    %sub3A_107 = vector.broadcast %sub3A_106 : i32 to vector<512x512xi32>
    %sub3A_108 = arith.subi %and3A_102, %sub3A_107 : vector<512x512xi32>
    %sub3A_109 = arith.constant 8 : i32
    %sub3A_110 = vector.broadcast %sub3A_109 : i32 to vector<512x512xi32>
    %sub3A_111 = arith.subi %sub3A_110, %and3A_102 : vector<512x512xi32>
    %select_n3A_112 = arith.select %eq3A_105, %sub3A_108, %sub3A_111 : vector<512x512xi1>, vector<512x512xi32>
    %mul3A_113 = arith.constant 1.500000e+01 : f32
    %mul3A_114 = vector.broadcast %mul3A_113 : f32 to vector<512x512xf32>
    %mul3A_115 = arith.mulf %mul3A, %mul3A_114 : vector<512x512xf32>
    %convert_element_type3A_116 = arith.fptosi %mul3A_115 : vector<512x512xf32> to vector<512x512xi32>
    %min3A = arith.constant 14 : i32
    %min3A_117 = vector.broadcast %min3A : i32 to vector<512x512xi32>
    %min3A_118 = arith.minsi %convert_element_type3A_116, %min3A_117 : vector<512x512xi32>
    %shift_left3A = arith.constant 4 : i32
    %shift_left3A_119 = vector.broadcast %shift_left3A : i32 to vector<512x512xi32>
    %shift_left3A_120 = arith.shli %select_n3A_112, %shift_left3A_119 : vector<512x512xi32>
    %or3A = arith.ori %shift_left3A_120, %min3A_118 : vector<512x512xi32>
    %shift_right_arithmetic3A_121 = arith.constant 4 : i32
    %shift_right_arithmetic3A_122 = vector.broadcast %shift_right_arithmetic3A_121 : i32 to vector<512x512xi32>
    %shift_right_arithmetic3A_123 = arith.shrsi %add3A_98, %shift_right_arithmetic3A_122 : vector<512x512xi32>
    %and3A_124 = arith.constant 15 : i32
    %and3A_125 = vector.broadcast %and3A_124 : i32 to vector<512x512xi32>
    %and3A_126 = arith.andi %shift_right_arithmetic3A_123, %and3A_125 : vector<512x512xi32>
    %eq3A_127 = arith.constant 1 : i32
    %eq3A_128 = vector.broadcast %eq3A_127 : i32 to vector<512x512xi32>
    %eq3A_129 = arith.cmpi eq, %select_n3A_51, %eq3A_128 : vector<512x512xi32>
    %sub3A_130 = arith.constant 1 : i32
    %sub3A_131 = vector.broadcast %sub3A_130 : i32 to vector<512x512xi32>
    %sub3A_132 = arith.subi %and3A_126, %sub3A_131 : vector<512x512xi32>
    %sub3A_133 = arith.constant 8 : i32
    %sub3A_134 = vector.broadcast %sub3A_133 : i32 to vector<512x512xi32>
    %sub3A_135 = arith.subi %sub3A_134, %and3A_126 : vector<512x512xi32>
    %select_n3A_136 = arith.select %eq3A_129, %sub3A_132, %sub3A_135 : vector<512x512xi1>, vector<512x512xi32>
    %mul3A_137 = arith.constant 1.500000e+01 : f32
    %mul3A_138 = vector.broadcast %mul3A_137 : f32 to vector<512x512xf32>
    %mul3A_139 = arith.mulf %mul3A_37, %mul3A_138 : vector<512x512xf32>
    %convert_element_type3A_140 = arith.fptosi %mul3A_139 : vector<512x512xf32> to vector<512x512xi32>
    %min3A_141 = arith.constant 14 : i32
    %min3A_142 = vector.broadcast %min3A_141 : i32 to vector<512x512xi32>
    %min3A_143 = arith.minsi %convert_element_type3A_140, %min3A_142 : vector<512x512xi32>
    %shift_left3A_144 = arith.constant 4 : i32
    %shift_left3A_145 = vector.broadcast %shift_left3A_144 : i32 to vector<512x512xi32>
    %shift_left3A_146 = arith.shli %select_n3A_136, %shift_left3A_145 : vector<512x512xi32>
    %or3A_147 = arith.ori %shift_left3A_146, %min3A_143 : vector<512x512xi32>
    %shift_right_arithmetic3A_148 = arith.constant 8 : i32
    %shift_right_arithmetic3A_149 = vector.broadcast %shift_right_arithmetic3A_148 : i32 to vector<512x512xi32>
    %shift_right_arithmetic3A_150 = arith.shrsi %add3A_98, %shift_right_arithmetic3A_149 : vector<512x512xi32>
    %and3A_151 = arith.constant 15 : i32
    %and3A_152 = vector.broadcast %and3A_151 : i32 to vector<512x512xi32>
    %and3A_153 = arith.andi %shift_right_arithmetic3A_150, %and3A_152 : vector<512x512xi32>
    %eq3A_154 = arith.constant 2 : i32
    %eq3A_155 = vector.broadcast %eq3A_154 : i32 to vector<512x512xi32>
    %eq3A_156 = arith.cmpi eq, %select_n3A_51, %eq3A_155 : vector<512x512xi32>
    %sub3A_157 = arith.constant 1 : i32
    %sub3A_158 = vector.broadcast %sub3A_157 : i32 to vector<512x512xi32>
    %sub3A_159 = arith.subi %and3A_153, %sub3A_158 : vector<512x512xi32>
    %sub3A_160 = arith.constant 8 : i32
    %sub3A_161 = vector.broadcast %sub3A_160 : i32 to vector<512x512xi32>
    %sub3A_162 = arith.subi %sub3A_161, %and3A_153 : vector<512x512xi32>
    %select_n3A_163 = arith.select %eq3A_156, %sub3A_159, %sub3A_162 : vector<512x512xi1>, vector<512x512xi32>
    %mul3A_164 = arith.constant 1.500000e+01 : f32
    %mul3A_165 = vector.broadcast %mul3A_164 : f32 to vector<512x512xf32>
    %mul3A_166 = arith.mulf %mul3A_38, %mul3A_165 : vector<512x512xf32>
    %convert_element_type3A_167 = arith.fptosi %mul3A_166 : vector<512x512xf32> to vector<512x512xi32>
    %min3A_168 = arith.constant 14 : i32
    %min3A_169 = vector.broadcast %min3A_168 : i32 to vector<512x512xi32>
    %min3A_170 = arith.minsi %convert_element_type3A_167, %min3A_169 : vector<512x512xi32>
    %shift_left3A_171 = arith.constant 4 : i32
    %shift_left3A_172 = vector.broadcast %shift_left3A_171 : i32 to vector<512x512xi32>
    %shift_left3A_173 = arith.shli %select_n3A_163, %shift_left3A_172 : vector<512x512xi32>
    %or3A_174 = arith.ori %shift_left3A_173, %min3A_170 : vector<512x512xi32>
    %shift_right_arithmetic3A_175 = arith.constant 12 : i32
    %shift_right_arithmetic3A_176 = vector.broadcast %shift_right_arithmetic3A_175 : i32 to vector<512x512xi32>
    %shift_right_arithmetic3A_177 = arith.shrsi %add3A_98, %shift_right_arithmetic3A_176 : vector<512x512xi32>
    %and3A_178 = arith.constant 15 : i32
    %and3A_179 = vector.broadcast %and3A_178 : i32 to vector<512x512xi32>
    %and3A_180 = arith.andi %shift_right_arithmetic3A_177, %and3A_179 : vector<512x512xi32>
    %eq3A_181 = arith.constant 3 : i32
    %eq3A_182 = vector.broadcast %eq3A_181 : i32 to vector<512x512xi32>
    %eq3A_183 = arith.cmpi eq, %select_n3A_51, %eq3A_182 : vector<512x512xi32>
    %sub3A_184 = arith.constant 1 : i32
    %sub3A_185 = vector.broadcast %sub3A_184 : i32 to vector<512x512xi32>
    %sub3A_186 = arith.subi %and3A_180, %sub3A_185 : vector<512x512xi32>
    %sub3A_187 = arith.constant 8 : i32
    %sub3A_188 = vector.broadcast %sub3A_187 : i32 to vector<512x512xi32>
    %sub3A_189 = arith.subi %sub3A_188, %and3A_180 : vector<512x512xi32>
    %select_n3A_190 = arith.select %eq3A_183, %sub3A_186, %sub3A_189 : vector<512x512xi1>, vector<512x512xi32>
    %mul3A_191 = arith.constant 1.500000e+01 : f32
    %mul3A_192 = vector.broadcast %mul3A_191 : f32 to vector<512x512xf32>
    %mul3A_193 = arith.mulf %mul3A_39, %mul3A_192 : vector<512x512xf32>
    %convert_element_type3A_194 = arith.fptosi %mul3A_193 : vector<512x512xf32> to vector<512x512xi32>
    %min3A_195 = arith.constant 14 : i32
    %min3A_196 = vector.broadcast %min3A_195 : i32 to vector<512x512xi32>
    %min3A_197 = arith.minsi %convert_element_type3A_194, %min3A_196 : vector<512x512xi32>
    %shift_left3A_198 = arith.constant 4 : i32
    %shift_left3A_199 = vector.broadcast %shift_left3A_198 : i32 to vector<512x512xi32>
    %shift_left3A_200 = arith.shli %select_n3A_190, %shift_left3A_199 : vector<512x512xi32>
    %or3A_201 = arith.ori %shift_left3A_200, %min3A_197 : vector<512x512xi32>
    %shift_left3A_202 = arith.constant 8 : i32
    %shift_left3A_203 = vector.broadcast %shift_left3A_202 : i32 to vector<512x512xi32>
    %shift_left3A_204 = arith.shli %or3A_147, %shift_left3A_203 : vector<512x512xi32>
    %or3A_205 = arith.ori %or3A, %shift_left3A_204 : vector<512x512xi32>
    %shift_left3A_206 = arith.constant 16 : i32
    %shift_left3A_207 = vector.broadcast %shift_left3A_206 : i32 to vector<512x512xi32>
    %shift_left3A_208 = arith.shli %or3A_174, %shift_left3A_207 : vector<512x512xi32>
    %shift_left3A_209 = arith.constant 24 : i32
    %shift_left3A_210 = vector.broadcast %shift_left3A_209 : i32 to vector<512x512xi32>
    %shift_left3A_211 = arith.shli %or3A_201, %shift_left3A_210 : vector<512x512xi32>
    %or3A_212 = arith.ori %shift_left3A_208, %shift_left3A_211 : vector<512x512xi32>
    %or3A_213 = arith.ori %or3A_205, %or3A_212 : vector<512x512xi32>
    %reshape3A = vector.shape_cast %or3A_213 : vector<512x512xi32> to vector<2048x128xi32>
    %swap3A_214 = arith.constant 0 : index
    %swap3A_215 = arith.constant 0 : index
    %swap3A_216 = arith.constant 0 : index
    %swap3A_217 = vector.load %arg2[%swap3A_214, %swap3A_215, %swap3A_216] : memref<1x2048x128xi32, #tpu.memory_space<vmem>>, vector<1x2048x128xi32>
    %swap3A_218 = vector.shape_cast %swap3A_217 : vector<1x2048x128xi32> to vector<2048x128xi32>
    %swap3A_219 = vector.shape_cast %reshape3A : vector<2048x128xi32> to vector<1x2048x128xi32>
    tpu.vector_store %arg2[%swap3A_214, %swap3A_215, %swap3A_216], %swap3A_219 {strides = array<i32>} : memref<1x2048x128xi32, #tpu.memory_space<vmem>>, vector<1x2048x128xi32>,
    return
  }
  func.func @transform_0(%arg0: i32) -> (i32, i32, i32, i32) {
    %add3A = arith.constant 4 : i32
    %add3A_0 = arith.addi %arg0, %add3A : i32
    %c0_i32 = arith.constant 0 : i32
    %c0_i32_1 = arith.constant 0 : i32
    %c0_i32_2 = arith.constant 0 : i32
    %c0_i32_3 = arith.constant 0 : i32
    return %add3A_0, %c0_i32, %c0_i32_1, %c0_i32_2 : i32, i32, i32, i32
  }
  func.func @transform_1(%arg0: i32) -> (i32, i32, i32) {
    %c0_i32 = arith.constant 0 : i32
    %c0_i32_0 = arith.constant 0 : i32
    %c0_i32_1 = arith.constant 0 : i32
    return %arg0, %c0_i32, %c0_i32_0 : i32, i32, i32
  }
}

module attributes {stable_mosaic.version = 14 : i64} {
  func.func @_norm_kernel(%arg0: i32, %arg1: memref<1x4x2048x128xf32, #tpu.memory_space<vmem>>, %arg2: memref<1x4x2048x128xf32, #tpu.memory_space<vmem>>, %arg3: memref<1x4x512x512xf32, #tpu.memory_space<vmem>>) attributes {dimension_semantics = [#tpu.dimension_semantics<arbitrary>], iteration_bounds = array<i64: 8>, scalar_prefetch = 0 : i64, scratch_operands = 0 : i64, tpu.core_type = #tpu.core_type<tc>, window_params = [{transform_indices = @transform_0, window_bounds = array<i64: 1, 4, 2048, 128>}, {transform_indices = @transform_1, window_bounds = array<i64: 1, 4, 2048, 128>}, {transform_indices = @transform_2, window_bounds = array<i64: 1, 4, 512, 512>}]} {
    %jit3A = arith.constant 4 : i32
    %div3A = arith.divsi %arg0, %jit3A : i32
    %sign3A = arith.constant 0 : i32
    %sign3A_0 = arith.cmpi sgt, %arg0, %sign3A : i32
    %sign3A_1 = arith.extui %sign3A_0 : i1 to i32
    %sign3A_2 = arith.constant 0 : i32
    %sign3A_3 = arith.cmpi slt, %arg0, %sign3A_2 : i32
    %sign3A_4 = arith.extui %sign3A_3 : i1 to i32
    %sign3A_5 = arith.subi %sign3A_1, %sign3A_4 : i32
    %sign3A_6 = arith.constant 0 : i32
    %sign3A_7 = arith.cmpi sgt, %jit3A, %sign3A_6 : i32
    %sign3A_8 = arith.extui %sign3A_7 : i1 to i32
    %sign3A_9 = arith.constant 0 : i32
    %sign3A_10 = arith.cmpi slt, %jit3A, %sign3A_9 : i32
    %sign3A_11 = arith.extui %sign3A_10 : i1 to i32
    %sign3A_12 = arith.subi %sign3A_8, %sign3A_11 : i32
    %ne3A = arith.cmpi ne, %sign3A_5, %sign3A_12 : i32
    %rem3A = arith.remsi %arg0, %jit3A : i32
    %ne3A_13 = arith.constant 0 : i32
    %ne3A_14 = arith.cmpi ne, %rem3A, %ne3A_13 : i32
    %and3A = arith.andi %ne3A, %ne3A_14 : i1
    %sub3A = arith.constant 1 : i32
    %sub3A_15 = arith.subi %div3A, %sub3A : i32
    %select_n3A = arith.select %and3A, %sub3A_15, %div3A : i32
    %eq3A = arith.constant 0 : i32
    %eq3A_16 = arith.cmpi eq, %select_n3A, %eq3A : i32
    %convert_element_type3A = arith.extui %eq3A_16 : i1 to i32
    %cond3A = arith.constant 0 : i32
    %cond3A_17 = arith.cmpi ne, %convert_element_type3A, %cond3A : i32
    scf.if %cond3A_17 {
      %get3A = arith.constant 0 : index
      %get3A_47 = arith.constant 0 : index
      %get3A_48 = arith.constant 0 : index
      %get3A_49 = arith.constant 0 : index
      %get3A_50 = vector.load %arg1[%get3A, %get3A_47, %get3A_48, %get3A_49] : memref<1x4x2048x128xf32, #tpu.memory_space<vmem>>, vector<1x1x2048x128xf32>
      %get3A_51 = vector.shape_cast %get3A_50 : vector<1x1x2048x128xf32> to vector<2048x128xf32>
      %get3A_52 = arith.constant 0 : index
      %get3A_53 = arith.constant 1 : index
      %get3A_54 = arith.constant 0 : index
      %get3A_55 = arith.constant 0 : index
      %get3A_56 = vector.load %arg1[%get3A_52, %get3A_53, %get3A_54, %get3A_55] : memref<1x4x2048x128xf32, #tpu.memory_space<vmem>>, vector<1x1x2048x128xf32>
      %get3A_57 = vector.shape_cast %get3A_56 : vector<1x1x2048x128xf32> to vector<2048x128xf32>
      %get3A_58 = arith.constant 0 : index
      %get3A_59 = arith.constant 2 : index
      %get3A_60 = arith.constant 0 : index
      %get3A_61 = arith.constant 0 : index
      %get3A_62 = vector.load %arg1[%get3A_58, %get3A_59, %get3A_60, %get3A_61] : memref<1x4x2048x128xf32, #tpu.memory_space<vmem>>, vector<1x1x2048x128xf32>
      %get3A_63 = vector.shape_cast %get3A_62 : vector<1x1x2048x128xf32> to vector<2048x128xf32>
      %get3A_64 = arith.constant 0 : index
      %get3A_65 = arith.constant 3 : index
      %get3A_66 = arith.constant 0 : index
      %get3A_67 = arith.constant 0 : index
      %get3A_68 = vector.load %arg1[%get3A_64, %get3A_65, %get3A_66, %get3A_67] : memref<1x4x2048x128xf32, #tpu.memory_space<vmem>>, vector<1x1x2048x128xf32>
      %get3A_69 = vector.shape_cast %get3A_68 : vector<1x1x2048x128xf32> to vector<2048x128xf32>
      %add3A = arith.addf %get3A_51, %get3A_57 : vector<2048x128xf32>
      %add3A_70 = arith.addf %get3A_63, %get3A_69 : vector<2048x128xf32>
      %add3A_71 = arith.addf %add3A, %add3A_70 : vector<2048x128xf32>
      %div3A_72 = arith.constant 1.000000e+00 : f32
      %div3A_73 = vector.broadcast %div3A_72 : f32 to vector<2048x128xf32>
      %div3A_74 = arith.divf %div3A_73, %add3A_71 : vector<2048x128xf32>
      %mul3A = arith.mulf %get3A_51, %div3A_74 : vector<2048x128xf32>
      %reshape3A = vector.shape_cast %mul3A : vector<2048x128xf32> to vector<512x512xf32>
      %swap3A = arith.constant 0 : index
      %swap3A_75 = arith.constant 0 : index
      %swap3A_76 = arith.constant 0 : index
      %swap3A_77 = arith.constant 0 : index
      %swap3A_78 = vector.load %arg3[%swap3A, %swap3A_75, %swap3A_76, %swap3A_77] : memref<1x4x512x512xf32, #tpu.memory_space<vmem>>, vector<1x1x512x512xf32>
      %swap3A_79 = vector.shape_cast %swap3A_78 : vector<1x1x512x512xf32> to vector<512x512xf32>
      %swap3A_80 = vector.shape_cast %reshape3A : vector<512x512xf32> to vector<1x1x512x512xf32>
      tpu.vector_store %arg3[%swap3A, %swap3A_75, %swap3A_76, %swap3A_77], %swap3A_80 {strides = array<i32>} : memref<1x4x512x512xf32, #tpu.memory_space<vmem>>, vector<1x1x512x512xf32>,
      %mul3A_81 = arith.mulf %get3A_57, %div3A_74 : vector<2048x128xf32>
      %reshape3A_82 = vector.shape_cast %mul3A_81 : vector<2048x128xf32> to vector<512x512xf32>
      %swap3A_83 = arith.constant 0 : index
      %swap3A_84 = arith.constant 1 : index
      %swap3A_85 = arith.constant 0 : index
      %swap3A_86 = arith.constant 0 : index
      %swap3A_87 = vector.load %arg3[%swap3A_83, %swap3A_84, %swap3A_85, %swap3A_86] : memref<1x4x512x512xf32, #tpu.memory_space<vmem>>, vector<1x1x512x512xf32>
      %swap3A_88 = vector.shape_cast %swap3A_87 : vector<1x1x512x512xf32> to vector<512x512xf32>
      %swap3A_89 = vector.shape_cast %reshape3A_82 : vector<512x512xf32> to vector<1x1x512x512xf32>
      tpu.vector_store %arg3[%swap3A_83, %swap3A_84, %swap3A_85, %swap3A_86], %swap3A_89 {strides = array<i32>} : memref<1x4x512x512xf32, #tpu.memory_space<vmem>>, vector<1x1x512x512xf32>,
      %mul3A_90 = arith.mulf %get3A_63, %div3A_74 : vector<2048x128xf32>
      %reshape3A_91 = vector.shape_cast %mul3A_90 : vector<2048x128xf32> to vector<512x512xf32>
      %swap3A_92 = arith.constant 0 : index
      %swap3A_93 = arith.constant 2 : index
      %swap3A_94 = arith.constant 0 : index
      %swap3A_95 = arith.constant 0 : index
      %swap3A_96 = vector.load %arg3[%swap3A_92, %swap3A_93, %swap3A_94, %swap3A_95] : memref<1x4x512x512xf32, #tpu.memory_space<vmem>>, vector<1x1x512x512xf32>
      %swap3A_97 = vector.shape_cast %swap3A_96 : vector<1x1x512x512xf32> to vector<512x512xf32>
      %swap3A_98 = vector.shape_cast %reshape3A_91 : vector<512x512xf32> to vector<1x1x512x512xf32>
      tpu.vector_store %arg3[%swap3A_92, %swap3A_93, %swap3A_94, %swap3A_95], %swap3A_98 {strides = array<i32>} : memref<1x4x512x512xf32, #tpu.memory_space<vmem>>, vector<1x1x512x512xf32>,
      %mul3A_99 = arith.mulf %get3A_69, %div3A_74 : vector<2048x128xf32>
      %reshape3A_100 = vector.shape_cast %mul3A_99 : vector<2048x128xf32> to vector<512x512xf32>
      %swap3A_101 = arith.constant 0 : index
      %swap3A_102 = arith.constant 3 : index
      %swap3A_103 = arith.constant 0 : index
      %swap3A_104 = arith.constant 0 : index
      %swap3A_105 = vector.load %arg3[%swap3A_101, %swap3A_102, %swap3A_103, %swap3A_104] : memref<1x4x512x512xf32, #tpu.memory_space<vmem>>, vector<1x1x512x512xf32>
      %swap3A_106 = vector.shape_cast %swap3A_105 : vector<1x1x512x512xf32> to vector<512x512xf32>
      %swap3A_107 = vector.shape_cast %reshape3A_100 : vector<512x512xf32> to vector<1x1x512x512xf32>
      tpu.vector_store %arg3[%swap3A_101, %swap3A_102, %swap3A_103, %swap3A_104], %swap3A_107 {strides = array<i32>} : memref<1x4x512x512xf32, #tpu.memory_space<vmem>>, vector<1x1x512x512xf32>,
    } else {
    }
    %jit3A_18 = arith.constant 4 : i32
    %div3A_19 = arith.divsi %arg0, %jit3A_18 : i32
    %sign3A_20 = arith.constant 0 : i32
    %sign3A_21 = arith.cmpi sgt, %arg0, %sign3A_20 : i32
    %sign3A_22 = arith.extui %sign3A_21 : i1 to i32
    %sign3A_23 = arith.constant 0 : i32
    %sign3A_24 = arith.cmpi slt, %arg0, %sign3A_23 : i32
    %sign3A_25 = arith.extui %sign3A_24 : i1 to i32
    %sign3A_26 = arith.subi %sign3A_22, %sign3A_25 : i32
    %sign3A_27 = arith.constant 0 : i32
    %sign3A_28 = arith.cmpi sgt, %jit3A_18, %sign3A_27 : i32
    %sign3A_29 = arith.extui %sign3A_28 : i1 to i32
    %sign3A_30 = arith.constant 0 : i32
    %sign3A_31 = arith.cmpi slt, %jit3A_18, %sign3A_30 : i32
    %sign3A_32 = arith.extui %sign3A_31 : i1 to i32
    %sign3A_33 = arith.subi %sign3A_29, %sign3A_32 : i32
    %ne3A_34 = arith.cmpi ne, %sign3A_26, %sign3A_33 : i32
    %rem3A_35 = arith.remsi %arg0, %jit3A_18 : i32
    %ne3A_36 = arith.constant 0 : i32
    %ne3A_37 = arith.cmpi ne, %rem3A_35, %ne3A_36 : i32
    %and3A_38 = arith.andi %ne3A_34, %ne3A_37 : i1
    %sub3A_39 = arith.constant 1 : i32
    %sub3A_40 = arith.subi %div3A_19, %sub3A_39 : i32
    %select_n3A_41 = arith.select %and3A_38, %sub3A_40, %div3A_19 : i32
    %eq3A_42 = arith.constant 1 : i32
    %eq3A_43 = arith.cmpi eq, %select_n3A_41, %eq3A_42 : i32
    %convert_element_type3A_44 = arith.extui %eq3A_43 : i1 to i32
    %cond3A_45 = arith.constant 0 : i32
    %cond3A_46 = arith.cmpi ne, %convert_element_type3A_44, %cond3A_45 : i32
    scf.if %cond3A_46 {
      %get3A = arith.constant 0 : index
      %get3A_47 = arith.constant 0 : index
      %get3A_48 = arith.constant 0 : index
      %get3A_49 = arith.constant 0 : index
      %get3A_50 = vector.load %arg2[%get3A, %get3A_47, %get3A_48, %get3A_49] : memref<1x4x2048x128xf32, #tpu.memory_space<vmem>>, vector<1x1x2048x128xf32>
      %get3A_51 = vector.shape_cast %get3A_50 : vector<1x1x2048x128xf32> to vector<2048x128xf32>
      %get3A_52 = arith.constant 0 : index
      %get3A_53 = arith.constant 1 : index
      %get3A_54 = arith.constant 0 : index
      %get3A_55 = arith.constant 0 : index
      %get3A_56 = vector.load %arg2[%get3A_52, %get3A_53, %get3A_54, %get3A_55] : memref<1x4x2048x128xf32, #tpu.memory_space<vmem>>, vector<1x1x2048x128xf32>
      %get3A_57 = vector.shape_cast %get3A_56 : vector<1x1x2048x128xf32> to vector<2048x128xf32>
      %get3A_58 = arith.constant 0 : index
      %get3A_59 = arith.constant 2 : index
      %get3A_60 = arith.constant 0 : index
      %get3A_61 = arith.constant 0 : index
      %get3A_62 = vector.load %arg2[%get3A_58, %get3A_59, %get3A_60, %get3A_61] : memref<1x4x2048x128xf32, #tpu.memory_space<vmem>>, vector<1x1x2048x128xf32>
      %get3A_63 = vector.shape_cast %get3A_62 : vector<1x1x2048x128xf32> to vector<2048x128xf32>
      %get3A_64 = arith.constant 0 : index
      %get3A_65 = arith.constant 3 : index
      %get3A_66 = arith.constant 0 : index
      %get3A_67 = arith.constant 0 : index
      %get3A_68 = vector.load %arg2[%get3A_64, %get3A_65, %get3A_66, %get3A_67] : memref<1x4x2048x128xf32, #tpu.memory_space<vmem>>, vector<1x1x2048x128xf32>
      %get3A_69 = vector.shape_cast %get3A_68 : vector<1x1x2048x128xf32> to vector<2048x128xf32>
      %add3A = arith.addf %get3A_51, %get3A_57 : vector<2048x128xf32>
      %add3A_70 = arith.addf %get3A_63, %get3A_69 : vector<2048x128xf32>
      %add3A_71 = arith.addf %add3A, %add3A_70 : vector<2048x128xf32>
      %div3A_72 = arith.constant 1.000000e+00 : f32
      %div3A_73 = vector.broadcast %div3A_72 : f32 to vector<2048x128xf32>
      %div3A_74 = arith.divf %div3A_73, %add3A_71 : vector<2048x128xf32>
      %mul3A = arith.mulf %get3A_51, %div3A_74 : vector<2048x128xf32>
      %reshape3A = vector.shape_cast %mul3A : vector<2048x128xf32> to vector<512x512xf32>
      %swap3A = arith.constant 0 : index
      %swap3A_75 = arith.constant 0 : index
      %swap3A_76 = arith.constant 0 : index
      %swap3A_77 = arith.constant 0 : index
      %swap3A_78 = vector.load %arg3[%swap3A, %swap3A_75, %swap3A_76, %swap3A_77] : memref<1x4x512x512xf32, #tpu.memory_space<vmem>>, vector<1x1x512x512xf32>
      %swap3A_79 = vector.shape_cast %swap3A_78 : vector<1x1x512x512xf32> to vector<512x512xf32>
      %swap3A_80 = vector.shape_cast %reshape3A : vector<512x512xf32> to vector<1x1x512x512xf32>
      tpu.vector_store %arg3[%swap3A, %swap3A_75, %swap3A_76, %swap3A_77], %swap3A_80 {strides = array<i32>} : memref<1x4x512x512xf32, #tpu.memory_space<vmem>>, vector<1x1x512x512xf32>,
      %mul3A_81 = arith.mulf %get3A_57, %div3A_74 : vector<2048x128xf32>
      %reshape3A_82 = vector.shape_cast %mul3A_81 : vector<2048x128xf32> to vector<512x512xf32>
      %swap3A_83 = arith.constant 0 : index
      %swap3A_84 = arith.constant 1 : index
      %swap3A_85 = arith.constant 0 : index
      %swap3A_86 = arith.constant 0 : index
      %swap3A_87 = vector.load %arg3[%swap3A_83, %swap3A_84, %swap3A_85, %swap3A_86] : memref<1x4x512x512xf32, #tpu.memory_space<vmem>>, vector<1x1x512x512xf32>
      %swap3A_88 = vector.shape_cast %swap3A_87 : vector<1x1x512x512xf32> to vector<512x512xf32>
      %swap3A_89 = vector.shape_cast %reshape3A_82 : vector<512x512xf32> to vector<1x1x512x512xf32>
      tpu.vector_store %arg3[%swap3A_83, %swap3A_84, %swap3A_85, %swap3A_86], %swap3A_89 {strides = array<i32>} : memref<1x4x512x512xf32, #tpu.memory_space<vmem>>, vector<1x1x512x512xf32>,
      %mul3A_90 = arith.mulf %get3A_63, %div3A_74 : vector<2048x128xf32>
      %reshape3A_91 = vector.shape_cast %mul3A_90 : vector<2048x128xf32> to vector<512x512xf32>
      %swap3A_92 = arith.constant 0 : index
      %swap3A_93 = arith.constant 2 : index
      %swap3A_94 = arith.constant 0 : index
      %swap3A_95 = arith.constant 0 : index
      %swap3A_96 = vector.load %arg3[%swap3A_92, %swap3A_93, %swap3A_94, %swap3A_95] : memref<1x4x512x512xf32, #tpu.memory_space<vmem>>, vector<1x1x512x512xf32>
      %swap3A_97 = vector.shape_cast %swap3A_96 : vector<1x1x512x512xf32> to vector<512x512xf32>
      %swap3A_98 = vector.shape_cast %reshape3A_91 : vector<512x512xf32> to vector<1x1x512x512xf32>
      tpu.vector_store %arg3[%swap3A_92, %swap3A_93, %swap3A_94, %swap3A_95], %swap3A_98 {strides = array<i32>} : memref<1x4x512x512xf32, #tpu.memory_space<vmem>>, vector<1x1x512x512xf32>,
      %mul3A_99 = arith.mulf %get3A_69, %div3A_74 : vector<2048x128xf32>
      %reshape3A_100 = vector.shape_cast %mul3A_99 : vector<2048x128xf32> to vector<512x512xf32>
      %swap3A_101 = arith.constant 0 : index
      %swap3A_102 = arith.constant 3 : index
      %swap3A_103 = arith.constant 0 : index
      %swap3A_104 = arith.constant 0 : index
      %swap3A_105 = vector.load %arg3[%swap3A_101, %swap3A_102, %swap3A_103, %swap3A_104] : memref<1x4x512x512xf32, #tpu.memory_space<vmem>>, vector<1x1x512x512xf32>
      %swap3A_106 = vector.shape_cast %swap3A_105 : vector<1x1x512x512xf32> to vector<512x512xf32>
      %swap3A_107 = vector.shape_cast %reshape3A_100 : vector<512x512xf32> to vector<1x1x512x512xf32>
      tpu.vector_store %arg3[%swap3A_101, %swap3A_102, %swap3A_103, %swap3A_104], %swap3A_107 {strides = array<i32>} : memref<1x4x512x512xf32, #tpu.memory_space<vmem>>, vector<1x1x512x512xf32>,
    } else {
    }
    return
  }
  func.func @transform_0(%arg0: i32) -> (i32, i32, i32, i32) {
    %sub3A = arith.constant 0 : i32
    %sub3A_0 = arith.subi %arg0, %sub3A : i32
    %jit3A = arith.constant 0 : i32
    %jit3A_1 = arith.constant 3 : i32
    %max3A = arith.maxsi %jit3A, %sub3A_0 : i32
    %min3A = arith.minsi %jit3A_1, %max3A : i32
    %c0_i32 = arith.constant 0 : i32
    %c0_i32_2 = arith.constant 0 : i32
    %c0_i32_3 = arith.constant 0 : i32
    %c0_i32_4 = arith.constant 0 : i32
    return %min3A, %c0_i32, %c0_i32_2, %c0_i32_3 : i32, i32, i32, i32
  }
  func.func @transform_1(%arg0: i32) -> (i32, i32, i32, i32) {
    %sub3A = arith.constant 4 : i32
    %sub3A_0 = arith.subi %arg0, %sub3A : i32
    %jit3A = arith.constant 0 : i32
    %jit3A_1 = arith.constant 3 : i32
    %max3A = arith.maxsi %jit3A, %sub3A_0 : i32
    %min3A = arith.minsi %jit3A_1, %max3A : i32
    %c0_i32 = arith.constant 0 : i32
    %c0_i32_2 = arith.constant 0 : i32
    %c0_i32_3 = arith.constant 0 : i32
    %c0_i32_4 = arith.constant 0 : i32
    return %min3A, %c0_i32, %c0_i32_2, %c0_i32_3 : i32, i32, i32, i32
  }
  func.func @transform_2(%arg0: i32) -> (i32, i32, i32, i32) {
    %c0_i32 = arith.constant 0 : i32
    %c0_i32_0 = arith.constant 0 : i32
    %c0_i32_1 = arith.constant 0 : i32
    %c0_i32_2 = arith.constant 0 : i32
    return %arg0, %c0_i32, %c0_i32_0, %c0_i32_1 : i32, i32, i32, i32
  }
}

</mosaic_0001>

<sc_bundles>
// kernel: kernel.10.cloned.1.call-start
scs
__scs_entry_jumppad:
0x0: {  	(pc) =	sbr.rel $0x88, $3  }
0x1: {  	(tag) =	ssettag $0x0;
	lr =	simm.s32 $0x1  }
0x2: {  	[smem:$0x3F9F] =	sst lr;
	_ =	strace $0xD0000000  }
0x3: {  	_ = 	snop  }
0x4: {  	_ = 	snop  }
0x5: {  	_ = 	snop  }
0x6: {  	_ = 	snop  }
0x7: {  	_ = 	snop  }
__scs_overlays_trampoline_lowered:
0x8: {  	[smem:$0x3FAE] =	sst s0  }
0x9: {  	[smem:$0x3FAF] =	sst s1  }
0xa: {  	[smem:$0x3FB0] =	sst s2  }
0xb: {  	[smem:$0x3FB1] =	sst s3  }
0xc: {  	[smem:$0x3FB2] =	sst s4  }
0xd: {  	[smem:$0x3FB3] =	sst s5  }
0xe: {  	[smem:$0x3FB4] =	sst s6  }
0xf: {  	[smem:$0x3FB5] =	sst s7  }
0x10: {  	[smem:$0x3FB6] =	sst s8  }
0x11: {  	[smem:$0x3FB7] =	sst s9;
	s0 =	simm.s32 @!p0 $0x0  }
0x12: {  	s1 =	sld [smem:$0x3F9D];
	s0 =	simm.s32 @p0 $0x1  }
0x13: {  	[smem:$0x3FB8] =	sst s0;
	s0 =	simm.s32 @!p1 $0x0  }
0x14: {  	s2 =	sld [smem:$0x3F9C];
	s0 =	simm.s32 @p1 $0x1  }
0x15: {  	[smem:$0x3FB9] =	sst s0;
	s0 =	simm.s32 @!p2 $0x0  }
0x16: {  	s3 =	sld [smem:$0x3FDB];
	s0 =	simm.s32 @p2 $0x1  }
0x17: {  	s4 =	simm.s32 $0x1BF5;
	[smem:$0x3FBB] =	sst s0  }
0x18: {  	s0 =	sld [smem:$0x3F9E];
	_ =	swait.ge [sflag:s4], $0x0  }
0x19: {  	s7 =	sld [smem:$0x3F9F]  }
0x1a: {  	s8 =	sadd.s32 $0xFFFFE003, lr  }
0x1b: {  	s9 =	sadd.s32 $0xFFFFFEF7, lr;
	s5 =	simm.s32 $0xFFFFFFFF;
	p2 =	slt.u32 s8, $0xFFFFF086  }
0x1c: {  	p1 =	slt.u32 s9, $0xF7A;
	s5 =	simm.s32 @!p2 $0x0  }
0x1d: {  	s5 =	simm.s32 @p1 $0x1;
	p0 =	seq.s32 s7, s2  }
0x1e: {  	s7 =	smul.u32 @!p0 $0xF7A, s2;
	p2 =	seq.s32 @!p0 s5, $0x0  }
0x1f: {  	s9 =	smul.u32 $0xF7A, s1;
	s8 =	simm.s32 @!p0 $0x1BF5;
	p2 =	por !p2, p0  }
0x20: {  	[sflag:s8] =	ssyncset.s32 @!p0 $0xFFFFF086;
	s6 =	sadd.s32 @!p0 s3, s7;
	s7 =	simm.s32 @!p0 $0x108  }
0x21: {  	s3 =	sadd.s32 s3, s9;
	s6 =	sadd.s32 @!p0 $0x88, s6;
	s7 =	simm.s32 @p2 $0x1082  }
0x22: {  	[simem:s7], [sflag:s8] =	dma.local @!p0 [hbm:s6], $0xF7A  }
0x23: {  	s9 =	sor.u32 $0xD0000000, s2;
	s6 =	simm.s32 $0x108;
	_ =	swait.ge @!p0 [sflag:s8], $0x0  }
0x24: {  	s3 =	sadd.s32 $0x88, s3;
	s6 =	simm.s32 @!p1 $0x1082;
	[sflag:s4] =	ssyncset.s32 $0xFFFFF086  }
0x25: {  	[simem:s6], [sflag:s4] =	dma.local [hbm:s3], $0xF7A  }
0x26: {  	[smem:$0x3F9F] =	sst s1;
	(tag) =	ssettag s2;
	_ =	strace s9  }
0x27: {  	s1 =	sld [smem:$0x3FAF]  }
0x28: {  	s2 =	sld [smem:$0x3FB0]  }
0x29: {  	s4 =	sld [smem:$0x3FB2]  }
0x2a: {  	p0 =	seq.s32 s5, $0x0;
	s5 =	sld [smem:$0x3FB3]  }
0x2b: {  	s6 =	sld [smem:$0x3FB4]  }
0x2c: {  	s7 =	sld [smem:$0x3FB5]  }
0x2d: {  	s3 =	simm.s32 $0x108;
	s8 =	sld [smem:$0x3FB6]  }
0x2e: {  	s3 =	simm.s32 @!p0 $0x1082;
	s9 =	sld [smem:$0x3FB7]  }
0x2f: {  	lr =	sadd.s32 s0, s3;
	s0 =	sld [smem:$0x3FAE]  }
0x30: {  	s3 =	sld [smem:$0x3FB1]  }
0x31: {  	[smem:$0x3FBA] =	sst s10  }
0x32: {  	s10 =	sld [smem:$0x3FB8];
	_ =	sdelay $0x3  }
0x33: {  	p0 =	seq.s32 s10, $0x1;
	s10 =	sld [smem:$0x3FBA];
	_ =	sdelay $0x3  }
0x34: {  	[smem:$0x3FBA] =	sst s10  }
0x35: {  	s10 =	sld [smem:$0x3FB9];
	_ =	sdelay $0x3  }
0x36: {  	p1 =	seq.s32 s10, $0x1;
	s10 =	sld [smem:$0x3FBA];
	_ =	sdelay $0x3  }
0x37: {  	[smem:$0x3FBA] =	sst s10  }
0x38: {  	s10 =	sld [smem:$0x3FBB]  }
0x39: {  	_ = 	snop;
	(pc) =	sbr.ind lr, $3  }
0x3a: {  	_ = 	snop  }
0x3b: {  	_ = 	snop  }
0x3c: {  	p2 =	seq.s32 s10, $0x1;
	s10 =	sld [smem:$0x3FBA]  }
0x3d: {  	_ =	shalt  }
0x3e: {  	_ =	shalt  }
0x3f: {  	_ =	shalt  }
0x40: {  	_ =	shalt  }
0x41: {  	_ =	shalt  }
0x42: {  	_ =	shalt  }
0x43: {  	_ =	shalt  }
0x44: {  	_ =	shalt  }
0x45: {  	_ =	shalt  }
0x46: {  	_ =	shalt  }
0x47: {  	_ =	shalt  }
0x48: {  	_ =	shalt  }
0x49: {  	_ =	shalt  }
0x4a: {  	_ =	shalt  }
0x4b: {  	_ =	shalt  }
0x4c: {  	_ =	shalt  }
0x4d: {  	_ =	shalt  }
0x4e: {  	_ =	shalt  }
0x4f: {  	_ =	shalt  }
0x50: {  	_ =	shalt  }
0x51: {  	_ =	shalt  }
0x52: {  	_ =	shalt  }
0x53: {  	_ =	shalt  }
0x54: {  	_ =	shalt  }
0x55: {  	_ =	shalt  }
0x56: {  	_ =	shalt  }
0x57: {  	_ =	shalt  }
0x58: {  	_ =	shalt  }
0x59: {  	_ =	shalt  }
0x5a: {  	_ =	shalt  }
0x5b: {  	_ =	shalt  }
0x5c: {  	_ =	shalt  }
0x5d: {  	_ =	shalt  }
0x5e: {  	_ =	shalt  }
0x5f: {  	_ =	shalt  }
0x60: {  	_ =	shalt  }
0x61: {  	_ =	shalt  }
0x62: {  	_ =	shalt  }
0x63: {  	_ =	shalt  }
0x64: {  	_ =	shalt  }
0x65: {  	_ =	shalt  }
0x66: {  	_ =	shalt  }
0x67: {  	_ =	shalt  }
0x68: {  	_ =	shalt  }
0x69: {  	_ =	shalt  }
0x6a: {  	_ =	shalt  }
0x6b: {  	_ =	shalt  }
0x6c: {  	_ =	shalt  }
0x6d: {  	_ =	shalt  }
0x6e: {  	_ =	shalt  }
0x6f: {  	_ =	shalt  }
0x70: {  	_ =	shalt  }
0x71: {  	_ =	shalt  }
0x72: {  	_ =	shalt  }
0x73: {  	_ =	shalt  }
0x74: {  	_ =	shalt  }
0x75: {  	_ =	shalt  }
0x76: {  	_ =	shalt  }
0x77: {  	_ =	shalt  }
0x78: {  	_ =	shalt  }
0x79: {  	_ =	shalt  }
0x7a: {  	_ =	shalt  }
0x7b: {  	_ =	shalt  }
0x7c: {  	_ =	shalt  }
0x7d: {  	_ =	shalt  }
0x7e: {  	_ =	shalt  }
0x7f: {  	_ =	shalt  }
0x80: {  	_ =	shalt  }
0x81: {  	_ =	shalt  }
0x82: {  	_ =	shalt  }
0x83: {  	_ =	shalt  }
0x84: {  	_ =	shalt  }
0x85: {  	_ =	shalt  }
0x86: {  	_ =	shalt  }
0x87: {  	_ =	shalt  }
.Lfunc_end0:
.L_simem_size_0:
called_computation.1_lowered:
.L_overlay_start_0:
0x88: {  	s2 =	sld [smem:$0x3FD9]  }
0x89: {  	s3 =	sld [smem:$0x3FFE];
	_ =	sdelay $0x1  }
0x8a: {  	s1 =	srdreg.scid  }
0x8b: {  	s0 =	sand.u32 $0x1, s1  }
0x8c: {  	s17 =	sshll.u32 s0, $0xA;
	s2 =	sadd.s32 s3, s2  }
0x8d: {  	s2 =	sadd.s32 s2, s17  }
0x8e: {  	[smem:$0x3FC6] =	sst s2  }
0x8f: {  	_ = 	snop  }
0x90: {  	(tm) =	ssettm $0x1  }
0x91: {  	s18 =	sld [smem:$0x3FFB];
	_ =	sdelay $0x3  }
0x92: {  	_ =	strace s18  }
0x93: {  	s2 =	sld [smem:$0x3FFC];
	_ =	sdelay $0x3  }
0x94: {  	_ =	strace s2  }
0x95: {  	s2 =	sld [smem:$0x3FFD];
	_ =	sdelay $0x3  }
0x96: {  	_ =	strace s2  }
0x97: {  	_ =	strace $0x8FFFFFFF  }
0x98: {  	s19 =	sld [smem:$0x3FDB];
	_ =	sdelay $0x1  }
0x99: {  	s20 =	simm.s32 $_scs_section_size  }
0x9a: {  	s4 =	simm.s32 $_size__tile_overlayer_lowered;
	s5 =	simm.s32 $_tile_overlayer_lowered  }
0x9b: {  	s6 =	simm.s32 $0x1BFF;
	s21 =	sshll.u32 s5, $0x1;
	s3 =	sadd.s32 s20, s19  }
0x9c: {  	s22 =	simm.s32 $0x0;
	s4 =	sshll.u32 s4, $0x1;
	s5 =	sadd.s32 s21, s3  }
0x9d: {  	[timem:s22], [sflag:s6] =	dma.local [hbm:s5], s4  }
0x9e: {  	_ =	swait.ge [sflag:s6], s4  }
0x9f: {  	s4 =	ssub.s32 $0x0, s4;
	[sflag:s6] =	ssyncset.done $0x0  }
0xa0: {  	[sflag:s6] =	ssyncadd.s32 s4;
	_ =	sdelay $0x1  }
0xa1: {  	s23 =	simm.s32 $0x1B8B  }
0xa2: {  	_ =	swait.ge [sflag:s23], $0x1  }
0xa3: {  	[sflag:s23] =	ssyncset.done $0x0  }
0xa4: {  	[sflag:s23] =	ssyncadd.s32 $0xFFFFFFFF  }
0xa5: {  	s4 =	sld [smem:$0x0]  }
0xa6: {  	s5 =	sand.u32 $0xFFFFFFFE, s1  }
0xa7: {  	p0 =	sne.s32 s1, s5  }
0xa8: {  	s5 =	sshll.u32 @p0 s5, $0xE  }
0xa9: {  	s5 =	sadd.s32 @p0 $0x11B8D, s5;
	s6 =	sshll.u32 @p0 s4, $0x11  }
0xaa: {  	s5 =	sor.u32 @p0 s6, s5  }
0xab: {  	[sflag:s5] =	ssyncadd.remote.s32 @p0 $0x1;
	_ =	sdelay $0x1  }
0xac: {  	s5 =	simm.s32 @p0 $0x1B8D  }
0xad: {  	_ =	swait.eq @p0 [sflag:s5], $0x1  }
0xae: {  	[sflag:s5] =	ssyncadd.s32 @p0 $0xFFFFFFFF  }
0xaf: {  	s6 =	sshll.u32 @!p0 s1, $0xE  }
0xb0: {  	s6 =	sor.u32 @!p0 $0x4000, s6;
	s5 =	simm.s32 @!p0 $0x1B8D  }
0xb1: {  	s4 =	sshll.u32 @!p0 s4, $0x11;
	s6 =	sadd.s32 @!p0 $0x11B8D, s6;
	_ =	swait.eq @!p0 [sflag:s5], $0x1  }
0xb2: {  	s4 =	sor.u32 @!p0 s4, s6;
	[sflag:s5] =	ssyncadd.s32 @!p0 $0xFFFFFFFF  }
0xb3: {  	s25 =	simm.s32 $0x1B8E;
	s24 =	sld [smem:$0x3FFE];
	[sflag:s4] =	ssyncadd.remote.s32 @!p0 $0x1  }
0xb4: {  	s26 =	simm.s32 $execute0_lowered;
	[smem:$0x3FD2] =	sst s25  }
0xb5: {  	s5 =	sshll.u32 s26, $0x1;
	_ =	strace $0x80000049;
	[dreg:$0x1] =	wrdreg $0xFFFFFFFF  }
0xb6: {  	s28 =	simm.s32 $_size_execute0_lowered;
	s3 =	sadd.s32 s3, s5;
	[dreg:$0x0] =	wrdreg $0x0  }
0xb7: {  	s5 =	sshll.u32 s28, $0x1;
	[dreg:$0x2] =	wrdreg s3  }
0xb8: {  	[dreg:$0x3] =	wrdreg s5  }
0xb9: {  	[dreg:$0x4] =	wrdreg $0xC0  }
0xba: {  	_ =	task [dreg:s22], $0x5FFFF  }
0xbb: {  	[dreg:$0x1] =	wrdreg $0xFFFFFFFF  }
0xbc: {  	[dreg:$0x0] =	wrdreg $0x60  }
0xbd: {  	[dreg:$0x2] =	wrdreg s24  }
0xbe: {  	[dreg:$0x3] =	wrdreg $0xA  }
0xbf: {  	_ =	task.clear_ibuf [dreg:s22], $0x4FFFF;
	_ =	strace $0x90000049  }
0xc0: {  	s29 =	simm.s32 $0xA;
	_ =	strace $0x8000004B  }
0xc1: {  	_ =	swait.ge [sflag:s29], $0x1  }
0xc2: {  	[sflag:s29] =	ssyncadd.s32 $0xFFFFFFFF  }
0xc3: {  	_ =	strace $0x9000004B  }
0xc4: {  	_ =	sfence  }
0xc5: {  	s30 =	sld [smem:$0x0];
	_ =	sdelay $0x2  }
0xc6: {  	s31 =	sshll.u32 s1, $0xD;
	s1 =	sshrl.u32 s1, $0x2  }
0xc7: {  	s4 =	sand.u32 $0x4000, s31;
	s1 =	sadd.s32 s1, s30  }
0xc8: {  	s0 =	sor.u32 s4, s0;
	s1 =	sshll.u32 s1, $0x11  }
0xc9: {  	s0 =	sor.u32 s1, s0  }
0xca: {  	s0 =	sadd.s32 $0x8F2B, s0  }
0xcb: {  	[sflag:s0] =	ssyncadd.remote.s32 $0x1  }
0xcc: {  	_ =	sfence.sel $0xFFFF  }
0xcd: {  	[dreg:$0x0] =	wrdreg $0xFFFFFFFF;
	(pc) =	sbr.abs _section_cstart, $3  }
0xce: {  	[dreg:$0x1] =	wrdreg $0xFFFFFFFF  }
0xcf: {  	_ =	task.clear_ibuf [dreg:s22], $0x2FFFF;
	_ =	strace $0x9FFFFFFF  }
0xd0: {  	(tm) =	ssettm $0x7FFFFFFF  }
0xd1: {  	_ =	shalt  }
tec
execute0_lowered:
.L_overlay_start_1:
0x0: {  	(tag) =	ssettag $0x1  }
0x1: {  	s0 =	rddreg [dreg:$0x0];
	s1 =	simm.s32 $0x0  }
0x2: {  	s21 =	srdreg.scid;
	[smem:$0x7FF] =	sst s1;
	s2 =	sadd.s32 $0xE00, s0  }
0x3: {  	_ =	strace $0x8000004A;
	[dreg:$0x2] =	wrdreg s2;
	s2 =	sand.u32 $0x1, s21  }
0x4: {  	s5 =	stileid.u32;
	s3 =	sadd.s32 $0x21000, s0;
	s4 =	ssub.s32 $0x2, s2  }
0x5: {  	s5 =	sshll.u32 s5, $0xA;
	s2 =	sshll.u32 s2, $0xE;
	s6 =	sshrl.u32 s4, $0x1  }
0x6: {  	s0 =	sadd.s32 $0x41000, s0;
	s2 =	sor.u32 s5, s2;
	s4 =	ssub.s32 s4, s6  }
0x7: {  	s5 =	sadd.s32 s3, s2;
	s22 =	sor.u32 $0x8000, s2;
	s7 =	sadd.s32 s0, s2  }
0x8: {  	s24 =	sor.u32 $0x10000, s2;
	s2 =	sor.u32 $0x18000, s2;
	[dreg:$0x3] =	wrdreg s5  }
0x9: {  	s23 =	sadd.s32 s3, s22;
	s5 =	sadd.s32 s0, s22;
	[dreg:$0x5] =	wrdreg s7  }
0xa: {  	s25 =	sadd.s32 s0, s24;
	s0 =	sadd.s32 s0, s2;
	[dreg:$0x4] =	wrdreg s23  }
0xb: {  	s26 =	sadd.s32 s3, s24;
	s28 =	sadd.s32 $0x20000, s7;
	[dreg:$0x6] =	wrdreg s5  }
0xc: {  	s29 =	sadd.s32 $0x28000, s7;
	s13 =	sadd.s32 $0x30000, s7;
	[dreg:$0x7] =	wrdreg s25  }
0xd: {  	s14 =	sadd.s32 $0x38000, s7;
	s30 =	sadd.s32 s3, s2;
	[dreg:$0x8] =	wrdreg s0  }
0xe: {  	s16 =	sadd.s32 $0x40000, s7;
	s17 =	sadd.s32 $0x48000, s7;
	[dreg:$0x9] =	wrdreg s26  }
0xf: {  	s18 =	sadd.s32 $0x50000, s7;
	s19 =	sadd.s32 $0x58000, s7;
	[dreg:$0xa] =	wrdreg s28  }
0x10: {  	s20 =	sadd.s32 $0x60000, s7;
	s21 =	sadd.s32 $0x68000, s7;
	[dreg:$0xb] =	wrdreg s29  }
0x11: {  	s22 =	sadd.s32 $0x70000, s7;
	s31 =	smax.u32 s4, $0x1;
	[dreg:$0xc] =	wrdreg s30  }
0x12: {  	s3 =	simm.s32 $0x0;
	s23 =	sadd.s32 $0x78000, s7;
	[dreg:$0xd] =	wrdreg s31  }
.LBB2_1:
0x13: {  	[dreg:$0xe] =	wrdreg s3  }
0x14: {  	s0 =	rddreg [dreg:$0x2];
	s4 =	simm.s32 $0x5  }
0x15: {  	[tilespmem:s1], [sflag:$0x5] =	stream.linear.gather [hbm4b:s0+s1], $0x280, $0x38;
	[tilespmem:$0x14280] =	vst v63  }
0x16: {  	_ =	swait.ge [sflag:s4], $0x280  }
0x17: {  	s2 =	simm.s32 $0x280;
	[sflag:s4] =	ssyncset.done $0x0  }
0x18: {  	s7 =	simm.s32 $0x2280;
	s5 =	rddreg [dreg:$0x3];
	[sflag:s4] =	ssyncadd.s32 $0xFFFFFD80  }
0x19: {  	[tilespmem:s2], [sflag:$0x1] =	stream.linear.gather [hbm4b:s5+s1], $0x2000, $0x38;
	[tilespmem:$0x14280] =	vst v63  }
0x1a: {  	s8 =	simm.s32 $0x0;
	s6 =	rddreg [dreg:$0x4];
	s4 =	simm.s32 $0x1  }
0x1b: {  	[tilespmem:s7], [sflag:$0x2] =	stream.linear.gather [hbm4b:s6+s1], $0x2000, $0x38;
	[tilespmem:$0x14280] =	vst v63  }
0x1c: {  	s0 =	sand.u32 $0x40, s8;
	s2 =	sand.u32 $0x1F80, s8;
	_ =	swait.ge [sflag:s4], $0x2000  }
0x1d: {  	s9 =	sor.u32 $0x30, s0;
	s2 =	sadd.s32 $0x280, s2;
	[sflag:s4] =	ssyncset.done $0x0  }
0x1e: {  	s10 =	sor.u32 s9, s2;
	[sflag:s4] =	ssyncadd.s32 $0xFFFFE000  }
0x1f: {  	v0 =	vld [tilespmem:s10+$0x0];
	_ =	sdelay $0x1  }
0x20: {  	s5 =	sor.u32 $0x10, s0  }
0x21: {  	s11 =	sor.u32 s5, s2  }
0x22: {  	v1 =	vld [tilespmem:s11+$0x0]  }
0x23: {  	v3 =	vand.u32 $0xFF, v0;
	_ =	sdelay $0x1  }
0x24: {  	s8 =	sor.u32 $0x20, s0  }
0x25: {  	s2 =	sor.u32 s8, s2  }
0x26: {  	v2 =	vld [tilespmem:s2+$0x0];
	v4 =	vand.u32 $0xFF, v1;
	v6 =	vshrl.u32 v0, $0x8  }
0x27: {  	v6 =	vand.u32 $0xFF, v6;
	v3 =	vld.idx.msk [tilespmem:v3+s1+$0x0], $0xffff  }
0x28: {  	v6 =	vadd.s32 $0x90, v6  }
0x29: {  	s12 =	sand.u32 $0x7E00, s1;
	s6 =	simm.s32 $0x0  }
0x2a: {  	s15 =	simm.s32 $0x40;
	s7 =	sadd.s32 $0x4280, s12;
	v8 =	vld [tilespmem:s6+$0x280];
	v7 =	vshrl.u32 v1, $0x8  }
0x2b: {  	s9 =	sor.u32 s9, s7;
	s4 =	sand.u32 $0x40, s15;
	s2 =	sand.u32 $0x1F80, s15;
	v5 =	vand.u32 $0xFF, v2;
	v7 =	vand.u32 $0xFF, v7;
	v4 =	vld.idx.msk [tilespmem:v4+s1+$0x0], $0xffff  }
0x2c: {  	s24 =	sor.u32 $0x30, s4;
	s10 =	sadd.s32 $0x280, s2;
	v7 =	vadd.s32 $0x90, v7;
	[tilespmem:s9+$0x0] =	vst v3;
	v3 =	vshrl.u32 v0, $0x10  }
0x2d: {  	s6 =	sor.u32 $0x10, s4;
	s2 =	sor.u32 s24, s10;
	v6 =	vld.idx.msk [tilespmem:v6+s1+$0x0], $0xffff;
	v3 =	vand.u32 $0xFF, v3  }
0x2e: {  	s25 =	sor.u32 s6, s10;
	v10 =	vld [tilespmem:s2+$0x0];
	v3 =	vadd.s32 $0x120, v3  }
0x2f: {  	s11 =	sor.u32 s5, s7;
	v11 =	vld [tilespmem:s25+$0x0];
	v9 =	vshrl.u32 v2, $0x8  }
0x30: {  	s2 =	sor.u32 $0x20, s4;
	v12 =	vand.u32 $0xFF, v8;
	v5 =	vld.idx.msk [tilespmem:v5+s1+$0x0], $0xffff;
	[tilespmem:s11+$0x0] =	vst v4;
	v4 =	vand.u32 $0xFF, v9;
	v9 =	vshrl.u32 v1, $0x10  }
0x31: {  	s10 =	sor.u32 s2, s10;
	v7 =	vld.idx.msk [tilespmem:v7+s1+$0x0], $0xffff;
	v4 =	vadd.s32 $0x90, v4;
	v9 =	vand.u32 $0xFF, v9  }
0x32: {  	p0 =	por $0x0, $0x0;
	s5 =	simm.s32 $0x1;
	v13 =	vld [tilespmem:s10+$0x0];
	v9 =	vadd.s32 $0x120, v9;
	[tilespmem:s9+$0x80] =	vst v6  }
0x33: {  	s5 =	simm.s32 @!p0 $0x0;
	v0 =	vshrl.u32 v0, $0x18;
	v6 =	vand.u32 $0xFF, v10;
	v3 =	vld.idx.msk [tilespmem:v3+s1+$0x0], $0xffff  }
0x34: {  	s8 =	sor.u32 s8, s7;
	s5 =	sshll.u32 s5, $0x6;
	v0 =	vadd.s32 $0x1B0, v0  }
0x35: {  	s5 =	sadd.s32 $0x0, s5;
	v14 =	vshrl.u32 v8, $0x8;
	v12 =	vld.idx.msk [tilespmem:v12+s1+$0x0], $0xffff;
	[tilespmem:s8+$0x0] =	vst v5;
	v5 =	vand.u32 $0xFF, v11  }
0x36: {  	s10 =	sadd.s32 $0x30, s5;
	v14 =	vand.u32 $0xFF, v14;
	v4 =	vld.idx.msk [tilespmem:v4+s1+$0x0], $0xffff;
	[tilespmem:s11+$0x80] =	vst v7  }
0x37: {  	v15 =	vshrl.u32 v2, $0x10;
	s26 =	sor.u32 $0x100, s10;
	v14 =	vadd.s32 $0x90, v14;
	v9 =	vld.idx.msk [tilespmem:v9+s1+$0x0], $0xffff  }
0x38: {  	v15 =	vand.u32 $0xFF, v15;
	v16 =	vshrl.u32 v10, $0x8;
	v7 =	vand.u32 $0xFF, v13;
	v6 =	vld.idx.msk [tilespmem:v6+s1+$0x0], $0xffff;
	[tilespmem:s26+$0x4280] =	vst v3  }
0x39: {  	s31 =	simm.s32 $0x100;
	s12 =	simm.s32 $0x40;
	v3 =	vadd.s32 $0x120, v15;
	v15 =	vand.u32 $0xFF, v16;
	v16 =	vld.idx.msk [tilespmem:v0+s1+$0x0], $0xffff  }
0x3a: {  	s15 =	sand.u32 $0x7E00, s31;
	s9 =	sor.u32 s0, s7;
	s26 =	simm.s32 $0x80;
	v0 =	vshrl.u32 v1, $0x18;
	v1 =	vld.idx.msk [tilespmem:v5+s1+$0x0], $0xffff;
	v5 =	vadd.s32 $0x90, v15  }
0x3b: {  	v2 =	vshrl.u32 v2, $0x18;
	s7 =	sadd.s32 $0x4280, s15;
	[tilespmem:s9+$0x0] =	vst v12;
	v12 =	vld [tilespmem:s12+$0x280];
	v15 =	vshrl.u32 v11, $0x8;
	s3 =	sand.u32 $0x40, s26;
	s25 =	sand.u32 $0x1F80, s26;
	v0 =	vadd.s32 $0x1B0, v0  }
0x3c: {  	v17 =	vadd.s32 $0x1B0, v2;
	s28 =	sor.u32 s6, s7;
	v14 =	vld.idx.msk [tilespmem:v14+s1+$0x0], $0xffff;
	[tilespmem:s8+$0x80] =	vst v4;
	v4 =	vshrl.u32 v13, $0x8;
	v15 =	vand.u32 $0xFF, v15;
	s25 =	sadd.s32 $0x280, s25;
	s6 =	sor.u32 $0x10, s3  }
0x3d: {  	s15 =	sadd.s32 $0x10, s5;
	s11 =	sor.u32 s24, s7;
	v7 =	vld.idx.msk [tilespmem:v7+s1+$0x0], $0xffff;
	v2 =	vand.u32 $0xFF, v4;
	v4 =	vshrl.u32 v10, $0x10;
	v15 =	vadd.s32 $0x90, v15;
	s29 =	sor.u32 s6, s25  }
0x3e: {  	s24 =	sor.u32 $0x100, s15;
	v4 =	vand.u32 $0xFF, v4;
	[tilespmem:s11+$0x0] =	vst v6;
	v21 =	vld [tilespmem:s29+$0x0]  }
0x3f: {  	[tilespmem:s24+$0x4280] =	vst v9;
	v2 =	vadd.s32 $0x90, v2;
	s12 =	sor.u32 $0x30, s3;
	v18 =	vadd.s32 $0x120, v4;
	v6 =	vld.idx.msk [tilespmem:v5+s1+$0x0], $0xffff  }
0x40: {  	s8 =	sor.u32 s12, s25;
	v5 =	vshrl.u32 v8, $0x10;
	v9 =	vld.idx.msk [tilespmem:v0+s1+$0x0], $0xffff;
	v0 =	vshrl.u32 v8, $0x18;
	v8 =	vshrl.u32 v11, $0x10  }
0x41: {  	[tilespmem:s28+$0x0] =	vst v1;
	v1 =	vld [tilespmem:s8+$0x0];
	v4 =	vand.u32 $0xFF, v5;
	v5 =	vand.u32 $0xFF, v8;
	v8 =	vand.u32 $0xFF, v12  }
0x42: {  	v19 =	vshrl.u32 v13, $0x10;
	v10 =	vshrl.u32 v10, $0x18;
	s8 =	sor.u32 $0x20, s3;
	v15 =	vld.idx.msk [tilespmem:v15+s1+$0x0], $0xffff  }
0x43: {  	s24 =	sor.u32 s2, s7;
	[tilespmem:s9+$0x80] =	vst v14;
	v3 =	vld.idx.msk [tilespmem:v3+s1+$0x0], $0xffff;
	s31 =	sor.u32 s8, s25;
	v22 =	vadd.s32 $0x120, v4;
	v4 =	vand.u32 $0xFF, v19;
	v20 =	vadd.s32 $0x120, v5  }
0x44: {  	s0 =	sor.u32 $0x180, s10;
	[tilespmem:s24+$0x0] =	vst v7;
	v7 =	vshrl.u32 v13, $0x18;
	v11 =	vshrl.u32 v11, $0x18;
	v19 =	vld [tilespmem:s31+$0x0];
	v5 =	vadd.s32 $0x120, v4  }
0x45: {  	[tilespmem:s0+$0x4280] =	vst v16;
	v4 =	vadd.s32 $0x1B0, v11;
	v11 =	vld.idx.msk [tilespmem:v2+s1+$0x0], $0xffff;
	v2 =	vadd.s32 $0x1B0, v7;
	v7 =	vadd.s32 $0x1B0, v10  }
0x46: {  	p0 =	por !p0, !p0;
	s10 =	simm.s32 $0x1;
	v10 =	vshrl.u32 v12, $0x10;
	[tilespmem:s11+$0x80] =	vst v6;
	v6 =	vshrl.u32 v12, $0x8;
	v16 =	vand.u32 $0xFF, v1;
	v8 =	vld.idx.msk [tilespmem:v8+s1+$0x0], $0xffff  }
0x47: {  	s10 =	simm.s32 @!p0 $0x0;
	s15 =	sor.u32 $0x180, s15;
	s11 =	sadd.s32 $0x20, s5;
	v12 =	vshrl.u32 v12, $0x18;
	v13 =	vld.idx.msk [tilespmem:v18+s1+$0x0], $0xffff;
	v6 =	vand.u32 $0xFF, v6;
	v18 =	vand.u32 $0xFF, v21;
	[tilespmem:s28+$0x80] =	vst v15  }
0x48: {  	s25 =	sshll.u32 s10, $0x6;
	s31 =	sor.u32 $0x100, s11;
	[tilespmem:s15+$0x4280] =	vst v9;
	v9 =	vshrl.u32 v21, $0x8;
	v23 =	vadd.s32 $0x90, v6;
	v6 =	vand.u32 $0xFF, v10;
	v20 =	vld.idx.msk [tilespmem:v20+s1+$0x0], $0xffff  }
0x49: {  	s9 =	sadd.s32 $0x100, s25;
	[tilespmem:s31+$0x4280] =	vst v3;
	v24 =	vand.u32 $0xFF, v19;
	v22 =	vld.idx.msk [tilespmem:v22+s1+$0x0], $0xffff;
	v3 =	vadd.s32 $0x1B0, v12;
	v9 =	vand.u32 $0xFF, v9  }
0x4a: {  	s30 =	sor.u32 $0x100, s5;
	s2 =	sadd.s32 $0x30, s9;
	s15 =	sor.u32 s4, s7;
	v12 =	vshrl.u32 v19, $0x8;
	v15 =	vshrl.u32 v21, $0x10;
	v25 =	vld.idx.msk [tilespmem:v17+s1+$0x0], $0xffff;
	[tilespmem:s24+$0x80] =	vst v11;
	v11 =	vshrl.u32 v19, $0x10  }
0x4b: {  	s0 =	sor.u32 $0x100, s2;
	s31 =	sor.u32 $0x180, s11;
	s11 =	sadd.s32 $0x10, s9;
	v10 =	vadd.s32 $0x90, v9;
	v14 =	vld.idx.msk [tilespmem:v16+s1+$0x0], $0xffff;
	[tilespmem:s15+$0x0] =	vst v8;
	v8 =	vand.u32 $0xFF, v11;
	v11 =	vshrl.u32 v1, $0x8  }
0x4c: {  	s10 =	simm.s32 $0x200;
	s7 =	sadd.s32 $0x20, s9;
	v9 =	vand.u32 $0xFF, v12;
	s25 =	sor.u32 $0x100, s11;
	[tilespmem:s0+$0x4280] =	vst v13;
	v17 =	vld.idx.msk [tilespmem:v18+s1+$0x0], $0xffff;
	v13 =	vadd.s32 $0x120, v8;
	v8 =	vand.u32 $0xFF, v11  }
0x4d: {  	s4 =	sor.u32 $0x100, s9;
	s28 =	sor.u32 $0x180, s5;
	s5 =	sor.u32 $0x180, s7;
	v12 =	vand.u32 $0xFF, v15;
	v15 =	vld.idx.msk [tilespmem:v7+s1+$0x0], $0xffff;
	[tilespmem:s25+$0x4280] =	vst v20;
	v20 =	vshrl.u32 v19, $0x18;
	v19 =	vadd.s32 $0x90, v8  }
0x4e: {  	v0 =	vadd.s32 $0x1B0, v0;
	s29 =	sor.u32 $0x180, s11;
	s11 =	simm.s32 $0x80;
	s0 =	sand.u32 $0x7E00, s10;
	v16 =	vld.idx.msk [tilespmem:v24+s1+$0x0], $0xffff  }
0x4f: {  	v6 =	vadd.s32 $0x120, v6;
	s24 =	sor.u32 $0x100, s7;
	v18 =	vshrl.u32 v21, $0x18;
	v7 =	vadd.s32 $0x120, v12;
	[tilespmem:s30+$0x4280] =	vst v22;
	v12 =	vld [tilespmem:s11+$0x280];
	s11 =	sadd.s32 $0x4280, s0;
	s25 =	sor.u32 $0x180, s9  }
0x50: {  	v9 =	vadd.s32 $0x90, v9;
	v11 =	vadd.s32 $0x1B0, v18;
	[tilespmem:s31+$0x4280] =	vst v25;
	s7 =	sor.u32 s6, s11;
	s30 =	sor.u32 s8, s11;
	s9 =	sor.u32 s12, s11;
	v18 =	vld.idx.msk [tilespmem:v23+s1+$0x0], $0xffff;
	v8 =	vadd.s32 $0x1B0, v20  }
.LBB2_2:
0x51: {  	s26 =	sadd.s32 $0x40, s26;
	s11 =	sor.u32 s3, s11;
	[tilespmem:s9+$0x0] =	vst v14;
	v14 =	vld.idx.msk [tilespmem:v5+s1+$0x0], $0xffff;
	s0 =	sor.u32 $0x180, s2;
	v5 =	vmov v13  }
0x52: {  	v13 =	vshrl.u32 v1, $0x10;
	s3 =	sand.u32 $0x40, s26;
	s2 =	sand.u32 $0x1F80, s26;
	p1 =	slt.u32 s26, $0x1FC0;
	v19 =	vld.idx.msk [tilespmem:v19+s1+$0x0], $0xffff;
	[tilespmem:s0+$0x4280] =	vst v15  }
0x53: {  	v13 =	vand.u32 $0xFF, v13;
	s31 =	sor.u32 $0x10, s3;
	s2 =	sadd.s32 $0x280, s2;
	s0 =	sor.u32 $0x30, s3;
	[tilespmem:s7+$0x0] =	vst v17;
	v15 =	vld.idx.msk [tilespmem:v4+s1+$0x0], $0xffff;
	v4 =	vmov v11  }
0x54: {  	s6 =	sor.u32 $0x20, s3;
	v13 =	vadd.s32 $0x120, v13;
	s12 =	sor.u32 s31, s2;
	s8 =	sor.u32 s0, s2;
	v11 =	vshrl.u32 v12, $0x8;
	v17 =	vand.u32 $0xFF, v12;
	v10 =	vld.idx.msk [tilespmem:v10+s1+$0x0], $0xffff;
	[tilespmem:s30+$0x0] =	vst v16  }
0x55: {  	s2 =	sor.u32 s6, s2;
	v20 =	vshrl.u32 v12, $0x10;
	v12 =	vshrl.u32 v12, $0x18;
	v16 =	vld [tilespmem:s8+$0x0];
	v11 =	vand.u32 $0xFF, v11;
	s8 =	smov.u32 s28;
	s28 =	smov.u32 s25  }
0x56: {  	v12 =	vadd.s32 $0x1B0, v12;
	v21 =	vld [tilespmem:s12+$0x0];
	v22 =	vadd.s32 $0x90, v11;
	v11 =	vand.u32 $0xFF, v20;
	[tilespmem:s15+$0x80] =	vst v18;
	s15 =	smov.u32 s11  }
0x57: {  	v18 =	vld [tilespmem:s2+$0x0];
	v11 =	vadd.s32 $0x120, v11;
	[tilespmem:s24+$0x4280] =	vst v14  }
0x58: {  	v14 =	vld.idx.msk [tilespmem:v9+s1+$0x0], $0xffff;
	[tilespmem:s9+$0x80] =	vst v19  }
0x59: {  	p0 =	por !p0, !p0;
	s2 =	simm.s32 $0x1;
	v13 =	vld.idx.msk [tilespmem:v13+s1+$0x0], $0xffff;
	[tilespmem:s29+$0x4280] =	vst v15  }
0x5a: {  	s2 =	simm.s32 @!p0 $0x0;
	v9 =	vshrl.u32 v1, $0x18;
	v15 =	vand.u32 $0xFF, v16;
	v17 =	vld.idx.msk [tilespmem:v17+s1+$0x0], $0xffff;
	[tilespmem:s7+$0x80] =	vst v10;
	v1 =	vmov v16  }
0x5b: {  	s2 =	sshll.u32 s2, $0x6;
	v19 =	vadd.s32 $0x1B0, v9;
	v10 =	vshrl.u32 v21, $0x8;
	v16 =	vand.u32 $0xFF, v21;
	v20 =	vld.idx.msk [tilespmem:v7+s1+$0x0], $0xffff  }
0x5c: {  	s7 =	sadd.s32 s2, s10;
	v7 =	vand.u32 $0xFF, v10;
	v9 =	vshrl.u32 v18, $0x8;
	v23 =	vand.u32 $0xFF, v18;
	v24 =	vld.idx.msk [tilespmem:v6+s1+$0x0], $0xffff;
	v6 =	vmovc v11  }
0x5d: {  	s9 =	sadd.s32 $0x10, s7;
	s11 =	sadd.s32 $0x20, s7;
	s2 =	sadd.s32 $0x30, s7;
	v10 =	vadd.s32 $0x90, v7;
	v7 =	vshrl.u32 v21, $0x10;
	v9 =	vand.u32 $0xFF, v9;
	v25 =	vld.idx.msk [tilespmem:v2+s1+$0x0], $0xffff;
	v2 =	vmovc v8  }
0x5e: {  	s12 =	sor.u32 $0x100, s9;
	s24 =	sor.u32 $0x100, s11;
	s25 =	sor.u32 $0x100, s2;
	v8 =	vshrl.u32 v18, $0x10;
	v7 =	vand.u32 $0xFF, v7;
	v9 =	vadd.s32 $0x90, v9;
	[tilespmem:s30+$0x80] =	vst v14;
	v26 =	vld.idx.msk [tilespmem:v0+s1+$0x0], $0xffff;
	v0 =	vmovc v3;
	v3 =	vmovc v12  }
0x5f: {  	v11 =	vshrl.u32 v1, $0x8;
	s29 =	sor.u32 $0x180, s9;
	s9 =	sor.u32 $0x180, s11;
	v8 =	vand.u32 $0xFF, v8;
	s30 =	sor.u32 $0x100, s7;
	v7 =	vadd.s32 $0x120, v7;
	v14 =	vld.idx.msk [tilespmem:v15+s1+$0x0], $0xffff;
	[tilespmem:s25+$0x4280] =	vst v13  }
.Ltmp0:
0x60: {  	v12 =	vshrl.u32 v21, $0x18;
	v13 =	vadd.s32 $0x120, v8;
	v8 =	vand.u32 $0xFF, v11;
	s25 =	sor.u32 $0x180, s7;
	[tilespmem:s15+$0x0] =	vst v17;
	v15 =	vld.idx.msk [tilespmem:v19+s1+$0x0], $0xffff;
	(pc) =	sbr.rel @p1 .LBB2_2-.Ltmp0, $4  }
0x61: {  	s10 =	sadd.s32 $0x100, s10;
	v11 =	vadd.s32 $0x1B0, v12;
	v12 =	vshrl.u32 v18, $0x18;
	v19 =	vadd.s32 $0x90, v8;
	v17 =	vld.idx.msk [tilespmem:v16+s1+$0x0], $0xffff;
	[tilespmem:s12+$0x4280] =	vst v20  }
0x62: {  	s11 =	sand.u32 $0x7E00, s10;
	s7 =	sshra.s32 s10, $0x2;
	v8 =	vadd.s32 $0x1B0, v12;
	v16 =	vld.idx.msk [tilespmem:v23+s1+$0x0], $0xffff;
	[tilespmem:s4+$0x4280] =	vst v24;
	s4 =	smov.u32 s30  }
0x63: {  	s11 =	sadd.s32 $0x4280, s11;
	v12 =	vld [tilespmem:s7+$0x280];
	[tilespmem:s5+$0x4280] =	vst v25;
	s5 =	smov.u32 s9  }
0x64: {  	s30 =	sor.u32 s6, s11;
	s7 =	sor.u32 s31, s11;
	s9 =	sor.u32 s0, s11;
	v18 =	vld.idx.msk [tilespmem:v22+s1+$0x0], $0xffff;
	[tilespmem:s8+$0x4280] =	vst v26  }
0x65: {  	_ =	sdelay $0x2  }
0x66: {  	v20 =	vand.u32 $0xFF, v12;
	_ =	sdelay $0x3  }
0x67: {  	v21 =	vshrl.u32 v12, $0x8  }
0x68: {  	[tilespmem:s9+$0x0] =	vst v14;
	v21 =	vand.u32 $0xFF, v21;
	v20 =	vld.idx.msk [tilespmem:v20+s1+$0x0], $0xffff  }
0x69: {  	s0 =	sor.u32 $0x180, s2;
	v5 =	vld.idx.msk [tilespmem:v5+s1+$0x0], $0xffff;
	[tilespmem:s7+$0x0] =	vst v17;
	v54 =	vadd.s32 $0x90, v21  }
0x6a: {  	v52 =	vshrl.u32 v1, $0x10;
	v4 =	vld.idx.msk [tilespmem:v4+s1+$0x0], $0xffff;
	[tilespmem:s0+$0x4280] =	vst v15  }
0x6b: {  	v53 =	vld.idx.msk [tilespmem:v19+s1+$0x0], $0xffff;
	v14 =	vand.u32 $0xFF, v52;
	[tilespmem:s30+$0x0] =	vst v16  }
0x6c: {  	s8 =	sor.u32 s3, s11;
	v10 =	vld.idx.msk [tilespmem:v10+s1+$0x0], $0xffff;
	v14 =	vadd.s32 $0x120, v14;
	[tilespmem:s15+$0x80] =	vst v18  }
0x6d: {  	v9 =	vld.idx.msk [tilespmem:v9+s1+$0x0], $0xffff;
	v55 =	vshrl.u32 v12, $0x10;
	[tilespmem:s8+$0x0] =	vst v20  }
0x6e: {  	v15 =	vand.u32 $0xFF, v55;
	[tilespmem:s24+$0x4280] =	vst v5;
	v56 =	vld.idx.msk [tilespmem:v54+s1+$0x0], $0xffff  }
0x6f: {  	v0 =	vld.idx.msk [tilespmem:v0+s1+$0x0], $0xffff;
	v15 =	vadd.s32 $0x120, v15;
	[tilespmem:s29+$0x4280] =	vst v4  }
0x70: {  	p0 =	por !p0, !p0;
	s2 =	simm.s32 $0x1;
	v6 =	vld.idx.msk [tilespmem:v6+s1+$0x0], $0xffff;
	[tilespmem:s9+$0x80] =	vst v53  }
0x71: {  	v57 =	vshrl.u32 v1, $0x18;
	s2 =	simm.s32 @!p0 $0x0;
	v14 =	vld.idx.msk [tilespmem:v14+s1+$0x0], $0xffff;
	[tilespmem:s7+$0x80] =	vst v10  }
0x72: {  	v1 =	vadd.s32 $0x1B0, v57;
	s2 =	sshll.u32 s2, $0x6;
	v58 =	vld.idx.msk [tilespmem:v7+s1+$0x0], $0xffff;
	[tilespmem:s30+$0x80] =	vst v9  }
0x73: {  	s2 =	sadd.s32 s2, s10;
	v59 =	vld.idx.msk [tilespmem:v13+s1+$0x0], $0xffff;
	[tilespmem:s8+$0x80] =	vst v56  }
0x74: {  	v60 =	vshrl.u32 v12, $0x18;
	s10 =	sadd.s32 $0x30, s2;
	[tilespmem:s28+$0x4280] =	vst v0;
	v61 =	vld.idx.msk [tilespmem:v15+s1+$0x0], $0xffff  }
0x75: {  	s6 =	sadd.s32 $0x10, s2;
	s11 =	sor.u32 $0x100, s10;
	v2 =	vld.idx.msk [tilespmem:v2+s1+$0x0], $0xffff;
	v7 =	vadd.s32 $0x1B0, v60;
	[tilespmem:s4+$0x4280] =	vst v6  }
0x76: {  	s15 =	sadd.s32 $0x20, s2;
	s12 =	sor.u32 $0x100, s6;
	v3 =	vld.idx.msk [tilespmem:v3+s1+$0x0], $0xffff;
	[tilespmem:s11+$0x4280] =	vst v14  }
0x77: {  	s24 =	sor.u32 $0x100, s15;
	[tilespmem:s12+$0x4280] =	vst v58;
	v1 =	vld.idx.msk [tilespmem:v1+s1+$0x0], $0xffff  }
0x78: {  	s26 =	sor.u32 $0x100, s2;
	v5 =	vld.idx.msk [tilespmem:v11+s1+$0x0], $0xffff;
	[tilespmem:s24+$0x4280] =	vst v59  }
0x79: {  	v62 =	vld.idx.msk [tilespmem:v8+s1+$0x0], $0xffff;
	[tilespmem:s26+$0x4280] =	vst v61  }
0x7a: {  	[tilespmem:s5+$0x4280] =	vst v2;
	v63 =	vld.idx.msk [tilespmem:v7+s1+$0x0], $0xffff  }
0x7b: {  	s29 =	sor.u32 $0x180, s10;
	[tilespmem:s25+$0x4280] =	vst v3  }
0x7c: {  	s30 =	sor.u32 $0x180, s6;
	[tilespmem:s29+$0x4280] =	vst v1  }
0x7d: {  	s31 =	sor.u32 $0x180, s15;
	[tilespmem:s30+$0x4280] =	vst v5  }
0x7e: {  	s2 =	sor.u32 $0x180, s2;
	[tilespmem:s31+$0x4280] =	vst v62  }
0x7f: {  	[tilespmem:s2+$0x4280] =	vst v63  }
0x80: {  	s3 =	simm.s32 $0x4480;
	s5 =	rddreg [dreg:$0x5]  }
0x81: {  	s0 =	simm.s32 $0x4280;
	s2 =	simm.s32 $0x10;
	s4 =	sadd.s32 $0x0, s5  }
.LBB2_4:
0x82: {  	[hbm4b:s4+s1] =	stream.linear.scatter [tilespmem:s0], [sflag:$0x3], $0x80, $0x38;
	[tilespmem:$0x14280] =	vst v63  }
0x83: {  	s4 =	smov.u32 s2;
	s0 =	smov.u32 s3;
	p0 =	sne.s32 s2, $0x3F0  }
.Ltmp1:
0x84: {  	s2 =	sadd.s32 $0x10, s2;
	(pc) =	sbr.rel @p0 .LBB2_4-.Ltmp1, $2  }
0x85: {  	_ =	sdelay $0x2  }
0x86: {  	s3 =	sadd.s32 $0x200, s3;
	s4 =	sadd.s32 s4, s5  }
0x87: {  	[hbm4b:s4+s1] =	stream.linear.scatter [tilespmem:s0], [sflag:$0x3], $0x80, $0x38;
	[tilespmem:$0x14280] =	vst v63  }
0x88: {  	s0 =	simm.s32 $0x4300;
	s2 =	simm.s32 $0x10;
	s5 =	rddreg [dreg:$0x6]  }
0x89: {  	s3 =	simm.s32 $0x4500;
	s6 =	rddreg [dreg:$0x7];
	s4 =	sadd.s32 $0x0, s5  }
.LBB2_6:
0x8a: {  	[hbm4b:s4+s1] =	stream.linear.scatter [tilespmem:s0], [sflag:$0x3], $0x80, $0x38;
	[tilespmem:$0x14280] =	vst v63  }
0x8b: {  	s4 =	smov.u32 s2;
	s0 =	smov.u32 s3;
	p0 =	sne.s32 s2, $0x3F0  }
.Ltmp2:
0x8c: {  	s2 =	sadd.s32 $0x10, s2;
	(pc) =	sbr.rel @p0 .LBB2_6-.Ltmp2, $2  }
0x8d: {  	_ =	sdelay $0x2  }
0x8e: {  	s3 =	sadd.s32 $0x200, s3;
	s4 =	sadd.s32 s4, s5  }
0x8f: {  	[hbm4b:s4+s1] =	stream.linear.scatter [tilespmem:s0], [sflag:$0x3], $0x80, $0x38;
	[tilespmem:$0x14280] =	vst v63  }
0x90: {  	s0 =	simm.s32 $0x4380  }
0x91: {  	s2 =	simm.s32 $0x10;
	s4 =	sadd.s32 $0x0, s6;
	s3 =	simm.s32 $0x4580  }
.LBB2_8:
0x92: {  	[hbm4b:s4+s1] =	stream.linear.scatter [tilespmem:s0], [sflag:$0x3], $0x80, $0x38;
	[tilespmem:$0x14280] =	vst v63  }
0x93: {  	s4 =	smov.u32 s2;
	s0 =	smov.u32 s3;
	p0 =	sne.s32 s2, $0x3F0  }
.Ltmp3:
0x94: {  	s2 =	sadd.s32 $0x10, s2;
	(pc) =	sbr.rel @p0 .LBB2_8-.Ltmp3, $2  }
0x95: {  	_ =	sdelay $0x2  }
0x96: {  	s3 =	sadd.s32 $0x200, s3;
	s4 =	sadd.s32 s4, s6  }
0x97: {  	[hbm4b:s4+s1] =	stream.linear.scatter [tilespmem:s0], [sflag:$0x3], $0x80, $0x38;
	[tilespmem:$0x14280] =	vst v63  }
0x98: {  	s0 =	simm.s32 $0x4400;
	s5 =	rddreg [dreg:$0x8]  }
0x99: {  	s2 =	simm.s32 $0x10;
	s3 =	simm.s32 $0x4600;
	s4 =	sadd.s32 $0x0, s5  }
.LBB2_10:
0x9a: {  	[hbm4b:s4+s1] =	stream.linear.scatter [tilespmem:s0], [sflag:$0x3], $0x80, $0x38;
	[tilespmem:$0x14280] =	vst v63  }
0x9b: {  	s4 =	smov.u32 s2;
	s0 =	smov.u32 s3;
	p0 =	sne.s32 s2, $0x3F0  }
.Ltmp4:
0x9c: {  	s2 =	sadd.s32 $0x10, s2;
	(pc) =	sbr.rel @p0 .LBB2_10-.Ltmp4, $2  }
0x9d: {  	_ =	sdelay $0x2  }
0x9e: {  	s3 =	sadd.s32 $0x200, s3;
	s4 =	sadd.s32 s4, s5  }
0x9f: {  	[hbm4b:s4+s1] =	stream.linear.scatter [tilespmem:s0], [sflag:$0x3], $0x80, $0x38;
	[tilespmem:$0x14280] =	vst v63  }
0xa0: {  	s2 =	simm.s32 $0x0;
	s9 =	rddreg [dreg:$0x9]  }
0xa1: {  	s3 =	simm.s32 $0x280;
	s10 =	simm.s32 $0x0;
	s5 =	simm.s32 $0x2  }
0xa2: {  	[tilespmem:s3], [sflag:$0x1] =	stream.linear.gather [hbm4b:s9+s2], $0x2000, $0x38;
	[tilespmem:$0x14280] =	vst v63  }
0xa3: {  	s0 =	sand.u32 $0x40, s10;
	s3 =	sand.u32 $0x1F80, s10;
	_ =	swait.ge [sflag:s5], $0x2000  }
0xa4: {  	s11 =	sor.u32 $0x30, s0;
	s3 =	sadd.s32 $0x2280, s3;
	[sflag:s5] =	ssyncset.done $0x0  }
0xa5: {  	s12 =	sor.u32 s11, s3;
	[sflag:s5] =	ssyncadd.s32 $0xFFFFE000  }
0xa6: {  	v0 =	vld [tilespmem:s12+$0x0]  }
0xa7: {  	s6 =	sor.u32 $0x10, s0  }
0xa8: {  	s15 =	sor.u32 s6, s3  }
0xa9: {  	v1 =	vld [tilespmem:s15+$0x0];
	_ =	sdelay $0x1  }
0xaa: {  	s8 =	sor.u32 $0x20, s0;
	v3 =	vand.u32 $0xFF, v0  }
0xab: {  	s3 =	sor.u32 s8, s3  }
0xac: {  	s24 =	simm.s32 $0x0;
	v2 =	vld [tilespmem:s3+$0x0]  }
0xad: {  	v8 =	vld [tilespmem:s24+$0x2280];
	v4 =	vand.u32 $0xFF, v1  }
0xae: {  	v6 =	vshrl.u32 v0, $0x8  }
0xaf: {  	s25 =	simm.s32 $0x40;
	s2 =	sand.u32 $0x7E00, s2;
	v6 =	vand.u32 $0xFF, v6;
	v3 =	vld.idx.msk [tilespmem:v3+s1+$0x0], $0xffff  }
0xb0: {  	s4 =	sand.u32 $0x40, s25;
	s7 =	sadd.s32 $0xC280, s2;
	s2 =	sand.u32 $0x1F80, s25;
	v6 =	vadd.s32 $0x90, v6  }
0xb1: {  	s31 =	sor.u32 $0x30, s4;
	s9 =	sadd.s32 $0x2280, s2;
	v5 =	vand.u32 $0xFF, v2;
	v7 =	vshrl.u32 v1, $0x8  }
0xb2: {  	s10 =	sor.u32 s6, s7;
	s6 =	sor.u32 $0x10, s4;
	s2 =	sor.u32 s31, s9;
	v12 =	vand.u32 $0xFF, v8;
	v7 =	vand.u32 $0xFF, v7;
	v4 =	vld.idx.msk [tilespmem:v4+s1+$0x0], $0xffff  }
0xb3: {  	s26 =	sor.u32 s11, s7;
	s11 =	sor.u32 s6, s9;
	v10 =	vld [tilespmem:s2+$0x0];
	v7 =	vadd.s32 $0x90, v7  }
0xb4: {  	v11 =	vld [tilespmem:s11+$0x0];
	[tilespmem:s26+$0x0] =	vst v3;
	v3 =	vshrl.u32 v0, $0x10  }
0xb5: {  	v6 =	vld.idx.msk [tilespmem:v6+s1+$0x0], $0xffff;
	v3 =	vand.u32 $0xFF, v3  }
0xb6: {  	v9 =	vshrl.u32 v2, $0x8;
	v5 =	vld.idx.msk [tilespmem:v5+s1+$0x0], $0xffff;
	v3 =	vadd.s32 $0x120, v3  }
0xb7: {  	v12 =	vld.idx.msk [tilespmem:v12+s1+$0x0], $0xffff;
	[tilespmem:s10+$0x0] =	vst v4;
	v4 =	vand.u32 $0xFF, v9;
	v9 =	vshrl.u32 v1, $0x10  }
0xb8: {  	s2 =	sor.u32 $0x20, s4;
	v7 =	vld.idx.msk [tilespmem:v7+s1+$0x0], $0xffff;
	v9 =	vand.u32 $0xFF, v9  }
0xb9: {  	s9 =	sor.u32 s2, s9;
	v9 =	vadd.s32 $0x120, v9  }
0xba: {  	p0 =	por $0x0, $0x0;
	s8 =	sor.u32 s8, s7;
	s5 =	simm.s32 $0x1;
	v13 =	vld [tilespmem:s9+$0x0];
	v4 =	vadd.s32 $0x90, v4;
	[tilespmem:s26+$0x80] =	vst v6  }
0xbb: {  	s5 =	simm.s32 @!p0 $0x0;
	s9 =	sor.u32 s0, s7;
	v0 =	vshrl.u32 v0, $0x18;
	[tilespmem:s8+$0x0] =	vst v5;
	v6 =	vand.u32 $0xFF, v10;
	v3 =	vld.idx.msk [tilespmem:v3+s1+$0x0], $0xffff  }
0xbc: {  	s15 =	simm.s32 $0x40;
	s5 =	sshll.u32 s5, $0x6;
	v14 =	vshrl.u32 v8, $0x8;
	[tilespmem:s9+$0x0] =	vst v12;
	v0 =	vadd.s32 $0x1B0, v0  }
0xbd: {  	s5 =	sadd.s32 $0x0, s5;
	v14 =	vand.u32 $0xFF, v14;
	v5 =	vand.u32 $0xFF, v11;
	v12 =	vld [tilespmem:s15+$0x2280];
	[tilespmem:s10+$0x80] =	vst v7  }
0xbe: {  	v14 =	vadd.s32 $0x90, v14;
	s10 =	sadd.s32 $0x30, s5;
	v9 =	vld.idx.msk [tilespmem:v9+s1+$0x0], $0xffff  }
0xbf: {  	s12 =	simm.s32 $0x100;
	v15 =	vshrl.u32 v2, $0x10;
	v4 =	vld.idx.msk [tilespmem:v4+s1+$0x0], $0xffff;
	v7 =	vand.u32 $0xFF, v13;
	s11 =	sor.u32 $0x100, s10  }
0xc0: {  	s24 =	sand.u32 $0x7E00, s12;
	v16 =	vshrl.u32 v10, $0x8;
	v15 =	vand.u32 $0xFF, v15;
	s15 =	sadd.s32 $0x10, s5;
	v6 =	vld.idx.msk [tilespmem:v6+s1+$0x0], $0xffff;
	[tilespmem:s11+$0xC280] =	vst v3  }
0xc1: {  	s7 =	sadd.s32 $0xC280, s24;
	s25 =	sor.u32 $0x100, s15;
	s26 =	simm.s32 $0x80;
	v3 =	vadd.s32 $0x120, v15;
	v15 =	vand.u32 $0xFF, v16;
	v16 =	vld.idx.msk [tilespmem:v0+s1+$0x0], $0xffff  }
0xc2: {  	s3 =	sand.u32 $0x40, s26;
	s11 =	sor.u32 s31, s7;
	s31 =	sand.u32 $0x1F80, s26;
	v0 =	vshrl.u32 v1, $0x18;
	v1 =	vld.idx.msk [tilespmem:v5+s1+$0x0], $0xffff;
	v5 =	vadd.s32 $0x90, v15  }
0xc3: {  	v2 =	vshrl.u32 v2, $0x18;
	v14 =	vld.idx.msk [tilespmem:v14+s1+$0x0], $0xffff;
	[tilespmem:s25+$0xC280] =	vst v9;
	s25 =	sor.u32 s6, s7;
	s6 =	sor.u32 $0x10, s3;
	v15 =	vshrl.u32 v11, $0x8;
	s12 =	sadd.s32 $0x2280, s31;
	v0 =	vadd.s32 $0x1B0, v0  }
0xc4: {  	v17 =	vadd.s32 $0x1B0, v2;
	v7 =	vld.idx.msk [tilespmem:v7+s1+$0x0], $0xffff;
	[tilespmem:s8+$0x80] =	vst v4;
	v4 =	vshrl.u32 v13, $0x8;
	v15 =	vand.u32 $0xFF, v15;
	s28 =	sor.u32 s6, s12  }
0xc5: {  	v2 =	vand.u32 $0xFF, v4;
	v4 =	vshrl.u32 v10, $0x10;
	v15 =	vadd.s32 $0x90, v15;
	v21 =	vld [tilespmem:s28+$0x0]  }
0xc6: {  	v4 =	vand.u32 $0xFF, v4;
	[tilespmem:s11+$0x0] =	vst v6;
	v3 =	vld.idx.msk [tilespmem:v3+s1+$0x0], $0xffff  }
0xc7: {  	s0 =	sor.u32 $0x30, s3;
	v2 =	vadd.s32 $0x90, v2;
	v18 =	vadd.s32 $0x120, v4;
	v6 =	vld.idx.msk [tilespmem:v5+s1+$0x0], $0xffff  }
0xc8: {  	s8 =	sor.u32 s0, s12;
	v5 =	vshrl.u32 v8, $0x10;
	v9 =	vld.idx.msk [tilespmem:v0+s1+$0x0], $0xffff;
	v0 =	vshrl.u32 v8, $0x18;
	v8 =	vshrl.u32 v11, $0x10  }
0xc9: {  	[tilespmem:s25+$0x0] =	vst v1;
	v1 =	vld [tilespmem:s8+$0x0];
	s8 =	sor.u32 $0x20, s3;
	v4 =	vand.u32 $0xFF, v5;
	v5 =	vand.u32 $0xFF, v8;
	v8 =	vand.u32 $0xFF, v12  }
0xca: {  	v19 =	vshrl.u32 v13, $0x10;
	v10 =	vshrl.u32 v10, $0x18;
	s12 =	sor.u32 s8, s12;
	v15 =	vld.idx.msk [tilespmem:v15+s1+$0x0], $0xffff  }
0xcb: {  	s24 =	sor.u32 s2, s7;
	[tilespmem:s9+$0x80] =	vst v14;
	v22 =	vadd.s32 $0x120, v4;
	v4 =	vand.u32 $0xFF, v19;
	v19 =	vld [tilespmem:s12+$0x0];
	v20 =	vadd.s32 $0x120, v5  }
0xcc: {  	s31 =	sor.u32 $0x180, s10;
	[tilespmem:s24+$0x0] =	vst v7;
	v7 =	vshrl.u32 v13, $0x18;
	v11 =	vshrl.u32 v11, $0x18;
	v5 =	vadd.s32 $0x120, v4  }
0xcd: {  	[tilespmem:s31+$0xC280] =	vst v16;
	v4 =	vadd.s32 $0x1B0, v11;
	v11 =	vld.idx.msk [tilespmem:v2+s1+$0x0], $0xffff;
	v2 =	vadd.s32 $0x1B0, v7;
	v7 =	vadd.s32 $0x1B0, v10  }
0xce: {  	p0 =	por !p0, !p0;
	s10 =	simm.s32 $0x1;
	v10 =	vshrl.u32 v12, $0x10;
	[tilespmem:s11+$0x80] =	vst v6;
	v6 =	vshrl.u32 v12, $0x8;
	v16 =	vand.u32 $0xFF, v1;
	s11 =	sadd.s32 $0x20, s5;
	v8 =	vld.idx.msk [tilespmem:v8+s1+$0x0], $0xffff  }
0xcf: {  	s10 =	simm.s32 @!p0 $0x0;
	v12 =	vshrl.u32 v12, $0x18;
	v13 =	vld.idx.msk [tilespmem:v18+s1+$0x0], $0xffff;
	v6 =	vand.u32 $0xFF, v6;
	s12 =	sor.u32 $0x100, s11;
	v18 =	vand.u32 $0xFF, v21;
	[tilespmem:s25+$0x80] =	vst v15  }
0xd0: {  	s10 =	sshll.u32 s10, $0x6;
	s25 =	sor.u32 $0x180, s15;
	v23 =	vadd.s32 $0x90, v6;
	v6 =	vand.u32 $0xFF, v10;
	[tilespmem:s12+$0xC280] =	vst v3;
	v24 =	vand.u32 $0xFF, v19;
	v20 =	vld.idx.msk [tilespmem:v20+s1+$0x0], $0xffff  }
0xd1: {  	s9 =	sadd.s32 $0x100, s10;
	v22 =	vld.idx.msk [tilespmem:v22+s1+$0x0], $0xffff;
	v3 =	vadd.s32 $0x1B0, v12;
	v12 =	vshrl.u32 v19, $0x8;
	[tilespmem:s25+$0xC280] =	vst v9;
	v9 =	vshrl.u32 v21, $0x8  }
0xd2: {  	s30 =	sor.u32 $0x100, s5;
	s2 =	sadd.s32 $0x30, s9;
	v15 =	vshrl.u32 v21, $0x10;
	s15 =	sor.u32 s4, s7;
	v25 =	vld.idx.msk [tilespmem:v17+s1+$0x0], $0xffff;
	[tilespmem:s24+$0x80] =	vst v11;
	v11 =	vshrl.u32 v19, $0x10;
	v9 =	vand.u32 $0xFF, v9  }
0xd3: {  	s31 =	sor.u32 $0x100, s2;
	s12 =	sor.u32 $0x180, s11;
	s11 =	sadd.s32 $0x10, s9;
	v14 =	vld.idx.msk [tilespmem:v16+s1+$0x0], $0xffff;
	v10 =	vadd.s32 $0x90, v9;
	[tilespmem:s15+$0x0] =	vst v8;
	v8 =	vand.u32 $0xFF, v11;
	v11 =	vshrl.u32 v1, $0x8  }
0xd4: {  	s28 =	sor.u32 $0x180, s5;
	s10 =	simm.s32 $0x200;
	v9 =	vand.u32 $0xFF, v12;
	[tilespmem:s31+$0xC280] =	vst v13;
	s31 =	sor.u32 $0x100, s11;
	v17 =	vld.idx.msk [tilespmem:v18+s1+$0x0], $0xffff;
	v13 =	vadd.s32 $0x120, v8;
	v8 =	vand.u32 $0xFF, v11  }
0xd5: {  	s4 =	sor.u32 $0x100, s9;
	s25 =	sadd.s32 $0x20, s9;
	s29 =	sor.u32 $0x180, s11;
	v12 =	vand.u32 $0xFF, v15;
	v15 =	vld.idx.msk [tilespmem:v7+s1+$0x0], $0xffff;
	[tilespmem:s31+$0xC280] =	vst v20;
	v20 =	vshrl.u32 v19, $0x18;
	v19 =	vadd.s32 $0x90, v8  }
0xd6: {  	v0 =	vadd.s32 $0x1B0, v0;
	s24 =	sor.u32 $0x100, s25;
	s11 =	simm.s32 $0x80;
	v16 =	vld.idx.msk [tilespmem:v24+s1+$0x0], $0xffff;
	s31 =	sand.u32 $0x7E00, s10  }
0xd7: {  	v6 =	vadd.s32 $0x120, v6;
	s5 =	sor.u32 $0x180, s25;
	s25 =	sor.u32 $0x180, s9;
	v18 =	vshrl.u32 v21, $0x18;
	v7 =	vadd.s32 $0x120, v12;
	[tilespmem:s30+$0xC280] =	vst v22;
	v12 =	vld [tilespmem:s11+$0x2280];
	s11 =	sadd.s32 $0xC280, s31  }
0xd8: {  	v9 =	vadd.s32 $0x90, v9;
	v11 =	vadd.s32 $0x1B0, v18;
	[tilespmem:s12+$0xC280] =	vst v25;
	v18 =	vld.idx.msk [tilespmem:v23+s1+$0x0], $0xffff;
	v8 =	vadd.s32 $0x1B0, v20;
	s7 =	sor.u32 s6, s11;
	s30 =	sor.u32 s8, s11;
	s9 =	sor.u32 s0, s11  }
.LBB2_12:
0xd9: {  	s26 =	sadd.s32 $0x40, s26;
	s11 =	sor.u32 s3, s11;
	[tilespmem:s9+$0x0] =	vst v14;
	v14 =	vld.idx.msk [tilespmem:v5+s1+$0x0], $0xffff;
	s0 =	sor.u32 $0x180, s2;
	v5 =	vmov v13  }
0xda: {  	v13 =	vshrl.u32 v1, $0x10;
	s3 =	sand.u32 $0x40, s26;
	s2 =	sand.u32 $0x1F80, s26;
	p1 =	slt.u32 s26, $0x1FC0;
	v19 =	vld.idx.msk [tilespmem:v19+s1+$0x0], $0xffff;
	[tilespmem:s0+$0xC280] =	vst v15  }
0xdb: {  	v13 =	vand.u32 $0xFF, v13;
	s0 =	sor.u32 $0x10, s3;
	s2 =	sadd.s32 $0x2280, s2;
	s31 =	sor.u32 $0x30, s3;
	[tilespmem:s7+$0x0] =	vst v17;
	v15 =	vld.idx.msk [tilespmem:v4+s1+$0x0], $0xffff;
	v4 =	vmov v11  }
0xdc: {  	s6 =	sor.u32 $0x20, s3;
	v13 =	vadd.s32 $0x120, v13;
	s12 =	sor.u32 s0, s2;
	s8 =	sor.u32 s31, s2;
	v11 =	vshrl.u32 v12, $0x8;
	v17 =	vand.u32 $0xFF, v12;
	v10 =	vld.idx.msk [tilespmem:v10+s1+$0x0], $0xffff;
	[tilespmem:s30+$0x0] =	vst v16  }
0xdd: {  	s2 =	sor.u32 s6, s2;
	v20 =	vshrl.u32 v12, $0x10;
	v12 =	vshrl.u32 v12, $0x18;
	v16 =	vld [tilespmem:s8+$0x0];
	v11 =	vand.u32 $0xFF, v11;
	s8 =	smov.u32 s28;
	s28 =	smov.u32 s25  }
0xde: {  	v12 =	vadd.s32 $0x1B0, v12;
	v21 =	vld [tilespmem:s12+$0x0];
	v22 =	vadd.s32 $0x90, v11;
	v11 =	vand.u32 $0xFF, v20;
	[tilespmem:s15+$0x80] =	vst v18;
	s15 =	smov.u32 s11  }
0xdf: {  	v18 =	vld [tilespmem:s2+$0x0];
	v11 =	vadd.s32 $0x120, v11;
	[tilespmem:s24+$0xC280] =	vst v14  }
0xe0: {  	v14 =	vld.idx.msk [tilespmem:v9+s1+$0x0], $0xffff;
	[tilespmem:s9+$0x80] =	vst v19  }
0xe1: {  	p0 =	por !p0, !p0;
	s2 =	simm.s32 $0x1;
	v13 =	vld.idx.msk [tilespmem:v13+s1+$0x0], $0xffff;
	[tilespmem:s29+$0xC280] =	vst v15  }
0xe2: {  	s2 =	simm.s32 @!p0 $0x0;
	v9 =	vshrl.u32 v1, $0x18;
	v15 =	vand.u32 $0xFF, v16;
	v17 =	vld.idx.msk [tilespmem:v17+s1+$0x0], $0xffff;
	[tilespmem:s7+$0x80] =	vst v10;
	v1 =	vmov v16  }
0xe3: {  	s2 =	sshll.u32 s2, $0x6;
	v19 =	vadd.s32 $0x1B0, v9;
	v10 =	vshrl.u32 v21, $0x8;
	v16 =	vand.u32 $0xFF, v21;
	v20 =	vld.idx.msk [tilespmem:v7+s1+$0x0], $0xffff  }
0xe4: {  	s7 =	sadd.s32 s2, s10;
	v7 =	vand.u32 $0xFF, v10;
	v9 =	vshrl.u32 v18, $0x8;
	v23 =	vand.u32 $0xFF, v18;
	v24 =	vld.idx.msk [tilespmem:v6+s1+$0x0], $0xffff;
	v6 =	vmovc v11  }
0xe5: {  	s9 =	sadd.s32 $0x10, s7;
	s11 =	sadd.s32 $0x20, s7;
	s2 =	sadd.s32 $0x30, s7;
	v10 =	vadd.s32 $0x90, v7;
	v7 =	vshrl.u32 v21, $0x10;
	v9 =	vand.u32 $0xFF, v9;
	v25 =	vld.idx.msk [tilespmem:v2+s1+$0x0], $0xffff;
	v2 =	vmovc v8  }
0xe6: {  	s12 =	sor.u32 $0x100, s9;
	s24 =	sor.u32 $0x100, s11;
	s25 =	sor.u32 $0x100, s2;
	v8 =	vshrl.u32 v18, $0x10;
	v7 =	vand.u32 $0xFF, v7;
	v9 =	vadd.s32 $0x90, v9;
	[tilespmem:s30+$0x80] =	vst v14;
	v26 =	vld.idx.msk [tilespmem:v0+s1+$0x0], $0xffff;
	v0 =	vmovc v3;
	v3 =	vmovc v12  }
0xe7: {  	v11 =	vshrl.u32 v1, $0x8;
	s29 =	sor.u32 $0x180, s9;
	s9 =	sor.u32 $0x180, s11;
	v8 =	vand.u32 $0xFF, v8;
	s30 =	sor.u32 $0x100, s7;
	v7 =	vadd.s32 $0x120, v7;
	v14 =	vld.idx.msk [tilespmem:v15+s1+$0x0], $0xffff;
	[tilespmem:s25+$0xC280] =	vst v13  }
.Ltmp5:
0xe8: {  	v12 =	vshrl.u32 v21, $0x18;
	v13 =	vadd.s32 $0x120, v8;
	v8 =	vand.u32 $0xFF, v11;
	s25 =	sor.u32 $0x180, s7;
	[tilespmem:s15+$0x0] =	vst v17;
	v15 =	vld.idx.msk [tilespmem:v19+s1+$0x0], $0xffff;
	(pc) =	sbr.rel @p1 .LBB2_12-.Ltmp5, $4  }
0xe9: {  	s10 =	sadd.s32 $0x100, s10;
	v11 =	vadd.s32 $0x1B0, v12;
	v12 =	vshrl.u32 v18, $0x18;
	v19 =	vadd.s32 $0x90, v8;
	v17 =	vld.idx.msk [tilespmem:v16+s1+$0x0], $0xffff;
	[tilespmem:s12+$0xC280] =	vst v20  }
0xea: {  	s11 =	sand.u32 $0x7E00, s10;
	s7 =	sshra.s32 s10, $0x2;
	v8 =	vadd.s32 $0x1B0, v12;
	v16 =	vld.idx.msk [tilespmem:v23+s1+$0x0], $0xffff;
	[tilespmem:s4+$0xC280] =	vst v24;
	s4 =	smov.u32 s30  }
0xeb: {  	s11 =	sadd.s32 $0xC280, s11;
	v12 =	vld [tilespmem:s7+$0x2280];
	[tilespmem:s5+$0xC280] =	vst v25;
	s5 =	smov.u32 s9  }
0xec: {  	s30 =	sor.u32 s6, s11;
	s7 =	sor.u32 s0, s11;
	s9 =	sor.u32 s31, s11;
	v18 =	vld.idx.msk [tilespmem:v22+s1+$0x0], $0xffff;
	[tilespmem:s8+$0xC280] =	vst v26  }
0xed: {  	_ =	sdelay $0x2  }
0xee: {  	v20 =	vand.u32 $0xFF, v12;
	_ =	sdelay $0x3  }
0xef: {  	v21 =	vshrl.u32 v12, $0x8  }
0xf0: {  	[tilespmem:s9+$0x0] =	vst v14;
	v21 =	vand.u32 $0xFF, v21;
	v20 =	vld.idx.msk [tilespmem:v20+s1+$0x0], $0xffff  }
0xf1: {  	s0 =	sor.u32 $0x180, s2;
	v5 =	vld.idx.msk [tilespmem:v5+s1+$0x0], $0xffff;
	[tilespmem:s7+$0x0] =	vst v17;
	v54 =	vadd.s32 $0x90, v21  }
0xf2: {  	v52 =	vshrl.u32 v1, $0x10;
	v4 =	vld.idx.msk [tilespmem:v4+s1+$0x0], $0xffff;
	[tilespmem:s0+$0xC280] =	vst v15  }
0xf3: {  	v53 =	vld.idx.msk [tilespmem:v19+s1+$0x0], $0xffff;
	v14 =	vand.u32 $0xFF, v52;
	[tilespmem:s30+$0x0] =	vst v16  }
0xf4: {  	s8 =	sor.u32 s3, s11;
	v10 =	vld.idx.msk [tilespmem:v10+s1+$0x0], $0xffff;
	v14 =	vadd.s32 $0x120, v14;
	[tilespmem:s15+$0x80] =	vst v18  }
0xf5: {  	v9 =	vld.idx.msk [tilespmem:v9+s1+$0x0], $0xffff;
	v55 =	vshrl.u32 v12, $0x10;
	[tilespmem:s8+$0x0] =	vst v20  }
0xf6: {  	v15 =	vand.u32 $0xFF, v55;
	[tilespmem:s24+$0xC280] =	vst v5;
	v56 =	vld.idx.msk [tilespmem:v54+s1+$0x0], $0xffff  }
0xf7: {  	v0 =	vld.idx.msk [tilespmem:v0+s1+$0x0], $0xffff;
	v15 =	vadd.s32 $0x120, v15;
	[tilespmem:s29+$0xC280] =	vst v4  }
0xf8: {  	p0 =	por !p0, !p0;
	s2 =	simm.s32 $0x1;
	v6 =	vld.idx.msk [tilespmem:v6+s1+$0x0], $0xffff;
	[tilespmem:s9+$0x80] =	vst v53  }
0xf9: {  	v57 =	vshrl.u32 v1, $0x18;
	s2 =	simm.s32 @!p0 $0x0;
	v14 =	vld.idx.msk [tilespmem:v14+s1+$0x0], $0xffff;
	[tilespmem:s7+$0x80] =	vst v10  }
0xfa: {  	v1 =	vadd.s32 $0x1B0, v57;
	s2 =	sshll.u32 s2, $0x6;
	v58 =	vld.idx.msk [tilespmem:v7+s1+$0x0], $0xffff;
	[tilespmem:s30+$0x80] =	vst v9  }
0xfb: {  	s2 =	sadd.s32 s2, s10;
	v59 =	vld.idx.msk [tilespmem:v13+s1+$0x0], $0xffff;
	[tilespmem:s8+$0x80] =	vst v56  }
0xfc: {  	v60 =	vshrl.u32 v12, $0x18;
	s10 =	sadd.s32 $0x30, s2;
	[tilespmem:s28+$0xC280] =	vst v0;
	v61 =	vld.idx.msk [tilespmem:v15+s1+$0x0], $0xffff  }
0xfd: {  	s6 =	sadd.s32 $0x10, s2;
	s11 =	sor.u32 $0x100, s10;
	v2 =	vld.idx.msk [tilespmem:v2+s1+$0x0], $0xffff;
	v7 =	vadd.s32 $0x1B0, v60;
	[tilespmem:s4+$0xC280] =	vst v6  }
0xfe: {  	s15 =	sadd.s32 $0x20, s2;
	s12 =	sor.u32 $0x100, s6;
	v3 =	vld.idx.msk [tilespmem:v3+s1+$0x0], $0xffff;
	[tilespmem:s11+$0xC280] =	vst v14  }
0xff: {  	s24 =	sor.u32 $0x100, s15;
	[tilespmem:s12+$0xC280] =	vst v58;
	v1 =	vld.idx.msk [tilespmem:v1+s1+$0x0], $0xffff  }
0x100: {  	s26 =	sor.u32 $0x100, s2;
	v5 =	vld.idx.msk [tilespmem:v11+s1+$0x0], $0xffff;
	[tilespmem:s24+$0xC280] =	vst v59  }
0x101: {  	v62 =	vld.idx.msk [tilespmem:v8+s1+$0x0], $0xffff;
	[tilespmem:s26+$0xC280] =	vst v61  }
0x102: {  	[tilespmem:s5+$0xC280] =	vst v2;
	v63 =	vld.idx.msk [tilespmem:v7+s1+$0x0], $0xffff  }
0x103: {  	s29 =	sor.u32 $0x180, s10;
	[tilespmem:s25+$0xC280] =	vst v3  }
0x104: {  	s30 =	sor.u32 $0x180, s6;
	[tilespmem:s29+$0xC280] =	vst v1  }
0x105: {  	s31 =	sor.u32 $0x180, s15;
	[tilespmem:s30+$0xC280] =	vst v5  }
0x106: {  	s2 =	sor.u32 $0x180, s2;
	[tilespmem:s31+$0xC280] =	vst v62  }
0x107: {  	[tilespmem:s2+$0xC280] =	vst v63  }
0x108: {  	s3 =	simm.s32 $0xC480;
	s5 =	rddreg [dreg:$0xa]  }
0x109: {  	s0 =	simm.s32 $0xC280;
	s2 =	simm.s32 $0x10;
	s4 =	sadd.s32 $0x0, s5  }
.LBB2_14:
0x10a: {  	[hbm4b:s4+s1] =	stream.linear.scatter [tilespmem:s0], [sflag:$0x4], $0x80, $0x38;
	[tilespmem:$0x14280] =	vst v63  }
0x10b: {  	s4 =	smov.u32 s2;
	s0 =	smov.u32 s3;
	p0 =	sne.s32 s2, $0x3F0  }
.Ltmp6:
0x10c: {  	s2 =	sadd.s32 $0x10, s2;
	(pc) =	sbr.rel @p0 .LBB2_14-.Ltmp6, $2  }
0x10d: {  	_ =	sdelay $0x2  }
0x10e: {  	s3 =	sadd.s32 $0x200, s3;
	s4 =	sadd.s32 s4, s5  }
0x10f: {  	[hbm4b:s4+s1] =	stream.linear.scatter [tilespmem:s0], [sflag:$0x4], $0x80, $0x38;
	[tilespmem:$0x14280] =	vst v63  }
0x110: {  	s0 =	simm.s32 $0xC300;
	s5 =	rddreg [dreg:$0xb]  }
0x111: {  	s2 =	simm.s32 $0x10;
	s3 =	simm.s32 $0xC500;
	s4 =	sadd.s32 $0x0, s5  }
.LBB2_16:
0x112: {  	[hbm4b:s4+s1] =	stream.linear.scatter [tilespmem:s0], [sflag:$0x4], $0x80, $0x38;
	[tilespmem:$0x14280] =	vst v63  }
0x113: {  	s4 =	smov.u32 s2;
	s0 =	smov.u32 s3;
	p0 =	sne.s32 s2, $0x3F0  }
.Ltmp7:
0x114: {  	s2 =	sadd.s32 $0x10, s2;
	(pc) =	sbr.rel @p0 .LBB2_16-.Ltmp7, $2  }
0x115: {  	_ =	sdelay $0x2  }
0x116: {  	s3 =	sadd.s32 $0x200, s3;
	s4 =	sadd.s32 s4, s5  }
0x117: {  	[hbm4b:s4+s1] =	stream.linear.scatter [tilespmem:s0], [sflag:$0x4], $0x80, $0x38;
	[tilespmem:$0x14280] =	vst v63  }
0x118: {  	s0 =	simm.s32 $0xC380  }
0x119: {  	s2 =	simm.s32 $0x10;
	s4 =	sadd.s32 $0x0, s13;
	s3 =	simm.s32 $0xC580  }
.LBB2_18:
0x11a: {  	[hbm4b:s4+s1] =	stream.linear.scatter [tilespmem:s0], [sflag:$0x4], $0x80, $0x38;
	[tilespmem:$0x14280] =	vst v63  }
0x11b: {  	s4 =	smov.u32 s2;
	s0 =	smov.u32 s3;
	p0 =	sne.s32 s2, $0x3F0  }
.Ltmp8:
0x11c: {  	s2 =	sadd.s32 $0x10, s2;
	(pc) =	sbr.rel @p0 .LBB2_18-.Ltmp8, $2  }
0x11d: {  	_ =	sdelay $0x2  }
0x11e: {  	s3 =	sadd.s32 $0x200, s3;
	s4 =	sadd.s32 s4, s13  }
0x11f: {  	[hbm4b:s4+s1] =	stream.linear.scatter [tilespmem:s0], [sflag:$0x4], $0x80, $0x38;
	[tilespmem:$0x14280] =	vst v63  }
0x120: {  	s0 =	simm.s32 $0xC400  }
0x121: {  	s2 =	simm.s32 $0x10;
	s4 =	sadd.s32 $0x0, s14;
	s3 =	simm.s32 $0xC600  }
.LBB2_20:
0x122: {  	[hbm4b:s4+s1] =	stream.linear.scatter [tilespmem:s0], [sflag:$0x4], $0x80, $0x38;
	[tilespmem:$0x14280] =	vst v63  }
0x123: {  	s4 =	smov.u32 s2;
	s0 =	smov.u32 s3;
	p0 =	sne.s32 s2, $0x3F0  }
.Ltmp9:
0x124: {  	s2 =	sadd.s32 $0x10, s2;
	(pc) =	sbr.rel @p0 .LBB2_20-.Ltmp9, $2  }
0x125: {  	_ =	sdelay $0x2  }
0x126: {  	s3 =	sadd.s32 $0x200, s3;
	s4 =	sadd.s32 s4, s14  }
0x127: {  	[hbm4b:s4+s1] =	stream.linear.scatter [tilespmem:s0], [sflag:$0x4], $0x80, $0x38;
	[tilespmem:$0x14280] =	vst v63  }
0x128: {  	s2 =	simm.s32 $0x0  }
0x129: {  	s8 =	rddreg [dreg:$0xc];
	s3 =	simm.s32 $0x2280;
	s9 =	simm.s32 $0x1  }
0x12a: {  	[tilespmem:s3], [sflag:$0x2] =	stream.linear.gather [hbm4b:s8+s2], $0x2000, $0x38;
	[tilespmem:$0x14280] =	vst v63  }
0x12b: {  	_ =	swait.ge [sflag:s9], $0x2000  }
0x12c: {  	[sflag:s9] =	ssyncset.done $0x0  }
0x12d: {  	s5 =	simm.s32 $0x3;
	[sflag:s9] =	ssyncadd.s32 $0xFFFFE000  }
0x12e: {  	_ =	swait.ge [sflag:s5], $0x2000  }
0x12f: {  	[sflag:s5] =	ssyncset.done $0x0  }
0x130: {  	[sflag:s5] =	ssyncadd.s32 $0xFFFFE000  }
0x131: {  	_ =	swait.ge [sflag:s5], $0x2000  }
0x132: {  	[sflag:s5] =	ssyncset.done $0x0  }
0x133: {  	[sflag:s5] =	ssyncadd.s32 $0xFFFFE000  }
0x134: {  	_ =	swait.ge [sflag:s5], $0x2000  }
0x135: {  	[sflag:s5] =	ssyncset.done $0x0  }
0x136: {  	s10 =	simm.s32 $0x0;
	[sflag:s5] =	ssyncadd.s32 $0xFFFFE000  }
0x137: {  	s0 =	sand.u32 $0x40, s10;
	s3 =	sand.u32 $0x1F80, s10;
	_ =	swait.ge [sflag:s5], $0x2000  }
0x138: {  	s11 =	sor.u32 $0x30, s0;
	s3 =	sadd.s32 $0x280, s3;
	[sflag:s5] =	ssyncset.done $0x0  }
0x139: {  	s12 =	sor.u32 s11, s3;
	[sflag:s5] =	ssyncadd.s32 $0xFFFFE000  }
0x13a: {  	v0 =	vld [tilespmem:s12+$0x0]  }
0x13b: {  	s6 =	sor.u32 $0x10, s0  }
0x13c: {  	s15 =	sor.u32 s6, s3  }
0x13d: {  	v1 =	vld [tilespmem:s15+$0x0];
	_ =	sdelay $0x1  }
0x13e: {  	s8 =	sor.u32 $0x20, s0;
	v3 =	vand.u32 $0xFF, v0  }
0x13f: {  	s3 =	sor.u32 s8, s3  }
0x140: {  	s24 =	simm.s32 $0x0;
	v2 =	vld [tilespmem:s3+$0x0]  }
0x141: {  	v8 =	vld [tilespmem:s24+$0x280];
	v4 =	vand.u32 $0xFF, v1  }
0x142: {  	v6 =	vshrl.u32 v0, $0x8  }
0x143: {  	s25 =	simm.s32 $0x40;
	s2 =	sand.u32 $0x7E00, s2;
	v6 =	vand.u32 $0xFF, v6;
	v3 =	vld.idx.msk [tilespmem:v3+s1+$0x0], $0xffff  }
0x144: {  	s4 =	sand.u32 $0x40, s25;
	s7 =	sadd.s32 $0x4280, s2;
	s2 =	sand.u32 $0x1F80, s25;
	v6 =	vadd.s32 $0x90, v6  }
0x145: {  	s31 =	sor.u32 $0x30, s4;
	s9 =	sadd.s32 $0x280, s2;
	v5 =	vand.u32 $0xFF, v2;
	v7 =	vshrl.u32 v1, $0x8  }
0x146: {  	s10 =	sor.u32 s6, s7;
	s6 =	sor.u32 $0x10, s4;
	s2 =	sor.u32 s31, s9;
	v12 =	vand.u32 $0xFF, v8;
	v7 =	vand.u32 $0xFF, v7;
	v4 =	vld.idx.msk [tilespmem:v4+s1+$0x0], $0xffff  }
0x147: {  	s26 =	sor.u32 s11, s7;
	s11 =	sor.u32 s6, s9;
	v10 =	vld [tilespmem:s2+$0x0];
	v7 =	vadd.s32 $0x90, v7  }
0x148: {  	v11 =	vld [tilespmem:s11+$0x0];
	[tilespmem:s26+$0x0] =	vst v3;
	v3 =	vshrl.u32 v0, $0x10  }
0x149: {  	v6 =	vld.idx.msk [tilespmem:v6+s1+$0x0], $0xffff;
	v3 =	vand.u32 $0xFF, v3  }
0x14a: {  	v9 =	vshrl.u32 v2, $0x8;
	v5 =	vld.idx.msk [tilespmem:v5+s1+$0x0], $0xffff;
	v3 =	vadd.s32 $0x120, v3  }
0x14b: {  	v12 =	vld.idx.msk [tilespmem:v12+s1+$0x0], $0xffff;
	[tilespmem:s10+$0x0] =	vst v4;
	v4 =	vand.u32 $0xFF, v9;
	v9 =	vshrl.u32 v1, $0x10  }
0x14c: {  	s2 =	sor.u32 $0x20, s4;
	v7 =	vld.idx.msk [tilespmem:v7+s1+$0x0], $0xffff;
	v9 =	vand.u32 $0xFF, v9  }
0x14d: {  	s9 =	sor.u32 s2, s9;
	v9 =	vadd.s32 $0x120, v9  }
0x14e: {  	p0 =	por $0x0, $0x0;
	s8 =	sor.u32 s8, s7;
	s5 =	simm.s32 $0x1;
	v13 =	vld [tilespmem:s9+$0x0];
	v4 =	vadd.s32 $0x90, v4;
	[tilespmem:s26+$0x80] =	vst v6  }
0x14f: {  	s5 =	simm.s32 @!p0 $0x0;
	s9 =	sor.u32 s0, s7;
	v0 =	vshrl.u32 v0, $0x18;
	[tilespmem:s8+$0x0] =	vst v5;
	v6 =	vand.u32 $0xFF, v10;
	v3 =	vld.idx.msk [tilespmem:v3+s1+$0x0], $0xffff  }
0x150: {  	s15 =	simm.s32 $0x40;
	s5 =	sshll.u32 s5, $0x6;
	v14 =	vshrl.u32 v8, $0x8;
	[tilespmem:s9+$0x0] =	vst v12;
	v0 =	vadd.s32 $0x1B0, v0  }
0x151: {  	s5 =	sadd.s32 $0x0, s5;
	v14 =	vand.u32 $0xFF, v14;
	v5 =	vand.u32 $0xFF, v11;
	v12 =	vld [tilespmem:s15+$0x280];
	[tilespmem:s10+$0x80] =	vst v7  }
0x152: {  	v14 =	vadd.s32 $0x90, v14;
	s10 =	sadd.s32 $0x30, s5;
	v9 =	vld.idx.msk [tilespmem:v9+s1+$0x0], $0xffff  }
0x153: {  	s12 =	simm.s32 $0x100;
	v15 =	vshrl.u32 v2, $0x10;
	v4 =	vld.idx.msk [tilespmem:v4+s1+$0x0], $0xffff;
	v7 =	vand.u32 $0xFF, v13;
	s11 =	sor.u32 $0x100, s10  }
0x154: {  	s24 =	sand.u32 $0x7E00, s12;
	v16 =	vshrl.u32 v10, $0x8;
	v15 =	vand.u32 $0xFF, v15;
	s15 =	sadd.s32 $0x10, s5;
	v6 =	vld.idx.msk [tilespmem:v6+s1+$0x0], $0xffff;
	[tilespmem:s11+$0x4280] =	vst v3  }
0x155: {  	s7 =	sadd.s32 $0x4280, s24;
	s25 =	sor.u32 $0x100, s15;
	s26 =	simm.s32 $0x80;
	v3 =	vadd.s32 $0x120, v15;
	v15 =	vand.u32 $0xFF, v16;
	v16 =	vld.idx.msk [tilespmem:v0+s1+$0x0], $0xffff  }
0x156: {  	s3 =	sand.u32 $0x40, s26;
	s11 =	sor.u32 s31, s7;
	s31 =	sand.u32 $0x1F80, s26;
	v0 =	vshrl.u32 v1, $0x18;
	v1 =	vld.idx.msk [tilespmem:v5+s1+$0x0], $0xffff;
	v5 =	vadd.s32 $0x90, v15  }
0x157: {  	v2 =	vshrl.u32 v2, $0x18;
	v14 =	vld.idx.msk [tilespmem:v14+s1+$0x0], $0xffff;
	[tilespmem:s25+$0x4280] =	vst v9;
	s25 =	sor.u32 s6, s7;
	s6 =	sor.u32 $0x10, s3;
	v15 =	vshrl.u32 v11, $0x8;
	s12 =	sadd.s32 $0x280, s31;
	v0 =	vadd.s32 $0x1B0, v0  }
0x158: {  	v17 =	vadd.s32 $0x1B0, v2;
	v7 =	vld.idx.msk [tilespmem:v7+s1+$0x0], $0xffff;
	[tilespmem:s8+$0x80] =	vst v4;
	v4 =	vshrl.u32 v13, $0x8;
	v15 =	vand.u32 $0xFF, v15;
	s28 =	sor.u32 s6, s12  }
0x159: {  	v2 =	vand.u32 $0xFF, v4;
	v4 =	vshrl.u32 v10, $0x10;
	v15 =	vadd.s32 $0x90, v15;
	v21 =	vld [tilespmem:s28+$0x0]  }
0x15a: {  	v4 =	vand.u32 $0xFF, v4;
	[tilespmem:s11+$0x0] =	vst v6;
	v3 =	vld.idx.msk [tilespmem:v3+s1+$0x0], $0xffff  }
0x15b: {  	s0 =	sor.u32 $0x30, s3;
	v2 =	vadd.s32 $0x90, v2;
	v18 =	vadd.s32 $0x120, v4;
	v6 =	vld.idx.msk [tilespmem:v5+s1+$0x0], $0xffff  }
0x15c: {  	s8 =	sor.u32 s0, s12;
	v5 =	vshrl.u32 v8, $0x10;
	v9 =	vld.idx.msk [tilespmem:v0+s1+$0x0], $0xffff;
	v0 =	vshrl.u32 v8, $0x18;
	v8 =	vshrl.u32 v11, $0x10  }
0x15d: {  	[tilespmem:s25+$0x0] =	vst v1;
	v1 =	vld [tilespmem:s8+$0x0];
	s8 =	sor.u32 $0x20, s3;
	v4 =	vand.u32 $0xFF, v5;
	v5 =	vand.u32 $0xFF, v8;
	v8 =	vand.u32 $0xFF, v12  }
0x15e: {  	v19 =	vshrl.u32 v13, $0x10;
	v10 =	vshrl.u32 v10, $0x18;
	s12 =	sor.u32 s8, s12;
	v15 =	vld.idx.msk [tilespmem:v15+s1+$0x0], $0xffff  }
0x15f: {  	s24 =	sor.u32 s2, s7;
	[tilespmem:s9+$0x80] =	vst v14;
	v22 =	vadd.s32 $0x120, v4;
	v4 =	vand.u32 $0xFF, v19;
	v19 =	vld [tilespmem:s12+$0x0];
	v20 =	vadd.s32 $0x120, v5  }
0x160: {  	s31 =	sor.u32 $0x180, s10;
	[tilespmem:s24+$0x0] =	vst v7;
	v7 =	vshrl.u32 v13, $0x18;
	v11 =	vshrl.u32 v11, $0x18;
	v5 =	vadd.s32 $0x120, v4  }
0x161: {  	[tilespmem:s31+$0x4280] =	vst v16;
	v4 =	vadd.s32 $0x1B0, v11;
	v11 =	vld.idx.msk [tilespmem:v2+s1+$0x0], $0xffff;
	v2 =	vadd.s32 $0x1B0, v7;
	v7 =	vadd.s32 $0x1B0, v10  }
0x162: {  	p0 =	por !p0, !p0;
	s10 =	simm.s32 $0x1;
	v10 =	vshrl.u32 v12, $0x10;
	[tilespmem:s11+$0x80] =	vst v6;
	v6 =	vshrl.u32 v12, $0x8;
	v16 =	vand.u32 $0xFF, v1;
	s11 =	sadd.s32 $0x20, s5;
	v8 =	vld.idx.msk [tilespmem:v8+s1+$0x0], $0xffff  }
0x163: {  	s10 =	simm.s32 @!p0 $0x0;
	v12 =	vshrl.u32 v12, $0x18;
	v13 =	vld.idx.msk [tilespmem:v18+s1+$0x0], $0xffff;
	v6 =	vand.u32 $0xFF, v6;
	s12 =	sor.u32 $0x100, s11;
	v18 =	vand.u32 $0xFF, v21;
	[tilespmem:s25+$0x80] =	vst v15  }
0x164: {  	s10 =	sshll.u32 s10, $0x6;
	s25 =	sor.u32 $0x180, s15;
	v23 =	vadd.s32 $0x90, v6;
	v6 =	vand.u32 $0xFF, v10;
	[tilespmem:s12+$0x4280] =	vst v3;
	v24 =	vand.u32 $0xFF, v19;
	v20 =	vld.idx.msk [tilespmem:v20+s1+$0x0], $0xffff  }
0x165: {  	s9 =	sadd.s32 $0x100, s10;
	v22 =	vld.idx.msk [tilespmem:v22+s1+$0x0], $0xffff;
	v3 =	vadd.s32 $0x1B0, v12;
	v12 =	vshrl.u32 v19, $0x8;
	[tilespmem:s25+$0x4280] =	vst v9;
	v9 =	vshrl.u32 v21, $0x8  }
0x166: {  	s30 =	sor.u32 $0x100, s5;
	s2 =	sadd.s32 $0x30, s9;
	v15 =	vshrl.u32 v21, $0x10;
	s15 =	sor.u32 s4, s7;
	v25 =	vld.idx.msk [tilespmem:v17+s1+$0x0], $0xffff;
	[tilespmem:s24+$0x80] =	vst v11;
	v11 =	vshrl.u32 v19, $0x10;
	v9 =	vand.u32 $0xFF, v9  }
0x167: {  	s31 =	sor.u32 $0x100, s2;
	s12 =	sor.u32 $0x180, s11;
	s11 =	sadd.s32 $0x10, s9;
	v14 =	vld.idx.msk [tilespmem:v16+s1+$0x0], $0xffff;
	v10 =	vadd.s32 $0x90, v9;
	[tilespmem:s15+$0x0] =	vst v8;
	v8 =	vand.u32 $0xFF, v11;
	v11 =	vshrl.u32 v1, $0x8  }
0x168: {  	s28 =	sor.u32 $0x180, s5;
	s10 =	simm.s32 $0x200;
	v9 =	vand.u32 $0xFF, v12;
	[tilespmem:s31+$0x4280] =	vst v13;
	s31 =	sor.u32 $0x100, s11;
	v17 =	vld.idx.msk [tilespmem:v18+s1+$0x0], $0xffff;
	v13 =	vadd.s32 $0x120, v8;
	v8 =	vand.u32 $0xFF, v11  }
0x169: {  	s4 =	sor.u32 $0x100, s9;
	s25 =	sadd.s32 $0x20, s9;
	s29 =	sor.u32 $0x180, s11;
	v12 =	vand.u32 $0xFF, v15;
	v15 =	vld.idx.msk [tilespmem:v7+s1+$0x0], $0xffff;
	[tilespmem:s31+$0x4280] =	vst v20;
	v20 =	vshrl.u32 v19, $0x18;
	v19 =	vadd.s32 $0x90, v8  }
0x16a: {  	v0 =	vadd.s32 $0x1B0, v0;
	s24 =	sor.u32 $0x100, s25;
	s11 =	simm.s32 $0x80;
	v16 =	vld.idx.msk [tilespmem:v24+s1+$0x0], $0xffff;
	s31 =	sand.u32 $0x7E00, s10  }
0x16b: {  	v6 =	vadd.s32 $0x120, v6;
	s5 =	sor.u32 $0x180, s25;
	s25 =	sor.u32 $0x180, s9;
	v18 =	vshrl.u32 v21, $0x18;
	v7 =	vadd.s32 $0x120, v12;
	[tilespmem:s30+$0x4280] =	vst v22;
	v12 =	vld [tilespmem:s11+$0x280];
	s11 =	sadd.s32 $0x4280, s31  }
0x16c: {  	v9 =	vadd.s32 $0x90, v9;
	v11 =	vadd.s32 $0x1B0, v18;
	[tilespmem:s12+$0x4280] =	vst v25;
	v18 =	vld.idx.msk [tilespmem:v23+s1+$0x0], $0xffff;
	v8 =	vadd.s32 $0x1B0, v20;
	s7 =	sor.u32 s6, s11;
	s30 =	sor.u32 s8, s11;
	s9 =	sor.u32 s0, s11  }
.LBB2_22:
0x16d: {  	s26 =	sadd.s32 $0x40, s26;
	s11 =	sor.u32 s3, s11;
	[tilespmem:s9+$0x0] =	vst v14;
	v14 =	vld.idx.msk [tilespmem:v5+s1+$0x0], $0xffff;
	s0 =	sor.u32 $0x180, s2;
	v5 =	vmov v13  }
0x16e: {  	v13 =	vshrl.u32 v1, $0x10;
	s3 =	sand.u32 $0x40, s26;
	s2 =	sand.u32 $0x1F80, s26;
	p1 =	slt.u32 s26, $0x1FC0;
	v19 =	vld.idx.msk [tilespmem:v19+s1+$0x0], $0xffff;
	[tilespmem:s0+$0x4280] =	vst v15  }
0x16f: {  	v13 =	vand.u32 $0xFF, v13;
	s0 =	sor.u32 $0x10, s3;
	s2 =	sadd.s32 $0x280, s2;
	s31 =	sor.u32 $0x30, s3;
	[tilespmem:s7+$0x0] =	vst v17;
	v15 =	vld.idx.msk [tilespmem:v4+s1+$0x0], $0xffff;
	v4 =	vmov v11  }
0x170: {  	s6 =	sor.u32 $0x20, s3;
	v13 =	vadd.s32 $0x120, v13;
	s12 =	sor.u32 s0, s2;
	s8 =	sor.u32 s31, s2;
	v11 =	vshrl.u32 v12, $0x8;
	v17 =	vand.u32 $0xFF, v12;
	v10 =	vld.idx.msk [tilespmem:v10+s1+$0x0], $0xffff;
	[tilespmem:s30+$0x0] =	vst v16  }
0x171: {  	s2 =	sor.u32 s6, s2;
	v20 =	vshrl.u32 v12, $0x10;
	v12 =	vshrl.u32 v12, $0x18;
	v16 =	vld [tilespmem:s8+$0x0];
	v11 =	vand.u32 $0xFF, v11;
	s8 =	smov.u32 s28;
	s28 =	smov.u32 s25  }
0x172: {  	v12 =	vadd.s32 $0x1B0, v12;
	v21 =	vld [tilespmem:s12+$0x0];
	v22 =	vadd.s32 $0x90, v11;
	v11 =	vand.u32 $0xFF, v20;
	[tilespmem:s15+$0x80] =	vst v18;
	s15 =	smov.u32 s11  }
0x173: {  	v18 =	vld [tilespmem:s2+$0x0];
	v11 =	vadd.s32 $0x120, v11;
	[tilespmem:s24+$0x4280] =	vst v14  }
0x174: {  	v14 =	vld.idx.msk [tilespmem:v9+s1+$0x0], $0xffff;
	[tilespmem:s9+$0x80] =	vst v19  }
0x175: {  	p0 =	por !p0, !p0;
	s2 =	simm.s32 $0x1;
	v13 =	vld.idx.msk [tilespmem:v13+s1+$0x0], $0xffff;
	[tilespmem:s29+$0x4280] =	vst v15  }
0x176: {  	s2 =	simm.s32 @!p0 $0x0;
	v9 =	vshrl.u32 v1, $0x18;
	v15 =	vand.u32 $0xFF, v16;
	v17 =	vld.idx.msk [tilespmem:v17+s1+$0x0], $0xffff;
	[tilespmem:s7+$0x80] =	vst v10;
	v1 =	vmov v16  }
0x177: {  	s2 =	sshll.u32 s2, $0x6;
	v19 =	vadd.s32 $0x1B0, v9;
	v10 =	vshrl.u32 v21, $0x8;
	v16 =	vand.u32 $0xFF, v21;
	v20 =	vld.idx.msk [tilespmem:v7+s1+$0x0], $0xffff  }
0x178: {  	s7 =	sadd.s32 s2, s10;
	v7 =	vand.u32 $0xFF, v10;
	v9 =	vshrl.u32 v18, $0x8;
	v23 =	vand.u32 $0xFF, v18;
	v24 =	vld.idx.msk [tilespmem:v6+s1+$0x0], $0xffff;
	v6 =	vmovc v11  }
0x179: {  	s9 =	sadd.s32 $0x10, s7;
	s11 =	sadd.s32 $0x20, s7;
	s2 =	sadd.s32 $0x30, s7;
	v10 =	vadd.s32 $0x90, v7;
	v7 =	vshrl.u32 v21, $0x10;
	v9 =	vand.u32 $0xFF, v9;
	v25 =	vld.idx.msk [tilespmem:v2+s1+$0x0], $0xffff;
	v2 =	vmovc v8  }
0x17a: {  	s12 =	sor.u32 $0x100, s9;
	s24 =	sor.u32 $0x100, s11;
	s25 =	sor.u32 $0x100, s2;
	v8 =	vshrl.u32 v18, $0x10;
	v7 =	vand.u32 $0xFF, v7;
	v9 =	vadd.s32 $0x90, v9;
	[tilespmem:s30+$0x80] =	vst v14;
	v26 =	vld.idx.msk [tilespmem:v0+s1+$0x0], $0xffff;
	v0 =	vmovc v3;
	v3 =	vmovc v12  }
0x17b: {  	v11 =	vshrl.u32 v1, $0x8;
	s29 =	sor.u32 $0x180, s9;
	s9 =	sor.u32 $0x180, s11;
	v8 =	vand.u32 $0xFF, v8;
	s30 =	sor.u32 $0x100, s7;
	v7 =	vadd.s32 $0x120, v7;
	v14 =	vld.idx.msk [tilespmem:v15+s1+$0x0], $0xffff;
	[tilespmem:s25+$0x4280] =	vst v13  }
.Ltmp10:
0x17c: {  	v12 =	vshrl.u32 v21, $0x18;
	v13 =	vadd.s32 $0x120, v8;
	v8 =	vand.u32 $0xFF, v11;
	s25 =	sor.u32 $0x180, s7;
	[tilespmem:s15+$0x0] =	vst v17;
	v15 =	vld.idx.msk [tilespmem:v19+s1+$0x0], $0xffff;
	(pc) =	sbr.rel @p1 .LBB2_22-.Ltmp10, $4  }
0x17d: {  	s10 =	sadd.s32 $0x100, s10;
	v11 =	vadd.s32 $0x1B0, v12;
	v12 =	vshrl.u32 v18, $0x18;
	v19 =	vadd.s32 $0x90, v8;
	v17 =	vld.idx.msk [tilespmem:v16+s1+$0x0], $0xffff;
	[tilespmem:s12+$0x4280] =	vst v20  }
0x17e: {  	s11 =	sand.u32 $0x7E00, s10;
	s7 =	sshra.s32 s10, $0x2;
	v8 =	vadd.s32 $0x1B0, v12;
	v16 =	vld.idx.msk [tilespmem:v23+s1+$0x0], $0xffff;
	[tilespmem:s4+$0x4280] =	vst v24;
	s4 =	smov.u32 s30  }
0x17f: {  	s11 =	sadd.s32 $0x4280, s11;
	v12 =	vld [tilespmem:s7+$0x280];
	[tilespmem:s5+$0x4280] =	vst v25;
	s5 =	smov.u32 s9  }
0x180: {  	s30 =	sor.u32 s6, s11;
	s7 =	sor.u32 s0, s11;
	s9 =	sor.u32 s31, s11;
	v18 =	vld.idx.msk [tilespmem:v22+s1+$0x0], $0xffff;
	[tilespmem:s8+$0x4280] =	vst v26  }
0x181: {  	_ =	sdelay $0x2  }
0x182: {  	v20 =	vand.u32 $0xFF, v12;
	_ =	sdelay $0x3  }
0x183: {  	v21 =	vshrl.u32 v12, $0x8  }
0x184: {  	[tilespmem:s9+$0x0] =	vst v14;
	v21 =	vand.u32 $0xFF, v21;
	v20 =	vld.idx.msk [tilespmem:v20+s1+$0x0], $0xffff  }
0x185: {  	s0 =	sor.u32 $0x180, s2;
	v5 =	vld.idx.msk [tilespmem:v5+s1+$0x0], $0xffff;
	[tilespmem:s7+$0x0] =	vst v17;
	v54 =	vadd.s32 $0x90, v21  }
0x186: {  	v52 =	vshrl.u32 v1, $0x10;
	v4 =	vld.idx.msk [tilespmem:v4+s1+$0x0], $0xffff;
	[tilespmem:s0+$0x4280] =	vst v15  }
0x187: {  	v53 =	vld.idx.msk [tilespmem:v19+s1+$0x0], $0xffff;
	v14 =	vand.u32 $0xFF, v52;
	[tilespmem:s30+$0x0] =	vst v16  }
0x188: {  	s8 =	sor.u32 s3, s11;
	v10 =	vld.idx.msk [tilespmem:v10+s1+$0x0], $0xffff;
	v14 =	vadd.s32 $0x120, v14;
	[tilespmem:s15+$0x80] =	vst v18  }
0x189: {  	v9 =	vld.idx.msk [tilespmem:v9+s1+$0x0], $0xffff;
	v55 =	vshrl.u32 v12, $0x10;
	[tilespmem:s8+$0x0] =	vst v20  }
0x18a: {  	v15 =	vand.u32 $0xFF, v55;
	[tilespmem:s24+$0x4280] =	vst v5;
	v56 =	vld.idx.msk [tilespmem:v54+s1+$0x0], $0xffff  }
0x18b: {  	v0 =	vld.idx.msk [tilespmem:v0+s1+$0x0], $0xffff;
	v15 =	vadd.s32 $0x120, v15;
	[tilespmem:s29+$0x4280] =	vst v4  }
0x18c: {  	p0 =	por !p0, !p0;
	s2 =	simm.s32 $0x1;
	v6 =	vld.idx.msk [tilespmem:v6+s1+$0x0], $0xffff;
	[tilespmem:s9+$0x80] =	vst v53  }
0x18d: {  	v57 =	vshrl.u32 v1, $0x18;
	s2 =	simm.s32 @!p0 $0x0;
	v14 =	vld.idx.msk [tilespmem:v14+s1+$0x0], $0xffff;
	[tilespmem:s7+$0x80] =	vst v10  }
0x18e: {  	v1 =	vadd.s32 $0x1B0, v57;
	s2 =	sshll.u32 s2, $0x6;
	v58 =	vld.idx.msk [tilespmem:v7+s1+$0x0], $0xffff;
	[tilespmem:s30+$0x80] =	vst v9  }
0x18f: {  	s2 =	sadd.s32 s2, s10;
	v59 =	vld.idx.msk [tilespmem:v13+s1+$0x0], $0xffff;
	[tilespmem:s8+$0x80] =	vst v56  }
0x190: {  	v60 =	vshrl.u32 v12, $0x18;
	s10 =	sadd.s32 $0x30, s2;
	[tilespmem:s28+$0x4280] =	vst v0;
	v61 =	vld.idx.msk [tilespmem:v15+s1+$0x0], $0xffff  }
0x191: {  	s6 =	sadd.s32 $0x10, s2;
	s11 =	sor.u32 $0x100, s10;
	v2 =	vld.idx.msk [tilespmem:v2+s1+$0x0], $0xffff;
	v7 =	vadd.s32 $0x1B0, v60;
	[tilespmem:s4+$0x4280] =	vst v6  }
0x192: {  	s15 =	sadd.s32 $0x20, s2;
	s12 =	sor.u32 $0x100, s6;
	v3 =	vld.idx.msk [tilespmem:v3+s1+$0x0], $0xffff;
	[tilespmem:s11+$0x4280] =	vst v14  }
0x193: {  	s24 =	sor.u32 $0x100, s15;
	[tilespmem:s12+$0x4280] =	vst v58;
	v1 =	vld.idx.msk [tilespmem:v1+s1+$0x0], $0xffff  }
0x194: {  	s26 =	sor.u32 $0x100, s2;
	v5 =	vld.idx.msk [tilespmem:v11+s1+$0x0], $0xffff;
	[tilespmem:s24+$0x4280] =	vst v59  }
0x195: {  	v62 =	vld.idx.msk [tilespmem:v8+s1+$0x0], $0xffff;
	[tilespmem:s26+$0x4280] =	vst v61  }
0x196: {  	[tilespmem:s5+$0x4280] =	vst v2;
	v63 =	vld.idx.msk [tilespmem:v7+s1+$0x0], $0xffff  }
0x197: {  	s29 =	sor.u32 $0x180, s10;
	[tilespmem:s25+$0x4280] =	vst v3  }
0x198: {  	s30 =	sor.u32 $0x180, s6;
	[tilespmem:s29+$0x4280] =	vst v1  }
0x199: {  	s31 =	sor.u32 $0x180, s15;
	[tilespmem:s30+$0x4280] =	vst v5  }
0x19a: {  	s3 =	simm.s32 $0x4480;
	s2 =	sor.u32 $0x180, s2;
	[tilespmem:s31+$0x4280] =	vst v62  }
0x19b: {  	s0 =	simm.s32 $0x4280;
	s4 =	sadd.s32 $0x0, s16;
	[tilespmem:s2+$0x4280] =	vst v63;
	s2 =	simm.s32 $0x10  }
.LBB2_24:
0x19c: {  	[hbm4b:s4+s1] =	stream.linear.scatter [tilespmem:s0], [sflag:$0x3], $0x80, $0x38;
	[tilespmem:$0x14280] =	vst v63  }
0x19d: {  	s4 =	smov.u32 s2;
	s0 =	smov.u32 s3;
	p0 =	sne.s32 s2, $0x3F0  }
.Ltmp11:
0x19e: {  	s2 =	sadd.s32 $0x10, s2;
	(pc) =	sbr.rel @p0 .LBB2_24-.Ltmp11, $2  }
0x19f: {  	_ =	sdelay $0x2  }
0x1a0: {  	s3 =	sadd.s32 $0x200, s3;
	s4 =	sadd.s32 s4, s16  }
0x1a1: {  	[hbm4b:s4+s1] =	stream.linear.scatter [tilespmem:s0], [sflag:$0x3], $0x80, $0x38;
	[tilespmem:$0x14280] =	vst v63  }
0x1a2: {  	s0 =	simm.s32 $0x4300  }
0x1a3: {  	s2 =	simm.s32 $0x10;
	s4 =	sadd.s32 $0x0, s17;
	s3 =	simm.s32 $0x4500  }
.LBB2_26:
0x1a4: {  	[hbm4b:s4+s1] =	stream.linear.scatter [tilespmem:s0], [sflag:$0x3], $0x80, $0x38;
	[tilespmem:$0x14280] =	vst v63  }
0x1a5: {  	s4 =	smov.u32 s2;
	s0 =	smov.u32 s3;
	p0 =	sne.s32 s2, $0x3F0  }
.Ltmp12:
0x1a6: {  	s2 =	sadd.s32 $0x10, s2;
	(pc) =	sbr.rel @p0 .LBB2_26-.Ltmp12, $2  }
0x1a7: {  	_ =	sdelay $0x2  }
0x1a8: {  	s3 =	sadd.s32 $0x200, s3;
	s4 =	sadd.s32 s4, s17  }
0x1a9: {  	[hbm4b:s4+s1] =	stream.linear.scatter [tilespmem:s0], [sflag:$0x3], $0x80, $0x38;
	[tilespmem:$0x14280] =	vst v63  }
0x1aa: {  	s0 =	simm.s32 $0x4380  }
0x1ab: {  	s2 =	simm.s32 $0x10;
	s4 =	sadd.s32 $0x0, s18;
	s3 =	simm.s32 $0x4580  }
.LBB2_28:
0x1ac: {  	[hbm4b:s4+s1] =	stream.linear.scatter [tilespmem:s0], [sflag:$0x3], $0x80, $0x38;
	[tilespmem:$0x14280] =	vst v63  }
0x1ad: {  	s4 =	smov.u32 s2;
	s0 =	smov.u32 s3;
	p0 =	sne.s32 s2, $0x3F0  }
.Ltmp13:
0x1ae: {  	s2 =	sadd.s32 $0x10, s2;
	(pc) =	sbr.rel @p0 .LBB2_28-.Ltmp13, $2  }
0x1af: {  	_ =	sdelay $0x2  }
0x1b0: {  	s3 =	sadd.s32 $0x200, s3;
	s4 =	sadd.s32 s4, s18  }
0x1b1: {  	[hbm4b:s4+s1] =	stream.linear.scatter [tilespmem:s0], [sflag:$0x3], $0x80, $0x38;
	[tilespmem:$0x14280] =	vst v63  }
0x1b2: {  	s0 =	simm.s32 $0x4400  }
0x1b3: {  	s2 =	simm.s32 $0x10;
	s4 =	sadd.s32 $0x0, s19;
	s3 =	simm.s32 $0x4600  }
.LBB2_30:
0x1b4: {  	[hbm4b:s4+s1] =	stream.linear.scatter [tilespmem:s0], [sflag:$0x3], $0x80, $0x38;
	[tilespmem:$0x14280] =	vst v63  }
0x1b5: {  	s4 =	smov.u32 s2;
	s0 =	smov.u32 s3;
	p0 =	sne.s32 s2, $0x3F0  }
.Ltmp14:
0x1b6: {  	s2 =	sadd.s32 $0x10, s2;
	(pc) =	sbr.rel @p0 .LBB2_30-.Ltmp14, $2  }
0x1b7: {  	_ =	sdelay $0x2  }
0x1b8: {  	s3 =	sadd.s32 $0x200, s3;
	s4 =	sadd.s32 s4, s19  }
0x1b9: {  	[hbm4b:s4+s1] =	stream.linear.scatter [tilespmem:s0], [sflag:$0x3], $0x80, $0x38;
	[tilespmem:$0x14280] =	vst v63  }
0x1ba: {  	s10 =	simm.s32 $0x2  }
0x1bb: {  	_ =	swait.ge [sflag:s10], $0x2000  }
0x1bc: {  	[sflag:s10] =	ssyncset.done $0x0  }
0x1bd: {  	s11 =	simm.s32 $0x4;
	[sflag:s10] =	ssyncadd.s32 $0xFFFFE000  }
0x1be: {  	_ =	swait.ge [sflag:s11], $0x2000  }
0x1bf: {  	[sflag:s11] =	ssyncset.done $0x0  }
0x1c0: {  	[sflag:s11] =	ssyncadd.s32 $0xFFFFE000  }
0x1c1: {  	_ =	swait.ge [sflag:s11], $0x2000  }
0x1c2: {  	[sflag:s11] =	ssyncset.done $0x0  }
0x1c3: {  	[sflag:s11] =	ssyncadd.s32 $0xFFFFE000  }
0x1c4: {  	_ =	swait.ge [sflag:s11], $0x2000  }
0x1c5: {  	[sflag:s11] =	ssyncset.done $0x0  }
0x1c6: {  	s2 =	simm.s32 $0x0;
	[sflag:s11] =	ssyncadd.s32 $0xFFFFE000  }
0x1c7: {  	s0 =	sand.u32 $0x40, s2;
	s2 =	sand.u32 $0x1F80, s2;
	_ =	swait.ge [sflag:s11], $0x2000  }
0x1c8: {  	s2 =	sadd.s32 $0x2280, s2;
	s3 =	sor.u32 $0x30, s0;
	[sflag:s11] =	ssyncset.done $0x0  }
0x1c9: {  	s12 =	sor.u32 s3, s2;
	[sflag:s11] =	ssyncadd.s32 $0xFFFFE000  }
0x1ca: {  	v0 =	vld [tilespmem:s12+$0x0]  }
0x1cb: {  	s5 =	sor.u32 $0x10, s0  }
0x1cc: {  	s15 =	sor.u32 s5, s2  }
0x1cd: {  	v1 =	vld [tilespmem:s15+$0x0];
	_ =	sdelay $0x1  }
0x1ce: {  	v3 =	vand.u32 $0xFF, v0  }
0x1cf: {  	s8 =	sor.u32 $0x20, s0  }
0x1d0: {  	s2 =	sor.u32 s8, s2  }
0x1d1: {  	v2 =	vld [tilespmem:s2+$0x0];
	v4 =	vand.u32 $0xFF, v1  }
0x1d2: {  	v6 =	vshrl.u32 v0, $0x8  }
0x1d3: {  	s24 =	simm.s32 $0x0;
	s6 =	simm.s32 $0x0;
	v6 =	vand.u32 $0xFF, v6;
	v3 =	vld.idx.msk [tilespmem:v3+s1+$0x0], $0xffff  }
0x1d4: {  	s25 =	simm.s32 $0x40;
	s2 =	sand.u32 $0x7E00, s24;
	v8 =	vld [tilespmem:s6+$0x2280];
	v6 =	vadd.s32 $0x90, v6  }
0x1d5: {  	s4 =	sand.u32 $0x40, s25;
	s7 =	sadd.s32 $0xC280, s2;
	s2 =	sand.u32 $0x1F80, s25;
	v7 =	vshrl.u32 v1, $0x8  }
0x1d6: {  	s26 =	sor.u32 $0x30, s4;
	s10 =	sadd.s32 $0x2280, s2;
	v5 =	vand.u32 $0xFF, v2;
	v7 =	vand.u32 $0xFF, v7;
	v4 =	vld.idx.msk [tilespmem:v4+s1+$0x0], $0xffff  }
0x1d7: {  	s9 =	sor.u32 s3, s7;
	s2 =	sor.u32 s26, s10;
	v7 =	vadd.s32 $0x90, v7  }
0x1d8: {  	s6 =	sor.u32 $0x10, s4;
	v10 =	vld [tilespmem:s2+$0x0];
	[tilespmem:s9+$0x0] =	vst v3;
	v3 =	vshrl.u32 v0, $0x10  }
0x1d9: {  	s31 =	sor.u32 s6, s10;
	v12 =	vand.u32 $0xFF, v8;
	v6 =	vld.idx.msk [tilespmem:v6+s1+$0x0], $0xffff;
	v3 =	vand.u32 $0xFF, v3  }
0x1da: {  	s11 =	sor.u32 s5, s7;
	v11 =	vld [tilespmem:s31+$0x0];
	v9 =	vshrl.u32 v2, $0x8;
	v3 =	vadd.s32 $0x120, v3  }
0x1db: {  	s2 =	sor.u32 $0x20, s4;
	v5 =	vld.idx.msk [tilespmem:v5+s1+$0x0], $0xffff;
	[tilespmem:s11+$0x0] =	vst v4;
	v4 =	vand.u32 $0xFF, v9;
	v9 =	vshrl.u32 v1, $0x10  }
0x1dc: {  	s10 =	sor.u32 s2, s10;
	v7 =	vld.idx.msk [tilespmem:v7+s1+$0x0], $0xffff;
	v4 =	vadd.s32 $0x90, v4;
	v9 =	vand.u32 $0xFF, v9  }
0x1dd: {  	v13 =	vld [tilespmem:s10+$0x0];
	v9 =	vadd.s32 $0x120, v9  }
0x1de: {  	p0 =	por $0x0, $0x0;
	s5 =	simm.s32 $0x1;
	v12 =	vld.idx.msk [tilespmem:v12+s1+$0x0], $0xffff;
	[tilespmem:s9+$0x80] =	vst v6  }
0x1df: {  	s8 =	sor.u32 s8, s7;
	s5 =	simm.s32 @!p0 $0x0;
	v0 =	vshrl.u32 v0, $0x18;
	v6 =	vand.u32 $0xFF, v10;
	v3 =	vld.idx.msk [tilespmem:v3+s1+$0x0], $0xffff  }
0x1e0: {  	s5 =	sshll.u32 s5, $0x6;
	v14 =	vshrl.u32 v8, $0x8;
	[tilespmem:s8+$0x0] =	vst v5;
	v0 =	vadd.s32 $0x1B0, v0  }
0x1e1: {  	s12 =	simm.s32 $0x100;
	s5 =	sadd.s32 $0x0, s5;
	v14 =	vand.u32 $0xFF, v14;
	v5 =	vand.u32 $0xFF, v11;
	v4 =	vld.idx.msk [tilespmem:v4+s1+$0x0], $0xffff;
	[tilespmem:s11+$0x80] =	vst v7  }
0x1e2: {  	s15 =	simm.s32 $0x40;
	s10 =	sadd.s32 $0x30, s5;
	v14 =	vadd.s32 $0x90, v14;
	s9 =	sor.u32 s0, s7;
	v9 =	vld.idx.msk [tilespmem:v9+s1+$0x0], $0xffff  }
0x1e3: {  	s24 =	sand.u32 $0x7E00, s12;
	v15 =	vshrl.u32 v2, $0x10;
	v7 =	vand.u32 $0xFF, v13;
	s11 =	sor.u32 $0x100, s10;
	[tilespmem:s9+$0x0] =	vst v12;
	v12 =	vld [tilespmem:s15+$0x2280]  }
0x1e4: {  	v15 =	vand.u32 $0xFF, v15;
	v16 =	vshrl.u32 v10, $0x8;
	s7 =	sadd.s32 $0xC280, s24;
	v6 =	vld.idx.msk [tilespmem:v6+s1+$0x0], $0xffff;
	[tilespmem:s11+$0xC280] =	vst v3  }
0x1e5: {  	s15 =	sadd.s32 $0x10, s5;
	v3 =	vadd.s32 $0x120, v15;
	v15 =	vand.u32 $0xFF, v16;
	s11 =	sor.u32 s26, s7;
	s26 =	simm.s32 $0x80;
	v16 =	vld.idx.msk [tilespmem:v0+s1+$0x0], $0xffff  }
0x1e6: {  	s25 =	sor.u32 $0x100, s15;
	v0 =	vshrl.u32 v1, $0x18;
	v1 =	vld.idx.msk [tilespmem:v5+s1+$0x0], $0xffff;
	v5 =	vadd.s32 $0x90, v15;
	s3 =	sand.u32 $0x40, s26;
	s31 =	sand.u32 $0x1F80, s26  }
0x1e7: {  	v2 =	vshrl.u32 v2, $0x18;
	v14 =	vld.idx.msk [tilespmem:v14+s1+$0x0], $0xffff;
	[tilespmem:s25+$0xC280] =	vst v9;
	s25 =	sor.u32 s6, s7;
	v15 =	vshrl.u32 v11, $0x8;
	v0 =	vadd.s32 $0x1B0, v0;
	s12 =	sadd.s32 $0x2280, s31;
	s6 =	sor.u32 $0x10, s3  }
0x1e8: {  	v17 =	vadd.s32 $0x1B0, v2;
	v7 =	vld.idx.msk [tilespmem:v7+s1+$0x0], $0xffff;
	[tilespmem:s8+$0x80] =	vst v4;
	v4 =	vshrl.u32 v13, $0x8;
	v15 =	vand.u32 $0xFF, v15;
	s28 =	sor.u32 s6, s12  }
0x1e9: {  	v2 =	vand.u32 $0xFF, v4;
	v4 =	vshrl.u32 v10, $0x10;
	v15 =	vadd.s32 $0x90, v15;
	v21 =	vld [tilespmem:s28+$0x0]  }
0x1ea: {  	v4 =	vand.u32 $0xFF, v4;
	[tilespmem:s11+$0x0] =	vst v6;
	v3 =	vld.idx.msk [tilespmem:v3+s1+$0x0], $0xffff  }
0x1eb: {  	v2 =	vadd.s32 $0x90, v2;
	s0 =	sor.u32 $0x30, s3;
	v18 =	vadd.s32 $0x120, v4;
	v6 =	vld.idx.msk [tilespmem:v5+s1+$0x0], $0xffff  }
0x1ec: {  	s8 =	sor.u32 s0, s12;
	v5 =	vshrl.u32 v8, $0x10;
	v9 =	vld.idx.msk [tilespmem:v0+s1+$0x0], $0xffff;
	v0 =	vshrl.u32 v8, $0x18;
	v8 =	vshrl.u32 v11, $0x10  }
0x1ed: {  	[tilespmem:s25+$0x0] =	vst v1;
	v1 =	vld [tilespmem:s8+$0x0];
	s8 =	sor.u32 $0x20, s3;
	v4 =	vand.u32 $0xFF, v5;
	v5 =	vand.u32 $0xFF, v8;
	v8 =	vand.u32 $0xFF, v12  }
0x1ee: {  	v19 =	vshrl.u32 v13, $0x10;
	v10 =	vshrl.u32 v10, $0x18;
	s12 =	sor.u32 s8, s12;
	v15 =	vld.idx.msk [tilespmem:v15+s1+$0x0], $0xffff  }
0x1ef: {  	s24 =	sor.u32 s2, s7;
	[tilespmem:s9+$0x80] =	vst v14;
	v22 =	vadd.s32 $0x120, v4;
	v4 =	vand.u32 $0xFF, v19;
	v19 =	vld [tilespmem:s12+$0x0];
	v20 =	vadd.s32 $0x120, v5  }
0x1f0: {  	s31 =	sor.u32 $0x180, s10;
	[tilespmem:s24+$0x0] =	vst v7;
	v7 =	vshrl.u32 v13, $0x18;
	v11 =	vshrl.u32 v11, $0x18;
	v5 =	vadd.s32 $0x120, v4  }
0x1f1: {  	[tilespmem:s31+$0xC280] =	vst v16;
	v4 =	vadd.s32 $0x1B0, v11;
	v11 =	vld.idx.msk [tilespmem:v2+s1+$0x0], $0xffff;
	v2 =	vadd.s32 $0x1B0, v7;
	v7 =	vadd.s32 $0x1B0, v10  }
0x1f2: {  	p0 =	por !p0, !p0;
	s10 =	simm.s32 $0x1;
	v10 =	vshrl.u32 v12, $0x10;
	[tilespmem:s11+$0x80] =	vst v6;
	v6 =	vshrl.u32 v12, $0x8;
	v16 =	vand.u32 $0xFF, v1;
	s11 =	sadd.s32 $0x20, s5;
	v8 =	vld.idx.msk [tilespmem:v8+s1+$0x0], $0xffff  }
0x1f3: {  	s10 =	simm.s32 @!p0 $0x0;
	v12 =	vshrl.u32 v12, $0x18;
	v13 =	vld.idx.msk [tilespmem:v18+s1+$0x0], $0xffff;
	v6 =	vand.u32 $0xFF, v6;
	s12 =	sor.u32 $0x100, s11;
	v18 =	vand.u32 $0xFF, v21;
	[tilespmem:s25+$0x80] =	vst v15  }
0x1f4: {  	s10 =	sshll.u32 s10, $0x6;
	s25 =	sor.u32 $0x180, s15;
	v23 =	vadd.s32 $0x90, v6;
	v6 =	vand.u32 $0xFF, v10;
	[tilespmem:s12+$0xC280] =	vst v3;
	v24 =	vand.u32 $0xFF, v19;
	v20 =	vld.idx.msk [tilespmem:v20+s1+$0x0], $0xffff  }
0x1f5: {  	s9 =	sadd.s32 $0x100, s10;
	v22 =	vld.idx.msk [tilespmem:v22+s1+$0x0], $0xffff;
	v3 =	vadd.s32 $0x1B0, v12;
	v12 =	vshrl.u32 v19, $0x8;
	[tilespmem:s25+$0xC280] =	vst v9;
	v9 =	vshrl.u32 v21, $0x8  }
0x1f6: {  	s30 =	sor.u32 $0x100, s5;
	s2 =	sadd.s32 $0x30, s9;
	v15 =	vshrl.u32 v21, $0x10;
	s15 =	sor.u32 s4, s7;
	v25 =	vld.idx.msk [tilespmem:v17+s1+$0x0], $0xffff;
	[tilespmem:s24+$0x80] =	vst v11;
	v11 =	vshrl.u32 v19, $0x10;
	v9 =	vand.u32 $0xFF, v9  }
0x1f7: {  	s31 =	sor.u32 $0x100, s2;
	s12 =	sor.u32 $0x180, s11;
	s11 =	sadd.s32 $0x10, s9;
	v14 =	vld.idx.msk [tilespmem:v16+s1+$0x0], $0xffff;
	v10 =	vadd.s32 $0x90, v9;
	[tilespmem:s15+$0x0] =	vst v8;
	v8 =	vand.u32 $0xFF, v11;
	v11 =	vshrl.u32 v1, $0x8  }
0x1f8: {  	s28 =	sor.u32 $0x180, s5;
	s10 =	simm.s32 $0x200;
	v9 =	vand.u32 $0xFF, v12;
	[tilespmem:s31+$0xC280] =	vst v13;
	s31 =	sor.u32 $0x100, s11;
	v17 =	vld.idx.msk [tilespmem:v18+s1+$0x0], $0xffff;
	v13 =	vadd.s32 $0x120, v8;
	v8 =	vand.u32 $0xFF, v11  }
0x1f9: {  	s4 =	sor.u32 $0x100, s9;
	s25 =	sadd.s32 $0x20, s9;
	s29 =	sor.u32 $0x180, s11;
	v12 =	vand.u32 $0xFF, v15;
	v15 =	vld.idx.msk [tilespmem:v7+s1+$0x0], $0xffff;
	[tilespmem:s31+$0xC280] =	vst v20;
	v20 =	vshrl.u32 v19, $0x18;
	v19 =	vadd.s32 $0x90, v8  }
0x1fa: {  	v0 =	vadd.s32 $0x1B0, v0;
	s24 =	sor.u32 $0x100, s25;
	s11 =	simm.s32 $0x80;
	v16 =	vld.idx.msk [tilespmem:v24+s1+$0x0], $0xffff;
	s31 =	sand.u32 $0x7E00, s10  }
0x1fb: {  	v6 =	vadd.s32 $0x120, v6;
	s5 =	sor.u32 $0x180, s25;
	s25 =	sor.u32 $0x180, s9;
	v18 =	vshrl.u32 v21, $0x18;
	v7 =	vadd.s32 $0x120, v12;
	[tilespmem:s30+$0xC280] =	vst v22;
	v12 =	vld [tilespmem:s11+$0x2280];
	s11 =	sadd.s32 $0xC280, s31  }
0x1fc: {  	v9 =	vadd.s32 $0x90, v9;
	v11 =	vadd.s32 $0x1B0, v18;
	[tilespmem:s12+$0xC280] =	vst v25;
	v18 =	vld.idx.msk [tilespmem:v23+s1+$0x0], $0xffff;
	v8 =	vadd.s32 $0x1B0, v20;
	s7 =	sor.u32 s6, s11;
	s30 =	sor.u32 s8, s11;
	s9 =	sor.u32 s0, s11  }
.LBB2_32:
0x1fd: {  	s26 =	sadd.s32 $0x40, s26;
	s11 =	sor.u32 s3, s11;
	[tilespmem:s9+$0x0] =	vst v14;
	v14 =	vld.idx.msk [tilespmem:v5+s1+$0x0], $0xffff;
	s0 =	sor.u32 $0x180, s2;
	v5 =	vmov v13  }
0x1fe: {  	v13 =	vshrl.u32 v1, $0x10;
	s3 =	sand.u32 $0x40, s26;
	s2 =	sand.u32 $0x1F80, s26;
	p1 =	slt.u32 s26, $0x1FC0;
	v19 =	vld.idx.msk [tilespmem:v19+s1+$0x0], $0xffff;
	[tilespmem:s0+$0xC280] =	vst v15  }
0x1ff: {  	v13 =	vand.u32 $0xFF, v13;
	s0 =	sor.u32 $0x10, s3;
	s2 =	sadd.s32 $0x2280, s2;
	s31 =	sor.u32 $0x30, s3;
	[tilespmem:s7+$0x0] =	vst v17;
	v15 =	vld.idx.msk [tilespmem:v4+s1+$0x0], $0xffff;
	v4 =	vmov v11  }
0x200: {  	s6 =	sor.u32 $0x20, s3;
	v13 =	vadd.s32 $0x120, v13;
	s12 =	sor.u32 s0, s2;
	s8 =	sor.u32 s31, s2;
	v11 =	vshrl.u32 v12, $0x8;
	v17 =	vand.u32 $0xFF, v12;
	v10 =	vld.idx.msk [tilespmem:v10+s1+$0x0], $0xffff;
	[tilespmem:s30+$0x0] =	vst v16  }
0x201: {  	s2 =	sor.u32 s6, s2;
	v20 =	vshrl.u32 v12, $0x10;
	v12 =	vshrl.u32 v12, $0x18;
	v16 =	vld [tilespmem:s8+$0x0];
	v11 =	vand.u32 $0xFF, v11;
	s8 =	smov.u32 s28;
	s28 =	smov.u32 s25  }
0x202: {  	v12 =	vadd.s32 $0x1B0, v12;
	v21 =	vld [tilespmem:s12+$0x0];
	v22 =	vadd.s32 $0x90, v11;
	v11 =	vand.u32 $0xFF, v20;
	[tilespmem:s15+$0x80] =	vst v18;
	s15 =	smov.u32 s11  }
0x203: {  	v18 =	vld [tilespmem:s2+$0x0];
	v11 =	vadd.s32 $0x120, v11;
	[tilespmem:s24+$0xC280] =	vst v14  }
0x204: {  	v14 =	vld.idx.msk [tilespmem:v9+s1+$0x0], $0xffff;
	[tilespmem:s9+$0x80] =	vst v19  }
0x205: {  	p0 =	por !p0, !p0;
	s2 =	simm.s32 $0x1;
	v13 =	vld.idx.msk [tilespmem:v13+s1+$0x0], $0xffff;
	[tilespmem:s29+$0xC280] =	vst v15  }
0x206: {  	s2 =	simm.s32 @!p0 $0x0;
	v9 =	vshrl.u32 v1, $0x18;
	v15 =	vand.u32 $0xFF, v16;
	v17 =	vld.idx.msk [tilespmem:v17+s1+$0x0], $0xffff;
	[tilespmem:s7+$0x80] =	vst v10;
	v1 =	vmov v16  }
0x207: {  	s2 =	sshll.u32 s2, $0x6;
	v19 =	vadd.s32 $0x1B0, v9;
	v10 =	vshrl.u32 v21, $0x8;
	v16 =	vand.u32 $0xFF, v21;
	v20 =	vld.idx.msk [tilespmem:v7+s1+$0x0], $0xffff  }
0x208: {  	s7 =	sadd.s32 s2, s10;
	v7 =	vand.u32 $0xFF, v10;
	v9 =	vshrl.u32 v18, $0x8;
	v23 =	vand.u32 $0xFF, v18;
	v24 =	vld.idx.msk [tilespmem:v6+s1+$0x0], $0xffff;
	v6 =	vmovc v11  }
0x209: {  	s9 =	sadd.s32 $0x10, s7;
	s11 =	sadd.s32 $0x20, s7;
	s2 =	sadd.s32 $0x30, s7;
	v10 =	vadd.s32 $0x90, v7;
	v7 =	vshrl.u32 v21, $0x10;
	v9 =	vand.u32 $0xFF, v9;
	v25 =	vld.idx.msk [tilespmem:v2+s1+$0x0], $0xffff;
	v2 =	vmovc v8  }
0x20a: {  	s12 =	sor.u32 $0x100, s9;
	s24 =	sor.u32 $0x100, s11;
	s25 =	sor.u32 $0x100, s2;
	v8 =	vshrl.u32 v18, $0x10;
	v7 =	vand.u32 $0xFF, v7;
	v9 =	vadd.s32 $0x90, v9;
	[tilespmem:s30+$0x80] =	vst v14;
	v26 =	vld.idx.msk [tilespmem:v0+s1+$0x0], $0xffff;
	v0 =	vmovc v3;
	v3 =	vmovc v12  }
0x20b: {  	v11 =	vshrl.u32 v1, $0x8;
	s29 =	sor.u32 $0x180, s9;
	s9 =	sor.u32 $0x180, s11;
	v8 =	vand.u32 $0xFF, v8;
	s30 =	sor.u32 $0x100, s7;
	v7 =	vadd.s32 $0x120, v7;
	v14 =	vld.idx.msk [tilespmem:v15+s1+$0x0], $0xffff;
	[tilespmem:s25+$0xC280] =	vst v13  }
.Ltmp15:
0x20c: {  	v12 =	vshrl.u32 v21, $0x18;
	v13 =	vadd.s32 $0x120, v8;
	v8 =	vand.u32 $0xFF, v11;
	s25 =	sor.u32 $0x180, s7;
	[tilespmem:s15+$0x0] =	vst v17;
	v15 =	vld.idx.msk [tilespmem:v19+s1+$0x0], $0xffff;
	(pc) =	sbr.rel @p1 .LBB2_32-.Ltmp15, $4  }
0x20d: {  	s10 =	sadd.s32 $0x100, s10;
	v11 =	vadd.s32 $0x1B0, v12;
	v12 =	vshrl.u32 v18, $0x18;
	v19 =	vadd.s32 $0x90, v8;
	v17 =	vld.idx.msk [tilespmem:v16+s1+$0x0], $0xffff;
	[tilespmem:s12+$0xC280] =	vst v20  }
0x20e: {  	s11 =	sand.u32 $0x7E00, s10;
	s7 =	sshra.s32 s10, $0x2;
	v8 =	vadd.s32 $0x1B0, v12;
	v16 =	vld.idx.msk [tilespmem:v23+s1+$0x0], $0xffff;
	[tilespmem:s4+$0xC280] =	vst v24;
	s4 =	smov.u32 s30  }
0x20f: {  	s11 =	sadd.s32 $0xC280, s11;
	v12 =	vld [tilespmem:s7+$0x2280];
	[tilespmem:s5+$0xC280] =	vst v25;
	s5 =	smov.u32 s9  }
0x210: {  	s30 =	sor.u32 s6, s11;
	s7 =	sor.u32 s0, s11;
	s9 =	sor.u32 s31, s11;
	v18 =	vld.idx.msk [tilespmem:v22+s1+$0x0], $0xffff;
	[tilespmem:s8+$0xC280] =	vst v26  }
0x211: {  	_ =	sdelay $0x2  }
0x212: {  	v20 =	vand.u32 $0xFF, v12;
	_ =	sdelay $0x3  }
0x213: {  	v21 =	vshrl.u32 v12, $0x8  }
0x214: {  	[tilespmem:s9+$0x0] =	vst v14;
	v21 =	vand.u32 $0xFF, v21;
	v20 =	vld.idx.msk [tilespmem:v20+s1+$0x0], $0xffff  }
0x215: {  	s0 =	sor.u32 $0x180, s2;
	v5 =	vld.idx.msk [tilespmem:v5+s1+$0x0], $0xffff;
	[tilespmem:s7+$0x0] =	vst v17;
	v54 =	vadd.s32 $0x90, v21  }
0x216: {  	v52 =	vshrl.u32 v1, $0x10;
	v4 =	vld.idx.msk [tilespmem:v4+s1+$0x0], $0xffff;
	[tilespmem:s0+$0xC280] =	vst v15  }
0x217: {  	v53 =	vld.idx.msk [tilespmem:v19+s1+$0x0], $0xffff;
	v14 =	vand.u32 $0xFF, v52;
	[tilespmem:s30+$0x0] =	vst v16  }
0x218: {  	s8 =	sor.u32 s3, s11;
	v10 =	vld.idx.msk [tilespmem:v10+s1+$0x0], $0xffff;
	v14 =	vadd.s32 $0x120, v14;
	[tilespmem:s15+$0x80] =	vst v18  }
0x219: {  	v9 =	vld.idx.msk [tilespmem:v9+s1+$0x0], $0xffff;
	v55 =	vshrl.u32 v12, $0x10;
	[tilespmem:s8+$0x0] =	vst v20  }
0x21a: {  	v15 =	vand.u32 $0xFF, v55;
	[tilespmem:s24+$0xC280] =	vst v5;
	v56 =	vld.idx.msk [tilespmem:v54+s1+$0x0], $0xffff  }
0x21b: {  	v0 =	vld.idx.msk [tilespmem:v0+s1+$0x0], $0xffff;
	v15 =	vadd.s32 $0x120, v15;
	[tilespmem:s29+$0xC280] =	vst v4  }
0x21c: {  	p0 =	por !p0, !p0;
	s2 =	simm.s32 $0x1;
	v6 =	vld.idx.msk [tilespmem:v6+s1+$0x0], $0xffff;
	[tilespmem:s9+$0x80] =	vst v53  }
0x21d: {  	v57 =	vshrl.u32 v1, $0x18;
	s2 =	simm.s32 @!p0 $0x0;
	v14 =	vld.idx.msk [tilespmem:v14+s1+$0x0], $0xffff;
	[tilespmem:s7+$0x80] =	vst v10  }
0x21e: {  	v1 =	vadd.s32 $0x1B0, v57;
	s2 =	sshll.u32 s2, $0x6;
	v58 =	vld.idx.msk [tilespmem:v7+s1+$0x0], $0xffff;
	[tilespmem:s30+$0x80] =	vst v9  }
0x21f: {  	s2 =	sadd.s32 s2, s10;
	v59 =	vld.idx.msk [tilespmem:v13+s1+$0x0], $0xffff;
	[tilespmem:s8+$0x80] =	vst v56  }
0x220: {  	v60 =	vshrl.u32 v12, $0x18;
	s10 =	sadd.s32 $0x30, s2;
	[tilespmem:s28+$0xC280] =	vst v0;
	v61 =	vld.idx.msk [tilespmem:v15+s1+$0x0], $0xffff  }
0x221: {  	s6 =	sadd.s32 $0x10, s2;
	s11 =	sor.u32 $0x100, s10;
	v2 =	vld.idx.msk [tilespmem:v2+s1+$0x0], $0xffff;
	v7 =	vadd.s32 $0x1B0, v60;
	[tilespmem:s4+$0xC280] =	vst v6  }
0x222: {  	s15 =	sadd.s32 $0x20, s2;
	s12 =	sor.u32 $0x100, s6;
	v3 =	vld.idx.msk [tilespmem:v3+s1+$0x0], $0xffff;
	[tilespmem:s11+$0xC280] =	vst v14  }
0x223: {  	s24 =	sor.u32 $0x100, s15;
	[tilespmem:s12+$0xC280] =	vst v58;
	v1 =	vld.idx.msk [tilespmem:v1+s1+$0x0], $0xffff  }
0x224: {  	s26 =	sor.u32 $0x100, s2;
	v5 =	vld.idx.msk [tilespmem:v11+s1+$0x0], $0xffff;
	[tilespmem:s24+$0xC280] =	vst v59  }
0x225: {  	v62 =	vld.idx.msk [tilespmem:v8+s1+$0x0], $0xffff;
	[tilespmem:s26+$0xC280] =	vst v61  }
0x226: {  	[tilespmem:s5+$0xC280] =	vst v2;
	v63 =	vld.idx.msk [tilespmem:v7+s1+$0x0], $0xffff  }
0x227: {  	s29 =	sor.u32 $0x180, s10;
	[tilespmem:s25+$0xC280] =	vst v3  }
0x228: {  	s30 =	sor.u32 $0x180, s6;
	[tilespmem:s29+$0xC280] =	vst v1  }
0x229: {  	s31 =	sor.u32 $0x180, s15;
	[tilespmem:s30+$0xC280] =	vst v5  }
0x22a: {  	s3 =	simm.s32 $0xC480;
	s2 =	sor.u32 $0x180, s2;
	[tilespmem:s31+$0xC280] =	vst v62  }
0x22b: {  	s0 =	simm.s32 $0xC280;
	s4 =	sadd.s32 $0x0, s20;
	[tilespmem:s2+$0xC280] =	vst v63;
	s2 =	simm.s32 $0x10  }
.LBB2_34:
0x22c: {  	[hbm4b:s4+s1] =	stream.linear.scatter [tilespmem:s0], [sflag:$0x4], $0x80, $0x38;
	[tilespmem:$0x14280] =	vst v63  }
0x22d: {  	s4 =	smov.u32 s2;
	s0 =	smov.u32 s3;
	p0 =	sne.s32 s2, $0x3F0  }
.Ltmp16:
0x22e: {  	s2 =	sadd.s32 $0x10, s2;
	(pc) =	sbr.rel @p0 .LBB2_34-.Ltmp16, $2  }
0x22f: {  	_ =	sdelay $0x2  }
0x230: {  	s3 =	sadd.s32 $0x200, s3;
	s4 =	sadd.s32 s4, s20  }
0x231: {  	[hbm4b:s4+s1] =	stream.linear.scatter [tilespmem:s0], [sflag:$0x4], $0x80, $0x38;
	[tilespmem:$0x14280] =	vst v63  }
0x232: {  	s0 =	simm.s32 $0xC300  }
0x233: {  	s2 =	simm.s32 $0x10;
	s4 =	sadd.s32 $0x0, s21;
	s3 =	simm.s32 $0xC500  }
.LBB2_36:
0x234: {  	[hbm4b:s4+s1] =	stream.linear.scatter [tilespmem:s0], [sflag:$0x4], $0x80, $0x38;
	[tilespmem:$0x14280] =	vst v63  }
0x235: {  	s4 =	smov.u32 s2;
	s0 =	smov.u32 s3;
	p0 =	sne.s32 s2, $0x3F0  }
.Ltmp17:
0x236: {  	s2 =	sadd.s32 $0x10, s2;
	(pc) =	sbr.rel @p0 .LBB2_36-.Ltmp17, $2  }
0x237: {  	_ =	sdelay $0x2  }
0x238: {  	s3 =	sadd.s32 $0x200, s3;
	s4 =	sadd.s32 s4, s21  }
0x239: {  	[hbm4b:s4+s1] =	stream.linear.scatter [tilespmem:s0], [sflag:$0x4], $0x80, $0x38;
	[tilespmem:$0x14280] =	vst v63  }
0x23a: {  	s0 =	simm.s32 $0xC380  }
0x23b: {  	s2 =	simm.s32 $0x10;
	s4 =	sadd.s32 $0x0, s22;
	s3 =	simm.s32 $0xC580  }
.LBB2_38:
0x23c: {  	[hbm4b:s4+s1] =	stream.linear.scatter [tilespmem:s0], [sflag:$0x4], $0x80, $0x38;
	[tilespmem:$0x14280] =	vst v63  }
0x23d: {  	s4 =	smov.u32 s2;
	s0 =	smov.u32 s3;
	p0 =	sne.s32 s2, $0x3F0  }
.Ltmp18:
0x23e: {  	s2 =	sadd.s32 $0x10, s2;
	(pc) =	sbr.rel @p0 .LBB2_38-.Ltmp18, $2  }
0x23f: {  	_ =	sdelay $0x2  }
0x240: {  	s3 =	sadd.s32 $0x200, s3;
	s4 =	sadd.s32 s4, s22  }
0x241: {  	[hbm4b:s4+s1] =	stream.linear.scatter [tilespmem:s0], [sflag:$0x4], $0x80, $0x38;
	[tilespmem:$0x14280] =	vst v63  }
0x242: {  	s0 =	simm.s32 $0xC400  }
0x243: {  	s2 =	simm.s32 $0x10;
	s4 =	sadd.s32 $0x0, s23;
	s3 =	simm.s32 $0xC600  }
.LBB2_40:
0x244: {  	[hbm4b:s4+s1] =	stream.linear.scatter [tilespmem:s0], [sflag:$0x4], $0x80, $0x38;
	[tilespmem:$0x14280] =	vst v63  }
0x245: {  	s4 =	smov.u32 s2;
	s0 =	smov.u32 s3;
	p0 =	sne.s32 s2, $0x3F0  }
.Ltmp19:
0x246: {  	s2 =	sadd.s32 $0x10, s2;
	(pc) =	sbr.rel @p0 .LBB2_40-.Ltmp19, $2  }
0x247: {  	_ =	sdelay $0x2  }
0x248: {  	s3 =	sadd.s32 $0x200, s3;
	s4 =	sadd.s32 s4, s23  }
0x249: {  	[hbm4b:s4+s1] =	stream.linear.scatter [tilespmem:s0], [sflag:$0x4], $0x80, $0x38;
	[tilespmem:$0x14280] =	vst v63  }
0x24a: {  	s30 =	simm.s32 $0x3  }
0x24b: {  	_ =	swait.ge [sflag:s30], $0x2000  }
0x24c: {  	[sflag:s30] =	ssyncset.done $0x0  }
0x24d: {  	[sflag:s30] =	ssyncadd.s32 $0xFFFFE000  }
0x24e: {  	_ =	swait.ge [sflag:s30], $0x2000  }
0x24f: {  	[sflag:s30] =	ssyncset.done $0x0  }
0x250: {  	[sflag:s30] =	ssyncadd.s32 $0xFFFFE000  }
0x251: {  	_ =	swait.ge [sflag:s30], $0x2000  }
0x252: {  	[sflag:s30] =	ssyncset.done $0x0  }
0x253: {  	[sflag:s30] =	ssyncadd.s32 $0xFFFFE000  }
0x254: {  	_ =	swait.ge [sflag:s30], $0x2000  }
0x255: {  	[sflag:s30] =	ssyncset.done $0x0  }
0x256: {  	s2 =	simm.s32 $0x4;
	[sflag:s30] =	ssyncadd.s32 $0xFFFFE000  }
0x257: {  	_ =	swait.ge [sflag:s2], $0x2000  }
0x258: {  	[sflag:s2] =	ssyncset.done $0x0  }
0x259: {  	[sflag:s2] =	ssyncadd.s32 $0xFFFFE000  }
0x25a: {  	_ =	swait.ge [sflag:s2], $0x2000  }
0x25b: {  	[sflag:s2] =	ssyncset.done $0x0  }
0x25c: {  	[sflag:s2] =	ssyncadd.s32 $0xFFFFE000  }
0x25d: {  	_ =	swait.ge [sflag:s2], $0x2000  }
0x25e: {  	[sflag:s2] =	ssyncset.done $0x0  }
0x25f: {  	[sflag:s2] =	ssyncadd.s32 $0xFFFFE000  }
0x260: {  	_ =	swait.ge [sflag:s2], $0x2000  }
0x261: {  	s3 =	rddreg [dreg:$0xe]  }
0x262: {  	s31 =	rddreg [dreg:$0xd];
	s3 =	sadd.s32 $0x1, s3  }
0x263: {  	p0 =	sne.s32 s3, s31  }
.Ltmp20:
0x264: {  	_ = 	snop;
	(pc) =	sbr.rel @p0 .LBB2_1-.Ltmp20, $3  }
0x265: {  	_ =	sdelay $0x1  }
0x266: {  	[sflag:s2] =	ssyncset.done $0x0  }
0x267: {  	[sflag:s2] =	ssyncadd.s32 $0xFFFFE000  }
0x268: {  	_ =	sfence.sel $0x180000  }
0x269: {  	[bflag:$0x0] =	sbarrier.arrive $0xFFFF  }
0x26a: {  	_ =	strace $0x9000004A  }
0x26b: {  	s0 =	stileid.u32;
	[bflag:$0x2] =	sbarrier.arrive $0xFFFF  }
0x26c: {  	p0 =	sne.s32 s0, $0x0;
	s0 =	rddreg [dreg:$0x1]  }
0x26d: {  	s0 =	sadd.s32 @!p0 $0x100000, s0  }
0x26e: {  	[sflag:s0] =	ssyncadd.tile.s32 @!p0 $0x1;
	_ =	shalt  }
.Lfunc_end2:
_tile_overlayer_lowered:
.L_overlay_start_2:
0x26f: {  	(tag) =	ssettag $0x2  }
0x270: {  	s0 =	rddreg [dreg:$0x0];
	s2 =	stileid.u32  }
0x271: {  	s1 =	rddreg [dreg:$0x1];
	p0 =	sne.s32 s2, $0x0  }
0x272: {  	s3 =	rddreg [dreg:$0x2];
	[bflag:$0x3] =	sbarrier.arrive $0xFFFF;
	s2 =	simm.s32 @!p0 $0x1C05  }
0x273: {  	[timem:s3], [sflag:s2] =	dma.local @!p0 [hbm:s0], s1  }
0x274: {  	s0 =	simm.s32 @!p0 $0x5  }
0x275: {  	_ =	swait.ge @!p0 [sflag:s0], s1  }
0x276: {  	s1 =	ssub.s32 @!p0 $0x0, s1;
	[sflag:s0] =	ssyncset.done @!p0 $0x0  }
0x277: {  	[sflag:s0] =	ssyncadd.s32 @!p0 s1  }
0x278: {  	[bflag:$0x3] =	sbarrier.arrive $0xFFFF  }
0x279: {  	_ =	shalt  }

// kernel: kernel.7.cloned.1.call-start
scs
__scs_entry_jumppad:
0x0: {  	(pc) =	sbr.rel $0x88, $3  }
0x1: {  	(tag) =	ssettag $0x0;
	lr =	simm.s32 $0x1  }
0x2: {  	[smem:$0x3F9F] =	sst lr;
	_ =	strace $0xD0000000  }
0x3: {  	_ = 	snop  }
0x4: {  	_ = 	snop  }
0x5: {  	_ = 	snop  }
0x6: {  	_ = 	snop  }
0x7: {  	_ = 	snop  }
__scs_overlays_trampoline_lowered:
0x8: {  	[smem:$0x3FAE] =	sst s0  }
0x9: {  	[smem:$0x3FAF] =	sst s1  }
0xa: {  	[smem:$0x3FB0] =	sst s2  }
0xb: {  	[smem:$0x3FB1] =	sst s3  }
0xc: {  	[smem:$0x3FB2] =	sst s4  }
0xd: {  	[smem:$0x3FB3] =	sst s5  }
0xe: {  	[smem:$0x3FB4] =	sst s6  }
0xf: {  	[smem:$0x3FB5] =	sst s7  }
0x10: {  	[smem:$0x3FB6] =	sst s8  }
0x11: {  	[smem:$0x3FB7] =	sst s9;
	s0 =	simm.s32 @!p0 $0x0  }
0x12: {  	s1 =	sld [smem:$0x3F9D];
	s0 =	simm.s32 @p0 $0x1  }
0x13: {  	[smem:$0x3FB8] =	sst s0;
	s0 =	simm.s32 @!p1 $0x0  }
0x14: {  	s2 =	sld [smem:$0x3F9C];
	s0 =	simm.s32 @p1 $0x1  }
0x15: {  	[smem:$0x3FB9] =	sst s0;
	s0 =	simm.s32 @!p2 $0x0  }
0x16: {  	s3 =	sld [smem:$0x3FDB];
	s0 =	simm.s32 @p2 $0x1  }
0x17: {  	s4 =	simm.s32 $0x1BF5;
	[smem:$0x3FBB] =	sst s0  }
0x18: {  	s0 =	sld [smem:$0x3F9E];
	_ =	swait.ge [sflag:s4], $0x0  }
0x19: {  	s7 =	sld [smem:$0x3F9F]  }
0x1a: {  	s8 =	sadd.s32 $0xFFFFE003, lr  }
0x1b: {  	s9 =	sadd.s32 $0xFFFFFEF7, lr;
	s5 =	simm.s32 $0xFFFFFFFF;
	p2 =	slt.u32 s8, $0xFFFFF086  }
0x1c: {  	p1 =	slt.u32 s9, $0xF7A;
	s5 =	simm.s32 @!p2 $0x0  }
0x1d: {  	s5 =	simm.s32 @p1 $0x1;
	p0 =	seq.s32 s7, s2  }
0x1e: {  	s7 =	smul.u32 @!p0 $0xF7A, s2;
	p2 =	seq.s32 @!p0 s5, $0x0  }
0x1f: {  	s9 =	smul.u32 $0xF7A, s1;
	s8 =	simm.s32 @!p0 $0x1BF5;
	p2 =	por !p2, p0  }
0x20: {  	[sflag:s8] =	ssyncset.s32 @!p0 $0xFFFFF086;
	s6 =	sadd.s32 @!p0 s3, s7;
	s7 =	simm.s32 @!p0 $0x108  }
0x21: {  	s3 =	sadd.s32 s3, s9;
	s6 =	sadd.s32 @!p0 $0x88, s6;
	s7 =	simm.s32 @p2 $0x1082  }
0x22: {  	[simem:s7], [sflag:s8] =	dma.local @!p0 [hbm:s6], $0xF7A  }
0x23: {  	s9 =	sor.u32 $0xD0000000, s2;
	s6 =	simm.s32 $0x108;
	_ =	swait.ge @!p0 [sflag:s8], $0x0  }
0x24: {  	s3 =	sadd.s32 $0x88, s3;
	s6 =	simm.s32 @!p1 $0x1082;
	[sflag:s4] =	ssyncset.s32 $0xFFFFF086  }
0x25: {  	[simem:s6], [sflag:s4] =	dma.local [hbm:s3], $0xF7A  }
0x26: {  	[smem:$0x3F9F] =	sst s1;
	(tag) =	ssettag s2;
	_ =	strace s9  }
0x27: {  	s1 =	sld [smem:$0x3FAF]  }
0x28: {  	s2 =	sld [smem:$0x3FB0]  }
0x29: {  	s4 =	sld [smem:$0x3FB2]  }
0x2a: {  	p0 =	seq.s32 s5, $0x0;
	s5 =	sld [smem:$0x3FB3]  }
0x2b: {  	s6 =	sld [smem:$0x3FB4]  }
0x2c: {  	s7 =	sld [smem:$0x3FB5]  }
0x2d: {  	s3 =	simm.s32 $0x108;
	s8 =	sld [smem:$0x3FB6]  }
0x2e: {  	s3 =	simm.s32 @!p0 $0x1082;
	s9 =	sld [smem:$0x3FB7]  }
0x2f: {  	lr =	sadd.s32 s0, s3;
	s0 =	sld [smem:$0x3FAE]  }
0x30: {  	s3 =	sld [smem:$0x3FB1]  }
0x31: {  	[smem:$0x3FBA] =	sst s10  }
0x32: {  	s10 =	sld [smem:$0x3FB8];
	_ =	sdelay $0x3  }
0x33: {  	p0 =	seq.s32 s10, $0x1;
	s10 =	sld [smem:$0x3FBA];
	_ =	sdelay $0x3  }
0x34: {  	[smem:$0x3FBA] =	sst s10  }
0x35: {  	s10 =	sld [smem:$0x3FB9];
	_ =	sdelay $0x3  }
0x36: {  	p1 =	seq.s32 s10, $0x1;
	s10 =	sld [smem:$0x3FBA];
	_ =	sdelay $0x3  }
0x37: {  	[smem:$0x3FBA] =	sst s10  }
0x38: {  	s10 =	sld [smem:$0x3FBB]  }
0x39: {  	_ = 	snop;
	(pc) =	sbr.ind lr, $3  }
0x3a: {  	_ = 	snop  }
0x3b: {  	_ = 	snop  }
0x3c: {  	p2 =	seq.s32 s10, $0x1;
	s10 =	sld [smem:$0x3FBA]  }
0x3d: {  	_ =	shalt  }
0x3e: {  	_ =	shalt  }
0x3f: {  	_ =	shalt  }
0x40: {  	_ =	shalt  }
0x41: {  	_ =	shalt  }
0x42: {  	_ =	shalt  }
0x43: {  	_ =	shalt  }
0x44: {  	_ =	shalt  }
0x45: {  	_ =	shalt  }
0x46: {  	_ =	shalt  }
0x47: {  	_ =	shalt  }
0x48: {  	_ =	shalt  }
0x49: {  	_ =	shalt  }
0x4a: {  	_ =	shalt  }
0x4b: {  	_ =	shalt  }
0x4c: {  	_ =	shalt  }
0x4d: {  	_ =	shalt  }
0x4e: {  	_ =	shalt  }
0x4f: {  	_ =	shalt  }
0x50: {  	_ =	shalt  }
0x51: {  	_ =	shalt  }
0x52: {  	_ =	shalt  }
0x53: {  	_ =	shalt  }
0x54: {  	_ =	shalt  }
0x55: {  	_ =	shalt  }
0x56: {  	_ =	shalt  }
0x57: {  	_ =	shalt  }
0x58: {  	_ =	shalt  }
0x59: {  	_ =	shalt  }
0x5a: {  	_ =	shalt  }
0x5b: {  	_ =	shalt  }
0x5c: {  	_ =	shalt  }
0x5d: {  	_ =	shalt  }
0x5e: {  	_ =	shalt  }
0x5f: {  	_ =	shalt  }
0x60: {  	_ =	shalt  }
0x61: {  	_ =	shalt  }
0x62: {  	_ =	shalt  }
0x63: {  	_ =	shalt  }
0x64: {  	_ =	shalt  }
0x65: {  	_ =	shalt  }
0x66: {  	_ =	shalt  }
0x67: {  	_ =	shalt  }
0x68: {  	_ =	shalt  }
0x69: {  	_ =	shalt  }
0x6a: {  	_ =	shalt  }
0x6b: {  	_ =	shalt  }
0x6c: {  	_ =	shalt  }
0x6d: {  	_ =	shalt  }
0x6e: {  	_ =	shalt  }
0x6f: {  	_ =	shalt  }
0x70: {  	_ =	shalt  }
0x71: {  	_ =	shalt  }
0x72: {  	_ =	shalt  }
0x73: {  	_ =	shalt  }
0x74: {  	_ =	shalt  }
0x75: {  	_ =	shalt  }
0x76: {  	_ =	shalt  }
0x77: {  	_ =	shalt  }
0x78: {  	_ =	shalt  }
0x79: {  	_ =	shalt  }
0x7a: {  	_ =	shalt  }
0x7b: {  	_ =	shalt  }
0x7c: {  	_ =	shalt  }
0x7d: {  	_ =	shalt  }
0x7e: {  	_ =	shalt  }
0x7f: {  	_ =	shalt  }
0x80: {  	_ =	shalt  }
0x81: {  	_ =	shalt  }
0x82: {  	_ =	shalt  }
0x83: {  	_ =	shalt  }
0x84: {  	_ =	shalt  }
0x85: {  	_ =	shalt  }
0x86: {  	_ =	shalt  }
0x87: {  	_ =	shalt  }
.Lfunc_end0:
.L_simem_size_0:
called_computation_lowered:
.L_overlay_start_0:
0x88: {  	s2 =	sld [smem:$0x3FD9]  }
0x89: {  	s3 =	sld [smem:$0x3FFE];
	_ =	sdelay $0x1  }
0x8a: {  	s1 =	srdreg.scid  }
0x8b: {  	s0 =	sand.u32 $0x1, s1  }
0x8c: {  	s17 =	sshll.u32 s0, $0xA;
	s2 =	sadd.s32 s3, s2  }
0x8d: {  	s2 =	sadd.s32 s2, s17  }
0x8e: {  	[smem:$0x3FC6] =	sst s2  }
0x8f: {  	_ = 	snop  }
0x90: {  	s2 =	sld [smem:$0x3FD0];
	(tm) =	ssettm $0x1  }
0x91: {  	s18 =	sld [smem:$0x3FFB];
	_ =	sdelay $0x3  }
0x92: {  	_ =	strace s18  }
0x93: {  	s3 =	sld [smem:$0x3FFC];
	_ =	sdelay $0x3  }
0x94: {  	_ =	strace s3  }
0x95: {  	s3 =	sld [smem:$0x3FFD];
	_ =	sdelay $0x3  }
0x96: {  	_ =	strace s3  }
0x97: {  	_ =	strace $0x8FFFFFFF  }
0x98: {  	s19 =	sld [smem:$0x3FDB];
	_ =	sdelay $0x1  }
0x99: {  	s4 =	simm.s32 $_scs_section_size  }
0x9a: {  	s5 =	simm.s32 $_size__tile_overlayer_lowered;
	s6 =	simm.s32 $_tile_overlayer_lowered  }
0x9b: {  	s22 =	simm.s32 $0x1BFF;
	s21 =	sshll.u32 s6, $0x1;
	s3 =	sadd.s32 s4, s19  }
0x9c: {  	s7 =	simm.s32 $0x0;
	s20 =	sshll.u32 s5, $0x1;
	s5 =	sadd.s32 s21, s3  }
0x9d: {  	[timem:s7], [sflag:s22] =	dma.local [hbm:s5], s20  }
0x9e: {  	_ =	swait.ge [sflag:s22], s20  }
0x9f: {  	s4 =	ssub.s32 $0x0, s20;
	[sflag:s22] =	ssyncset.done $0x0  }
0xa0: {  	[sflag:s22] =	ssyncadd.s32 s4;
	_ =	sdelay $0x1  }
0xa1: {  	s23 =	simm.s32 $0x1B8B  }
0xa2: {  	_ =	swait.ge [sflag:s23], $0x1  }
0xa3: {  	[sflag:s23] =	ssyncset.done $0x0  }
0xa4: {  	s25 =	simm.s32 $0x1B8E;
	s24 =	sld [smem:$0x3FFE];
	[sflag:s23] =	ssyncadd.s32 $0xFFFFFFFF  }
0xa5: {  	s26 =	simm.s32 $execute0_lowered;
	[smem:$0x3FD2] =	sst s25  }
0xa6: {  	s5 =	sshll.u32 s26, $0x1;
	_ =	strace $0x80000046;
	[dreg:$0x1] =	wrdreg $0xFFFFFFFF  }
0xa7: {  	s28 =	simm.s32 $_size_execute0_lowered;
	s3 =	sadd.s32 s3, s5;
	[dreg:$0x0] =	wrdreg $0x0  }
0xa8: {  	s5 =	sshll.u32 s28, $0x1;
	[dreg:$0x2] =	wrdreg s3  }
0xa9: {  	[dreg:$0x3] =	wrdreg s5  }
0xaa: {  	[dreg:$0x4] =	wrdreg $0xC0  }
0xab: {  	_ =	task [dreg:s7], $0x5FFFF  }
0xac: {  	[dreg:$0x1] =	wrdreg $0xFFFFFFFF  }
0xad: {  	[dreg:$0x0] =	wrdreg $0x60  }
0xae: {  	[dreg:$0x2] =	wrdreg s24  }
0xaf: {  	[dreg:$0x3] =	wrdreg s2  }
0xb0: {  	[dreg:$0x4] =	wrdreg $0x9  }
0xb1: {  	_ =	task.clear_ibuf [dreg:s7], $0x5FFFF;
	_ =	strace $0x90000046  }
0xb2: {  	s29 =	simm.s32 $0x9;
	_ =	strace $0x80000048  }
0xb3: {  	_ =	swait.ge [sflag:s29], $0x1  }
0xb4: {  	[sflag:s29] =	ssyncadd.s32 $0xFFFFFFFF  }
0xb5: {  	_ =	strace $0x90000048  }
0xb6: {  	_ =	sfence  }
0xb7: {  	s30 =	sld [smem:$0x0];
	_ =	sdelay $0x2  }
0xb8: {  	s31 =	sshll.u32 s1, $0xD;
	s1 =	sshrl.u32 s1, $0x2  }
0xb9: {  	s3 =	sand.u32 $0x4000, s31;
	s1 =	sadd.s32 s1, s30  }
0xba: {  	s0 =	sor.u32 s3, s0;
	s1 =	sshll.u32 s1, $0x11  }
0xbb: {  	s0 =	sor.u32 s1, s0  }
0xbc: {  	s0 =	sadd.s32 $0x8F2B, s0  }
0xbd: {  	[sflag:s0] =	ssyncadd.remote.s32 $0x1  }
0xbe: {  	_ =	sfence.sel $0xFFFF  }
0xbf: {  	[dreg:$0x0] =	wrdreg $0xFFFFFFFF;
	(pc) =	sbr.abs _section_cstart, $3  }
0xc0: {  	[dreg:$0x1] =	wrdreg $0xFFFFFFFF  }
0xc1: {  	_ =	task.clear_ibuf [dreg:s7], $0x2FFFF;
	_ =	strace $0x9FFFFFFF  }
0xc2: {  	(tm) =	ssettm $0x7FFFFFFF  }
0xc3: {  	_ =	shalt  }
tec
execute0_lowered:
.L_overlay_start_1:
0x0: {  	(tag) =	ssettag $0x1  }
0x1: {  	s0 =	rddreg [dreg:$0x0]  }
0x2: {  	s2 =	rddreg [dreg:$0x1]  }
0x3: {  	s1 =	simm.s32 $0x0;
	s3 =	srdreg.scid;
	s5 =	stileid.u32  }
0x4: {  	[smem:$0x7FF] =	sst s1;
	s4 =	sadd.s32 $0xE00, s0;
	s3 =	sand.u32 $0x1, s3  }
0x5: {  	s5 =	sshll.u32 s5, $0xA;
	s0 =	sadd.s32 $0x1000, s0;
	s22 =	ssub.s32 $0x2, s3  }
0x6: {  	_ =	strace $0x80000047;
	s3 =	sshll.u32 s3, $0xE;
	s6 =	sshrl.u32 s22, $0x1  }
0x7: {  	[dreg:$0x3] =	wrdreg s4;
	s3 =	sor.u32 s5, s3;
	s4 =	ssub.s32 s22, s6  }
0x8: {  	s5 =	sadd.s32 s0, s3;
	s23 =	sor.u32 $0x8000, s3;
	s7 =	sadd.s32 s2, s3  }
0x9: {  	s25 =	sor.u32 $0x10000, s3;
	s3 =	sor.u32 $0x18000, s3;
	[dreg:$0x4] =	wrdreg s5  }
0xa: {  	s24 =	sadd.s32 s0, s23;
	s5 =	sadd.s32 s2, s23;
	[dreg:$0x6] =	wrdreg s7  }
0xb: {  	s26 =	sadd.s32 s2, s25;
	s2 =	sadd.s32 s2, s3;
	[dreg:$0x5] =	wrdreg s24  }
0xc: {  	s28 =	sadd.s32 s0, s25;
	s29 =	sadd.s32 $0x20000, s7;
	[dreg:$0x7] =	wrdreg s5  }
0xd: {  	s30 =	sadd.s32 $0x28000, s7;
	s13 =	sadd.s32 $0x30000, s7;
	[dreg:$0x8] =	wrdreg s26  }
0xe: {  	s14 =	sadd.s32 $0x38000, s7;
	s0 =	sadd.s32 s0, s3;
	[dreg:$0x9] =	wrdreg s2  }
0xf: {  	s16 =	sadd.s32 $0x40000, s7;
	s17 =	sadd.s32 $0x48000, s7;
	[dreg:$0xa] =	wrdreg s28  }
0x10: {  	s18 =	sadd.s32 $0x50000, s7;
	s19 =	sadd.s32 $0x58000, s7;
	[dreg:$0xb] =	wrdreg s29  }
0x11: {  	s20 =	sadd.s32 $0x60000, s7;
	s21 =	sadd.s32 $0x68000, s7;
	[dreg:$0xc] =	wrdreg s30  }
0x12: {  	s22 =	sadd.s32 $0x70000, s7;
	s31 =	smax.u32 s4, $0x1;
	[dreg:$0xd] =	wrdreg s0  }
0x13: {  	s23 =	sadd.s32 $0x78000, s7;
	s3 =	simm.s32 $0x0;
	[dreg:$0xe] =	wrdreg s31  }
.LBB2_1:
0x14: {  	[dreg:$0xf] =	wrdreg s3  }
0x15: {  	s0 =	rddreg [dreg:$0x3];
	s4 =	simm.s32 $0x5  }
0x16: {  	[tilespmem:s1], [sflag:$0x5] =	stream.linear.gather [hbm4b:s0+s1], $0x280, $0x38;
	[tilespmem:$0x14280] =	vst v63  }
0x17: {  	_ =	swait.ge [sflag:s4], $0x280  }
0x18: {  	s2 =	simm.s32 $0x280;
	[sflag:s4] =	ssyncset.done $0x0  }
0x19: {  	s7 =	simm.s32 $0x2280;
	s5 =	rddreg [dreg:$0x4];
	[sflag:s4] =	ssyncadd.s32 $0xFFFFFD80  }
0x1a: {  	[tilespmem:s2], [sflag:$0x1] =	stream.linear.gather [hbm4b:s5+s1], $0x2000, $0x38;
	[tilespmem:$0x14280] =	vst v63  }
0x1b: {  	s8 =	simm.s32 $0x0;
	s6 =	rddreg [dreg:$0x5];
	s4 =	simm.s32 $0x1  }
0x1c: {  	[tilespmem:s7], [sflag:$0x2] =	stream.linear.gather [hbm4b:s6+s1], $0x2000, $0x38;
	[tilespmem:$0x14280] =	vst v63  }
0x1d: {  	s0 =	sand.u32 $0x40, s8;
	s2 =	sand.u32 $0x1F80, s8;
	_ =	swait.ge [sflag:s4], $0x2000  }
0x1e: {  	s9 =	sor.u32 $0x30, s0;
	s2 =	sadd.s32 $0x280, s2;
	[sflag:s4] =	ssyncset.done $0x0  }
0x1f: {  	s10 =	sor.u32 s9, s2;
	[sflag:s4] =	ssyncadd.s32 $0xFFFFE000  }
0x20: {  	v0 =	vld [tilespmem:s10+$0x0];
	_ =	sdelay $0x1  }
0x21: {  	s5 =	sor.u32 $0x10, s0  }
0x22: {  	s11 =	sor.u32 s5, s2  }
0x23: {  	v1 =	vld [tilespmem:s11+$0x0]  }
0x24: {  	v3 =	vand.u32 $0xFF, v0;
	_ =	sdelay $0x1  }
0x25: {  	s8 =	sor.u32 $0x20, s0  }
0x26: {  	s2 =	sor.u32 s8, s2  }
0x27: {  	v2 =	vld [tilespmem:s2+$0x0];
	v4 =	vand.u32 $0xFF, v1;
	v6 =	vshrl.u32 v0, $0x8  }
0x28: {  	v6 =	vand.u32 $0xFF, v6;
	v3 =	vld.idx.msk [tilespmem:v3+s1+$0x0], $0xffff  }
0x29: {  	v6 =	vadd.s32 $0x90, v6  }
0x2a: {  	s12 =	sand.u32 $0x7E00, s1;
	s6 =	simm.s32 $0x0  }
0x2b: {  	s15 =	simm.s32 $0x40;
	s7 =	sadd.s32 $0x4280, s12;
	v8 =	vld [tilespmem:s6+$0x280];
	v7 =	vshrl.u32 v1, $0x8  }
0x2c: {  	s9 =	sor.u32 s9, s7;
	s4 =	sand.u32 $0x40, s15;
	s2 =	sand.u32 $0x1F80, s15;
	v5 =	vand.u32 $0xFF, v2;
	v7 =	vand.u32 $0xFF, v7;
	v4 =	vld.idx.msk [tilespmem:v4+s1+$0x0], $0xffff  }
0x2d: {  	s24 =	sor.u32 $0x30, s4;
	s10 =	sadd.s32 $0x280, s2;
	v7 =	vadd.s32 $0x90, v7;
	[tilespmem:s9+$0x0] =	vst v3;
	v3 =	vshrl.u32 v0, $0x10  }
0x2e: {  	s6 =	sor.u32 $0x10, s4;
	s2 =	sor.u32 s24, s10;
	v6 =	vld.idx.msk [tilespmem:v6+s1+$0x0], $0xffff;
	v3 =	vand.u32 $0xFF, v3  }
0x2f: {  	s25 =	sor.u32 s6, s10;
	v10 =	vld [tilespmem:s2+$0x0];
	v3 =	vadd.s32 $0x120, v3  }
0x30: {  	s11 =	sor.u32 s5, s7;
	v11 =	vld [tilespmem:s25+$0x0];
	v9 =	vshrl.u32 v2, $0x8  }
0x31: {  	s2 =	sor.u32 $0x20, s4;
	v12 =	vand.u32 $0xFF, v8;
	v5 =	vld.idx.msk [tilespmem:v5+s1+$0x0], $0xffff;
	[tilespmem:s11+$0x0] =	vst v4;
	v4 =	vand.u32 $0xFF, v9;
	v9 =	vshrl.u32 v1, $0x10  }
0x32: {  	s10 =	sor.u32 s2, s10;
	v7 =	vld.idx.msk [tilespmem:v7+s1+$0x0], $0xffff;
	v4 =	vadd.s32 $0x90, v4;
	v9 =	vand.u32 $0xFF, v9  }
0x33: {  	p0 =	por $0x0, $0x0;
	s5 =	simm.s32 $0x1;
	v13 =	vld [tilespmem:s10+$0x0];
	v9 =	vadd.s32 $0x120, v9;
	[tilespmem:s9+$0x80] =	vst v6  }
0x34: {  	s5 =	simm.s32 @!p0 $0x0;
	v0 =	vshrl.u32 v0, $0x18;
	v6 =	vand.u32 $0xFF, v10;
	v3 =	vld.idx.msk [tilespmem:v3+s1+$0x0], $0xffff  }
0x35: {  	s8 =	sor.u32 s8, s7;
	s5 =	sshll.u32 s5, $0x6;
	v0 =	vadd.s32 $0x1B0, v0  }
0x36: {  	s5 =	sadd.s32 $0x0, s5;
	v14 =	vshrl.u32 v8, $0x8;
	v12 =	vld.idx.msk [tilespmem:v12+s1+$0x0], $0xffff;
	[tilespmem:s8+$0x0] =	vst v5;
	v5 =	vand.u32 $0xFF, v11  }
0x37: {  	s10 =	sadd.s32 $0x30, s5;
	v14 =	vand.u32 $0xFF, v14;
	v4 =	vld.idx.msk [tilespmem:v4+s1+$0x0], $0xffff;
	[tilespmem:s11+$0x80] =	vst v7  }
0x38: {  	v15 =	vshrl.u32 v2, $0x10;
	s26 =	sor.u32 $0x100, s10;
	v14 =	vadd.s32 $0x90, v14;
	v9 =	vld.idx.msk [tilespmem:v9+s1+$0x0], $0xffff  }
0x39: {  	v15 =	vand.u32 $0xFF, v15;
	v16 =	vshrl.u32 v10, $0x8;
	v7 =	vand.u32 $0xFF, v13;
	v6 =	vld.idx.msk [tilespmem:v6+s1+$0x0], $0xffff;
	[tilespmem:s26+$0x4280] =	vst v3  }
0x3a: {  	s31 =	simm.s32 $0x100;
	s3 =	simm.s32 $0x80;
	v3 =	vadd.s32 $0x120, v15;
	v15 =	vand.u32 $0xFF, v16;
	v16 =	vld.idx.msk [tilespmem:v0+s1+$0x0], $0xffff  }
0x3b: {  	s12 =	simm.s32 $0x40;
	s15 =	sand.u32 $0x7E00, s31;
	s9 =	sor.u32 s0, s7;
	v0 =	vshrl.u32 v1, $0x18;
	v1 =	vld.idx.msk [tilespmem:v5+s1+$0x0], $0xffff;
	v5 =	vadd.s32 $0x90, v15  }
0x3c: {  	s25 =	sand.u32 $0x1F80, s3;
	v2 =	vshrl.u32 v2, $0x18;
	s7 =	sadd.s32 $0x4280, s15;
	[tilespmem:s9+$0x0] =	vst v12;
	v12 =	vld [tilespmem:s12+$0x280];
	s26 =	sand.u32 $0x40, s3;
	v15 =	vshrl.u32 v11, $0x8;
	v0 =	vadd.s32 $0x1B0, v0  }
0x3d: {  	s25 =	sadd.s32 $0x280, s25;
	v17 =	vadd.s32 $0x1B0, v2;
	s28 =	sor.u32 s6, s7;
	v14 =	vld.idx.msk [tilespmem:v14+s1+$0x0], $0xffff;
	[tilespmem:s8+$0x80] =	vst v4;
	v4 =	vshrl.u32 v13, $0x8;
	s6 =	sor.u32 $0x10, s26;
	v15 =	vand.u32 $0xFF, v15  }
0x3e: {  	s15 =	sadd.s32 $0x10, s5;
	s11 =	sor.u32 s24, s7;
	v7 =	vld.idx.msk [tilespmem:v7+s1+$0x0], $0xffff;
	v2 =	vand.u32 $0xFF, v4;
	v4 =	vshrl.u32 v10, $0x10;
	s29 =	sor.u32 s6, s25;
	v15 =	vadd.s32 $0x90, v15  }
0x3f: {  	s24 =	sor.u32 $0x100, s15;
	v4 =	vand.u32 $0xFF, v4;
	v21 =	vld [tilespmem:s29+$0x0];
	[tilespmem:s11+$0x0] =	vst v6  }
0x40: {  	[tilespmem:s24+$0x4280] =	vst v9;
	s12 =	sor.u32 $0x30, s26;
	v2 =	vadd.s32 $0x90, v2;
	v18 =	vadd.s32 $0x120, v4;
	v6 =	vld.idx.msk [tilespmem:v5+s1+$0x0], $0xffff  }
0x41: {  	s8 =	sor.u32 s12, s25;
	v5 =	vshrl.u32 v8, $0x10;
	v9 =	vld.idx.msk [tilespmem:v0+s1+$0x0], $0xffff;
	v0 =	vshrl.u32 v8, $0x18;
	v8 =	vshrl.u32 v11, $0x10  }
0x42: {  	[tilespmem:s28+$0x0] =	vst v1;
	v1 =	vld [tilespmem:s8+$0x0];
	v4 =	vand.u32 $0xFF, v5;
	v5 =	vand.u32 $0xFF, v8;
	v8 =	vand.u32 $0xFF, v12  }
0x43: {  	v19 =	vshrl.u32 v13, $0x10;
	v10 =	vshrl.u32 v10, $0x18;
	s8 =	sor.u32 $0x20, s26;
	v15 =	vld.idx.msk [tilespmem:v15+s1+$0x0], $0xffff  }
0x44: {  	s24 =	sor.u32 s2, s7;
	[tilespmem:s9+$0x80] =	vst v14;
	v3 =	vld.idx.msk [tilespmem:v3+s1+$0x0], $0xffff;
	s31 =	sor.u32 s8, s25;
	v22 =	vadd.s32 $0x120, v4;
	v4 =	vand.u32 $0xFF, v19;
	v20 =	vadd.s32 $0x120, v5  }
0x45: {  	s0 =	sor.u32 $0x180, s10;
	[tilespmem:s24+$0x0] =	vst v7;
	v7 =	vshrl.u32 v13, $0x18;
	v11 =	vshrl.u32 v11, $0x18;
	v19 =	vld [tilespmem:s31+$0x0];
	v5 =	vadd.s32 $0x120, v4  }
0x46: {  	[tilespmem:s0+$0x4280] =	vst v16;
	v4 =	vadd.s32 $0x1B0, v11;
	v11 =	vld.idx.msk [tilespmem:v2+s1+$0x0], $0xffff;
	v2 =	vadd.s32 $0x1B0, v7;
	v7 =	vadd.s32 $0x1B0, v10  }
0x47: {  	p0 =	por !p0, !p0;
	s10 =	simm.s32 $0x1;
	v10 =	vshrl.u32 v12, $0x10;
	[tilespmem:s11+$0x80] =	vst v6;
	v6 =	vshrl.u32 v12, $0x8;
	v16 =	vand.u32 $0xFF, v1;
	v8 =	vld.idx.msk [tilespmem:v8+s1+$0x0], $0xffff  }
0x48: {  	s10 =	simm.s32 @!p0 $0x0;
	s15 =	sor.u32 $0x180, s15;
	s11 =	sadd.s32 $0x20, s5;
	v12 =	vshrl.u32 v12, $0x18;
	v13 =	vld.idx.msk [tilespmem:v18+s1+$0x0], $0xffff;
	v6 =	vand.u32 $0xFF, v6;
	v18 =	vand.u32 $0xFF, v21;
	[tilespmem:s28+$0x80] =	vst v15  }
0x49: {  	s25 =	sshll.u32 s10, $0x6;
	s31 =	sor.u32 $0x100, s11;
	[tilespmem:s15+$0x4280] =	vst v9;
	v9 =	vshrl.u32 v21, $0x8;
	v23 =	vadd.s32 $0x90, v6;
	v6 =	vand.u32 $0xFF, v10;
	v20 =	vld.idx.msk [tilespmem:v20+s1+$0x0], $0xffff  }
0x4a: {  	s9 =	sadd.s32 $0x100, s25;
	[tilespmem:s31+$0x4280] =	vst v3;
	v24 =	vand.u32 $0xFF, v19;
	v22 =	vld.idx.msk [tilespmem:v22+s1+$0x0], $0xffff;
	v3 =	vadd.s32 $0x1B0, v12;
	v9 =	vand.u32 $0xFF, v9  }
0x4b: {  	s30 =	sor.u32 $0x100, s5;
	s2 =	sadd.s32 $0x30, s9;
	s15 =	sor.u32 s4, s7;
	v12 =	vshrl.u32 v19, $0x8;
	v15 =	vshrl.u32 v21, $0x10;
	v25 =	vld.idx.msk [tilespmem:v17+s1+$0x0], $0xffff;
	[tilespmem:s24+$0x80] =	vst v11;
	v11 =	vshrl.u32 v19, $0x10  }
0x4c: {  	s0 =	sor.u32 $0x100, s2;
	s31 =	sor.u32 $0x180, s11;
	s11 =	sadd.s32 $0x10, s9;
	v10 =	vadd.s32 $0x90, v9;
	v14 =	vld.idx.msk [tilespmem:v16+s1+$0x0], $0xffff;
	[tilespmem:s15+$0x0] =	vst v8;
	v8 =	vand.u32 $0xFF, v11;
	v11 =	vshrl.u32 v1, $0x8  }
0x4d: {  	s10 =	simm.s32 $0x200;
	s7 =	sadd.s32 $0x20, s9;
	v9 =	vand.u32 $0xFF, v12;
	s25 =	sor.u32 $0x100, s11;
	[tilespmem:s0+$0x4280] =	vst v13;
	v17 =	vld.idx.msk [tilespmem:v18+s1+$0x0], $0xffff;
	v13 =	vadd.s32 $0x120, v8;
	v8 =	vand.u32 $0xFF, v11  }
0x4e: {  	s4 =	sor.u32 $0x100, s9;
	s28 =	sor.u32 $0x180, s5;
	s5 =	sor.u32 $0x180, s7;
	v12 =	vand.u32 $0xFF, v15;
	v15 =	vld.idx.msk [tilespmem:v7+s1+$0x0], $0xffff;
	[tilespmem:s25+$0x4280] =	vst v20;
	v20 =	vshrl.u32 v19, $0x18;
	v19 =	vadd.s32 $0x90, v8  }
0x4f: {  	v0 =	vadd.s32 $0x1B0, v0;
	s29 =	sor.u32 $0x180, s11;
	s11 =	simm.s32 $0x80;
	s0 =	sand.u32 $0x7E00, s10;
	v16 =	vld.idx.msk [tilespmem:v24+s1+$0x0], $0xffff  }
0x50: {  	v6 =	vadd.s32 $0x120, v6;
	s24 =	sor.u32 $0x100, s7;
	v18 =	vshrl.u32 v21, $0x18;
	v7 =	vadd.s32 $0x120, v12;
	[tilespmem:s30+$0x4280] =	vst v22;
	v12 =	vld [tilespmem:s11+$0x280];
	s11 =	sadd.s32 $0x4280, s0;
	s25 =	sor.u32 $0x180, s9  }
0x51: {  	v9 =	vadd.s32 $0x90, v9;
	v11 =	vadd.s32 $0x1B0, v18;
	[tilespmem:s31+$0x4280] =	vst v25;
	s7 =	sor.u32 s6, s11;
	s30 =	sor.u32 s8, s11;
	s9 =	sor.u32 s12, s11;
	v18 =	vld.idx.msk [tilespmem:v23+s1+$0x0], $0xffff;
	v8 =	vadd.s32 $0x1B0, v20  }
.LBB2_2:
0x52: {  	s3 =	sadd.s32 $0x40, s3;
	s11 =	sor.u32 s26, s11;
	[tilespmem:s9+$0x0] =	vst v14;
	v14 =	vld.idx.msk [tilespmem:v5+s1+$0x0], $0xffff;
	s0 =	sor.u32 $0x180, s2;
	v5 =	vmov v13  }
0x53: {  	v13 =	vshrl.u32 v1, $0x10;
	s26 =	sand.u32 $0x40, s3;
	s2 =	sand.u32 $0x1F80, s3;
	p1 =	slt.u32 s3, $0x1FC0;
	v19 =	vld.idx.msk [tilespmem:v19+s1+$0x0], $0xffff;
	[tilespmem:s0+$0x4280] =	vst v15  }
0x54: {  	v13 =	vand.u32 $0xFF, v13;
	s31 =	sor.u32 $0x10, s26;
	s2 =	sadd.s32 $0x280, s2;
	s0 =	sor.u32 $0x30, s26;
	[tilespmem:s7+$0x0] =	vst v17;
	v15 =	vld.idx.msk [tilespmem:v4+s1+$0x0], $0xffff;
	v4 =	vmov v11  }
0x55: {  	s6 =	sor.u32 $0x20, s26;
	v13 =	vadd.s32 $0x120, v13;
	s12 =	sor.u32 s31, s2;
	s8 =	sor.u32 s0, s2;
	v11 =	vshrl.u32 v12, $0x8;
	v17 =	vand.u32 $0xFF, v12;
	v10 =	vld.idx.msk [tilespmem:v10+s1+$0x0], $0xffff;
	[tilespmem:s30+$0x0] =	vst v16  }
0x56: {  	s2 =	sor.u32 s6, s2;
	v20 =	vshrl.u32 v12, $0x10;
	v12 =	vshrl.u32 v12, $0x18;
	v16 =	vld [tilespmem:s8+$0x0];
	v11 =	vand.u32 $0xFF, v11;
	s8 =	smov.u32 s28;
	s28 =	smov.u32 s25  }
0x57: {  	v12 =	vadd.s32 $0x1B0, v12;
	v21 =	vld [tilespmem:s12+$0x0];
	v22 =	vadd.s32 $0x90, v11;
	v11 =	vand.u32 $0xFF, v20;
	[tilespmem:s15+$0x80] =	vst v18;
	s15 =	smov.u32 s11  }
0x58: {  	v18 =	vld [tilespmem:s2+$0x0];
	v11 =	vadd.s32 $0x120, v11;
	[tilespmem:s24+$0x4280] =	vst v14  }
0x59: {  	v14 =	vld.idx.msk [tilespmem:v9+s1+$0x0], $0xffff;
	[tilespmem:s9+$0x80] =	vst v19  }
0x5a: {  	p0 =	por !p0, !p0;
	s2 =	simm.s32 $0x1;
	v13 =	vld.idx.msk [tilespmem:v13+s1+$0x0], $0xffff;
	[tilespmem:s29+$0x4280] =	vst v15  }
0x5b: {  	s2 =	simm.s32 @!p0 $0x0;
	v9 =	vshrl.u32 v1, $0x18;
	v15 =	vand.u32 $0xFF, v16;
	v17 =	vld.idx.msk [tilespmem:v17+s1+$0x0], $0xffff;
	[tilespmem:s7+$0x80] =	vst v10;
	v1 =	vmov v16  }
0x5c: {  	s2 =	sshll.u32 s2, $0x6;
	v19 =	vadd.s32 $0x1B0, v9;
	v10 =	vshrl.u32 v21, $0x8;
	v16 =	vand.u32 $0xFF, v21;
	v20 =	vld.idx.msk [tilespmem:v7+s1+$0x0], $0xffff  }
0x5d: {  	s7 =	sadd.s32 s2, s10;
	v7 =	vand.u32 $0xFF, v10;
	v9 =	vshrl.u32 v18, $0x8;
	v23 =	vand.u32 $0xFF, v18;
	v24 =	vld.idx.msk [tilespmem:v6+s1+$0x0], $0xffff;
	v6 =	vmovc v11  }
0x5e: {  	s9 =	sadd.s32 $0x10, s7;
	s11 =	sadd.s32 $0x20, s7;
	s2 =	sadd.s32 $0x30, s7;
	v10 =	vadd.s32 $0x90, v7;
	v7 =	vshrl.u32 v21, $0x10;
	v9 =	vand.u32 $0xFF, v9;
	v25 =	vld.idx.msk [tilespmem:v2+s1+$0x0], $0xffff;
	v2 =	vmovc v8  }
0x5f: {  	s12 =	sor.u32 $0x100, s9;
	s24 =	sor.u32 $0x100, s11;
	s25 =	sor.u32 $0x100, s2;
	v8 =	vshrl.u32 v18, $0x10;
	v7 =	vand.u32 $0xFF, v7;
	v9 =	vadd.s32 $0x90, v9;
	[tilespmem:s30+$0x80] =	vst v14;
	v26 =	vld.idx.msk [tilespmem:v0+s1+$0x0], $0xffff;
	v0 =	vmovc v3;
	v3 =	vmovc v12  }
0x60: {  	v11 =	vshrl.u32 v1, $0x8;
	s29 =	sor.u32 $0x180, s9;
	s9 =	sor.u32 $0x180, s11;
	v8 =	vand.u32 $0xFF, v8;
	s30 =	sor.u32 $0x100, s7;
	v7 =	vadd.s32 $0x120, v7;
	v14 =	vld.idx.msk [tilespmem:v15+s1+$0x0], $0xffff;
	[tilespmem:s25+$0x4280] =	vst v13  }
.Ltmp0:
0x61: {  	v12 =	vshrl.u32 v21, $0x18;
	v13 =	vadd.s32 $0x120, v8;
	v8 =	vand.u32 $0xFF, v11;
	s25 =	sor.u32 $0x180, s7;
	[tilespmem:s15+$0x0] =	vst v17;
	v15 =	vld.idx.msk [tilespmem:v19+s1+$0x0], $0xffff;
	(pc) =	sbr.rel @p1 .LBB2_2-.Ltmp0, $4  }
0x62: {  	s10 =	sadd.s32 $0x100, s10;
	v11 =	vadd.s32 $0x1B0, v12;
	v12 =	vshrl.u32 v18, $0x18;
	v19 =	vadd.s32 $0x90, v8;
	v17 =	vld.idx.msk [tilespmem:v16+s1+$0x0], $0xffff;
	[tilespmem:s12+$0x4280] =	vst v20  }
0x63: {  	s11 =	sand.u32 $0x7E00, s10;
	s7 =	sshra.s32 s10, $0x2;
	v8 =	vadd.s32 $0x1B0, v12;
	v16 =	vld.idx.msk [tilespmem:v23+s1+$0x0], $0xffff;
	[tilespmem:s4+$0x4280] =	vst v24;
	s4 =	smov.u32 s30  }
0x64: {  	s11 =	sadd.s32 $0x4280, s11;
	v12 =	vld [tilespmem:s7+$0x280];
	[tilespmem:s5+$0x4280] =	vst v25;
	s5 =	smov.u32 s9  }
0x65: {  	s30 =	sor.u32 s6, s11;
	s7 =	sor.u32 s31, s11;
	s9 =	sor.u32 s0, s11;
	v18 =	vld.idx.msk [tilespmem:v22+s1+$0x0], $0xffff;
	[tilespmem:s8+$0x4280] =	vst v26  }
0x66: {  	_ =	sdelay $0x2  }
0x67: {  	v20 =	vand.u32 $0xFF, v12;
	_ =	sdelay $0x3  }
0x68: {  	v21 =	vshrl.u32 v12, $0x8  }
0x69: {  	[tilespmem:s9+$0x0] =	vst v14;
	v21 =	vand.u32 $0xFF, v21;
	v20 =	vld.idx.msk [tilespmem:v20+s1+$0x0], $0xffff  }
0x6a: {  	s0 =	sor.u32 $0x180, s2;
	v5 =	vld.idx.msk [tilespmem:v5+s1+$0x0], $0xffff;
	[tilespmem:s7+$0x0] =	vst v17;
	v54 =	vadd.s32 $0x90, v21  }
0x6b: {  	v52 =	vshrl.u32 v1, $0x10;
	v4 =	vld.idx.msk [tilespmem:v4+s1+$0x0], $0xffff;
	[tilespmem:s0+$0x4280] =	vst v15  }
0x6c: {  	v53 =	vld.idx.msk [tilespmem:v19+s1+$0x0], $0xffff;
	v14 =	vand.u32 $0xFF, v52;
	[tilespmem:s30+$0x0] =	vst v16  }
0x6d: {  	s8 =	sor.u32 s26, s11;
	v10 =	vld.idx.msk [tilespmem:v10+s1+$0x0], $0xffff;
	v14 =	vadd.s32 $0x120, v14;
	[tilespmem:s15+$0x80] =	vst v18  }
0x6e: {  	v9 =	vld.idx.msk [tilespmem:v9+s1+$0x0], $0xffff;
	v55 =	vshrl.u32 v12, $0x10;
	[tilespmem:s8+$0x0] =	vst v20  }
0x6f: {  	v15 =	vand.u32 $0xFF, v55;
	[tilespmem:s24+$0x4280] =	vst v5;
	v56 =	vld.idx.msk [tilespmem:v54+s1+$0x0], $0xffff  }
0x70: {  	v0 =	vld.idx.msk [tilespmem:v0+s1+$0x0], $0xffff;
	v15 =	vadd.s32 $0x120, v15;
	[tilespmem:s29+$0x4280] =	vst v4  }
0x71: {  	p0 =	por !p0, !p0;
	s2 =	simm.s32 $0x1;
	v6 =	vld.idx.msk [tilespmem:v6+s1+$0x0], $0xffff;
	[tilespmem:s9+$0x80] =	vst v53  }
0x72: {  	v57 =	vshrl.u32 v1, $0x18;
	s2 =	simm.s32 @!p0 $0x0;
	v14 =	vld.idx.msk [tilespmem:v14+s1+$0x0], $0xffff;
	[tilespmem:s7+$0x80] =	vst v10  }
0x73: {  	v1 =	vadd.s32 $0x1B0, v57;
	s2 =	sshll.u32 s2, $0x6;
	v58 =	vld.idx.msk [tilespmem:v7+s1+$0x0], $0xffff;
	[tilespmem:s30+$0x80] =	vst v9  }
0x74: {  	s2 =	sadd.s32 s2, s10;
	v59 =	vld.idx.msk [tilespmem:v13+s1+$0x0], $0xffff;
	[tilespmem:s8+$0x80] =	vst v56  }
0x75: {  	v60 =	vshrl.u32 v12, $0x18;
	s3 =	sadd.s32 $0x30, s2;
	[tilespmem:s28+$0x4280] =	vst v0;
	v61 =	vld.idx.msk [tilespmem:v15+s1+$0x0], $0xffff  }
0x76: {  	s6 =	sadd.s32 $0x10, s2;
	s11 =	sor.u32 $0x100, s3;
	v2 =	vld.idx.msk [tilespmem:v2+s1+$0x0], $0xffff;
	v7 =	vadd.s32 $0x1B0, v60;
	[tilespmem:s4+$0x4280] =	vst v6  }
0x77: {  	s15 =	sadd.s32 $0x20, s2;
	s12 =	sor.u32 $0x100, s6;
	v3 =	vld.idx.msk [tilespmem:v3+s1+$0x0], $0xffff;
	[tilespmem:s11+$0x4280] =	vst v14  }
0x78: {  	s24 =	sor.u32 $0x100, s15;
	[tilespmem:s12+$0x4280] =	vst v58;
	v1 =	vld.idx.msk [tilespmem:v1+s1+$0x0], $0xffff  }
0x79: {  	s26 =	sor.u32 $0x100, s2;
	v5 =	vld.idx.msk [tilespmem:v11+s1+$0x0], $0xffff;
	[tilespmem:s24+$0x4280] =	vst v59  }
0x7a: {  	v62 =	vld.idx.msk [tilespmem:v8+s1+$0x0], $0xffff;
	[tilespmem:s26+$0x4280] =	vst v61  }
0x7b: {  	[tilespmem:s5+$0x4280] =	vst v2;
	v63 =	vld.idx.msk [tilespmem:v7+s1+$0x0], $0xffff  }
0x7c: {  	s29 =	sor.u32 $0x180, s3;
	[tilespmem:s25+$0x4280] =	vst v3  }
0x7d: {  	s30 =	sor.u32 $0x180, s6;
	[tilespmem:s29+$0x4280] =	vst v1  }
0x7e: {  	s31 =	sor.u32 $0x180, s15;
	[tilespmem:s30+$0x4280] =	vst v5  }
0x7f: {  	s2 =	sor.u32 $0x180, s2;
	[tilespmem:s31+$0x4280] =	vst v62  }
0x80: {  	[tilespmem:s2+$0x4280] =	vst v63  }
0x81: {  	s0 =	simm.s32 $0x4280;
	s5 =	rddreg [dreg:$0x6]  }
0x82: {  	s3 =	simm.s32 $0x4480;
	s2 =	simm.s32 $0x10;
	s4 =	sadd.s32 $0x0, s5  }
.LBB2_4:
0x83: {  	[hbm4b:s4+s1] =	stream.linear.scatter [tilespmem:s0], [sflag:$0x3], $0x80, $0x38;
	[tilespmem:$0x14280] =	vst v63  }
0x84: {  	s4 =	smov.u32 s2;
	s0 =	smov.u32 s3;
	p0 =	sne.s32 s2, $0x3F0  }
.Ltmp1:
0x85: {  	s2 =	sadd.s32 $0x10, s2;
	(pc) =	sbr.rel @p0 .LBB2_4-.Ltmp1, $2  }
0x86: {  	_ =	sdelay $0x2  }
0x87: {  	s3 =	sadd.s32 $0x200, s3;
	s4 =	sadd.s32 s4, s5  }
0x88: {  	[hbm4b:s4+s1] =	stream.linear.scatter [tilespmem:s0], [sflag:$0x3], $0x80, $0x38;
	[tilespmem:$0x14280] =	vst v63  }
0x89: {  	s0 =	simm.s32 $0x4300;
	s2 =	simm.s32 $0x10;
	s5 =	rddreg [dreg:$0x7]  }
0x8a: {  	s3 =	simm.s32 $0x4500;
	s6 =	rddreg [dreg:$0x8];
	s4 =	sadd.s32 $0x0, s5  }
.LBB2_6:
0x8b: {  	[hbm4b:s4+s1] =	stream.linear.scatter [tilespmem:s0], [sflag:$0x3], $0x80, $0x38;
	[tilespmem:$0x14280] =	vst v63  }
0x8c: {  	s4 =	smov.u32 s2;
	s0 =	smov.u32 s3;
	p0 =	sne.s32 s2, $0x3F0  }
.Ltmp2:
0x8d: {  	s2 =	sadd.s32 $0x10, s2;
	(pc) =	sbr.rel @p0 .LBB2_6-.Ltmp2, $2  }
0x8e: {  	_ =	sdelay $0x2  }
0x8f: {  	s3 =	sadd.s32 $0x200, s3;
	s4 =	sadd.s32 s4, s5  }
0x90: {  	[hbm4b:s4+s1] =	stream.linear.scatter [tilespmem:s0], [sflag:$0x3], $0x80, $0x38;
	[tilespmem:$0x14280] =	vst v63  }
0x91: {  	s0 =	simm.s32 $0x4380  }
0x92: {  	s2 =	simm.s32 $0x10;
	s4 =	sadd.s32 $0x0, s6;
	s3 =	simm.s32 $0x4580  }
.LBB2_8:
0x93: {  	[hbm4b:s4+s1] =	stream.linear.scatter [tilespmem:s0], [sflag:$0x3], $0x80, $0x38;
	[tilespmem:$0x14280] =	vst v63  }
0x94: {  	s4 =	smov.u32 s2;
	s0 =	smov.u32 s3;
	p0 =	sne.s32 s2, $0x3F0  }
.Ltmp3:
0x95: {  	s2 =	sadd.s32 $0x10, s2;
	(pc) =	sbr.rel @p0 .LBB2_8-.Ltmp3, $2  }
0x96: {  	_ =	sdelay $0x2  }
0x97: {  	s3 =	sadd.s32 $0x200, s3;
	s4 =	sadd.s32 s4, s6  }
0x98: {  	[hbm4b:s4+s1] =	stream.linear.scatter [tilespmem:s0], [sflag:$0x3], $0x80, $0x38;
	[tilespmem:$0x14280] =	vst v63  }
0x99: {  	s0 =	simm.s32 $0x4400;
	s5 =	rddreg [dreg:$0x9]  }
0x9a: {  	s2 =	simm.s32 $0x10;
	s3 =	simm.s32 $0x4600;
	s4 =	sadd.s32 $0x0, s5  }
.LBB2_10:
0x9b: {  	[hbm4b:s4+s1] =	stream.linear.scatter [tilespmem:s0], [sflag:$0x3], $0x80, $0x38;
	[tilespmem:$0x14280] =	vst v63  }
0x9c: {  	s4 =	smov.u32 s2;
	s0 =	smov.u32 s3;
	p0 =	sne.s32 s2, $0x3F0  }
.Ltmp4:
0x9d: {  	s2 =	sadd.s32 $0x10, s2;
	(pc) =	sbr.rel @p0 .LBB2_10-.Ltmp4, $2  }
0x9e: {  	_ =	sdelay $0x2  }
0x9f: {  	s3 =	sadd.s32 $0x200, s3;
	s4 =	sadd.s32 s4, s5  }
0xa0: {  	[hbm4b:s4+s1] =	stream.linear.scatter [tilespmem:s0], [sflag:$0x3], $0x80, $0x38;
	[tilespmem:$0x14280] =	vst v63  }
0xa1: {  	s2 =	simm.s32 $0x0;
	s9 =	rddreg [dreg:$0xa]  }
0xa2: {  	s3 =	simm.s32 $0x280;
	s10 =	simm.s32 $0x0;
	s5 =	simm.s32 $0x2  }
0xa3: {  	[tilespmem:s3], [sflag:$0x1] =	stream.linear.gather [hbm4b:s9+s2], $0x2000, $0x38;
	[tilespmem:$0x14280] =	vst v63  }
0xa4: {  	s0 =	sand.u32 $0x40, s10;
	s3 =	sand.u32 $0x1F80, s10;
	_ =	swait.ge [sflag:s5], $0x2000  }
0xa5: {  	s11 =	sor.u32 $0x30, s0;
	s3 =	sadd.s32 $0x2280, s3;
	[sflag:s5] =	ssyncset.done $0x0  }
0xa6: {  	s12 =	sor.u32 s11, s3;
	[sflag:s5] =	ssyncadd.s32 $0xFFFFE000  }
0xa7: {  	v0 =	vld [tilespmem:s12+$0x0]  }
0xa8: {  	s6 =	sor.u32 $0x10, s0  }
0xa9: {  	s15 =	sor.u32 s6, s3  }
0xaa: {  	v1 =	vld [tilespmem:s15+$0x0];
	_ =	sdelay $0x1  }
0xab: {  	s8 =	sor.u32 $0x20, s0;
	v3 =	vand.u32 $0xFF, v0  }
0xac: {  	s3 =	sor.u32 s8, s3  }
0xad: {  	s24 =	simm.s32 $0x0;
	v2 =	vld [tilespmem:s3+$0x0]  }
0xae: {  	v8 =	vld [tilespmem:s24+$0x2280];
	v4 =	vand.u32 $0xFF, v1  }
0xaf: {  	v6 =	vshrl.u32 v0, $0x8  }
0xb0: {  	s25 =	simm.s32 $0x40;
	s2 =	sand.u32 $0x7E00, s2;
	v6 =	vand.u32 $0xFF, v6;
	v3 =	vld.idx.msk [tilespmem:v3+s1+$0x0], $0xffff  }
0xb1: {  	s4 =	sand.u32 $0x40, s25;
	s7 =	sadd.s32 $0xC280, s2;
	s2 =	sand.u32 $0x1F80, s25;
	v6 =	vadd.s32 $0x90, v6  }
0xb2: {  	s31 =	sor.u32 $0x30, s4;
	s9 =	sadd.s32 $0x2280, s2;
	v5 =	vand.u32 $0xFF, v2;
	v7 =	vshrl.u32 v1, $0x8  }
0xb3: {  	s10 =	sor.u32 s6, s7;
	s6 =	sor.u32 $0x10, s4;
	s2 =	sor.u32 s31, s9;
	v12 =	vand.u32 $0xFF, v8;
	v7 =	vand.u32 $0xFF, v7;
	v4 =	vld.idx.msk [tilespmem:v4+s1+$0x0], $0xffff  }
0xb4: {  	s26 =	sor.u32 s11, s7;
	s11 =	sor.u32 s6, s9;
	v10 =	vld [tilespmem:s2+$0x0];
	v7 =	vadd.s32 $0x90, v7  }
0xb5: {  	v11 =	vld [tilespmem:s11+$0x0];
	[tilespmem:s26+$0x0] =	vst v3;
	v3 =	vshrl.u32 v0, $0x10  }
0xb6: {  	v6 =	vld.idx.msk [tilespmem:v6+s1+$0x0], $0xffff;
	v3 =	vand.u32 $0xFF, v3  }
0xb7: {  	v9 =	vshrl.u32 v2, $0x8;
	v5 =	vld.idx.msk [tilespmem:v5+s1+$0x0], $0xffff;
	v3 =	vadd.s32 $0x120, v3  }
0xb8: {  	v12 =	vld.idx.msk [tilespmem:v12+s1+$0x0], $0xffff;
	[tilespmem:s10+$0x0] =	vst v4;
	v4 =	vand.u32 $0xFF, v9;
	v9 =	vshrl.u32 v1, $0x10  }
0xb9: {  	s2 =	sor.u32 $0x20, s4;
	v7 =	vld.idx.msk [tilespmem:v7+s1+$0x0], $0xffff;
	v9 =	vand.u32 $0xFF, v9  }
0xba: {  	s9 =	sor.u32 s2, s9;
	v9 =	vadd.s32 $0x120, v9  }
0xbb: {  	p0 =	por $0x0, $0x0;
	s8 =	sor.u32 s8, s7;
	s5 =	simm.s32 $0x1;
	v13 =	vld [tilespmem:s9+$0x0];
	v4 =	vadd.s32 $0x90, v4;
	[tilespmem:s26+$0x80] =	vst v6  }
0xbc: {  	s5 =	simm.s32 @!p0 $0x0;
	s9 =	sor.u32 s0, s7;
	v0 =	vshrl.u32 v0, $0x18;
	[tilespmem:s8+$0x0] =	vst v5;
	v6 =	vand.u32 $0xFF, v10;
	v3 =	vld.idx.msk [tilespmem:v3+s1+$0x0], $0xffff  }
0xbd: {  	s15 =	simm.s32 $0x40;
	s5 =	sshll.u32 s5, $0x6;
	v14 =	vshrl.u32 v8, $0x8;
	[tilespmem:s9+$0x0] =	vst v12;
	v0 =	vadd.s32 $0x1B0, v0  }
0xbe: {  	s5 =	sadd.s32 $0x0, s5;
	v14 =	vand.u32 $0xFF, v14;
	v5 =	vand.u32 $0xFF, v11;
	v12 =	vld [tilespmem:s15+$0x2280];
	[tilespmem:s10+$0x80] =	vst v7  }
0xbf: {  	v14 =	vadd.s32 $0x90, v14;
	s10 =	sadd.s32 $0x30, s5;
	v9 =	vld.idx.msk [tilespmem:v9+s1+$0x0], $0xffff  }
0xc0: {  	s12 =	simm.s32 $0x100;
	v15 =	vshrl.u32 v2, $0x10;
	v4 =	vld.idx.msk [tilespmem:v4+s1+$0x0], $0xffff;
	v7 =	vand.u32 $0xFF, v13;
	s11 =	sor.u32 $0x100, s10  }
0xc1: {  	s24 =	sand.u32 $0x7E00, s12;
	v16 =	vshrl.u32 v10, $0x8;
	v15 =	vand.u32 $0xFF, v15;
	s15 =	sadd.s32 $0x10, s5;
	v6 =	vld.idx.msk [tilespmem:v6+s1+$0x0], $0xffff;
	[tilespmem:s11+$0xC280] =	vst v3  }
0xc2: {  	s3 =	simm.s32 $0x80;
	s7 =	sadd.s32 $0xC280, s24;
	s25 =	sor.u32 $0x100, s15;
	v3 =	vadd.s32 $0x120, v15;
	v15 =	vand.u32 $0xFF, v16;
	v16 =	vld.idx.msk [tilespmem:v0+s1+$0x0], $0xffff  }
0xc3: {  	s26 =	sand.u32 $0x40, s3;
	s11 =	sor.u32 s31, s7;
	s31 =	sand.u32 $0x1F80, s3;
	v0 =	vshrl.u32 v1, $0x18;
	v1 =	vld.idx.msk [tilespmem:v5+s1+$0x0], $0xffff;
	v5 =	vadd.s32 $0x90, v15  }
0xc4: {  	v2 =	vshrl.u32 v2, $0x18;
	v14 =	vld.idx.msk [tilespmem:v14+s1+$0x0], $0xffff;
	[tilespmem:s25+$0xC280] =	vst v9;
	s25 =	sor.u32 s6, s7;
	s6 =	sor.u32 $0x10, s26;
	v15 =	vshrl.u32 v11, $0x8;
	s12 =	sadd.s32 $0x2280, s31;
	v0 =	vadd.s32 $0x1B0, v0  }
0xc5: {  	v17 =	vadd.s32 $0x1B0, v2;
	v7 =	vld.idx.msk [tilespmem:v7+s1+$0x0], $0xffff;
	[tilespmem:s8+$0x80] =	vst v4;
	v4 =	vshrl.u32 v13, $0x8;
	v15 =	vand.u32 $0xFF, v15;
	s28 =	sor.u32 s6, s12  }
0xc6: {  	v2 =	vand.u32 $0xFF, v4;
	v4 =	vshrl.u32 v10, $0x10;
	v15 =	vadd.s32 $0x90, v15;
	v21 =	vld [tilespmem:s28+$0x0]  }
0xc7: {  	v4 =	vand.u32 $0xFF, v4;
	[tilespmem:s11+$0x0] =	vst v6;
	v3 =	vld.idx.msk [tilespmem:v3+s1+$0x0], $0xffff  }
0xc8: {  	s0 =	sor.u32 $0x30, s26;
	v2 =	vadd.s32 $0x90, v2;
	v18 =	vadd.s32 $0x120, v4;
	v6 =	vld.idx.msk [tilespmem:v5+s1+$0x0], $0xffff  }
0xc9: {  	s8 =	sor.u32 s0, s12;
	v5 =	vshrl.u32 v8, $0x10;
	v9 =	vld.idx.msk [tilespmem:v0+s1+$0x0], $0xffff;
	v0 =	vshrl.u32 v8, $0x18;
	v8 =	vshrl.u32 v11, $0x10  }
0xca: {  	[tilespmem:s25+$0x0] =	vst v1;
	v1 =	vld [tilespmem:s8+$0x0];
	s8 =	sor.u32 $0x20, s26;
	v4 =	vand.u32 $0xFF, v5;
	v5 =	vand.u32 $0xFF, v8;
	v8 =	vand.u32 $0xFF, v12  }
0xcb: {  	v19 =	vshrl.u32 v13, $0x10;
	v10 =	vshrl.u32 v10, $0x18;
	s12 =	sor.u32 s8, s12;
	v15 =	vld.idx.msk [tilespmem:v15+s1+$0x0], $0xffff  }
0xcc: {  	s24 =	sor.u32 s2, s7;
	[tilespmem:s9+$0x80] =	vst v14;
	v22 =	vadd.s32 $0x120, v4;
	v4 =	vand.u32 $0xFF, v19;
	v19 =	vld [tilespmem:s12+$0x0];
	v20 =	vadd.s32 $0x120, v5  }
0xcd: {  	s31 =	sor.u32 $0x180, s10;
	[tilespmem:s24+$0x0] =	vst v7;
	v7 =	vshrl.u32 v13, $0x18;
	v11 =	vshrl.u32 v11, $0x18;
	v5 =	vadd.s32 $0x120, v4  }
0xce: {  	[tilespmem:s31+$0xC280] =	vst v16;
	v4 =	vadd.s32 $0x1B0, v11;
	v11 =	vld.idx.msk [tilespmem:v2+s1+$0x0], $0xffff;
	v2 =	vadd.s32 $0x1B0, v7;
	v7 =	vadd.s32 $0x1B0, v10  }
0xcf: {  	p0 =	por !p0, !p0;
	s10 =	simm.s32 $0x1;
	v10 =	vshrl.u32 v12, $0x10;
	[tilespmem:s11+$0x80] =	vst v6;
	v6 =	vshrl.u32 v12, $0x8;
	v16 =	vand.u32 $0xFF, v1;
	s11 =	sadd.s32 $0x20, s5;
	v8 =	vld.idx.msk [tilespmem:v8+s1+$0x0], $0xffff  }
0xd0: {  	s10 =	simm.s32 @!p0 $0x0;
	v12 =	vshrl.u32 v12, $0x18;
	v13 =	vld.idx.msk [tilespmem:v18+s1+$0x0], $0xffff;
	v6 =	vand.u32 $0xFF, v6;
	s12 =	sor.u32 $0x100, s11;
	v18 =	vand.u32 $0xFF, v21;
	[tilespmem:s25+$0x80] =	vst v15  }
0xd1: {  	s10 =	sshll.u32 s10, $0x6;
	s25 =	sor.u32 $0x180, s15;
	v23 =	vadd.s32 $0x90, v6;
	v6 =	vand.u32 $0xFF, v10;
	[tilespmem:s12+$0xC280] =	vst v3;
	v24 =	vand.u32 $0xFF, v19;
	v20 =	vld.idx.msk [tilespmem:v20+s1+$0x0], $0xffff  }
0xd2: {  	s9 =	sadd.s32 $0x100, s10;
	v22 =	vld.idx.msk [tilespmem:v22+s1+$0x0], $0xffff;
	v3 =	vadd.s32 $0x1B0, v12;
	v12 =	vshrl.u32 v19, $0x8;
	[tilespmem:s25+$0xC280] =	vst v9;
	v9 =	vshrl.u32 v21, $0x8  }
0xd3: {  	s30 =	sor.u32 $0x100, s5;
	s2 =	sadd.s32 $0x30, s9;
	v15 =	vshrl.u32 v21, $0x10;
	s15 =	sor.u32 s4, s7;
	v25 =	vld.idx.msk [tilespmem:v17+s1+$0x0], $0xffff;
	[tilespmem:s24+$0x80] =	vst v11;
	v11 =	vshrl.u32 v19, $0x10;
	v9 =	vand.u32 $0xFF, v9  }
0xd4: {  	s31 =	sor.u32 $0x100, s2;
	s12 =	sor.u32 $0x180, s11;
	s11 =	sadd.s32 $0x10, s9;
	v14 =	vld.idx.msk [tilespmem:v16+s1+$0x0], $0xffff;
	v10 =	vadd.s32 $0x90, v9;
	[tilespmem:s15+$0x0] =	vst v8;
	v8 =	vand.u32 $0xFF, v11;
	v11 =	vshrl.u32 v1, $0x8  }
0xd5: {  	s28 =	sor.u32 $0x180, s5;
	s10 =	simm.s32 $0x200;
	v9 =	vand.u32 $0xFF, v12;
	[tilespmem:s31+$0xC280] =	vst v13;
	s31 =	sor.u32 $0x100, s11;
	v17 =	vld.idx.msk [tilespmem:v18+s1+$0x0], $0xffff;
	v13 =	vadd.s32 $0x120, v8;
	v8 =	vand.u32 $0xFF, v11  }
0xd6: {  	s4 =	sor.u32 $0x100, s9;
	s25 =	sadd.s32 $0x20, s9;
	s29 =	sor.u32 $0x180, s11;
	v12 =	vand.u32 $0xFF, v15;
	v15 =	vld.idx.msk [tilespmem:v7+s1+$0x0], $0xffff;
	[tilespmem:s31+$0xC280] =	vst v20;
	v20 =	vshrl.u32 v19, $0x18;
	v19 =	vadd.s32 $0x90, v8  }
0xd7: {  	v0 =	vadd.s32 $0x1B0, v0;
	s24 =	sor.u32 $0x100, s25;
	s11 =	simm.s32 $0x80;
	v16 =	vld.idx.msk [tilespmem:v24+s1+$0x0], $0xffff;
	s31 =	sand.u32 $0x7E00, s10  }
0xd8: {  	v6 =	vadd.s32 $0x120, v6;
	s5 =	sor.u32 $0x180, s25;
	s25 =	sor.u32 $0x180, s9;
	v18 =	vshrl.u32 v21, $0x18;
	v7 =	vadd.s32 $0x120, v12;
	[tilespmem:s30+$0xC280] =	vst v22;
	v12 =	vld [tilespmem:s11+$0x2280];
	s11 =	sadd.s32 $0xC280, s31  }
0xd9: {  	v9 =	vadd.s32 $0x90, v9;
	v11 =	vadd.s32 $0x1B0, v18;
	[tilespmem:s12+$0xC280] =	vst v25;
	v18 =	vld.idx.msk [tilespmem:v23+s1+$0x0], $0xffff;
	v8 =	vadd.s32 $0x1B0, v20;
	s7 =	sor.u32 s6, s11;
	s30 =	sor.u32 s8, s11;
	s9 =	sor.u32 s0, s11  }
.LBB2_12:
0xda: {  	s3 =	sadd.s32 $0x40, s3;
	s11 =	sor.u32 s26, s11;
	[tilespmem:s9+$0x0] =	vst v14;
	v14 =	vld.idx.msk [tilespmem:v5+s1+$0x0], $0xffff;
	s0 =	sor.u32 $0x180, s2;
	v5 =	vmov v13  }
0xdb: {  	v13 =	vshrl.u32 v1, $0x10;
	s26 =	sand.u32 $0x40, s3;
	s2 =	sand.u32 $0x1F80, s3;
	p1 =	slt.u32 s3, $0x1FC0;
	v19 =	vld.idx.msk [tilespmem:v19+s1+$0x0], $0xffff;
	[tilespmem:s0+$0xC280] =	vst v15  }
0xdc: {  	v13 =	vand.u32 $0xFF, v13;
	s0 =	sor.u32 $0x10, s26;
	s2 =	sadd.s32 $0x2280, s2;
	s31 =	sor.u32 $0x30, s26;
	[tilespmem:s7+$0x0] =	vst v17;
	v15 =	vld.idx.msk [tilespmem:v4+s1+$0x0], $0xffff;
	v4 =	vmov v11  }
0xdd: {  	s6 =	sor.u32 $0x20, s26;
	v13 =	vadd.s32 $0x120, v13;
	s12 =	sor.u32 s0, s2;
	s8 =	sor.u32 s31, s2;
	v11 =	vshrl.u32 v12, $0x8;
	v17 =	vand.u32 $0xFF, v12;
	v10 =	vld.idx.msk [tilespmem:v10+s1+$0x0], $0xffff;
	[tilespmem:s30+$0x0] =	vst v16  }
0xde: {  	s2 =	sor.u32 s6, s2;
	v20 =	vshrl.u32 v12, $0x10;
	v12 =	vshrl.u32 v12, $0x18;
	v16 =	vld [tilespmem:s8+$0x0];
	v11 =	vand.u32 $0xFF, v11;
	s8 =	smov.u32 s28;
	s28 =	smov.u32 s25  }
0xdf: {  	v12 =	vadd.s32 $0x1B0, v12;
	v21 =	vld [tilespmem:s12+$0x0];
	v22 =	vadd.s32 $0x90, v11;
	v11 =	vand.u32 $0xFF, v20;
	[tilespmem:s15+$0x80] =	vst v18;
	s15 =	smov.u32 s11  }
0xe0: {  	v18 =	vld [tilespmem:s2+$0x0];
	v11 =	vadd.s32 $0x120, v11;
	[tilespmem:s24+$0xC280] =	vst v14  }
0xe1: {  	v14 =	vld.idx.msk [tilespmem:v9+s1+$0x0], $0xffff;
	[tilespmem:s9+$0x80] =	vst v19  }
0xe2: {  	p0 =	por !p0, !p0;
	s2 =	simm.s32 $0x1;
	v13 =	vld.idx.msk [tilespmem:v13+s1+$0x0], $0xffff;
	[tilespmem:s29+$0xC280] =	vst v15  }
0xe3: {  	s2 =	simm.s32 @!p0 $0x0;
	v9 =	vshrl.u32 v1, $0x18;
	v15 =	vand.u32 $0xFF, v16;
	v17 =	vld.idx.msk [tilespmem:v17+s1+$0x0], $0xffff;
	[tilespmem:s7+$0x80] =	vst v10;
	v1 =	vmov v16  }
0xe4: {  	s2 =	sshll.u32 s2, $0x6;
	v19 =	vadd.s32 $0x1B0, v9;
	v10 =	vshrl.u32 v21, $0x8;
	v16 =	vand.u32 $0xFF, v21;
	v20 =	vld.idx.msk [tilespmem:v7+s1+$0x0], $0xffff  }
0xe5: {  	s7 =	sadd.s32 s2, s10;
	v7 =	vand.u32 $0xFF, v10;
	v9 =	vshrl.u32 v18, $0x8;
	v23 =	vand.u32 $0xFF, v18;
	v24 =	vld.idx.msk [tilespmem:v6+s1+$0x0], $0xffff;
	v6 =	vmovc v11  }
0xe6: {  	s9 =	sadd.s32 $0x10, s7;
	s11 =	sadd.s32 $0x20, s7;
	s2 =	sadd.s32 $0x30, s7;
	v10 =	vadd.s32 $0x90, v7;
	v7 =	vshrl.u32 v21, $0x10;
	v9 =	vand.u32 $0xFF, v9;
	v25 =	vld.idx.msk [tilespmem:v2+s1+$0x0], $0xffff;
	v2 =	vmovc v8  }
0xe7: {  	s12 =	sor.u32 $0x100, s9;
	s24 =	sor.u32 $0x100, s11;
	s25 =	sor.u32 $0x100, s2;
	v8 =	vshrl.u32 v18, $0x10;
	v7 =	vand.u32 $0xFF, v7;
	v9 =	vadd.s32 $0x90, v9;
	[tilespmem:s30+$0x80] =	vst v14;
	v26 =	vld.idx.msk [tilespmem:v0+s1+$0x0], $0xffff;
	v0 =	vmovc v3;
	v3 =	vmovc v12  }
0xe8: {  	v11 =	vshrl.u32 v1, $0x8;
	s29 =	sor.u32 $0x180, s9;
	s9 =	sor.u32 $0x180, s11;
	v8 =	vand.u32 $0xFF, v8;
	s30 =	sor.u32 $0x100, s7;
	v7 =	vadd.s32 $0x120, v7;
	v14 =	vld.idx.msk [tilespmem:v15+s1+$0x0], $0xffff;
	[tilespmem:s25+$0xC280] =	vst v13  }
.Ltmp5:
0xe9: {  	v12 =	vshrl.u32 v21, $0x18;
	v13 =	vadd.s32 $0x120, v8;
	v8 =	vand.u32 $0xFF, v11;
	s25 =	sor.u32 $0x180, s7;
	[tilespmem:s15+$0x0] =	vst v17;
	v15 =	vld.idx.msk [tilespmem:v19+s1+$0x0], $0xffff;
	(pc) =	sbr.rel @p1 .LBB2_12-.Ltmp5, $4  }
0xea: {  	s10 =	sadd.s32 $0x100, s10;
	v11 =	vadd.s32 $0x1B0, v12;
	v12 =	vshrl.u32 v18, $0x18;
	v19 =	vadd.s32 $0x90, v8;
	v17 =	vld.idx.msk [tilespmem:v16+s1+$0x0], $0xffff;
	[tilespmem:s12+$0xC280] =	vst v20  }
0xeb: {  	s11 =	sand.u32 $0x7E00, s10;
	s7 =	sshra.s32 s10, $0x2;
	v8 =	vadd.s32 $0x1B0, v12;
	v16 =	vld.idx.msk [tilespmem:v23+s1+$0x0], $0xffff;
	[tilespmem:s4+$0xC280] =	vst v24;
	s4 =	smov.u32 s30  }
0xec: {  	s11 =	sadd.s32 $0xC280, s11;
	v12 =	vld [tilespmem:s7+$0x2280];
	[tilespmem:s5+$0xC280] =	vst v25;
	s5 =	smov.u32 s9  }
0xed: {  	s30 =	sor.u32 s6, s11;
	s7 =	sor.u32 s0, s11;
	s9 =	sor.u32 s31, s11;
	v18 =	vld.idx.msk [tilespmem:v22+s1+$0x0], $0xffff;
	[tilespmem:s8+$0xC280] =	vst v26  }
0xee: {  	_ =	sdelay $0x2  }
0xef: {  	v20 =	vand.u32 $0xFF, v12;
	_ =	sdelay $0x3  }
0xf0: {  	v21 =	vshrl.u32 v12, $0x8  }
0xf1: {  	[tilespmem:s9+$0x0] =	vst v14;
	v21 =	vand.u32 $0xFF, v21;
	v20 =	vld.idx.msk [tilespmem:v20+s1+$0x0], $0xffff  }
0xf2: {  	s0 =	sor.u32 $0x180, s2;
	v5 =	vld.idx.msk [tilespmem:v5+s1+$0x0], $0xffff;
	[tilespmem:s7+$0x0] =	vst v17;
	v54 =	vadd.s32 $0x90, v21  }
0xf3: {  	v52 =	vshrl.u32 v1, $0x10;
	v4 =	vld.idx.msk [tilespmem:v4+s1+$0x0], $0xffff;
	[tilespmem:s0+$0xC280] =	vst v15  }
0xf4: {  	v53 =	vld.idx.msk [tilespmem:v19+s1+$0x0], $0xffff;
	v14 =	vand.u32 $0xFF, v52;
	[tilespmem:s30+$0x0] =	vst v16  }
0xf5: {  	s8 =	sor.u32 s26, s11;
	v10 =	vld.idx.msk [tilespmem:v10+s1+$0x0], $0xffff;
	v14 =	vadd.s32 $0x120, v14;
	[tilespmem:s15+$0x80] =	vst v18  }
0xf6: {  	v9 =	vld.idx.msk [tilespmem:v9+s1+$0x0], $0xffff;
	v55 =	vshrl.u32 v12, $0x10;
	[tilespmem:s8+$0x0] =	vst v20  }
0xf7: {  	v15 =	vand.u32 $0xFF, v55;
	[tilespmem:s24+$0xC280] =	vst v5;
	v56 =	vld.idx.msk [tilespmem:v54+s1+$0x0], $0xffff  }
0xf8: {  	v0 =	vld.idx.msk [tilespmem:v0+s1+$0x0], $0xffff;
	v15 =	vadd.s32 $0x120, v15;
	[tilespmem:s29+$0xC280] =	vst v4  }
0xf9: {  	p0 =	por !p0, !p0;
	s2 =	simm.s32 $0x1;
	v6 =	vld.idx.msk [tilespmem:v6+s1+$0x0], $0xffff;
	[tilespmem:s9+$0x80] =	vst v53  }
0xfa: {  	v57 =	vshrl.u32 v1, $0x18;
	s2 =	simm.s32 @!p0 $0x0;
	v14 =	vld.idx.msk [tilespmem:v14+s1+$0x0], $0xffff;
	[tilespmem:s7+$0x80] =	vst v10  }
0xfb: {  	v1 =	vadd.s32 $0x1B0, v57;
	s2 =	sshll.u32 s2, $0x6;
	v58 =	vld.idx.msk [tilespmem:v7+s1+$0x0], $0xffff;
	[tilespmem:s30+$0x80] =	vst v9  }
0xfc: {  	s2 =	sadd.s32 s2, s10;
	v59 =	vld.idx.msk [tilespmem:v13+s1+$0x0], $0xffff;
	[tilespmem:s8+$0x80] =	vst v56  }
0xfd: {  	v60 =	vshrl.u32 v12, $0x18;
	s3 =	sadd.s32 $0x30, s2;
	[tilespmem:s28+$0xC280] =	vst v0;
	v61 =	vld.idx.msk [tilespmem:v15+s1+$0x0], $0xffff  }
0xfe: {  	s6 =	sadd.s32 $0x10, s2;
	s11 =	sor.u32 $0x100, s3;
	v2 =	vld.idx.msk [tilespmem:v2+s1+$0x0], $0xffff;
	v7 =	vadd.s32 $0x1B0, v60;
	[tilespmem:s4+$0xC280] =	vst v6  }
0xff: {  	s15 =	sadd.s32 $0x20, s2;
	s12 =	sor.u32 $0x100, s6;
	v3 =	vld.idx.msk [tilespmem:v3+s1+$0x0], $0xffff;
	[tilespmem:s11+$0xC280] =	vst v14  }
0x100: {  	s24 =	sor.u32 $0x100, s15;
	[tilespmem:s12+$0xC280] =	vst v58;
	v1 =	vld.idx.msk [tilespmem:v1+s1+$0x0], $0xffff  }
0x101: {  	s26 =	sor.u32 $0x100, s2;
	v5 =	vld.idx.msk [tilespmem:v11+s1+$0x0], $0xffff;
	[tilespmem:s24+$0xC280] =	vst v59  }
0x102: {  	v62 =	vld.idx.msk [tilespmem:v8+s1+$0x0], $0xffff;
	[tilespmem:s26+$0xC280] =	vst v61  }
0x103: {  	[tilespmem:s5+$0xC280] =	vst v2;
	v63 =	vld.idx.msk [tilespmem:v7+s1+$0x0], $0xffff  }
0x104: {  	s29 =	sor.u32 $0x180, s3;
	[tilespmem:s25+$0xC280] =	vst v3  }
0x105: {  	s30 =	sor.u32 $0x180, s6;
	[tilespmem:s29+$0xC280] =	vst v1  }
0x106: {  	s31 =	sor.u32 $0x180, s15;
	[tilespmem:s30+$0xC280] =	vst v5  }
0x107: {  	s2 =	sor.u32 $0x180, s2;
	[tilespmem:s31+$0xC280] =	vst v62  }
0x108: {  	[tilespmem:s2+$0xC280] =	vst v63  }
0x109: {  	s0 =	simm.s32 $0xC280;
	s5 =	rddreg [dreg:$0xb]  }
0x10a: {  	s3 =	simm.s32 $0xC480;
	s2 =	simm.s32 $0x10;
	s4 =	sadd.s32 $0x0, s5  }
.LBB2_14:
0x10b: {  	[hbm4b:s4+s1] =	stream.linear.scatter [tilespmem:s0], [sflag:$0x4], $0x80, $0x38;
	[tilespmem:$0x14280] =	vst v63  }
0x10c: {  	s4 =	smov.u32 s2;
	s0 =	smov.u32 s3;
	p0 =	sne.s32 s2, $0x3F0  }
.Ltmp6:
0x10d: {  	s2 =	sadd.s32 $0x10, s2;
	(pc) =	sbr.rel @p0 .LBB2_14-.Ltmp6, $2  }
0x10e: {  	_ =	sdelay $0x2  }
0x10f: {  	s3 =	sadd.s32 $0x200, s3;
	s4 =	sadd.s32 s4, s5  }
0x110: {  	[hbm4b:s4+s1] =	stream.linear.scatter [tilespmem:s0], [sflag:$0x4], $0x80, $0x38;
	[tilespmem:$0x14280] =	vst v63  }
0x111: {  	s0 =	simm.s32 $0xC300;
	s5 =	rddreg [dreg:$0xc]  }
0x112: {  	s2 =	simm.s32 $0x10;
	s3 =	simm.s32 $0xC500;
	s4 =	sadd.s32 $0x0, s5  }
.LBB2_16:
0x113: {  	[hbm4b:s4+s1] =	stream.linear.scatter [tilespmem:s0], [sflag:$0x4], $0x80, $0x38;
	[tilespmem:$0x14280] =	vst v63  }
0x114: {  	s4 =	smov.u32 s2;
	s0 =	smov.u32 s3;
	p0 =	sne.s32 s2, $0x3F0  }
.Ltmp7:
0x115: {  	s2 =	sadd.s32 $0x10, s2;
	(pc) =	sbr.rel @p0 .LBB2_16-.Ltmp7, $2  }
0x116: {  	_ =	sdelay $0x2  }
0x117: {  	s3 =	sadd.s32 $0x200, s3;
	s4 =	sadd.s32 s4, s5  }
0x118: {  	[hbm4b:s4+s1] =	stream.linear.scatter [tilespmem:s0], [sflag:$0x4], $0x80, $0x38;
	[tilespmem:$0x14280] =	vst v63  }
0x119: {  	s0 =	simm.s32 $0xC380  }
0x11a: {  	s2 =	simm.s32 $0x10;
	s4 =	sadd.s32 $0x0, s13;
	s3 =	simm.s32 $0xC580  }
.LBB2_18:
0x11b: {  	[hbm4b:s4+s1] =	stream.linear.scatter [tilespmem:s0], [sflag:$0x4], $0x80, $0x38;
	[tilespmem:$0x14280] =	vst v63  }
0x11c: {  	s4 =	smov.u32 s2;
	s0 =	smov.u32 s3;
	p0 =	sne.s32 s2, $0x3F0  }
.Ltmp8:
0x11d: {  	s2 =	sadd.s32 $0x10, s2;
	(pc) =	sbr.rel @p0 .LBB2_18-.Ltmp8, $2  }
0x11e: {  	_ =	sdelay $0x2  }
0x11f: {  	s3 =	sadd.s32 $0x200, s3;
	s4 =	sadd.s32 s4, s13  }
0x120: {  	[hbm4b:s4+s1] =	stream.linear.scatter [tilespmem:s0], [sflag:$0x4], $0x80, $0x38;
	[tilespmem:$0x14280] =	vst v63  }
0x121: {  	s0 =	simm.s32 $0xC400  }
0x122: {  	s2 =	simm.s32 $0x10;
	s4 =	sadd.s32 $0x0, s14;
	s3 =	simm.s32 $0xC600  }
.LBB2_20:
0x123: {  	[hbm4b:s4+s1] =	stream.linear.scatter [tilespmem:s0], [sflag:$0x4], $0x80, $0x38;
	[tilespmem:$0x14280] =	vst v63  }
0x124: {  	s4 =	smov.u32 s2;
	s0 =	smov.u32 s3;
	p0 =	sne.s32 s2, $0x3F0  }
.Ltmp9:
0x125: {  	s2 =	sadd.s32 $0x10, s2;
	(pc) =	sbr.rel @p0 .LBB2_20-.Ltmp9, $2  }
0x126: {  	_ =	sdelay $0x2  }
0x127: {  	s3 =	sadd.s32 $0x200, s3;
	s4 =	sadd.s32 s4, s14  }
0x128: {  	[hbm4b:s4+s1] =	stream.linear.scatter [tilespmem:s0], [sflag:$0x4], $0x80, $0x38;
	[tilespmem:$0x14280] =	vst v63  }
0x129: {  	s2 =	simm.s32 $0x0  }
0x12a: {  	s8 =	rddreg [dreg:$0xd];
	s3 =	simm.s32 $0x2280;
	s9 =	simm.s32 $0x1  }
0x12b: {  	[tilespmem:s3], [sflag:$0x2] =	stream.linear.gather [hbm4b:s8+s2], $0x2000, $0x38;
	[tilespmem:$0x14280] =	vst v63  }
0x12c: {  	_ =	swait.ge [sflag:s9], $0x2000  }
0x12d: {  	[sflag:s9] =	ssyncset.done $0x0  }
0x12e: {  	s5 =	simm.s32 $0x3;
	[sflag:s9] =	ssyncadd.s32 $0xFFFFE000  }
0x12f: {  	_ =	swait.ge [sflag:s5], $0x2000  }
0x130: {  	[sflag:s5] =	ssyncset.done $0x0  }
0x131: {  	[sflag:s5] =	ssyncadd.s32 $0xFFFFE000  }
0x132: {  	_ =	swait.ge [sflag:s5], $0x2000  }
0x133: {  	[sflag:s5] =	ssyncset.done $0x0  }
0x134: {  	[sflag:s5] =	ssyncadd.s32 $0xFFFFE000  }
0x135: {  	_ =	swait.ge [sflag:s5], $0x2000  }
0x136: {  	[sflag:s5] =	ssyncset.done $0x0  }
0x137: {  	s10 =	simm.s32 $0x0;
	[sflag:s5] =	ssyncadd.s32 $0xFFFFE000  }
0x138: {  	s0 =	sand.u32 $0x40, s10;
	s3 =	sand.u32 $0x1F80, s10;
	_ =	swait.ge [sflag:s5], $0x2000  }
0x139: {  	s11 =	sor.u32 $0x30, s0;
	s3 =	sadd.s32 $0x280, s3;
	[sflag:s5] =	ssyncset.done $0x0  }
0x13a: {  	s12 =	sor.u32 s11, s3;
	[sflag:s5] =	ssyncadd.s32 $0xFFFFE000  }
0x13b: {  	v0 =	vld [tilespmem:s12+$0x0]  }
0x13c: {  	s6 =	sor.u32 $0x10, s0  }
0x13d: {  	s15 =	sor.u32 s6, s3  }
0x13e: {  	v1 =	vld [tilespmem:s15+$0x0];
	_ =	sdelay $0x1  }
0x13f: {  	s8 =	sor.u32 $0x20, s0;
	v3 =	vand.u32 $0xFF, v0  }
0x140: {  	s3 =	sor.u32 s8, s3  }
0x141: {  	s24 =	simm.s32 $0x0;
	v2 =	vld [tilespmem:s3+$0x0]  }
0x142: {  	v8 =	vld [tilespmem:s24+$0x280];
	v4 =	vand.u32 $0xFF, v1  }
0x143: {  	v6 =	vshrl.u32 v0, $0x8  }
0x144: {  	s25 =	simm.s32 $0x40;
	s2 =	sand.u32 $0x7E00, s2;
	v6 =	vand.u32 $0xFF, v6;
	v3 =	vld.idx.msk [tilespmem:v3+s1+$0x0], $0xffff  }
0x145: {  	s4 =	sand.u32 $0x40, s25;
	s7 =	sadd.s32 $0x4280, s2;
	s2 =	sand.u32 $0x1F80, s25;
	v6 =	vadd.s32 $0x90, v6  }
0x146: {  	s31 =	sor.u32 $0x30, s4;
	s9 =	sadd.s32 $0x280, s2;
	v5 =	vand.u32 $0xFF, v2;
	v7 =	vshrl.u32 v1, $0x8  }
0x147: {  	s10 =	sor.u32 s6, s7;
	s6 =	sor.u32 $0x10, s4;
	s2 =	sor.u32 s31, s9;
	v12 =	vand.u32 $0xFF, v8;
	v7 =	vand.u32 $0xFF, v7;
	v4 =	vld.idx.msk [tilespmem:v4+s1+$0x0], $0xffff  }
0x148: {  	s26 =	sor.u32 s11, s7;
	s11 =	sor.u32 s6, s9;
	v10 =	vld [tilespmem:s2+$0x0];
	v7 =	vadd.s32 $0x90, v7  }
0x149: {  	v11 =	vld [tilespmem:s11+$0x0];
	[tilespmem:s26+$0x0] =	vst v3;
	v3 =	vshrl.u32 v0, $0x10  }
0x14a: {  	v6 =	vld.idx.msk [tilespmem:v6+s1+$0x0], $0xffff;
	v3 =	vand.u32 $0xFF, v3  }
0x14b: {  	v9 =	vshrl.u32 v2, $0x8;
	v5 =	vld.idx.msk [tilespmem:v5+s1+$0x0], $0xffff;
	v3 =	vadd.s32 $0x120, v3  }
0x14c: {  	v12 =	vld.idx.msk [tilespmem:v12+s1+$0x0], $0xffff;
	[tilespmem:s10+$0x0] =	vst v4;
	v4 =	vand.u32 $0xFF, v9;
	v9 =	vshrl.u32 v1, $0x10  }
0x14d: {  	s2 =	sor.u32 $0x20, s4;
	v7 =	vld.idx.msk [tilespmem:v7+s1+$0x0], $0xffff;
	v9 =	vand.u32 $0xFF, v9  }
0x14e: {  	s9 =	sor.u32 s2, s9;
	v9 =	vadd.s32 $0x120, v9  }
0x14f: {  	p0 =	por $0x0, $0x0;
	s8 =	sor.u32 s8, s7;
	s5 =	simm.s32 $0x1;
	v13 =	vld [tilespmem:s9+$0x0];
	v4 =	vadd.s32 $0x90, v4;
	[tilespmem:s26+$0x80] =	vst v6  }
0x150: {  	s5 =	simm.s32 @!p0 $0x0;
	s9 =	sor.u32 s0, s7;
	v0 =	vshrl.u32 v0, $0x18;
	[tilespmem:s8+$0x0] =	vst v5;
	v6 =	vand.u32 $0xFF, v10;
	v3 =	vld.idx.msk [tilespmem:v3+s1+$0x0], $0xffff  }
0x151: {  	s15 =	simm.s32 $0x40;
	s5 =	sshll.u32 s5, $0x6;
	v14 =	vshrl.u32 v8, $0x8;
	[tilespmem:s9+$0x0] =	vst v12;
	v0 =	vadd.s32 $0x1B0, v0  }
0x152: {  	s5 =	sadd.s32 $0x0, s5;
	v14 =	vand.u32 $0xFF, v14;
	v5 =	vand.u32 $0xFF, v11;
	v12 =	vld [tilespmem:s15+$0x280];
	[tilespmem:s10+$0x80] =	vst v7  }
0x153: {  	v14 =	vadd.s32 $0x90, v14;
	s10 =	sadd.s32 $0x30, s5;
	v9 =	vld.idx.msk [tilespmem:v9+s1+$0x0], $0xffff  }
0x154: {  	s12 =	simm.s32 $0x100;
	v15 =	vshrl.u32 v2, $0x10;
	v4 =	vld.idx.msk [tilespmem:v4+s1+$0x0], $0xffff;
	v7 =	vand.u32 $0xFF, v13;
	s11 =	sor.u32 $0x100, s10  }
0x155: {  	s24 =	sand.u32 $0x7E00, s12;
	v16 =	vshrl.u32 v10, $0x8;
	v15 =	vand.u32 $0xFF, v15;
	s15 =	sadd.s32 $0x10, s5;
	v6 =	vld.idx.msk [tilespmem:v6+s1+$0x0], $0xffff;
	[tilespmem:s11+$0x4280] =	vst v3  }
0x156: {  	s3 =	simm.s32 $0x80;
	s7 =	sadd.s32 $0x4280, s24;
	s25 =	sor.u32 $0x100, s15;
	v3 =	vadd.s32 $0x120, v15;
	v15 =	vand.u32 $0xFF, v16;
	v16 =	vld.idx.msk [tilespmem:v0+s1+$0x0], $0xffff  }
0x157: {  	s26 =	sand.u32 $0x40, s3;
	s11 =	sor.u32 s31, s7;
	s31 =	sand.u32 $0x1F80, s3;
	v0 =	vshrl.u32 v1, $0x18;
	v1 =	vld.idx.msk [tilespmem:v5+s1+$0x0], $0xffff;
	v5 =	vadd.s32 $0x90, v15  }
0x158: {  	v2 =	vshrl.u32 v2, $0x18;
	v14 =	vld.idx.msk [tilespmem:v14+s1+$0x0], $0xffff;
	[tilespmem:s25+$0x4280] =	vst v9;
	s25 =	sor.u32 s6, s7;
	s6 =	sor.u32 $0x10, s26;
	v15 =	vshrl.u32 v11, $0x8;
	s12 =	sadd.s32 $0x280, s31;
	v0 =	vadd.s32 $0x1B0, v0  }
0x159: {  	v17 =	vadd.s32 $0x1B0, v2;
	v7 =	vld.idx.msk [tilespmem:v7+s1+$0x0], $0xffff;
	[tilespmem:s8+$0x80] =	vst v4;
	v4 =	vshrl.u32 v13, $0x8;
	v15 =	vand.u32 $0xFF, v15;
	s28 =	sor.u32 s6, s12  }
0x15a: {  	v2 =	vand.u32 $0xFF, v4;
	v4 =	vshrl.u32 v10, $0x10;
	v15 =	vadd.s32 $0x90, v15;
	v21 =	vld [tilespmem:s28+$0x0]  }
0x15b: {  	v4 =	vand.u32 $0xFF, v4;
	[tilespmem:s11+$0x0] =	vst v6;
	v3 =	vld.idx.msk [tilespmem:v3+s1+$0x0], $0xffff  }
0x15c: {  	s0 =	sor.u32 $0x30, s26;
	v2 =	vadd.s32 $0x90, v2;
	v18 =	vadd.s32 $0x120, v4;
	v6 =	vld.idx.msk [tilespmem:v5+s1+$0x0], $0xffff  }
0x15d: {  	s8 =	sor.u32 s0, s12;
	v5 =	vshrl.u32 v8, $0x10;
	v9 =	vld.idx.msk [tilespmem:v0+s1+$0x0], $0xffff;
	v0 =	vshrl.u32 v8, $0x18;
	v8 =	vshrl.u32 v11, $0x10  }
0x15e: {  	[tilespmem:s25+$0x0] =	vst v1;
	v1 =	vld [tilespmem:s8+$0x0];
	s8 =	sor.u32 $0x20, s26;
	v4 =	vand.u32 $0xFF, v5;
	v5 =	vand.u32 $0xFF, v8;
	v8 =	vand.u32 $0xFF, v12  }
0x15f: {  	v19 =	vshrl.u32 v13, $0x10;
	v10 =	vshrl.u32 v10, $0x18;
	s12 =	sor.u32 s8, s12;
	v15 =	vld.idx.msk [tilespmem:v15+s1+$0x0], $0xffff  }
0x160: {  	s24 =	sor.u32 s2, s7;
	[tilespmem:s9+$0x80] =	vst v14;
	v22 =	vadd.s32 $0x120, v4;
	v4 =	vand.u32 $0xFF, v19;
	v19 =	vld [tilespmem:s12+$0x0];
	v20 =	vadd.s32 $0x120, v5  }
0x161: {  	s31 =	sor.u32 $0x180, s10;
	[tilespmem:s24+$0x0] =	vst v7;
	v7 =	vshrl.u32 v13, $0x18;
	v11 =	vshrl.u32 v11, $0x18;
	v5 =	vadd.s32 $0x120, v4  }
0x162: {  	[tilespmem:s31+$0x4280] =	vst v16;
	v4 =	vadd.s32 $0x1B0, v11;
	v11 =	vld.idx.msk [tilespmem:v2+s1+$0x0], $0xffff;
	v2 =	vadd.s32 $0x1B0, v7;
	v7 =	vadd.s32 $0x1B0, v10  }
0x163: {  	p0 =	por !p0, !p0;
	s10 =	simm.s32 $0x1;
	v10 =	vshrl.u32 v12, $0x10;
	[tilespmem:s11+$0x80] =	vst v6;
	v6 =	vshrl.u32 v12, $0x8;
	v16 =	vand.u32 $0xFF, v1;
	s11 =	sadd.s32 $0x20, s5;
	v8 =	vld.idx.msk [tilespmem:v8+s1+$0x0], $0xffff  }
0x164: {  	s10 =	simm.s32 @!p0 $0x0;
	v12 =	vshrl.u32 v12, $0x18;
	v13 =	vld.idx.msk [tilespmem:v18+s1+$0x0], $0xffff;
	v6 =	vand.u32 $0xFF, v6;
	s12 =	sor.u32 $0x100, s11;
	v18 =	vand.u32 $0xFF, v21;
	[tilespmem:s25+$0x80] =	vst v15  }
0x165: {  	s10 =	sshll.u32 s10, $0x6;
	s25 =	sor.u32 $0x180, s15;
	v23 =	vadd.s32 $0x90, v6;
	v6 =	vand.u32 $0xFF, v10;
	[tilespmem:s12+$0x4280] =	vst v3;
	v24 =	vand.u32 $0xFF, v19;
	v20 =	vld.idx.msk [tilespmem:v20+s1+$0x0], $0xffff  }
0x166: {  	s9 =	sadd.s32 $0x100, s10;
	v22 =	vld.idx.msk [tilespmem:v22+s1+$0x0], $0xffff;
	v3 =	vadd.s32 $0x1B0, v12;
	v12 =	vshrl.u32 v19, $0x8;
	[tilespmem:s25+$0x4280] =	vst v9;
	v9 =	vshrl.u32 v21, $0x8  }
0x167: {  	s30 =	sor.u32 $0x100, s5;
	s2 =	sadd.s32 $0x30, s9;
	v15 =	vshrl.u32 v21, $0x10;
	s15 =	sor.u32 s4, s7;
	v25 =	vld.idx.msk [tilespmem:v17+s1+$0x0], $0xffff;
	[tilespmem:s24+$0x80] =	vst v11;
	v11 =	vshrl.u32 v19, $0x10;
	v9 =	vand.u32 $0xFF, v9  }
0x168: {  	s31 =	sor.u32 $0x100, s2;
	s12 =	sor.u32 $0x180, s11;
	s11 =	sadd.s32 $0x10, s9;
	v14 =	vld.idx.msk [tilespmem:v16+s1+$0x0], $0xffff;
	v10 =	vadd.s32 $0x90, v9;
	[tilespmem:s15+$0x0] =	vst v8;
	v8 =	vand.u32 $0xFF, v11;
	v11 =	vshrl.u32 v1, $0x8  }
0x169: {  	s28 =	sor.u32 $0x180, s5;
	s10 =	simm.s32 $0x200;
	v9 =	vand.u32 $0xFF, v12;
	[tilespmem:s31+$0x4280] =	vst v13;
	s31 =	sor.u32 $0x100, s11;
	v17 =	vld.idx.msk [tilespmem:v18+s1+$0x0], $0xffff;
	v13 =	vadd.s32 $0x120, v8;
	v8 =	vand.u32 $0xFF, v11  }
0x16a: {  	s4 =	sor.u32 $0x100, s9;
	s25 =	sadd.s32 $0x20, s9;
	s29 =	sor.u32 $0x180, s11;
	v12 =	vand.u32 $0xFF, v15;
	v15 =	vld.idx.msk [tilespmem:v7+s1+$0x0], $0xffff;
	[tilespmem:s31+$0x4280] =	vst v20;
	v20 =	vshrl.u32 v19, $0x18;
	v19 =	vadd.s32 $0x90, v8  }
0x16b: {  	v0 =	vadd.s32 $0x1B0, v0;
	s24 =	sor.u32 $0x100, s25;
	s11 =	simm.s32 $0x80;
	v16 =	vld.idx.msk [tilespmem:v24+s1+$0x0], $0xffff;
	s31 =	sand.u32 $0x7E00, s10  }
0x16c: {  	v6 =	vadd.s32 $0x120, v6;
	s5 =	sor.u32 $0x180, s25;
	s25 =	sor.u32 $0x180, s9;
	v18 =	vshrl.u32 v21, $0x18;
	v7 =	vadd.s32 $0x120, v12;
	[tilespmem:s30+$0x4280] =	vst v22;
	v12 =	vld [tilespmem:s11+$0x280];
	s11 =	sadd.s32 $0x4280, s31  }
0x16d: {  	v9 =	vadd.s32 $0x90, v9;
	v11 =	vadd.s32 $0x1B0, v18;
	[tilespmem:s12+$0x4280] =	vst v25;
	v18 =	vld.idx.msk [tilespmem:v23+s1+$0x0], $0xffff;
	v8 =	vadd.s32 $0x1B0, v20;
	s7 =	sor.u32 s6, s11;
	s30 =	sor.u32 s8, s11;
	s9 =	sor.u32 s0, s11  }
.LBB2_22:
0x16e: {  	s3 =	sadd.s32 $0x40, s3;
	s11 =	sor.u32 s26, s11;
	[tilespmem:s9+$0x0] =	vst v14;
	v14 =	vld.idx.msk [tilespmem:v5+s1+$0x0], $0xffff;
	s0 =	sor.u32 $0x180, s2;
	v5 =	vmov v13  }
0x16f: {  	v13 =	vshrl.u32 v1, $0x10;
	s26 =	sand.u32 $0x40, s3;
	s2 =	sand.u32 $0x1F80, s3;
	p1 =	slt.u32 s3, $0x1FC0;
	v19 =	vld.idx.msk [tilespmem:v19+s1+$0x0], $0xffff;
	[tilespmem:s0+$0x4280] =	vst v15  }
0x170: {  	v13 =	vand.u32 $0xFF, v13;
	s0 =	sor.u32 $0x10, s26;
	s2 =	sadd.s32 $0x280, s2;
	s31 =	sor.u32 $0x30, s26;
	[tilespmem:s7+$0x0] =	vst v17;
	v15 =	vld.idx.msk [tilespmem:v4+s1+$0x0], $0xffff;
	v4 =	vmov v11  }
0x171: {  	s6 =	sor.u32 $0x20, s26;
	v13 =	vadd.s32 $0x120, v13;
	s12 =	sor.u32 s0, s2;
	s8 =	sor.u32 s31, s2;
	v11 =	vshrl.u32 v12, $0x8;
	v17 =	vand.u32 $0xFF, v12;
	v10 =	vld.idx.msk [tilespmem:v10+s1+$0x0], $0xffff;
	[tilespmem:s30+$0x0] =	vst v16  }
0x172: {  	s2 =	sor.u32 s6, s2;
	v20 =	vshrl.u32 v12, $0x10;
	v12 =	vshrl.u32 v12, $0x18;
	v16 =	vld [tilespmem:s8+$0x0];
	v11 =	vand.u32 $0xFF, v11;
	s8 =	smov.u32 s28;
	s28 =	smov.u32 s25  }
0x173: {  	v12 =	vadd.s32 $0x1B0, v12;
	v21 =	vld [tilespmem:s12+$0x0];
	v22 =	vadd.s32 $0x90, v11;
	v11 =	vand.u32 $0xFF, v20;
	[tilespmem:s15+$0x80] =	vst v18;
	s15 =	smov.u32 s11  }
0x174: {  	v18 =	vld [tilespmem:s2+$0x0];
	v11 =	vadd.s32 $0x120, v11;
	[tilespmem:s24+$0x4280] =	vst v14  }
0x175: {  	v14 =	vld.idx.msk [tilespmem:v9+s1+$0x0], $0xffff;
	[tilespmem:s9+$0x80] =	vst v19  }
0x176: {  	p0 =	por !p0, !p0;
	s2 =	simm.s32 $0x1;
	v13 =	vld.idx.msk [tilespmem:v13+s1+$0x0], $0xffff;
	[tilespmem:s29+$0x4280] =	vst v15  }
0x177: {  	s2 =	simm.s32 @!p0 $0x0;
	v9 =	vshrl.u32 v1, $0x18;
	v15 =	vand.u32 $0xFF, v16;
	v17 =	vld.idx.msk [tilespmem:v17+s1+$0x0], $0xffff;
	[tilespmem:s7+$0x80] =	vst v10;
	v1 =	vmov v16  }
0x178: {  	s2 =	sshll.u32 s2, $0x6;
	v19 =	vadd.s32 $0x1B0, v9;
	v10 =	vshrl.u32 v21, $0x8;
	v16 =	vand.u32 $0xFF, v21;
	v20 =	vld.idx.msk [tilespmem:v7+s1+$0x0], $0xffff  }
0x179: {  	s7 =	sadd.s32 s2, s10;
	v7 =	vand.u32 $0xFF, v10;
	v9 =	vshrl.u32 v18, $0x8;
	v23 =	vand.u32 $0xFF, v18;
	v24 =	vld.idx.msk [tilespmem:v6+s1+$0x0], $0xffff;
	v6 =	vmovc v11  }
0x17a: {  	s9 =	sadd.s32 $0x10, s7;
	s11 =	sadd.s32 $0x20, s7;
	s2 =	sadd.s32 $0x30, s7;
	v10 =	vadd.s32 $0x90, v7;
	v7 =	vshrl.u32 v21, $0x10;
	v9 =	vand.u32 $0xFF, v9;
	v25 =	vld.idx.msk [tilespmem:v2+s1+$0x0], $0xffff;
	v2 =	vmovc v8  }
0x17b: {  	s12 =	sor.u32 $0x100, s9;
	s24 =	sor.u32 $0x100, s11;
	s25 =	sor.u32 $0x100, s2;
	v8 =	vshrl.u32 v18, $0x10;
	v7 =	vand.u32 $0xFF, v7;
	v9 =	vadd.s32 $0x90, v9;
	[tilespmem:s30+$0x80] =	vst v14;
	v26 =	vld.idx.msk [tilespmem:v0+s1+$0x0], $0xffff;
	v0 =	vmovc v3;
	v3 =	vmovc v12  }
0x17c: {  	v11 =	vshrl.u32 v1, $0x8;
	s29 =	sor.u32 $0x180, s9;
	s9 =	sor.u32 $0x180, s11;
	v8 =	vand.u32 $0xFF, v8;
	s30 =	sor.u32 $0x100, s7;
	v7 =	vadd.s32 $0x120, v7;
	v14 =	vld.idx.msk [tilespmem:v15+s1+$0x0], $0xffff;
	[tilespmem:s25+$0x4280] =	vst v13  }
.Ltmp10:
0x17d: {  	v12 =	vshrl.u32 v21, $0x18;
	v13 =	vadd.s32 $0x120, v8;
	v8 =	vand.u32 $0xFF, v11;
	s25 =	sor.u32 $0x180, s7;
	[tilespmem:s15+$0x0] =	vst v17;
	v15 =	vld.idx.msk [tilespmem:v19+s1+$0x0], $0xffff;
	(pc) =	sbr.rel @p1 .LBB2_22-.Ltmp10, $4  }
0x17e: {  	s10 =	sadd.s32 $0x100, s10;
	v11 =	vadd.s32 $0x1B0, v12;
	v12 =	vshrl.u32 v18, $0x18;
	v19 =	vadd.s32 $0x90, v8;
	v17 =	vld.idx.msk [tilespmem:v16+s1+$0x0], $0xffff;
	[tilespmem:s12+$0x4280] =	vst v20  }
0x17f: {  	s11 =	sand.u32 $0x7E00, s10;
	s7 =	sshra.s32 s10, $0x2;
	v8 =	vadd.s32 $0x1B0, v12;
	v16 =	vld.idx.msk [tilespmem:v23+s1+$0x0], $0xffff;
	[tilespmem:s4+$0x4280] =	vst v24;
	s4 =	smov.u32 s30  }
0x180: {  	s11 =	sadd.s32 $0x4280, s11;
	v12 =	vld [tilespmem:s7+$0x280];
	[tilespmem:s5+$0x4280] =	vst v25;
	s5 =	smov.u32 s9  }
0x181: {  	s30 =	sor.u32 s6, s11;
	s7 =	sor.u32 s0, s11;
	s9 =	sor.u32 s31, s11;
	v18 =	vld.idx.msk [tilespmem:v22+s1+$0x0], $0xffff;
	[tilespmem:s8+$0x4280] =	vst v26  }
0x182: {  	_ =	sdelay $0x2  }
0x183: {  	v20 =	vand.u32 $0xFF, v12;
	_ =	sdelay $0x3  }
0x184: {  	v21 =	vshrl.u32 v12, $0x8  }
0x185: {  	[tilespmem:s9+$0x0] =	vst v14;
	v21 =	vand.u32 $0xFF, v21;
	v20 =	vld.idx.msk [tilespmem:v20+s1+$0x0], $0xffff  }
0x186: {  	s0 =	sor.u32 $0x180, s2;
	v5 =	vld.idx.msk [tilespmem:v5+s1+$0x0], $0xffff;
	[tilespmem:s7+$0x0] =	vst v17;
	v54 =	vadd.s32 $0x90, v21  }
0x187: {  	v52 =	vshrl.u32 v1, $0x10;
	v4 =	vld.idx.msk [tilespmem:v4+s1+$0x0], $0xffff;
	[tilespmem:s0+$0x4280] =	vst v15  }
0x188: {  	v53 =	vld.idx.msk [tilespmem:v19+s1+$0x0], $0xffff;
	v14 =	vand.u32 $0xFF, v52;
	[tilespmem:s30+$0x0] =	vst v16  }
0x189: {  	s8 =	sor.u32 s26, s11;
	v10 =	vld.idx.msk [tilespmem:v10+s1+$0x0], $0xffff;
	v14 =	vadd.s32 $0x120, v14;
	[tilespmem:s15+$0x80] =	vst v18  }
0x18a: {  	v9 =	vld.idx.msk [tilespmem:v9+s1+$0x0], $0xffff;
	v55 =	vshrl.u32 v12, $0x10;
	[tilespmem:s8+$0x0] =	vst v20  }
0x18b: {  	v15 =	vand.u32 $0xFF, v55;
	[tilespmem:s24+$0x4280] =	vst v5;
	v56 =	vld.idx.msk [tilespmem:v54+s1+$0x0], $0xffff  }
0x18c: {  	v0 =	vld.idx.msk [tilespmem:v0+s1+$0x0], $0xffff;
	v15 =	vadd.s32 $0x120, v15;
	[tilespmem:s29+$0x4280] =	vst v4  }
0x18d: {  	p0 =	por !p0, !p0;
	s2 =	simm.s32 $0x1;
	v6 =	vld.idx.msk [tilespmem:v6+s1+$0x0], $0xffff;
	[tilespmem:s9+$0x80] =	vst v53  }
0x18e: {  	v57 =	vshrl.u32 v1, $0x18;
	s2 =	simm.s32 @!p0 $0x0;
	v14 =	vld.idx.msk [tilespmem:v14+s1+$0x0], $0xffff;
	[tilespmem:s7+$0x80] =	vst v10  }
0x18f: {  	v1 =	vadd.s32 $0x1B0, v57;
	s2 =	sshll.u32 s2, $0x6;
	v58 =	vld.idx.msk [tilespmem:v7+s1+$0x0], $0xffff;
	[tilespmem:s30+$0x80] =	vst v9  }
0x190: {  	s2 =	sadd.s32 s2, s10;
	v59 =	vld.idx.msk [tilespmem:v13+s1+$0x0], $0xffff;
	[tilespmem:s8+$0x80] =	vst v56  }
0x191: {  	v60 =	vshrl.u32 v12, $0x18;
	s3 =	sadd.s32 $0x30, s2;
	[tilespmem:s28+$0x4280] =	vst v0;
	v61 =	vld.idx.msk [tilespmem:v15+s1+$0x0], $0xffff  }
0x192: {  	s6 =	sadd.s32 $0x10, s2;
	s11 =	sor.u32 $0x100, s3;
	v2 =	vld.idx.msk [tilespmem:v2+s1+$0x0], $0xffff;
	v7 =	vadd.s32 $0x1B0, v60;
	[tilespmem:s4+$0x4280] =	vst v6  }
0x193: {  	s15 =	sadd.s32 $0x20, s2;
	s12 =	sor.u32 $0x100, s6;
	v3 =	vld.idx.msk [tilespmem:v3+s1+$0x0], $0xffff;
	[tilespmem:s11+$0x4280] =	vst v14  }
0x194: {  	s24 =	sor.u32 $0x100, s15;
	[tilespmem:s12+$0x4280] =	vst v58;
	v1 =	vld.idx.msk [tilespmem:v1+s1+$0x0], $0xffff  }
0x195: {  	s26 =	sor.u32 $0x100, s2;
	v5 =	vld.idx.msk [tilespmem:v11+s1+$0x0], $0xffff;
	[tilespmem:s24+$0x4280] =	vst v59  }
0x196: {  	v62 =	vld.idx.msk [tilespmem:v8+s1+$0x0], $0xffff;
	[tilespmem:s26+$0x4280] =	vst v61  }
0x197: {  	[tilespmem:s5+$0x4280] =	vst v2;
	v63 =	vld.idx.msk [tilespmem:v7+s1+$0x0], $0xffff  }
0x198: {  	s29 =	sor.u32 $0x180, s3;
	[tilespmem:s25+$0x4280] =	vst v3  }
0x199: {  	s30 =	sor.u32 $0x180, s6;
	[tilespmem:s29+$0x4280] =	vst v1  }
0x19a: {  	s31 =	sor.u32 $0x180, s15;
	[tilespmem:s30+$0x4280] =	vst v5  }
0x19b: {  	s0 =	simm.s32 $0x4280;
	s2 =	sor.u32 $0x180, s2;
	[tilespmem:s31+$0x4280] =	vst v62  }
0x19c: {  	s3 =	simm.s32 $0x4480;
	s4 =	sadd.s32 $0x0, s16;
	[tilespmem:s2+$0x4280] =	vst v63;
	s2 =	simm.s32 $0x10  }
.LBB2_24:
0x19d: {  	[hbm4b:s4+s1] =	stream.linear.scatter [tilespmem:s0], [sflag:$0x3], $0x80, $0x38;
	[tilespmem:$0x14280] =	vst v63  }
0x19e: {  	s4 =	smov.u32 s2;
	s0 =	smov.u32 s3;
	p0 =	sne.s32 s2, $0x3F0  }
.Ltmp11:
0x19f: {  	s2 =	sadd.s32 $0x10, s2;
	(pc) =	sbr.rel @p0 .LBB2_24-.Ltmp11, $2  }
0x1a0: {  	_ =	sdelay $0x2  }
0x1a1: {  	s3 =	sadd.s32 $0x200, s3;
	s4 =	sadd.s32 s4, s16  }
0x1a2: {  	[hbm4b:s4+s1] =	stream.linear.scatter [tilespmem:s0], [sflag:$0x3], $0x80, $0x38;
	[tilespmem:$0x14280] =	vst v63  }
0x1a3: {  	s0 =	simm.s32 $0x4300  }
0x1a4: {  	s2 =	simm.s32 $0x10;
	s4 =	sadd.s32 $0x0, s17;
	s3 =	simm.s32 $0x4500  }
.LBB2_26:
0x1a5: {  	[hbm4b:s4+s1] =	stream.linear.scatter [tilespmem:s0], [sflag:$0x3], $0x80, $0x38;
	[tilespmem:$0x14280] =	vst v63  }
0x1a6: {  	s4 =	smov.u32 s2;
	s0 =	smov.u32 s3;
	p0 =	sne.s32 s2, $0x3F0  }
.Ltmp12:
0x1a7: {  	s2 =	sadd.s32 $0x10, s2;
	(pc) =	sbr.rel @p0 .LBB2_26-.Ltmp12, $2  }
0x1a8: {  	_ =	sdelay $0x2  }
0x1a9: {  	s3 =	sadd.s32 $0x200, s3;
	s4 =	sadd.s32 s4, s17  }
0x1aa: {  	[hbm4b:s4+s1] =	stream.linear.scatter [tilespmem:s0], [sflag:$0x3], $0x80, $0x38;
	[tilespmem:$0x14280] =	vst v63  }
0x1ab: {  	s0 =	simm.s32 $0x4380  }
0x1ac: {  	s2 =	simm.s32 $0x10;
	s4 =	sadd.s32 $0x0, s18;
	s3 =	simm.s32 $0x4580  }
.LBB2_28:
0x1ad: {  	[hbm4b:s4+s1] =	stream.linear.scatter [tilespmem:s0], [sflag:$0x3], $0x80, $0x38;
	[tilespmem:$0x14280] =	vst v63  }
0x1ae: {  	s4 =	smov.u32 s2;
	s0 =	smov.u32 s3;
	p0 =	sne.s32 s2, $0x3F0  }
.Ltmp13:
0x1af: {  	s2 =	sadd.s32 $0x10, s2;
	(pc) =	sbr.rel @p0 .LBB2_28-.Ltmp13, $2  }
0x1b0: {  	_ =	sdelay $0x2  }
0x1b1: {  	s3 =	sadd.s32 $0x200, s3;
	s4 =	sadd.s32 s4, s18  }
0x1b2: {  	[hbm4b:s4+s1] =	stream.linear.scatter [tilespmem:s0], [sflag:$0x3], $0x80, $0x38;
	[tilespmem:$0x14280] =	vst v63  }
0x1b3: {  	s0 =	simm.s32 $0x4400  }
0x1b4: {  	s2 =	simm.s32 $0x10;
	s4 =	sadd.s32 $0x0, s19;
	s3 =	simm.s32 $0x4600  }
.LBB2_30:
0x1b5: {  	[hbm4b:s4+s1] =	stream.linear.scatter [tilespmem:s0], [sflag:$0x3], $0x80, $0x38;
	[tilespmem:$0x14280] =	vst v63  }
0x1b6: {  	s4 =	smov.u32 s2;
	s0 =	smov.u32 s3;
	p0 =	sne.s32 s2, $0x3F0  }
.Ltmp14:
0x1b7: {  	s2 =	sadd.s32 $0x10, s2;
	(pc) =	sbr.rel @p0 .LBB2_30-.Ltmp14, $2  }
0x1b8: {  	_ =	sdelay $0x2  }
0x1b9: {  	s3 =	sadd.s32 $0x200, s3;
	s4 =	sadd.s32 s4, s19  }
0x1ba: {  	[hbm4b:s4+s1] =	stream.linear.scatter [tilespmem:s0], [sflag:$0x3], $0x80, $0x38;
	[tilespmem:$0x14280] =	vst v63  }
0x1bb: {  	s10 =	simm.s32 $0x2  }
0x1bc: {  	_ =	swait.ge [sflag:s10], $0x2000  }
0x1bd: {  	[sflag:s10] =	ssyncset.done $0x0  }
0x1be: {  	s11 =	simm.s32 $0x4;
	[sflag:s10] =	ssyncadd.s32 $0xFFFFE000  }
0x1bf: {  	_ =	swait.ge [sflag:s11], $0x2000  }
0x1c0: {  	[sflag:s11] =	ssyncset.done $0x0  }
0x1c1: {  	[sflag:s11] =	ssyncadd.s32 $0xFFFFE000  }
0x1c2: {  	_ =	swait.ge [sflag:s11], $0x2000  }
0x1c3: {  	[sflag:s11] =	ssyncset.done $0x0  }
0x1c4: {  	[sflag:s11] =	ssyncadd.s32 $0xFFFFE000  }
0x1c5: {  	_ =	swait.ge [sflag:s11], $0x2000  }
0x1c6: {  	[sflag:s11] =	ssyncset.done $0x0  }
0x1c7: {  	s2 =	simm.s32 $0x0;
	[sflag:s11] =	ssyncadd.s32 $0xFFFFE000  }
0x1c8: {  	s0 =	sand.u32 $0x40, s2;
	s2 =	sand.u32 $0x1F80, s2;
	_ =	swait.ge [sflag:s11], $0x2000  }
0x1c9: {  	s2 =	sadd.s32 $0x2280, s2;
	s3 =	sor.u32 $0x30, s0;
	[sflag:s11] =	ssyncset.done $0x0  }
0x1ca: {  	s12 =	sor.u32 s3, s2;
	[sflag:s11] =	ssyncadd.s32 $0xFFFFE000  }
0x1cb: {  	v0 =	vld [tilespmem:s12+$0x0]  }
0x1cc: {  	s5 =	sor.u32 $0x10, s0  }
0x1cd: {  	s15 =	sor.u32 s5, s2  }
0x1ce: {  	v1 =	vld [tilespmem:s15+$0x0];
	_ =	sdelay $0x1  }
0x1cf: {  	v3 =	vand.u32 $0xFF, v0  }
0x1d0: {  	s8 =	sor.u32 $0x20, s0  }
0x1d1: {  	s2 =	sor.u32 s8, s2  }
0x1d2: {  	v2 =	vld [tilespmem:s2+$0x0];
	v4 =	vand.u32 $0xFF, v1  }
0x1d3: {  	v6 =	vshrl.u32 v0, $0x8  }
0x1d4: {  	s24 =	simm.s32 $0x0;
	s6 =	simm.s32 $0x0;
	v6 =	vand.u32 $0xFF, v6;
	v3 =	vld.idx.msk [tilespmem:v3+s1+$0x0], $0xffff  }
0x1d5: {  	s25 =	simm.s32 $0x40;
	s2 =	sand.u32 $0x7E00, s24;
	v8 =	vld [tilespmem:s6+$0x2280];
	v6 =	vadd.s32 $0x90, v6  }
0x1d6: {  	s4 =	sand.u32 $0x40, s25;
	s7 =	sadd.s32 $0xC280, s2;
	s2 =	sand.u32 $0x1F80, s25;
	v7 =	vshrl.u32 v1, $0x8  }
0x1d7: {  	s26 =	sor.u32 $0x30, s4;
	s10 =	sadd.s32 $0x2280, s2;
	v5 =	vand.u32 $0xFF, v2;
	v7 =	vand.u32 $0xFF, v7;
	v4 =	vld.idx.msk [tilespmem:v4+s1+$0x0], $0xffff  }
0x1d8: {  	s9 =	sor.u32 s3, s7;
	s2 =	sor.u32 s26, s10;
	v7 =	vadd.s32 $0x90, v7  }
0x1d9: {  	s6 =	sor.u32 $0x10, s4;
	v10 =	vld [tilespmem:s2+$0x0];
	[tilespmem:s9+$0x0] =	vst v3;
	v3 =	vshrl.u32 v0, $0x10  }
0x1da: {  	s31 =	sor.u32 s6, s10;
	v12 =	vand.u32 $0xFF, v8;
	v6 =	vld.idx.msk [tilespmem:v6+s1+$0x0], $0xffff;
	v3 =	vand.u32 $0xFF, v3  }
0x1db: {  	s11 =	sor.u32 s5, s7;
	v11 =	vld [tilespmem:s31+$0x0];
	v9 =	vshrl.u32 v2, $0x8;
	v3 =	vadd.s32 $0x120, v3  }
0x1dc: {  	s2 =	sor.u32 $0x20, s4;
	v5 =	vld.idx.msk [tilespmem:v5+s1+$0x0], $0xffff;
	[tilespmem:s11+$0x0] =	vst v4;
	v4 =	vand.u32 $0xFF, v9;
	v9 =	vshrl.u32 v1, $0x10  }
0x1dd: {  	s10 =	sor.u32 s2, s10;
	v7 =	vld.idx.msk [tilespmem:v7+s1+$0x0], $0xffff;
	v4 =	vadd.s32 $0x90, v4;
	v9 =	vand.u32 $0xFF, v9  }
0x1de: {  	v13 =	vld [tilespmem:s10+$0x0];
	v9 =	vadd.s32 $0x120, v9  }
0x1df: {  	p0 =	por $0x0, $0x0;
	s5 =	simm.s32 $0x1;
	v12 =	vld.idx.msk [tilespmem:v12+s1+$0x0], $0xffff;
	[tilespmem:s9+$0x80] =	vst v6  }
0x1e0: {  	s8 =	sor.u32 s8, s7;
	s5 =	simm.s32 @!p0 $0x0;
	v0 =	vshrl.u32 v0, $0x18;
	v6 =	vand.u32 $0xFF, v10;
	v3 =	vld.idx.msk [tilespmem:v3+s1+$0x0], $0xffff  }
0x1e1: {  	s5 =	sshll.u32 s5, $0x6;
	v14 =	vshrl.u32 v8, $0x8;
	[tilespmem:s8+$0x0] =	vst v5;
	v0 =	vadd.s32 $0x1B0, v0  }
0x1e2: {  	s5 =	sadd.s32 $0x0, s5;
	v14 =	vand.u32 $0xFF, v14;
	v5 =	vand.u32 $0xFF, v11;
	v4 =	vld.idx.msk [tilespmem:v4+s1+$0x0], $0xffff;
	[tilespmem:s11+$0x80] =	vst v7  }
0x1e3: {  	s15 =	simm.s32 $0x40;
	s10 =	sadd.s32 $0x30, s5;
	v14 =	vadd.s32 $0x90, v14;
	s9 =	sor.u32 s0, s7;
	v9 =	vld.idx.msk [tilespmem:v9+s1+$0x0], $0xffff  }
0x1e4: {  	s12 =	simm.s32 $0x100;
	v15 =	vshrl.u32 v2, $0x10;
	v7 =	vand.u32 $0xFF, v13;
	s11 =	sor.u32 $0x100, s10;
	[tilespmem:s9+$0x0] =	vst v12;
	v12 =	vld [tilespmem:s15+$0x2280]  }
0x1e5: {  	s24 =	sand.u32 $0x7E00, s12;
	s3 =	simm.s32 $0x80;
	v15 =	vand.u32 $0xFF, v15;
	v16 =	vshrl.u32 v10, $0x8;
	v6 =	vld.idx.msk [tilespmem:v6+s1+$0x0], $0xffff;
	[tilespmem:s11+$0xC280] =	vst v3  }
0x1e6: {  	s31 =	sand.u32 $0x1F80, s3;
	s7 =	sadd.s32 $0xC280, s24;
	s15 =	sadd.s32 $0x10, s5;
	v3 =	vadd.s32 $0x120, v15;
	v15 =	vand.u32 $0xFF, v16;
	v16 =	vld.idx.msk [tilespmem:v0+s1+$0x0], $0xffff  }
0x1e7: {  	s25 =	sor.u32 $0x100, s15;
	s11 =	sor.u32 s26, s7;
	s26 =	sand.u32 $0x40, s3;
	v0 =	vshrl.u32 v1, $0x18;
	v1 =	vld.idx.msk [tilespmem:v5+s1+$0x0], $0xffff;
	v5 =	vadd.s32 $0x90, v15  }
0x1e8: {  	v2 =	vshrl.u32 v2, $0x18;
	s12 =	sadd.s32 $0x2280, s31;
	v14 =	vld.idx.msk [tilespmem:v14+s1+$0x0], $0xffff;
	[tilespmem:s25+$0xC280] =	vst v9;
	s25 =	sor.u32 s6, s7;
	v15 =	vshrl.u32 v11, $0x8;
	s6 =	sor.u32 $0x10, s26;
	v0 =	vadd.s32 $0x1B0, v0  }
0x1e9: {  	v17 =	vadd.s32 $0x1B0, v2;
	v7 =	vld.idx.msk [tilespmem:v7+s1+$0x0], $0xffff;
	[tilespmem:s8+$0x80] =	vst v4;
	v4 =	vshrl.u32 v13, $0x8;
	v15 =	vand.u32 $0xFF, v15;
	s28 =	sor.u32 s6, s12  }
0x1ea: {  	v2 =	vand.u32 $0xFF, v4;
	v4 =	vshrl.u32 v10, $0x10;
	v15 =	vadd.s32 $0x90, v15;
	v21 =	vld [tilespmem:s28+$0x0]  }
0x1eb: {  	v4 =	vand.u32 $0xFF, v4;
	[tilespmem:s11+$0x0] =	vst v6;
	v3 =	vld.idx.msk [tilespmem:v3+s1+$0x0], $0xffff  }
0x1ec: {  	s0 =	sor.u32 $0x30, s26;
	v2 =	vadd.s32 $0x90, v2;
	v18 =	vadd.s32 $0x120, v4;
	v6 =	vld.idx.msk [tilespmem:v5+s1+$0x0], $0xffff  }
0x1ed: {  	s8 =	sor.u32 s0, s12;
	v5 =	vshrl.u32 v8, $0x10;
	v9 =	vld.idx.msk [tilespmem:v0+s1+$0x0], $0xffff;
	v0 =	vshrl.u32 v8, $0x18;
	v8 =	vshrl.u32 v11, $0x10  }
0x1ee: {  	[tilespmem:s25+$0x0] =	vst v1;
	v1 =	vld [tilespmem:s8+$0x0];
	s8 =	sor.u32 $0x20, s26;
	v4 =	vand.u32 $0xFF, v5;
	v5 =	vand.u32 $0xFF, v8;
	v8 =	vand.u32 $0xFF, v12  }
0x1ef: {  	v19 =	vshrl.u32 v13, $0x10;
	v10 =	vshrl.u32 v10, $0x18;
	s12 =	sor.u32 s8, s12;
	v15 =	vld.idx.msk [tilespmem:v15+s1+$0x0], $0xffff  }
0x1f0: {  	s24 =	sor.u32 s2, s7;
	[tilespmem:s9+$0x80] =	vst v14;
	v22 =	vadd.s32 $0x120, v4;
	v4 =	vand.u32 $0xFF, v19;
	v19 =	vld [tilespmem:s12+$0x0];
	v20 =	vadd.s32 $0x120, v5  }
0x1f1: {  	s31 =	sor.u32 $0x180, s10;
	[tilespmem:s24+$0x0] =	vst v7;
	v7 =	vshrl.u32 v13, $0x18;
	v11 =	vshrl.u32 v11, $0x18;
	v5 =	vadd.s32 $0x120, v4  }
0x1f2: {  	[tilespmem:s31+$0xC280] =	vst v16;
	v4 =	vadd.s32 $0x1B0, v11;
	v11 =	vld.idx.msk [tilespmem:v2+s1+$0x0], $0xffff;
	v2 =	vadd.s32 $0x1B0, v7;
	v7 =	vadd.s32 $0x1B0, v10  }
0x1f3: {  	p0 =	por !p0, !p0;
	s10 =	simm.s32 $0x1;
	v10 =	vshrl.u32 v12, $0x10;
	[tilespmem:s11+$0x80] =	vst v6;
	v6 =	vshrl.u32 v12, $0x8;
	v16 =	vand.u32 $0xFF, v1;
	s11 =	sadd.s32 $0x20, s5;
	v8 =	vld.idx.msk [tilespmem:v8+s1+$0x0], $0xffff  }
0x1f4: {  	s10 =	simm.s32 @!p0 $0x0;
	v12 =	vshrl.u32 v12, $0x18;
	v13 =	vld.idx.msk [tilespmem:v18+s1+$0x0], $0xffff;
	v6 =	vand.u32 $0xFF, v6;
	s12 =	sor.u32 $0x100, s11;
	v18 =	vand.u32 $0xFF, v21;
	[tilespmem:s25+$0x80] =	vst v15  }
0x1f5: {  	s10 =	sshll.u32 s10, $0x6;
	s25 =	sor.u32 $0x180, s15;
	v23 =	vadd.s32 $0x90, v6;
	v6 =	vand.u32 $0xFF, v10;
	[tilespmem:s12+$0xC280] =	vst v3;
	v24 =	vand.u32 $0xFF, v19;
	v20 =	vld.idx.msk [tilespmem:v20+s1+$0x0], $0xffff  }
0x1f6: {  	s9 =	sadd.s32 $0x100, s10;
	v22 =	vld.idx.msk [tilespmem:v22+s1+$0x0], $0xffff;
	v3 =	vadd.s32 $0x1B0, v12;
	v12 =	vshrl.u32 v19, $0x8;
	[tilespmem:s25+$0xC280] =	vst v9;
	v9 =	vshrl.u32 v21, $0x8  }
0x1f7: {  	s30 =	sor.u32 $0x100, s5;
	s2 =	sadd.s32 $0x30, s9;
	v15 =	vshrl.u32 v21, $0x10;
	s15 =	sor.u32 s4, s7;
	v25 =	vld.idx.msk [tilespmem:v17+s1+$0x0], $0xffff;
	[tilespmem:s24+$0x80] =	vst v11;
	v11 =	vshrl.u32 v19, $0x10;
	v9 =	vand.u32 $0xFF, v9  }
0x1f8: {  	s31 =	sor.u32 $0x100, s2;
	s12 =	sor.u32 $0x180, s11;
	s11 =	sadd.s32 $0x10, s9;
	v14 =	vld.idx.msk [tilespmem:v16+s1+$0x0], $0xffff;
	v10 =	vadd.s32 $0x90, v9;
	[tilespmem:s15+$0x0] =	vst v8;
	v8 =	vand.u32 $0xFF, v11;
	v11 =	vshrl.u32 v1, $0x8  }
0x1f9: {  	s10 =	simm.s32 $0x200;
	s28 =	sor.u32 $0x180, s5;
	v9 =	vand.u32 $0xFF, v12;
	[tilespmem:s31+$0xC280] =	vst v13;
	s31 =	sor.u32 $0x100, s11;
	v17 =	vld.idx.msk [tilespmem:v18+s1+$0x0], $0xffff;
	v13 =	vadd.s32 $0x120, v8;
	v8 =	vand.u32 $0xFF, v11  }
0x1fa: {  	s4 =	sor.u32 $0x100, s9;
	s25 =	sadd.s32 $0x20, s9;
	s29 =	sor.u32 $0x180, s11;
	v12 =	vand.u32 $0xFF, v15;
	v15 =	vld.idx.msk [tilespmem:v7+s1+$0x0], $0xffff;
	[tilespmem:s31+$0xC280] =	vst v20;
	v20 =	vshrl.u32 v19, $0x18;
	v19 =	vadd.s32 $0x90, v8  }
0x1fb: {  	v0 =	vadd.s32 $0x1B0, v0;
	s24 =	sor.u32 $0x100, s25;
	s11 =	simm.s32 $0x80;
	v16 =	vld.idx.msk [tilespmem:v24+s1+$0x0], $0xffff;
	s31 =	sand.u32 $0x7E00, s10  }
0x1fc: {  	v6 =	vadd.s32 $0x120, v6;
	s5 =	sor.u32 $0x180, s25;
	s25 =	sor.u32 $0x180, s9;
	v18 =	vshrl.u32 v21, $0x18;
	v7 =	vadd.s32 $0x120, v12;
	[tilespmem:s30+$0xC280] =	vst v22;
	v12 =	vld [tilespmem:s11+$0x2280];
	s11 =	sadd.s32 $0xC280, s31  }
0x1fd: {  	v9 =	vadd.s32 $0x90, v9;
	v11 =	vadd.s32 $0x1B0, v18;
	[tilespmem:s12+$0xC280] =	vst v25;
	v18 =	vld.idx.msk [tilespmem:v23+s1+$0x0], $0xffff;
	v8 =	vadd.s32 $0x1B0, v20;
	s7 =	sor.u32 s6, s11;
	s30 =	sor.u32 s8, s11;
	s9 =	sor.u32 s0, s11  }
.LBB2_32:
0x1fe: {  	s3 =	sadd.s32 $0x40, s3;
	s11 =	sor.u32 s26, s11;
	[tilespmem:s9+$0x0] =	vst v14;
	v14 =	vld.idx.msk [tilespmem:v5+s1+$0x0], $0xffff;
	s0 =	sor.u32 $0x180, s2;
	v5 =	vmov v13  }
0x1ff: {  	v13 =	vshrl.u32 v1, $0x10;
	s26 =	sand.u32 $0x40, s3;
	s2 =	sand.u32 $0x1F80, s3;
	p1 =	slt.u32 s3, $0x1FC0;
	v19 =	vld.idx.msk [tilespmem:v19+s1+$0x0], $0xffff;
	[tilespmem:s0+$0xC280] =	vst v15  }
0x200: {  	v13 =	vand.u32 $0xFF, v13;
	s0 =	sor.u32 $0x10, s26;
	s2 =	sadd.s32 $0x2280, s2;
	s31 =	sor.u32 $0x30, s26;
	[tilespmem:s7+$0x0] =	vst v17;
	v15 =	vld.idx.msk [tilespmem:v4+s1+$0x0], $0xffff;
	v4 =	vmov v11  }
0x201: {  	s6 =	sor.u32 $0x20, s26;
	v13 =	vadd.s32 $0x120, v13;
	s12 =	sor.u32 s0, s2;
	s8 =	sor.u32 s31, s2;
	v11 =	vshrl.u32 v12, $0x8;
	v17 =	vand.u32 $0xFF, v12;
	v10 =	vld.idx.msk [tilespmem:v10+s1+$0x0], $0xffff;
	[tilespmem:s30+$0x0] =	vst v16  }
0x202: {  	s2 =	sor.u32 s6, s2;
	v20 =	vshrl.u32 v12, $0x10;
	v12 =	vshrl.u32 v12, $0x18;
	v16 =	vld [tilespmem:s8+$0x0];
	v11 =	vand.u32 $0xFF, v11;
	s8 =	smov.u32 s28;
	s28 =	smov.u32 s25  }
0x203: {  	v12 =	vadd.s32 $0x1B0, v12;
	v21 =	vld [tilespmem:s12+$0x0];
	v22 =	vadd.s32 $0x90, v11;
	v11 =	vand.u32 $0xFF, v20;
	[tilespmem:s15+$0x80] =	vst v18;
	s15 =	smov.u32 s11  }
0x204: {  	v18 =	vld [tilespmem:s2+$0x0];
	v11 =	vadd.s32 $0x120, v11;
	[tilespmem:s24+$0xC280] =	vst v14  }
0x205: {  	v14 =	vld.idx.msk [tilespmem:v9+s1+$0x0], $0xffff;
	[tilespmem:s9+$0x80] =	vst v19  }
0x206: {  	p0 =	por !p0, !p0;
	s2 =	simm.s32 $0x1;
	v13 =	vld.idx.msk [tilespmem:v13+s1+$0x0], $0xffff;
	[tilespmem:s29+$0xC280] =	vst v15  }
0x207: {  	s2 =	simm.s32 @!p0 $0x0;
	v9 =	vshrl.u32 v1, $0x18;
	v15 =	vand.u32 $0xFF, v16;
	v17 =	vld.idx.msk [tilespmem:v17+s1+$0x0], $0xffff;
	[tilespmem:s7+$0x80] =	vst v10;
	v1 =	vmov v16  }
0x208: {  	s2 =	sshll.u32 s2, $0x6;
	v19 =	vadd.s32 $0x1B0, v9;
	v10 =	vshrl.u32 v21, $0x8;
	v16 =	vand.u32 $0xFF, v21;
	v20 =	vld.idx.msk [tilespmem:v7+s1+$0x0], $0xffff  }
0x209: {  	s7 =	sadd.s32 s2, s10;
	v7 =	vand.u32 $0xFF, v10;
	v9 =	vshrl.u32 v18, $0x8;
	v23 =	vand.u32 $0xFF, v18;
	v24 =	vld.idx.msk [tilespmem:v6+s1+$0x0], $0xffff;
	v6 =	vmovc v11  }
0x20a: {  	s9 =	sadd.s32 $0x10, s7;
	s11 =	sadd.s32 $0x20, s7;
	s2 =	sadd.s32 $0x30, s7;
	v10 =	vadd.s32 $0x90, v7;
	v7 =	vshrl.u32 v21, $0x10;
	v9 =	vand.u32 $0xFF, v9;
	v25 =	vld.idx.msk [tilespmem:v2+s1+$0x0], $0xffff;
	v2 =	vmovc v8  }
0x20b: {  	s12 =	sor.u32 $0x100, s9;
	s24 =	sor.u32 $0x100, s11;
	s25 =	sor.u32 $0x100, s2;
	v8 =	vshrl.u32 v18, $0x10;
	v7 =	vand.u32 $0xFF, v7;
	v9 =	vadd.s32 $0x90, v9;
	[tilespmem:s30+$0x80] =	vst v14;
	v26 =	vld.idx.msk [tilespmem:v0+s1+$0x0], $0xffff;
	v0 =	vmovc v3;
	v3 =	vmovc v12  }
0x20c: {  	v11 =	vshrl.u32 v1, $0x8;
	s29 =	sor.u32 $0x180, s9;
	s9 =	sor.u32 $0x180, s11;
	v8 =	vand.u32 $0xFF, v8;
	s30 =	sor.u32 $0x100, s7;
	v7 =	vadd.s32 $0x120, v7;
	v14 =	vld.idx.msk [tilespmem:v15+s1+$0x0], $0xffff;
	[tilespmem:s25+$0xC280] =	vst v13  }
.Ltmp15:
0x20d: {  	v12 =	vshrl.u32 v21, $0x18;
	v13 =	vadd.s32 $0x120, v8;
	v8 =	vand.u32 $0xFF, v11;
	s25 =	sor.u32 $0x180, s7;
	[tilespmem:s15+$0x0] =	vst v17;
	v15 =	vld.idx.msk [tilespmem:v19+s1+$0x0], $0xffff;
	(pc) =	sbr.rel @p1 .LBB2_32-.Ltmp15, $4  }
0x20e: {  	s10 =	sadd.s32 $0x100, s10;
	v11 =	vadd.s32 $0x1B0, v12;
	v12 =	vshrl.u32 v18, $0x18;
	v19 =	vadd.s32 $0x90, v8;
	v17 =	vld.idx.msk [tilespmem:v16+s1+$0x0], $0xffff;
	[tilespmem:s12+$0xC280] =	vst v20  }
0x20f: {  	s11 =	sand.u32 $0x7E00, s10;
	s7 =	sshra.s32 s10, $0x2;
	v8 =	vadd.s32 $0x1B0, v12;
	v16 =	vld.idx.msk [tilespmem:v23+s1+$0x0], $0xffff;
	[tilespmem:s4+$0xC280] =	vst v24;
	s4 =	smov.u32 s30  }
0x210: {  	s11 =	sadd.s32 $0xC280, s11;
	v12 =	vld [tilespmem:s7+$0x2280];
	[tilespmem:s5+$0xC280] =	vst v25;
	s5 =	smov.u32 s9  }
0x211: {  	s30 =	sor.u32 s6, s11;
	s7 =	sor.u32 s0, s11;
	s9 =	sor.u32 s31, s11;
	v18 =	vld.idx.msk [tilespmem:v22+s1+$0x0], $0xffff;
	[tilespmem:s8+$0xC280] =	vst v26  }
0x212: {  	_ =	sdelay $0x2  }
0x213: {  	v20 =	vand.u32 $0xFF, v12;
	_ =	sdelay $0x3  }
0x214: {  	v21 =	vshrl.u32 v12, $0x8  }
0x215: {  	[tilespmem:s9+$0x0] =	vst v14;
	v21 =	vand.u32 $0xFF, v21;
	v20 =	vld.idx.msk [tilespmem:v20+s1+$0x0], $0xffff  }
0x216: {  	s0 =	sor.u32 $0x180, s2;
	v5 =	vld.idx.msk [tilespmem:v5+s1+$0x0], $0xffff;
	[tilespmem:s7+$0x0] =	vst v17;
	v54 =	vadd.s32 $0x90, v21  }
0x217: {  	v52 =	vshrl.u32 v1, $0x10;
	v4 =	vld.idx.msk [tilespmem:v4+s1+$0x0], $0xffff;
	[tilespmem:s0+$0xC280] =	vst v15  }
0x218: {  	v53 =	vld.idx.msk [tilespmem:v19+s1+$0x0], $0xffff;
	v14 =	vand.u32 $0xFF, v52;
	[tilespmem:s30+$0x0] =	vst v16  }
0x219: {  	s8 =	sor.u32 s26, s11;
	v10 =	vld.idx.msk [tilespmem:v10+s1+$0x0], $0xffff;
	v14 =	vadd.s32 $0x120, v14;
	[tilespmem:s15+$0x80] =	vst v18  }
0x21a: {  	v9 =	vld.idx.msk [tilespmem:v9+s1+$0x0], $0xffff;
	v55 =	vshrl.u32 v12, $0x10;
	[tilespmem:s8+$0x0] =	vst v20  }
0x21b: {  	v15 =	vand.u32 $0xFF, v55;
	[tilespmem:s24+$0xC280] =	vst v5;
	v56 =	vld.idx.msk [tilespmem:v54+s1+$0x0], $0xffff  }
0x21c: {  	v0 =	vld.idx.msk [tilespmem:v0+s1+$0x0], $0xffff;
	v15 =	vadd.s32 $0x120, v15;
	[tilespmem:s29+$0xC280] =	vst v4  }
0x21d: {  	p0 =	por !p0, !p0;
	s2 =	simm.s32 $0x1;
	v6 =	vld.idx.msk [tilespmem:v6+s1+$0x0], $0xffff;
	[tilespmem:s9+$0x80] =	vst v53  }
0x21e: {  	v57 =	vshrl.u32 v1, $0x18;
	s2 =	simm.s32 @!p0 $0x0;
	v14 =	vld.idx.msk [tilespmem:v14+s1+$0x0], $0xffff;
	[tilespmem:s7+$0x80] =	vst v10  }
0x21f: {  	v1 =	vadd.s32 $0x1B0, v57;
	s2 =	sshll.u32 s2, $0x6;
	v58 =	vld.idx.msk [tilespmem:v7+s1+$0x0], $0xffff;
	[tilespmem:s30+$0x80] =	vst v9  }
0x220: {  	s2 =	sadd.s32 s2, s10;
	v59 =	vld.idx.msk [tilespmem:v13+s1+$0x0], $0xffff;
	[tilespmem:s8+$0x80] =	vst v56  }
0x221: {  	v60 =	vshrl.u32 v12, $0x18;
	s3 =	sadd.s32 $0x30, s2;
	[tilespmem:s28+$0xC280] =	vst v0;
	v61 =	vld.idx.msk [tilespmem:v15+s1+$0x0], $0xffff  }
0x222: {  	s6 =	sadd.s32 $0x10, s2;
	s11 =	sor.u32 $0x100, s3;
	v2 =	vld.idx.msk [tilespmem:v2+s1+$0x0], $0xffff;
	v7 =	vadd.s32 $0x1B0, v60;
	[tilespmem:s4+$0xC280] =	vst v6  }
0x223: {  	s15 =	sadd.s32 $0x20, s2;
	s12 =	sor.u32 $0x100, s6;
	v3 =	vld.idx.msk [tilespmem:v3+s1+$0x0], $0xffff;
	[tilespmem:s11+$0xC280] =	vst v14  }
0x224: {  	s24 =	sor.u32 $0x100, s15;
	[tilespmem:s12+$0xC280] =	vst v58;
	v1 =	vld.idx.msk [tilespmem:v1+s1+$0x0], $0xffff  }
0x225: {  	s26 =	sor.u32 $0x100, s2;
	v5 =	vld.idx.msk [tilespmem:v11+s1+$0x0], $0xffff;
	[tilespmem:s24+$0xC280] =	vst v59  }
0x226: {  	v62 =	vld.idx.msk [tilespmem:v8+s1+$0x0], $0xffff;
	[tilespmem:s26+$0xC280] =	vst v61  }
0x227: {  	[tilespmem:s5+$0xC280] =	vst v2;
	v63 =	vld.idx.msk [tilespmem:v7+s1+$0x0], $0xffff  }
0x228: {  	s29 =	sor.u32 $0x180, s3;
	[tilespmem:s25+$0xC280] =	vst v3  }
0x229: {  	s30 =	sor.u32 $0x180, s6;
	[tilespmem:s29+$0xC280] =	vst v1  }
0x22a: {  	s31 =	sor.u32 $0x180, s15;
	[tilespmem:s30+$0xC280] =	vst v5  }
0x22b: {  	s0 =	simm.s32 $0xC280;
	s2 =	sor.u32 $0x180, s2;
	[tilespmem:s31+$0xC280] =	vst v62  }
0x22c: {  	s3 =	simm.s32 $0xC480;
	s4 =	sadd.s32 $0x0, s20;
	[tilespmem:s2+$0xC280] =	vst v63;
	s2 =	simm.s32 $0x10  }
.LBB2_34:
0x22d: {  	[hbm4b:s4+s1] =	stream.linear.scatter [tilespmem:s0], [sflag:$0x4], $0x80, $0x38;
	[tilespmem:$0x14280] =	vst v63  }
0x22e: {  	s4 =	smov.u32 s2;
	s0 =	smov.u32 s3;
	p0 =	sne.s32 s2, $0x3F0  }
.Ltmp16:
0x22f: {  	s2 =	sadd.s32 $0x10, s2;
	(pc) =	sbr.rel @p0 .LBB2_34-.Ltmp16, $2  }
0x230: {  	_ =	sdelay $0x2  }
0x231: {  	s3 =	sadd.s32 $0x200, s3;
	s4 =	sadd.s32 s4, s20  }
0x232: {  	[hbm4b:s4+s1] =	stream.linear.scatter [tilespmem:s0], [sflag:$0x4], $0x80, $0x38;
	[tilespmem:$0x14280] =	vst v63  }
0x233: {  	s0 =	simm.s32 $0xC300  }
0x234: {  	s2 =	simm.s32 $0x10;
	s4 =	sadd.s32 $0x0, s21;
	s3 =	simm.s32 $0xC500  }
.LBB2_36:
0x235: {  	[hbm4b:s4+s1] =	stream.linear.scatter [tilespmem:s0], [sflag:$0x4], $0x80, $0x38;
	[tilespmem:$0x14280] =	vst v63  }
0x236: {  	s4 =	smov.u32 s2;
	s0 =	smov.u32 s3;
	p0 =	sne.s32 s2, $0x3F0  }
.Ltmp17:
0x237: {  	s2 =	sadd.s32 $0x10, s2;
	(pc) =	sbr.rel @p0 .LBB2_36-.Ltmp17, $2  }
0x238: {  	_ =	sdelay $0x2  }
0x239: {  	s3 =	sadd.s32 $0x200, s3;
	s4 =	sadd.s32 s4, s21  }
0x23a: {  	[hbm4b:s4+s1] =	stream.linear.scatter [tilespmem:s0], [sflag:$0x4], $0x80, $0x38;
	[tilespmem:$0x14280] =	vst v63  }
0x23b: {  	s0 =	simm.s32 $0xC380  }
0x23c: {  	s2 =	simm.s32 $0x10;
	s4 =	sadd.s32 $0x0, s22;
	s3 =	simm.s32 $0xC580  }
.LBB2_38:
0x23d: {  	[hbm4b:s4+s1] =	stream.linear.scatter [tilespmem:s0], [sflag:$0x4], $0x80, $0x38;
	[tilespmem:$0x14280] =	vst v63  }
0x23e: {  	s4 =	smov.u32 s2;
	s0 =	smov.u32 s3;
	p0 =	sne.s32 s2, $0x3F0  }
.Ltmp18:
0x23f: {  	s2 =	sadd.s32 $0x10, s2;
	(pc) =	sbr.rel @p0 .LBB2_38-.Ltmp18, $2  }
0x240: {  	_ =	sdelay $0x2  }
0x241: {  	s3 =	sadd.s32 $0x200, s3;
	s4 =	sadd.s32 s4, s22  }
0x242: {  	[hbm4b:s4+s1] =	stream.linear.scatter [tilespmem:s0], [sflag:$0x4], $0x80, $0x38;
	[tilespmem:$0x14280] =	vst v63  }
0x243: {  	s0 =	simm.s32 $0xC400  }
0x244: {  	s2 =	simm.s32 $0x10;
	s4 =	sadd.s32 $0x0, s23;
	s3 =	simm.s32 $0xC600  }
.LBB2_40:
0x245: {  	[hbm4b:s4+s1] =	stream.linear.scatter [tilespmem:s0], [sflag:$0x4], $0x80, $0x38;
	[tilespmem:$0x14280] =	vst v63  }
0x246: {  	s4 =	smov.u32 s2;
	s0 =	smov.u32 s3;
	p0 =	sne.s32 s2, $0x3F0  }
.Ltmp19:
0x247: {  	s2 =	sadd.s32 $0x10, s2;
	(pc) =	sbr.rel @p0 .LBB2_40-.Ltmp19, $2  }
0x248: {  	_ =	sdelay $0x2  }
0x249: {  	s3 =	sadd.s32 $0x200, s3;
	s4 =	sadd.s32 s4, s23  }
0x24a: {  	[hbm4b:s4+s1] =	stream.linear.scatter [tilespmem:s0], [sflag:$0x4], $0x80, $0x38;
	[tilespmem:$0x14280] =	vst v63  }
0x24b: {  	s30 =	simm.s32 $0x3  }
0x24c: {  	_ =	swait.ge [sflag:s30], $0x2000  }
0x24d: {  	[sflag:s30] =	ssyncset.done $0x0  }
0x24e: {  	[sflag:s30] =	ssyncadd.s32 $0xFFFFE000  }
0x24f: {  	_ =	swait.ge [sflag:s30], $0x2000  }
0x250: {  	[sflag:s30] =	ssyncset.done $0x0  }
0x251: {  	[sflag:s30] =	ssyncadd.s32 $0xFFFFE000  }
0x252: {  	_ =	swait.ge [sflag:s30], $0x2000  }
0x253: {  	[sflag:s30] =	ssyncset.done $0x0  }
0x254: {  	[sflag:s30] =	ssyncadd.s32 $0xFFFFE000  }
0x255: {  	_ =	swait.ge [sflag:s30], $0x2000  }
0x256: {  	[sflag:s30] =	ssyncset.done $0x0  }
0x257: {  	s2 =	simm.s32 $0x4;
	[sflag:s30] =	ssyncadd.s32 $0xFFFFE000  }
0x258: {  	_ =	swait.ge [sflag:s2], $0x2000  }
0x259: {  	[sflag:s2] =	ssyncset.done $0x0  }
0x25a: {  	[sflag:s2] =	ssyncadd.s32 $0xFFFFE000  }
0x25b: {  	_ =	swait.ge [sflag:s2], $0x2000  }
0x25c: {  	[sflag:s2] =	ssyncset.done $0x0  }
0x25d: {  	[sflag:s2] =	ssyncadd.s32 $0xFFFFE000  }
0x25e: {  	_ =	swait.ge [sflag:s2], $0x2000  }
0x25f: {  	[sflag:s2] =	ssyncset.done $0x0  }
0x260: {  	[sflag:s2] =	ssyncadd.s32 $0xFFFFE000  }
0x261: {  	_ =	swait.ge [sflag:s2], $0x2000  }
0x262: {  	s3 =	rddreg [dreg:$0xf]  }
0x263: {  	s31 =	rddreg [dreg:$0xe];
	s3 =	sadd.s32 $0x1, s3  }
0x264: {  	p0 =	sne.s32 s3, s31  }
.Ltmp20:
0x265: {  	_ = 	snop;
	(pc) =	sbr.rel @p0 .LBB2_1-.Ltmp20, $3  }
0x266: {  	_ =	sdelay $0x1  }
0x267: {  	[sflag:s2] =	ssyncset.done $0x0  }
0x268: {  	[sflag:s2] =	ssyncadd.s32 $0xFFFFE000  }
0x269: {  	_ =	sfence.sel $0x180000  }
0x26a: {  	[bflag:$0x0] =	sbarrier.arrive $0xFFFF  }
0x26b: {  	_ =	strace $0x90000047  }
0x26c: {  	s0 =	stileid.u32;
	[bflag:$0x2] =	sbarrier.arrive $0xFFFF  }
0x26d: {  	p0 =	sne.s32 s0, $0x0;
	s0 =	rddreg [dreg:$0x2]  }
0x26e: {  	s0 =	sadd.s32 @!p0 $0x100000, s0  }
0x26f: {  	[sflag:s0] =	ssyncadd.tile.s32 @!p0 $0x1;
	_ =	shalt  }
.Lfunc_end2:
_tile_overlayer_lowered:
.L_overlay_start_2:
0x270: {  	(tag) =	ssettag $0x2  }
0x271: {  	s0 =	rddreg [dreg:$0x0];
	s2 =	stileid.u32  }
0x272: {  	s1 =	rddreg [dreg:$0x1];
	p0 =	sne.s32 s2, $0x0  }
0x273: {  	s3 =	rddreg [dreg:$0x2];
	[bflag:$0x3] =	sbarrier.arrive $0xFFFF;
	s2 =	simm.s32 @!p0 $0x1C05  }
0x274: {  	[timem:s3], [sflag:s2] =	dma.local @!p0 [hbm:s0], s1  }
0x275: {  	s0 =	simm.s32 @!p0 $0x5  }
0x276: {  	_ =	swait.ge @!p0 [sflag:s0], s1  }
0x277: {  	s1 =	ssub.s32 @!p0 $0x0, s1;
	[sflag:s0] =	ssyncset.done @!p0 $0x0  }
0x278: {  	[sflag:s0] =	ssyncadd.s32 @!p0 s1  }
0x279: {  	[bflag:$0x3] =	sbarrier.arrive $0xFFFF  }
0x27a: {  	_ =	shalt  }

</sc_bundles>
